<compile_context>
chip_gen: v7x
topology: tpu7x:2x2x1
jax: 0.10.2.dev20260603
libtpu: 0.0.44.dev20260713+nightly
codegen_flags: <defaults>
</compile_context>

<pallas_src>
import functools

import jax
import jax.numpy as jnp
from jax import lax
from jax.experimental import pallas as pl
from jax.experimental.pallas import tpu as pltpu
from jax.experimental.pallas import tpu_sc as plsc

B = 128
N = 100000
KTH = 10
L = 16
NW = 32
ROWS_PER_W = B // NW
CHW = 12672
LASTW = 11264
TAILW = 32
NCH = 8
GE = 1408
GV = GE // L
NGM = CHW // GE
NGL = LASTW // GE
SUB = 11
NSUB = GV // SUB
KCHUNKS = ROWS_PER_W * NCH
NEG = float("-inf")

_mesh = plsc.VectorSubcoreMesh(core_axis_name="c", subcore_axis_name="s")
_cparams = pltpu.CompilerParams(needs_layout_passes=False,
                                disable_bounds_checks=True)
LASTF = LASTW + 128
CAND = 8192


def _merge_top16(best_asc, vec):
    v_desc = lax.rev(lax.sort(vec), (0,))
    return lax.sort(jnp.maximum(best_asc, v_desc))


def _any_above(vec, thr):
    return plsc.all_reduce_population_count(vec > thr)[0] > 0


@functools.partial(
    pl.kernel,
    out_type=[
        jax.ShapeDtypeStruct((NW, L), jnp.float32),
        jax.ShapeDtypeStruct((NW, L), jnp.float32),
    ],
    mesh=_mesh,
    compiler_params=_cparams,
    scratch_types=[
        pltpu.VMEM((2 * CHW, ), jnp.float32),
        pltpu.VMEM((NGM * L,), jnp.float32),
        pltpu.VMEM((NGM * NSUB * L,), jnp.float32),
        pltpu.VMEM((B,), jnp.int32),
        pltpu.VMEM((CAND,), jnp.float32),
        pltpu.VMEM((L,), jnp.float32),
        pltpu.VMEM((L,), jnp.float32),
        pltpu.SemaphoreType.DMA,
        pltpu.SemaphoreType.DMA,
    ],
)
def _topk_gather(x_hbm, y_hbm, stopk_hbm, sy_hbm,
                 buf, gsum_v, ssum_v, y_v, cand_v, tk_v, sy_v, sem0, sem1):
    wid = lax.axis_index("s") * 2 + lax.axis_index("c")
    row0 = wid * ROWS_PER_W
    pltpu.sync_copy(y_hbm, y_v)
    iota = lax.iota(jnp.int32, L)
    sems = (sem0, sem1)

    def xrow(k):
        return x_hbm.at[row0 + k // NCH]

    def src_main(k):
        return xrow(k).at[pl.ds(pl.multiple_of((k % NCH) * CHW, 128), CHW)]

    def src_last(k):
        col = pl.multiple_of((NCH - 1) * CHW + 0 * k, 128)
        return xrow(k).at[pl.ds(col, LASTF)]

    def dst_main(h):
        return buf.at[pl.ds(h * CHW, CHW)]

    def dst_last(h):
        return buf.at[pl.ds(h * CHW, LASTF)]

    def issue(k, h):
        c2 = k % NCH

        @pl.when(jnp.logical_and(k < KCHUNKS, c2 < NCH - 1))
        def _():
            pltpu.async_copy(src_main(k), dst_main(h), sems[h])

        @pl.when(jnp.logical_and(k < KCHUNKS, c2 == NCH - 1))
        def _():
            pltpu.async_copy(src_last(k), dst_last(h), sems[h])

    def wait(k, h):
        c2 = k % NCH

        @pl.when(c2 < NCH - 1)
        def _():
            pltpu.make_async_copy(src_main(k), dst_main(h), sems[h]).wait()

        @pl.when(c2 == NCH - 1)
        def _():
            pltpu.make_async_copy(src_last(k), dst_last(h), sems[h]).wait()

    issue(0, 0)
    issue(1, 1)

    def body(k, carry):
        bestc, coff, syv, tk_res, sy_res = carry
        par = k % 2
        dbase = par * CHW
        c = k % NCH
        r_loc = k // NCH
        last = c == NCH - 1
        gend = jnp.where(last, NGL, NGM)

        @pl.when(par == 0)
        def _():
            wait(k, 0)

        @pl.when(par == 1)
        def _():
            wait(k, 1)

        def g_body(gi, best):
            base = dbase + gi * GE
            subs = []
            for sg in range(NSUB):
                sb = base + sg * (SUB * L)
                a0 = buf[pl.ds(sb, L)]
                a1 = buf[pl.ds(sb + L, L)]
                for j in range(2, SUB):
                    if j % 2 == 0:
                        a0 = jnp.maximum(a0, buf[pl.ds(sb + j * L, L)])
                    else:
                        a1 = jnp.maximum(a1, buf[pl.ds(sb + j * L, L)])
                ms = jnp.maximum(a0, a1)
                ssum_v[pl.ds((gi * NSUB + sg) * L, L)] = ms
                subs.append(ms)
            m0 = jnp.maximum(jnp.maximum(subs[0], subs[1]),
                             jnp.maximum(subs[2], subs[3]))
            m1 = jnp.maximum(jnp.maximum(subs[4], subs[5]),
                             jnp.maximum(subs[6], subs[7]))
            m = jnp.maximum(m0, m1)
            gsum_v[pl.ds(gi * L, L)] = m
            return lax.cond(_any_above(m, best[0]),
                            lambda b: _merge_top16(b, m), lambda b: b, best)

        bestc = lax.fori_loop(0, gend, g_body, bestc)
        u = bestc[L - 1 - KTH]

        def d_body(gi, off):
            gm = gsum_v[pl.ds(gi * L, L)]

            def dig(off1):
                sms = [ssum_v[pl.ds((gi * NSUB + sg) * L, L)]
                       for sg in range(NSUB)]
                hits = [sm > u for sm in sms]

                def collect(sg):
                    def dig2(off2):
                        sb = dbase + gi * GE + sg * (SUB * L)

                        def v_body(j, off3):
                            v = buf[pl.ds(sb + j * L, L)]
                            msk = v > u
                            plsc.store_compressed(
                                cand_v.at[pl.ds(off3, L)], v, mask=msk)
                            return off3 + plsc.all_reduce_population_count(
                                msk)[0]

                        return lax.fori_loop(0, SUB, v_body, off2)

                    return dig2

                for bq in range(2):
                    h4 = jnp.logical_or(
                        jnp.logical_or(hits[4 * bq], hits[4 * bq + 1]),
                        jnp.logical_or(hits[4 * bq + 2], hits[4 * bq + 3]))

                    def batch(off2, bq=bq):
                        for sg in range(4 * bq, 4 * bq + 4):
                            off2 = lax.cond(
                                plsc.all_reduce_population_count(
                                    hits[sg])[0] > 0,
                                collect(sg), lambda o: o, off2)
                        return off2

                    off1 = lax.cond(
                        plsc.all_reduce_population_count(h4)[0] > 0,
                        batch, lambda o: o, off1)
                return off1

            return lax.cond(_any_above(gm, u), dig, lambda o: o, off)

        gmask = gsum_v[pl.ds(0, L)] > u

        def or_body(gi, msk):
            return jnp.logical_or(msk, gsum_v[pl.ds(gi * L, L)] > u)

        gmask = lax.fori_loop(1, gend, or_body, gmask)
        coff = lax.cond(
            plsc.all_reduce_population_count(gmask)[0] > 0,
            lambda o: lax.fori_loop(0, gend, d_body, o),
            lambda o: o, coff)

        row = row0 + r_loc
        yvec = y_v[pl.ds((row // L) * L, L)]
        yi = jnp.max(jnp.where(iota == row % L, yvec, jnp.int32(-1)))
        q = yi - c * CHW
        climit = jnp.where(last, LASTW + TAILW, CHW)
        valid = jnp.logical_and(q >= 0, q < climit)
        qc = jnp.maximum(jnp.minimum(q, CHW - 1), 0)
        vsel = buf[pl.ds(dbase + (qc // L) * L, L)]
        sel = jnp.max(jnp.where(iota == qc % L, vsel, NEG))
        syv = jnp.where(valid, sel, syv)

        @pl.when(par == 0)
        def _():
            issue(k + 2, 0)

        @pl.when(par == 1)
        def _():
            issue(k + 2, 1)

        def finalize(args):
            bestc, coff, syv, tk_res, sy_res = args

            def m_body(i, mg):
                cv = cand_v[pl.ds(i * L, L)]
                cv = jnp.where(iota < coff - i * L, cv, NEG)
                return _merge_top16(mg, cv)

            nvec = (coff + L - 1) // L
            merged = lax.fori_loop(0, nvec, m_body,
                                   jnp.full((L,), NEG, jnp.float32))
            tv0 = buf[pl.ds(dbase + LASTW, L)]
            tv1 = buf[pl.ds(dbase + LASTW + L, L)]
            merged = _merge_top16(_merge_top16(merged, tv0), tv1)
            t_max = bestc[L - 1 - KTH]
            cnt = plsc.all_reduce_population_count(merged > t_max)[0]
            ans = jnp.where(cnt <= KTH, t_max, merged[L - 1 - KTH])
            done = iota == r_loc
            tk_res = jnp.where(done, ans, tk_res)
            sy_res = jnp.where(done, syv, sy_res)
            return (jnp.full((L,), NEG, jnp.float32), jnp.int32(0),
                    jnp.float32(0), tk_res, sy_res)

        bestc, coff, syv, tk_res, sy_res = lax.cond(
            last, finalize, lambda a: a,
            (bestc, coff, syv, tk_res, sy_res))
        return (bestc, coff, syv, tk_res, sy_res)

    init = (jnp.full((L,), NEG, jnp.float32), jnp.int32(0),
            jnp.float32(0), jnp.full((L,), NEG, jnp.float32),
            jnp.full((L,), NEG, jnp.float32))
    _, _, _, tk_res, sy_res = lax.fori_loop(0, KCHUNKS, body, init)

    tk_v[...] = tk_res
    sy_v[...] = sy_res
    pltpu.sync_copy(tk_v, stopk_hbm.at[wid])
    pltpu.sync_copy(sy_v, sy_hbm.at[wid])


@functools.partial(
    pl.kernel,
    out_type=jax.ShapeDtypeStruct((L,), jnp.float32),
    mesh=_mesh,
    compiler_params=_cparams,
    scratch_types=[
        pltpu.VMEM((NW, L), jnp.float32),
        pltpu.VMEM((NW, L), jnp.float32),
        pltpu.VMEM((L,), jnp.float32),
    ],
)
def _pair_mean(stopk_hbm, sy_hbm, out_hbm, tk_v, sy_v, o_v):
    wid = lax.axis_index("s") * 2 + lax.axis_index("c")

    @pl.when(wid == 0)
    def _():
        pltpu.sync_copy(stopk_hbm, tk_v)
        pltpu.sync_copy(sy_hbm, sy_v)
        tvs = [1.0 + tk_v[w] for w in range(NW)]
        iota = lax.iota(jnp.int32, L)

        def i_body(i, acc):
            svec = sy_v[i // ROWS_PER_W]
            syi = jnp.max(jnp.where(iota == i % ROWS_PER_W, svec, NEG))
            for w in range(NW):
                acc = acc + jnp.maximum(tvs[w] - syi, 0.0)
            return acc

        acc = lax.fori_loop(0, B, i_body, jnp.zeros((L,), jnp.float32))
        total = jnp.sum(acc)
        o_v[...] = jnp.full((L,), total * (1.0 / (B * B)), jnp.float32)
        pltpu.sync_copy(o_v, out_hbm)


def kernel(x, y):
    stopk, sy = _topk_gather(x, y.astype(jnp.int32))
    out = _pair_mean(stopk, sy)
    return out[0]

# --- scband reference (transcript-rebuilt; emitter-appended) ---
"""Pipeline reference for scband-loss5-54717883351221 (READ-ONLY COPY).

The authoritative reference and input builder live on the scoring server;
editing this copy changes nothing except your own understanding.
"""

import jax, jax.numpy as jnp
import numpy as np

K = 10

def setup_inputs(seed: int = 0) -> dict:
    key = jax.random.key(seed)
    k1, k2 = jax.random.split(key)
    x = jax.random.normal(k1, (128, 100000), dtype=jnp.float32)
    y = jax.random.randint(k2, (128,), 0, 100000, dtype=jnp.int64)
    return {"x": x, "y": y}

def reference(x, y):
    # torch.sort(x, dim=-1, descending=True)
    sorted_data = -jnp.sort(-x, axis=-1)
    s_topk = sorted_data[:, K]            # shape [B]
    # x.gather(-1, y.view(-1, 1))
    s_y = jnp.take_along_axis(x, y.reshape(-1, 1), axis=-1)  # shape [B, 1]
    # Note: [B] broadcasts with [B,1] -> [B,B], matching torch semantics
    return jnp.mean(jnp.maximum(1.0 + s_topk - s_y, 0.0))

if __name__ == "__main__":
    import jax
    _d = setup_inputs()
    print(jax.jit(kernel)(*tuple(_d.values())))

</pallas_src>

<mosaic_0001>
#map = affine_map<(d0, d1) -> (0, 0)>
#map1 = affine_map<(d0, d1) -> (0)>
module attributes {stable_mosaic.version = 14 : i64} {
  func.func @_topk_gather(%arg0: i32, %arg1: i32, %arg2: memref<128x100000xf32, #tpu.memory_space<hbm>>, %arg3: memref<128xi32, #tpu.memory_space<hbm>>, %arg4: memref<32x16xf32, #tpu.memory_space<hbm>>, %arg5: memref<32x16xf32, #tpu.memory_space<hbm>>, %arg6: memref<25344xf32, #tpu.memory_space<vmem>>, %arg7: memref<144xf32, #tpu.memory_space<vmem>>, %arg8: memref<1152xf32, #tpu.memory_space<vmem>>, %arg9: memref<128xi32, #tpu.memory_space<vmem>>, %arg10: memref<8192xf32, #tpu.memory_space<vmem>>, %arg11: memref<16xf32, #tpu.memory_space<vmem>>, %arg12: memref<16xf32, #tpu.memory_space<vmem>>, %arg13: memref<!tpu.dma_semaphore, #tpu.memory_space<semaphore_mem>>, %arg14: memref<!tpu.dma_semaphore, #tpu.memory_space<semaphore_mem>>) attributes {dimension_semantics = [#tpu.dimension_semantics<core_parallel>, #tpu.dimension_semantics<subcore_parallel>], iteration_bounds = array<i64: 2, 16>, scalar_prefetch = 0 : i64, scratch_operands = 9 : i64, tpu.core_type = #tpu.core_type<sc_vector_subcore>, window_params = [{transform_indices = #map}, {transform_indices = #map1}, {transform_indices = #map}, {transform_indices = #map}]} {
    %mul3A = arith.constant 2 : i32
    %mul3A_0 = arith.muli %arg1, %mul3A : i32
    %add3A = arith.addi %mul3A_0, %arg0 : i32
    %mul3A_1 = arith.constant 4 : i32
    %mul3A_2 = arith.muli %add3A, %mul3A_1 : i32
    "tpu.region"() ({
      %run_scoped3A = tpu.sem_alloc : memref<!tpu.dma_semaphore, #tpu.memory_space<semaphore_mem>>
      tpu.enqueue_dma source(%arg3 : memref<128xi32, #tpu.memory_space<hbm>>) target(%arg9 : memref<128xi32, #tpu.memory_space<vmem>>) target_semaphore(%run_scoped3A : memref<!tpu.dma_semaphore, #tpu.memory_space<semaphore_mem>>)
      tpu.wait_dma2 semaphore(%run_scoped3A : memref<!tpu.dma_semaphore, #tpu.memory_space<semaphore_mem>>) src(%arg3 : memref<128xi32, #tpu.memory_space<hbm>>) dst(%arg9 : memref<128xi32, #tpu.memory_space<vmem>>)
      tpu.yield
    }) : () -> ()
    %iota3A = tpu.iota {dimensions = array<i32: 0>} : vector<16xi32>
    %and3A = arith.constant true
    %and3A_3 = arith.constant true
    %and3A_4 = arith.andi %and3A, %and3A_3 : i1
    %convert_element_type3A = arith.extui %and3A_4 : i1 to i32
    %cond3A = arith.constant 0 : i32
    %cond3A_5 = arith.cmpi ne, %convert_element_type3A, %cond3A : i32
    scf.if %cond3A_5 {
      %add3A_39 = arith.constant 0 : i32
      %add3A_40 = arith.addi %mul3A_2, %add3A_39 : i32
      %multiple_of3A = arith.constant 0 : i32
      %multiple_of3A_41 = tpu.assume_multiple %multiple_of3A, 128 : i32
      %dma_start3A = arith.constant 0 : i32
      %dma_start3A_42 = tpu.memref_slice %arg6[%dma_start3A] : memref<25344xf32, #tpu.memory_space<vmem>> -> memref<12672xf32, #tpu.memory_space<vmem>>
      %dma_start3A_43 = arith.constant 0 : i32
      %dma_start3A_44 = tpu.memref_slice %arg2[%add3A_40, %dma_start3A_43] : memref<128x100000xf32, #tpu.memory_space<hbm>> -> memref<1x100000xf32, #tpu.memory_space<hbm>>
      %dma_start3A_45 = tpu.memref_squeeze %dma_start3A_44 : memref<1x100000xf32, #tpu.memory_space<hbm>> -> memref<100000xf32, #tpu.memory_space<hbm>>
      %dma_start3A_46 = tpu.memref_slice %dma_start3A_45[%multiple_of3A_41] : memref<100000xf32, #tpu.memory_space<hbm>> -> memref<12672xf32, #tpu.memory_space<hbm>>
      %dma_start3A_47 = arith.constant 0 : i32
      %dma_start3A_48 = tpu.memref_slice %arg6[%dma_start3A_47] : memref<25344xf32, #tpu.memory_space<vmem>> -> memref<12672xf32, #tpu.memory_space<vmem>>
      %dma_start3A_49 = arith.constant 0 : i32
      %dma_start3A_50 = tpu.memref_slice %arg2[%add3A_40, %dma_start3A_49] : memref<128x100000xf32, #tpu.memory_space<hbm>> -> memref<1x100000xf32, #tpu.memory_space<hbm>>
      %dma_start3A_51 = tpu.memref_squeeze %dma_start3A_50 : memref<1x100000xf32, #tpu.memory_space<hbm>> -> memref<100000xf32, #tpu.memory_space<hbm>>
      %dma_start3A_52 = tpu.memref_slice %dma_start3A_51[%multiple_of3A_41] : memref<100000xf32, #tpu.memory_space<hbm>> -> memref<12672xf32, #tpu.memory_space<hbm>>
      tpu.enqueue_dma source(%dma_start3A_52 : memref<12672xf32, #tpu.memory_space<hbm>>) target(%dma_start3A_48 : memref<12672xf32, #tpu.memory_space<vmem>>) target_semaphore(%arg13 : memref<!tpu.dma_semaphore, #tpu.memory_space<semaphore_mem>>)
    } else {
    }
    %and3A_6 = arith.constant true
    %and3A_7 = arith.constant false
    %and3A_8 = arith.andi %and3A_6, %and3A_7 : i1
    %convert_element_type3A_9 = arith.extui %and3A_8 : i1 to i32
    %cond3A_10 = arith.constant 0 : i32
    %cond3A_11 = arith.cmpi ne, %convert_element_type3A_9, %cond3A_10 : i32
    scf.if %cond3A_11 {
      %multiple_of3A = arith.constant 88704 : i32
      %multiple_of3A_39 = tpu.assume_multiple %multiple_of3A, 128 : i32
      %add3A_40 = arith.constant 0 : i32
      %add3A_41 = arith.addi %mul3A_2, %add3A_40 : i32
      %dma_start3A = arith.constant 0 : i32
      %dma_start3A_42 = tpu.memref_slice %arg6[%dma_start3A] : memref<25344xf32, #tpu.memory_space<vmem>> -> memref<11392xf32, #tpu.memory_space<vmem>>
      %dma_start3A_43 = arith.constant 0 : i32
      %dma_start3A_44 = tpu.memref_slice %arg2[%add3A_41, %dma_start3A_43] : memref<128x100000xf32, #tpu.memory_space<hbm>> -> memref<1x100000xf32, #tpu.memory_space<hbm>>
      %dma_start3A_45 = tpu.memref_squeeze %dma_start3A_44 : memref<1x100000xf32, #tpu.memory_space<hbm>> -> memref<100000xf32, #tpu.memory_space<hbm>>
      %dma_start3A_46 = tpu.memref_slice %dma_start3A_45[%multiple_of3A_39] : memref<100000xf32, #tpu.memory_space<hbm>> -> memref<11392xf32, #tpu.memory_space<hbm>>
      %dma_start3A_47 = arith.constant 0 : i32
      %dma_start3A_48 = tpu.memref_slice %arg6[%dma_start3A_47] : memref<25344xf32, #tpu.memory_space<vmem>> -> memref<11392xf32, #tpu.memory_space<vmem>>
      %dma_start3A_49 = arith.constant 0 : i32
      %dma_start3A_50 = tpu.memref_slice %arg2[%add3A_41, %dma_start3A_49] : memref<128x100000xf32, #tpu.memory_space<hbm>> -> memref<1x100000xf32, #tpu.memory_space<hbm>>
      %dma_start3A_51 = tpu.memref_squeeze %dma_start3A_50 : memref<1x100000xf32, #tpu.memory_space<hbm>> -> memref<100000xf32, #tpu.memory_space<hbm>>
      %dma_start3A_52 = tpu.memref_slice %dma_start3A_51[%multiple_of3A_39] : memref<100000xf32, #tpu.memory_space<hbm>> -> memref<11392xf32, #tpu.memory_space<hbm>>
      tpu.enqueue_dma source(%dma_start3A_52 : memref<11392xf32, #tpu.memory_space<hbm>>) target(%dma_start3A_48 : memref<11392xf32, #tpu.memory_space<vmem>>) target_semaphore(%arg13 : memref<!tpu.dma_semaphore, #tpu.memory_space<semaphore_mem>>)
    } else {
    }
    %and3A_12 = arith.constant true
    %and3A_13 = arith.constant true
    %and3A_14 = arith.andi %and3A_12, %and3A_13 : i1
    %convert_element_type3A_15 = arith.extui %and3A_14 : i1 to i32
    %cond3A_16 = arith.constant 0 : i32
    %cond3A_17 = arith.cmpi ne, %convert_element_type3A_15, %cond3A_16 : i32
    scf.if %cond3A_17 {
      %add3A_39 = arith.constant 0 : i32
      %add3A_40 = arith.addi %mul3A_2, %add3A_39 : i32
      %multiple_of3A = arith.constant 12672 : i32
      %multiple_of3A_41 = tpu.assume_multiple %multiple_of3A, 128 : i32
      %dma_start3A = arith.constant 12672 : i32
      %dma_start3A_42 = tpu.memref_slice %arg6[%dma_start3A] : memref<25344xf32, #tpu.memory_space<vmem>> -> memref<12672xf32, #tpu.memory_space<vmem>>
      %dma_start3A_43 = arith.constant 0 : i32
      %dma_start3A_44 = tpu.memref_slice %arg2[%add3A_40, %dma_start3A_43] : memref<128x100000xf32, #tpu.memory_space<hbm>> -> memref<1x100000xf32, #tpu.memory_space<hbm>>
      %dma_start3A_45 = tpu.memref_squeeze %dma_start3A_44 : memref<1x100000xf32, #tpu.memory_space<hbm>> -> memref<100000xf32, #tpu.memory_space<hbm>>
      %dma_start3A_46 = tpu.memref_slice %dma_start3A_45[%multiple_of3A_41] : memref<100000xf32, #tpu.memory_space<hbm>> -> memref<12672xf32, #tpu.memory_space<hbm>>
      %dma_start3A_47 = arith.constant 12672 : i32
      %dma_start3A_48 = tpu.memref_slice %arg6[%dma_start3A_47] : memref<25344xf32, #tpu.memory_space<vmem>> -> memref<12672xf32, #tpu.memory_space<vmem>>
      %dma_start3A_49 = arith.constant 0 : i32
      %dma_start3A_50 = tpu.memref_slice %arg2[%add3A_40, %dma_start3A_49] : memref<128x100000xf32, #tpu.memory_space<hbm>> -> memref<1x100000xf32, #tpu.memory_space<hbm>>
      %dma_start3A_51 = tpu.memref_squeeze %dma_start3A_50 : memref<1x100000xf32, #tpu.memory_space<hbm>> -> memref<100000xf32, #tpu.memory_space<hbm>>
      %dma_start3A_52 = tpu.memref_slice %dma_start3A_51[%multiple_of3A_41] : memref<100000xf32, #tpu.memory_space<hbm>> -> memref<12672xf32, #tpu.memory_space<hbm>>
      tpu.enqueue_dma source(%dma_start3A_52 : memref<12672xf32, #tpu.memory_space<hbm>>) target(%dma_start3A_48 : memref<12672xf32, #tpu.memory_space<vmem>>) target_semaphore(%arg14 : memref<!tpu.dma_semaphore, #tpu.memory_space<semaphore_mem>>)
    } else {
    }
    %and3A_18 = arith.constant true
    %and3A_19 = arith.constant false
    %and3A_20 = arith.andi %and3A_18, %and3A_19 : i1
    %convert_element_type3A_21 = arith.extui %and3A_20 : i1 to i32
    %cond3A_22 = arith.constant 0 : i32
    %cond3A_23 = arith.cmpi ne, %convert_element_type3A_21, %cond3A_22 : i32
    scf.if %cond3A_23 {
      %multiple_of3A = arith.constant 88704 : i32
      %multiple_of3A_39 = tpu.assume_multiple %multiple_of3A, 128 : i32
      %add3A_40 = arith.constant 0 : i32
      %add3A_41 = arith.addi %mul3A_2, %add3A_40 : i32
      %dma_start3A = arith.constant 12672 : i32
      %dma_start3A_42 = tpu.memref_slice %arg6[%dma_start3A] : memref<25344xf32, #tpu.memory_space<vmem>> -> memref<11392xf32, #tpu.memory_space<vmem>>
      %dma_start3A_43 = arith.constant 0 : i32
      %dma_start3A_44 = tpu.memref_slice %arg2[%add3A_41, %dma_start3A_43] : memref<128x100000xf32, #tpu.memory_space<hbm>> -> memref<1x100000xf32, #tpu.memory_space<hbm>>
      %dma_start3A_45 = tpu.memref_squeeze %dma_start3A_44 : memref<1x100000xf32, #tpu.memory_space<hbm>> -> memref<100000xf32, #tpu.memory_space<hbm>>
      %dma_start3A_46 = tpu.memref_slice %dma_start3A_45[%multiple_of3A_39] : memref<100000xf32, #tpu.memory_space<hbm>> -> memref<11392xf32, #tpu.memory_space<hbm>>
      %dma_start3A_47 = arith.constant 12672 : i32
      %dma_start3A_48 = tpu.memref_slice %arg6[%dma_start3A_47] : memref<25344xf32, #tpu.memory_space<vmem>> -> memref<11392xf32, #tpu.memory_space<vmem>>
      %dma_start3A_49 = arith.constant 0 : i32
      %dma_start3A_50 = tpu.memref_slice %arg2[%add3A_41, %dma_start3A_49] : memref<128x100000xf32, #tpu.memory_space<hbm>> -> memref<1x100000xf32, #tpu.memory_space<hbm>>
      %dma_start3A_51 = tpu.memref_squeeze %dma_start3A_50 : memref<1x100000xf32, #tpu.memory_space<hbm>> -> memref<100000xf32, #tpu.memory_space<hbm>>
      %dma_start3A_52 = tpu.memref_slice %dma_start3A_51[%multiple_of3A_39] : memref<100000xf32, #tpu.memory_space<hbm>> -> memref<11392xf32, #tpu.memory_space<hbm>>
      tpu.enqueue_dma source(%dma_start3A_52 : memref<11392xf32, #tpu.memory_space<hbm>>) target(%dma_start3A_48 : memref<11392xf32, #tpu.memory_space<vmem>>) target_semaphore(%arg14 : memref<!tpu.dma_semaphore, #tpu.memory_space<semaphore_mem>>)
    } else {
    }
    %broadcast_in_dim3A = arith.constant 0xFF800000 : f32
    %broadcast_in_dim3A_24 = vector.broadcast %broadcast_in_dim3A : f32 to vector<16xf32>
    %broadcast_in_dim3A_25 = arith.constant 0xFF800000 : f32
    %broadcast_in_dim3A_26 = vector.broadcast %broadcast_in_dim3A_25 : f32 to vector<16xf32>
    %broadcast_in_dim3A_27 = arith.constant 0xFF800000 : f32
    %broadcast_in_dim3A_28 = vector.broadcast %broadcast_in_dim3A_27 : f32 to vector<16xf32>
    %scan3A = arith.constant 0 : i32
    %scan3A_29 = arith.constant 0.000000e+00 : f32
    %scan3A_30 = arith.constant 0 : i32
    %scan3A_31 = arith.constant 32 : i32
    %scan3A_32 = arith.addi %scan3A_30, %scan3A_31 : i32
    %scan3A_33 = arith.constant 1 : i32
    %scan3A_34:5 = scf.for %scan3A_39 = %scan3A_30 to %scan3A_32 step %scan3A_33 iter_args(%scan3A_40 = %broadcast_in_dim3A_24, %scan3A_41 = %scan3A, %scan3A_42 = %scan3A_29, %scan3A_43 = %broadcast_in_dim3A_26, %scan3A_44 = %broadcast_in_dim3A_28) -> (vector<16xf32>, i32, f32, vector<16xf32>, vector<16xf32>)  : i32 {
      %jit3A = arith.constant 2 : i32
      %eq3A = arith.constant 0 : i32
      %eq3A_45 = arith.cmpi eq, %jit3A, %eq3A : i32
      %jit3A_46 = arith.constant 1 : i32
      %select_n3A = arith.select %eq3A_45, %jit3A_46, %jit3A : i32
      %rem3A = arith.remsi %scan3A_39, %select_n3A : i32
      %ne3A = arith.constant 0 : i32
      %ne3A_47 = arith.cmpi ne, %rem3A, %ne3A : i32
      %lt3A = arith.constant 0 : i32
      %lt3A_48 = arith.cmpi slt, %rem3A, %lt3A : i32
      %lt3A_49 = arith.constant 0 : i32
      %lt3A_50 = arith.cmpi slt, %select_n3A, %lt3A_49 : i32
      %ne3A_51 = arith.xori %lt3A_48, %lt3A_50 : i1
      %and3A_52 = arith.andi %ne3A_51, %ne3A_47 : i1
      %add3A_53 = arith.addi %rem3A, %select_n3A : i32
      %select_n3A_54 = arith.select %and3A_52, %add3A_53, %rem3A : i32
      %mul3A_55 = arith.constant 12672 : i32
      %mul3A_56 = arith.muli %select_n3A_54, %mul3A_55 : i32
      %jit3A_57 = arith.constant 8 : i32
      %eq3A_58 = arith.constant 0 : i32
      %eq3A_59 = arith.cmpi eq, %jit3A_57, %eq3A_58 : i32
      %jit3A_60 = arith.constant 1 : i32
      %select_n3A_61 = arith.select %eq3A_59, %jit3A_60, %jit3A_57 : i32
      %rem3A_62 = arith.remsi %scan3A_39, %select_n3A_61 : i32
      %ne3A_63 = arith.constant 0 : i32
      %ne3A_64 = arith.cmpi ne, %rem3A_62, %ne3A_63 : i32
      %lt3A_65 = arith.constant 0 : i32
      %lt3A_66 = arith.cmpi slt, %rem3A_62, %lt3A_65 : i32
      %lt3A_67 = arith.constant 0 : i32
      %lt3A_68 = arith.cmpi slt, %select_n3A_61, %lt3A_67 : i32
      %ne3A_69 = arith.xori %lt3A_66, %lt3A_68 : i1
      %and3A_70 = arith.andi %ne3A_69, %ne3A_64 : i1
      %add3A_71 = arith.addi %rem3A_62, %select_n3A_61 : i32
      %select_n3A_72 = arith.select %and3A_70, %add3A_71, %rem3A_62 : i32
      %jit3A_73 = arith.constant 8 : i32
      %div3A = arith.divsi %scan3A_39, %jit3A_73 : i32
      %sign3A = arith.constant 0 : i32
      %sign3A_74 = arith.cmpi sgt, %scan3A_39, %sign3A : i32
      %sign3A_75 = arith.extui %sign3A_74 : i1 to i32
      %sign3A_76 = arith.constant 0 : i32
      %sign3A_77 = arith.cmpi slt, %scan3A_39, %sign3A_76 : i32
      %sign3A_78 = arith.extui %sign3A_77 : i1 to i32
      %sign3A_79 = arith.subi %sign3A_75, %sign3A_78 : i32
      %sign3A_80 = arith.constant 0 : i32
      %sign3A_81 = arith.cmpi sgt, %jit3A_73, %sign3A_80 : i32
      %sign3A_82 = arith.extui %sign3A_81 : i1 to i32
      %sign3A_83 = arith.constant 0 : i32
      %sign3A_84 = arith.cmpi slt, %jit3A_73, %sign3A_83 : i32
      %sign3A_85 = arith.extui %sign3A_84 : i1 to i32
      %sign3A_86 = arith.subi %sign3A_82, %sign3A_85 : i32
      %ne3A_87 = arith.cmpi ne, %sign3A_79, %sign3A_86 : i32
      %rem3A_88 = arith.remsi %scan3A_39, %jit3A_73 : i32
      %ne3A_89 = arith.constant 0 : i32
      %ne3A_90 = arith.cmpi ne, %rem3A_88, %ne3A_89 : i32
      %and3A_91 = arith.andi %ne3A_87, %ne3A_90 : i1
      %sub3A = arith.constant 1 : i32
      %sub3A_92 = arith.subi %div3A, %sub3A : i32
      %select_n3A_93 = arith.select %and3A_91, %sub3A_92, %div3A : i32
      %eq3A_94 = arith.constant 7 : i32
      %eq3A_95 = arith.cmpi eq, %select_n3A_72, %eq3A_94 : i32
      %jit3A_96 = arith.constant 8 : i32
      %jit3A_97 = arith.constant 9 : i32
      %select_n3A_98 = arith.select %eq3A_95, %jit3A_96, %jit3A_97 : i32
      %eq3A_99 = arith.constant 0 : i32
      %eq3A_100 = arith.cmpi eq, %select_n3A_54, %eq3A_99 : i32
      %convert_element_type3A_101 = arith.extui %eq3A_100 : i1 to i32
      %cond3A_102 = arith.constant 0 : i32
      %cond3A_103 = arith.cmpi ne, %convert_element_type3A_101, %cond3A_102 : i32
      scf.if %cond3A_103 {
        %jit3A_277 = arith.constant 8 : i32
        %eq3A_278 = arith.constant 0 : i32
        %eq3A_279 = arith.cmpi eq, %jit3A_277, %eq3A_278 : i32
        %jit3A_280 = arith.constant 1 : i32
        %select_n3A_281 = arith.select %eq3A_279, %jit3A_280, %jit3A_277 : i32
        %rem3A_282 = arith.remsi %scan3A_39, %select_n3A_281 : i32
        %ne3A_283 = arith.constant 0 : i32
        %ne3A_284 = arith.cmpi ne, %rem3A_282, %ne3A_283 : i32
        %lt3A_285 = arith.constant 0 : i32
        %lt3A_286 = arith.cmpi slt, %rem3A_282, %lt3A_285 : i32
        %lt3A_287 = arith.constant 0 : i32
        %lt3A_288 = arith.cmpi slt, %select_n3A_281, %lt3A_287 : i32
        %ne3A_289 = arith.xori %lt3A_286, %lt3A_288 : i1
        %and3A_290 = arith.andi %ne3A_289, %ne3A_284 : i1
        %add3A_291 = arith.addi %rem3A_282, %select_n3A_281 : i32
        %select_n3A_292 = arith.select %and3A_290, %add3A_291, %rem3A_282 : i32
        %lt3A_293 = arith.constant 7 : i32
        %lt3A_294 = arith.cmpi slt, %select_n3A_292, %lt3A_293 : i32
        %convert_element_type3A_295 = arith.extui %lt3A_294 : i1 to i32
        %cond3A_296 = arith.constant 0 : i32
        %cond3A_297 = arith.cmpi ne, %convert_element_type3A_295, %cond3A_296 : i32
        scf.if %cond3A_297 {
          %jit3A_303 = arith.constant 8 : i32
          %div3A_304 = arith.divsi %scan3A_39, %jit3A_303 : i32
          %sign3A_305 = arith.constant 0 : i32
          %sign3A_306 = arith.cmpi sgt, %scan3A_39, %sign3A_305 : i32
          %sign3A_307 = arith.extui %sign3A_306 : i1 to i32
          %sign3A_308 = arith.constant 0 : i32
          %sign3A_309 = arith.cmpi slt, %scan3A_39, %sign3A_308 : i32
          %sign3A_310 = arith.extui %sign3A_309 : i1 to i32
          %sign3A_311 = arith.subi %sign3A_307, %sign3A_310 : i32
          %sign3A_312 = arith.constant 0 : i32
          %sign3A_313 = arith.cmpi sgt, %jit3A_303, %sign3A_312 : i32
          %sign3A_314 = arith.extui %sign3A_313 : i1 to i32
          %sign3A_315 = arith.constant 0 : i32
          %sign3A_316 = arith.cmpi slt, %jit3A_303, %sign3A_315 : i32
          %sign3A_317 = arith.extui %sign3A_316 : i1 to i32
          %sign3A_318 = arith.subi %sign3A_314, %sign3A_317 : i32
          %ne3A_319 = arith.cmpi ne, %sign3A_311, %sign3A_318 : i32
          %rem3A_320 = arith.remsi %scan3A_39, %jit3A_303 : i32
          %ne3A_321 = arith.constant 0 : i32
          %ne3A_322 = arith.cmpi ne, %rem3A_320, %ne3A_321 : i32
          %and3A_323 = arith.andi %ne3A_319, %ne3A_322 : i1
          %sub3A_324 = arith.constant 1 : i32
          %sub3A_325 = arith.subi %div3A_304, %sub3A_324 : i32
          %select_n3A_326 = arith.select %and3A_323, %sub3A_325, %div3A_304 : i32
          %add3A_327 = arith.addi %mul3A_2, %select_n3A_326 : i32
          %jit3A_328 = arith.constant 8 : i32
          %eq3A_329 = arith.constant 0 : i32
          %eq3A_330 = arith.cmpi eq, %jit3A_328, %eq3A_329 : i32
          %jit3A_331 = arith.constant 1 : i32
          %select_n3A_332 = arith.select %eq3A_330, %jit3A_331, %jit3A_328 : i32
          %rem3A_333 = arith.remsi %scan3A_39, %select_n3A_332 : i32
          %ne3A_334 = arith.constant 0 : i32
          %ne3A_335 = arith.cmpi ne, %rem3A_333, %ne3A_334 : i32
          %lt3A_336 = arith.constant 0 : i32
          %lt3A_337 = arith.cmpi slt, %rem3A_333, %lt3A_336 : i32
          %lt3A_338 = arith.constant 0 : i32
          %lt3A_339 = arith.cmpi slt, %select_n3A_332, %lt3A_338 : i32
          %ne3A_340 = arith.xori %lt3A_337, %lt3A_339 : i1
          %and3A_341 = arith.andi %ne3A_340, %ne3A_335 : i1
          %add3A_342 = arith.addi %rem3A_333, %select_n3A_332 : i32
          %select_n3A_343 = arith.select %and3A_341, %add3A_342, %rem3A_333 : i32
          %mul3A_344 = arith.constant 12672 : i32
          %mul3A_345 = arith.muli %select_n3A_343, %mul3A_344 : i32
          %multiple_of3A = tpu.assume_multiple %mul3A_345, 128 : i32
          %dma_wait3A = arith.constant 0 : i32
          %dma_wait3A_346 = tpu.memref_slice %arg6[%dma_wait3A] : memref<25344xf32, #tpu.memory_space<vmem>> -> memref<12672xf32, #tpu.memory_space<vmem>>
          %dma_wait3A_347 = arith.constant 0 : i32
          %dma_wait3A_348 = tpu.memref_slice %arg2[%add3A_327, %dma_wait3A_347] : memref<128x100000xf32, #tpu.memory_space<hbm>> -> memref<1x100000xf32, #tpu.memory_space<hbm>>
          %dma_wait3A_349 = tpu.memref_squeeze %dma_wait3A_348 : memref<1x100000xf32, #tpu.memory_space<hbm>> -> memref<100000xf32, #tpu.memory_space<hbm>>
          %dma_wait3A_350 = tpu.memref_slice %dma_wait3A_349[%multiple_of3A] : memref<100000xf32, #tpu.memory_space<hbm>> -> memref<12672xf32, #tpu.memory_space<hbm>>
          %dma_wait3A_351 = arith.constant 0 : i32
          %dma_wait3A_352 = tpu.memref_slice %arg6[%dma_wait3A_351] : memref<25344xf32, #tpu.memory_space<vmem>> -> memref<12672xf32, #tpu.memory_space<vmem>>
          %dma_wait3A_353 = arith.constant 0 : i32
          %dma_wait3A_354 = tpu.memref_slice %arg2[%add3A_327, %dma_wait3A_353] : memref<128x100000xf32, #tpu.memory_space<hbm>> -> memref<1x100000xf32, #tpu.memory_space<hbm>>
          %dma_wait3A_355 = tpu.memref_squeeze %dma_wait3A_354 : memref<1x100000xf32, #tpu.memory_space<hbm>> -> memref<100000xf32, #tpu.memory_space<hbm>>
          %dma_wait3A_356 = tpu.memref_slice %dma_wait3A_355[%multiple_of3A] : memref<100000xf32, #tpu.memory_space<hbm>> -> memref<12672xf32, #tpu.memory_space<hbm>>
          tpu.wait_dma2 semaphore(%arg13 : memref<!tpu.dma_semaphore, #tpu.memory_space<semaphore_mem>>) src(%dma_wait3A_356 : memref<12672xf32, #tpu.memory_space<hbm>>) dst(%dma_wait3A_352 : memref<12672xf32, #tpu.memory_space<vmem>>)
        } else {
        }
        %eq3A_298 = arith.constant 7 : i32
        %eq3A_299 = arith.cmpi eq, %select_n3A_292, %eq3A_298 : i32
        %convert_element_type3A_300 = arith.extui %eq3A_299 : i1 to i32
        %cond3A_301 = arith.constant 0 : i32
        %cond3A_302 = arith.cmpi ne, %convert_element_type3A_300, %cond3A_301 : i32
        scf.if %cond3A_302 {
          %mul3A_303 = arith.constant 0 : i32
          %mul3A_304 = arith.muli %mul3A_303, %scan3A_39 : i32
          %add3A_305 = arith.constant 88704 : i32
          %add3A_306 = arith.addi %add3A_305, %mul3A_304 : i32
          %multiple_of3A = tpu.assume_multiple %add3A_306, 128 : i32
          %jit3A_307 = arith.constant 8 : i32
          %div3A_308 = arith.divsi %scan3A_39, %jit3A_307 : i32
          %sign3A_309 = arith.constant 0 : i32
          %sign3A_310 = arith.cmpi sgt, %scan3A_39, %sign3A_309 : i32
          %sign3A_311 = arith.extui %sign3A_310 : i1 to i32
          %sign3A_312 = arith.constant 0 : i32
          %sign3A_313 = arith.cmpi slt, %scan3A_39, %sign3A_312 : i32
          %sign3A_314 = arith.extui %sign3A_313 : i1 to i32
          %sign3A_315 = arith.subi %sign3A_311, %sign3A_314 : i32
          %sign3A_316 = arith.constant 0 : i32
          %sign3A_317 = arith.cmpi sgt, %jit3A_307, %sign3A_316 : i32
          %sign3A_318 = arith.extui %sign3A_317 : i1 to i32
          %sign3A_319 = arith.constant 0 : i32
          %sign3A_320 = arith.cmpi slt, %jit3A_307, %sign3A_319 : i32
          %sign3A_321 = arith.extui %sign3A_320 : i1 to i32
          %sign3A_322 = arith.subi %sign3A_318, %sign3A_321 : i32
          %ne3A_323 = arith.cmpi ne, %sign3A_315, %sign3A_322 : i32
          %rem3A_324 = arith.remsi %scan3A_39, %jit3A_307 : i32
          %ne3A_325 = arith.constant 0 : i32
          %ne3A_326 = arith.cmpi ne, %rem3A_324, %ne3A_325 : i32
          %and3A_327 = arith.andi %ne3A_323, %ne3A_326 : i1
          %sub3A_328 = arith.constant 1 : i32
          %sub3A_329 = arith.subi %div3A_308, %sub3A_328 : i32
          %select_n3A_330 = arith.select %and3A_327, %sub3A_329, %div3A_308 : i32
          %add3A_331 = arith.addi %mul3A_2, %select_n3A_330 : i32
          %dma_wait3A = arith.constant 0 : i32
          %dma_wait3A_332 = tpu.memref_slice %arg6[%dma_wait3A] : memref<25344xf32, #tpu.memory_space<vmem>> -> memref<11392xf32, #tpu.memory_space<vmem>>
          %dma_wait3A_333 = arith.constant 0 : i32
          %dma_wait3A_334 = tpu.memref_slice %arg2[%add3A_331, %dma_wait3A_333] : memref<128x100000xf32, #tpu.memory_space<hbm>> -> memref<1x100000xf32, #tpu.memory_space<hbm>>
          %dma_wait3A_335 = tpu.memref_squeeze %dma_wait3A_334 : memref<1x100000xf32, #tpu.memory_space<hbm>> -> memref<100000xf32, #tpu.memory_space<hbm>>
          %dma_wait3A_336 = tpu.memref_slice %dma_wait3A_335[%multiple_of3A] : memref<100000xf32, #tpu.memory_space<hbm>> -> memref<11392xf32, #tpu.memory_space<hbm>>
          %dma_wait3A_337 = arith.constant 0 : i32
          %dma_wait3A_338 = tpu.memref_slice %arg6[%dma_wait3A_337] : memref<25344xf32, #tpu.memory_space<vmem>> -> memref<11392xf32, #tpu.memory_space<vmem>>
          %dma_wait3A_339 = arith.constant 0 : i32
          %dma_wait3A_340 = tpu.memref_slice %arg2[%add3A_331, %dma_wait3A_339] : memref<128x100000xf32, #tpu.memory_space<hbm>> -> memref<1x100000xf32, #tpu.memory_space<hbm>>
          %dma_wait3A_341 = tpu.memref_squeeze %dma_wait3A_340 : memref<1x100000xf32, #tpu.memory_space<hbm>> -> memref<100000xf32, #tpu.memory_space<hbm>>
          %dma_wait3A_342 = tpu.memref_slice %dma_wait3A_341[%multiple_of3A] : memref<100000xf32, #tpu.memory_space<hbm>> -> memref<11392xf32, #tpu.memory_space<hbm>>
          tpu.wait_dma2 semaphore(%arg13 : memref<!tpu.dma_semaphore, #tpu.memory_space<semaphore_mem>>) src(%dma_wait3A_342 : memref<11392xf32, #tpu.memory_space<hbm>>) dst(%dma_wait3A_338 : memref<11392xf32, #tpu.memory_space<vmem>>)
        } else {
        }
      } else {
      }
      %eq3A_104 = arith.constant 1 : i32
      %eq3A_105 = arith.cmpi eq, %select_n3A_54, %eq3A_104 : i32
      %convert_element_type3A_106 = arith.extui %eq3A_105 : i1 to i32
      %cond3A_107 = arith.constant 0 : i32
      %cond3A_108 = arith.cmpi ne, %convert_element_type3A_106, %cond3A_107 : i32
      scf.if %cond3A_108 {
        %jit3A_277 = arith.constant 8 : i32
        %eq3A_278 = arith.constant 0 : i32
        %eq3A_279 = arith.cmpi eq, %jit3A_277, %eq3A_278 : i32
        %jit3A_280 = arith.constant 1 : i32
        %select_n3A_281 = arith.select %eq3A_279, %jit3A_280, %jit3A_277 : i32
        %rem3A_282 = arith.remsi %scan3A_39, %select_n3A_281 : i32
        %ne3A_283 = arith.constant 0 : i32
        %ne3A_284 = arith.cmpi ne, %rem3A_282, %ne3A_283 : i32
        %lt3A_285 = arith.constant 0 : i32
        %lt3A_286 = arith.cmpi slt, %rem3A_282, %lt3A_285 : i32
        %lt3A_287 = arith.constant 0 : i32
        %lt3A_288 = arith.cmpi slt, %select_n3A_281, %lt3A_287 : i32
        %ne3A_289 = arith.xori %lt3A_286, %lt3A_288 : i1
        %and3A_290 = arith.andi %ne3A_289, %ne3A_284 : i1
        %add3A_291 = arith.addi %rem3A_282, %select_n3A_281 : i32
        %select_n3A_292 = arith.select %and3A_290, %add3A_291, %rem3A_282 : i32
        %lt3A_293 = arith.constant 7 : i32
        %lt3A_294 = arith.cmpi slt, %select_n3A_292, %lt3A_293 : i32
        %convert_element_type3A_295 = arith.extui %lt3A_294 : i1 to i32
        %cond3A_296 = arith.constant 0 : i32
        %cond3A_297 = arith.cmpi ne, %convert_element_type3A_295, %cond3A_296 : i32
        scf.if %cond3A_297 {
          %jit3A_303 = arith.constant 8 : i32
          %div3A_304 = arith.divsi %scan3A_39, %jit3A_303 : i32
          %sign3A_305 = arith.constant 0 : i32
          %sign3A_306 = arith.cmpi sgt, %scan3A_39, %sign3A_305 : i32
          %sign3A_307 = arith.extui %sign3A_306 : i1 to i32
          %sign3A_308 = arith.constant 0 : i32
          %sign3A_309 = arith.cmpi slt, %scan3A_39, %sign3A_308 : i32
          %sign3A_310 = arith.extui %sign3A_309 : i1 to i32
          %sign3A_311 = arith.subi %sign3A_307, %sign3A_310 : i32
          %sign3A_312 = arith.constant 0 : i32
          %sign3A_313 = arith.cmpi sgt, %jit3A_303, %sign3A_312 : i32
          %sign3A_314 = arith.extui %sign3A_313 : i1 to i32
          %sign3A_315 = arith.constant 0 : i32
          %sign3A_316 = arith.cmpi slt, %jit3A_303, %sign3A_315 : i32
          %sign3A_317 = arith.extui %sign3A_316 : i1 to i32
          %sign3A_318 = arith.subi %sign3A_314, %sign3A_317 : i32
          %ne3A_319 = arith.cmpi ne, %sign3A_311, %sign3A_318 : i32
          %rem3A_320 = arith.remsi %scan3A_39, %jit3A_303 : i32
          %ne3A_321 = arith.constant 0 : i32
          %ne3A_322 = arith.cmpi ne, %rem3A_320, %ne3A_321 : i32
          %and3A_323 = arith.andi %ne3A_319, %ne3A_322 : i1
          %sub3A_324 = arith.constant 1 : i32
          %sub3A_325 = arith.subi %div3A_304, %sub3A_324 : i32
          %select_n3A_326 = arith.select %and3A_323, %sub3A_325, %div3A_304 : i32
          %add3A_327 = arith.addi %mul3A_2, %select_n3A_326 : i32
          %jit3A_328 = arith.constant 8 : i32
          %eq3A_329 = arith.constant 0 : i32
          %eq3A_330 = arith.cmpi eq, %jit3A_328, %eq3A_329 : i32
          %jit3A_331 = arith.constant 1 : i32
          %select_n3A_332 = arith.select %eq3A_330, %jit3A_331, %jit3A_328 : i32
          %rem3A_333 = arith.remsi %scan3A_39, %select_n3A_332 : i32
          %ne3A_334 = arith.constant 0 : i32
          %ne3A_335 = arith.cmpi ne, %rem3A_333, %ne3A_334 : i32
          %lt3A_336 = arith.constant 0 : i32
          %lt3A_337 = arith.cmpi slt, %rem3A_333, %lt3A_336 : i32
          %lt3A_338 = arith.constant 0 : i32
          %lt3A_339 = arith.cmpi slt, %select_n3A_332, %lt3A_338 : i32
          %ne3A_340 = arith.xori %lt3A_337, %lt3A_339 : i1
          %and3A_341 = arith.andi %ne3A_340, %ne3A_335 : i1
          %add3A_342 = arith.addi %rem3A_333, %select_n3A_332 : i32
          %select_n3A_343 = arith.select %and3A_341, %add3A_342, %rem3A_333 : i32
          %mul3A_344 = arith.constant 12672 : i32
          %mul3A_345 = arith.muli %select_n3A_343, %mul3A_344 : i32
          %multiple_of3A = tpu.assume_multiple %mul3A_345, 128 : i32
          %dma_wait3A = arith.constant 12672 : i32
          %dma_wait3A_346 = tpu.memref_slice %arg6[%dma_wait3A] : memref<25344xf32, #tpu.memory_space<vmem>> -> memref<12672xf32, #tpu.memory_space<vmem>>
          %dma_wait3A_347 = arith.constant 0 : i32
          %dma_wait3A_348 = tpu.memref_slice %arg2[%add3A_327, %dma_wait3A_347] : memref<128x100000xf32, #tpu.memory_space<hbm>> -> memref<1x100000xf32, #tpu.memory_space<hbm>>
          %dma_wait3A_349 = tpu.memref_squeeze %dma_wait3A_348 : memref<1x100000xf32, #tpu.memory_space<hbm>> -> memref<100000xf32, #tpu.memory_space<hbm>>
          %dma_wait3A_350 = tpu.memref_slice %dma_wait3A_349[%multiple_of3A] : memref<100000xf32, #tpu.memory_space<hbm>> -> memref<12672xf32, #tpu.memory_space<hbm>>
          %dma_wait3A_351 = arith.constant 12672 : i32
          %dma_wait3A_352 = tpu.memref_slice %arg6[%dma_wait3A_351] : memref<25344xf32, #tpu.memory_space<vmem>> -> memref<12672xf32, #tpu.memory_space<vmem>>
          %dma_wait3A_353 = arith.constant 0 : i32
          %dma_wait3A_354 = tpu.memref_slice %arg2[%add3A_327, %dma_wait3A_353] : memref<128x100000xf32, #tpu.memory_space<hbm>> -> memref<1x100000xf32, #tpu.memory_space<hbm>>
          %dma_wait3A_355 = tpu.memref_squeeze %dma_wait3A_354 : memref<1x100000xf32, #tpu.memory_space<hbm>> -> memref<100000xf32, #tpu.memory_space<hbm>>
          %dma_wait3A_356 = tpu.memref_slice %dma_wait3A_355[%multiple_of3A] : memref<100000xf32, #tpu.memory_space<hbm>> -> memref<12672xf32, #tpu.memory_space<hbm>>
          tpu.wait_dma2 semaphore(%arg14 : memref<!tpu.dma_semaphore, #tpu.memory_space<semaphore_mem>>) src(%dma_wait3A_356 : memref<12672xf32, #tpu.memory_space<hbm>>) dst(%dma_wait3A_352 : memref<12672xf32, #tpu.memory_space<vmem>>)
        } else {
        }
        %eq3A_298 = arith.constant 7 : i32
        %eq3A_299 = arith.cmpi eq, %select_n3A_292, %eq3A_298 : i32
        %convert_element_type3A_300 = arith.extui %eq3A_299 : i1 to i32
        %cond3A_301 = arith.constant 0 : i32
        %cond3A_302 = arith.cmpi ne, %convert_element_type3A_300, %cond3A_301 : i32
        scf.if %cond3A_302 {
          %mul3A_303 = arith.constant 0 : i32
          %mul3A_304 = arith.muli %mul3A_303, %scan3A_39 : i32
          %add3A_305 = arith.constant 88704 : i32
          %add3A_306 = arith.addi %add3A_305, %mul3A_304 : i32
          %multiple_of3A = tpu.assume_multiple %add3A_306, 128 : i32
          %jit3A_307 = arith.constant 8 : i32
          %div3A_308 = arith.divsi %scan3A_39, %jit3A_307 : i32
          %sign3A_309 = arith.constant 0 : i32
          %sign3A_310 = arith.cmpi sgt, %scan3A_39, %sign3A_309 : i32
          %sign3A_311 = arith.extui %sign3A_310 : i1 to i32
          %sign3A_312 = arith.constant 0 : i32
          %sign3A_313 = arith.cmpi slt, %scan3A_39, %sign3A_312 : i32
          %sign3A_314 = arith.extui %sign3A_313 : i1 to i32
          %sign3A_315 = arith.subi %sign3A_311, %sign3A_314 : i32
          %sign3A_316 = arith.constant 0 : i32
          %sign3A_317 = arith.cmpi sgt, %jit3A_307, %sign3A_316 : i32
          %sign3A_318 = arith.extui %sign3A_317 : i1 to i32
          %sign3A_319 = arith.constant 0 : i32
          %sign3A_320 = arith.cmpi slt, %jit3A_307, %sign3A_319 : i32
          %sign3A_321 = arith.extui %sign3A_320 : i1 to i32
          %sign3A_322 = arith.subi %sign3A_318, %sign3A_321 : i32
          %ne3A_323 = arith.cmpi ne, %sign3A_315, %sign3A_322 : i32
          %rem3A_324 = arith.remsi %scan3A_39, %jit3A_307 : i32
          %ne3A_325 = arith.constant 0 : i32
          %ne3A_326 = arith.cmpi ne, %rem3A_324, %ne3A_325 : i32
          %and3A_327 = arith.andi %ne3A_323, %ne3A_326 : i1
          %sub3A_328 = arith.constant 1 : i32
          %sub3A_329 = arith.subi %div3A_308, %sub3A_328 : i32
          %select_n3A_330 = arith.select %and3A_327, %sub3A_329, %div3A_308 : i32
          %add3A_331 = arith.addi %mul3A_2, %select_n3A_330 : i32
          %dma_wait3A = arith.constant 12672 : i32
          %dma_wait3A_332 = tpu.memref_slice %arg6[%dma_wait3A] : memref<25344xf32, #tpu.memory_space<vmem>> -> memref<11392xf32, #tpu.memory_space<vmem>>
          %dma_wait3A_333 = arith.constant 0 : i32
          %dma_wait3A_334 = tpu.memref_slice %arg2[%add3A_331, %dma_wait3A_333] : memref<128x100000xf32, #tpu.memory_space<hbm>> -> memref<1x100000xf32, #tpu.memory_space<hbm>>
          %dma_wait3A_335 = tpu.memref_squeeze %dma_wait3A_334 : memref<1x100000xf32, #tpu.memory_space<hbm>> -> memref<100000xf32, #tpu.memory_space<hbm>>
          %dma_wait3A_336 = tpu.memref_slice %dma_wait3A_335[%multiple_of3A] : memref<100000xf32, #tpu.memory_space<hbm>> -> memref<11392xf32, #tpu.memory_space<hbm>>
          %dma_wait3A_337 = arith.constant 12672 : i32
          %dma_wait3A_338 = tpu.memref_slice %arg6[%dma_wait3A_337] : memref<25344xf32, #tpu.memory_space<vmem>> -> memref<11392xf32, #tpu.memory_space<vmem>>
          %dma_wait3A_339 = arith.constant 0 : i32
          %dma_wait3A_340 = tpu.memref_slice %arg2[%add3A_331, %dma_wait3A_339] : memref<128x100000xf32, #tpu.memory_space<hbm>> -> memref<1x100000xf32, #tpu.memory_space<hbm>>
          %dma_wait3A_341 = tpu.memref_squeeze %dma_wait3A_340 : memref<1x100000xf32, #tpu.memory_space<hbm>> -> memref<100000xf32, #tpu.memory_space<hbm>>
          %dma_wait3A_342 = tpu.memref_slice %dma_wait3A_341[%multiple_of3A] : memref<100000xf32, #tpu.memory_space<hbm>> -> memref<11392xf32, #tpu.memory_space<hbm>>
          tpu.wait_dma2 semaphore(%arg14 : memref<!tpu.dma_semaphore, #tpu.memory_space<semaphore_mem>>) src(%dma_wait3A_342 : memref<11392xf32, #tpu.memory_space<hbm>>) dst(%dma_wait3A_338 : memref<11392xf32, #tpu.memory_space<vmem>>)
        } else {
        }
      } else {
      }
      %while3A = arith.constant 0 : i32
      %while3A_109 = arith.subi %select_n3A_98, %while3A : i32
      %while3A_110 = arith.addi %while3A, %while3A_109 : i32
      %while3A_111 = arith.constant 1 : i32
      %while3A_112 = arith.divsi %while3A_109, %while3A_111 : i32
      %while3A_113 = arith.muli %while3A_112, %while3A_111 : i32
      %while3A_114 = arith.addi %while3A, %while3A_113 : i32
      %while3A_115 = arith.constant 1 : i32
      %while3A_116 = scf.for %while3A_277 = %while3A to %while3A_114 step %while3A_115 iter_args(%while3A_278 = %scan3A_40) -> (vector<16xf32>)  : i32 {
        %mul3A_279 = arith.constant 1408 : i32
        %mul3A_280 = arith.muli %while3A_277, %mul3A_279 : i32
        %add3A_281 = arith.addi %mul3A_56, %mul3A_280 : i32
        %add3A_282 = arith.constant 0 : i32
        %add3A_283 = arith.addi %add3A_281, %add3A_282 : i32
        %get3A_284 = arith.index_cast %add3A_283 : i32 to index
        %get3A_285 = tpu.vector_load %arg6[%get3A_284] {strides = array<i32>} : memref<25344xf32, #tpu.memory_space<vmem>>, vector<16xf32>,
        %add3A_286 = arith.constant 16 : i32
        %add3A_287 = arith.addi %add3A_283, %add3A_286 : i32
        %get3A_288 = arith.index_cast %add3A_287 : i32 to index
        %get3A_289 = tpu.vector_load %arg6[%get3A_288] {strides = array<i32>} : memref<25344xf32, #tpu.memory_space<vmem>>, vector<16xf32>,
        %add3A_290 = arith.constant 32 : i32
        %add3A_291 = arith.addi %add3A_283, %add3A_290 : i32
        %get3A_292 = arith.index_cast %add3A_291 : i32 to index
        %get3A_293 = tpu.vector_load %arg6[%get3A_292] {strides = array<i32>} : memref<25344xf32, #tpu.memory_space<vmem>>, vector<16xf32>,
        %max3A_294 = arith.maximumf %get3A_285, %get3A_293 : vector<16xf32>
        %add3A_295 = arith.constant 48 : i32
        %add3A_296 = arith.addi %add3A_283, %add3A_295 : i32
        %get3A_297 = arith.index_cast %add3A_296 : i32 to index
        %get3A_298 = tpu.vector_load %arg6[%get3A_297] {strides = array<i32>} : memref<25344xf32, #tpu.memory_space<vmem>>, vector<16xf32>,
        %max3A_299 = arith.maximumf %get3A_289, %get3A_298 : vector<16xf32>
        %add3A_300 = arith.constant 64 : i32
        %add3A_301 = arith.addi %add3A_283, %add3A_300 : i32
        %get3A_302 = arith.index_cast %add3A_301 : i32 to index
        %get3A_303 = tpu.vector_load %arg6[%get3A_302] {strides = array<i32>} : memref<25344xf32, #tpu.memory_space<vmem>>, vector<16xf32>,
        %max3A_304 = arith.maximumf %max3A_294, %get3A_303 : vector<16xf32>
        %add3A_305 = arith.constant 80 : i32
        %add3A_306 = arith.addi %add3A_283, %add3A_305 : i32
        %get3A_307 = arith.index_cast %add3A_306 : i32 to index
        %get3A_308 = tpu.vector_load %arg6[%get3A_307] {strides = array<i32>} : memref<25344xf32, #tpu.memory_space<vmem>>, vector<16xf32>,
        %max3A_309 = arith.maximumf %max3A_299, %get3A_308 : vector<16xf32>
        %add3A_310 = arith.constant 96 : i32
        %add3A_311 = arith.addi %add3A_283, %add3A_310 : i32
        %get3A_312 = arith.index_cast %add3A_311 : i32 to index
        %get3A_313 = tpu.vector_load %arg6[%get3A_312] {strides = array<i32>} : memref<25344xf32, #tpu.memory_space<vmem>>, vector<16xf32>,
        %max3A_314 = arith.maximumf %max3A_304, %get3A_313 : vector<16xf32>
        %add3A_315 = arith.constant 112 : i32
        %add3A_316 = arith.addi %add3A_283, %add3A_315 : i32
        %get3A_317 = arith.index_cast %add3A_316 : i32 to index
        %get3A_318 = tpu.vector_load %arg6[%get3A_317] {strides = array<i32>} : memref<25344xf32, #tpu.memory_space<vmem>>, vector<16xf32>,
        %max3A_319 = arith.maximumf %max3A_309, %get3A_318 : vector<16xf32>
        %add3A_320 = arith.constant 128 : i32
        %add3A_321 = arith.addi %add3A_283, %add3A_320 : i32
        %get3A_322 = arith.index_cast %add3A_321 : i32 to index
        %get3A_323 = tpu.vector_load %arg6[%get3A_322] {strides = array<i32>} : memref<25344xf32, #tpu.memory_space<vmem>>, vector<16xf32>,
        %max3A_324 = arith.maximumf %max3A_314, %get3A_323 : vector<16xf32>
        %add3A_325 = arith.constant 144 : i32
        %add3A_326 = arith.addi %add3A_283, %add3A_325 : i32
        %get3A_327 = arith.index_cast %add3A_326 : i32 to index
        %get3A_328 = tpu.vector_load %arg6[%get3A_327] {strides = array<i32>} : memref<25344xf32, #tpu.memory_space<vmem>>, vector<16xf32>,
        %max3A_329 = arith.maximumf %max3A_319, %get3A_328 : vector<16xf32>
        %add3A_330 = arith.constant 160 : i32
        %add3A_331 = arith.addi %add3A_283, %add3A_330 : i32
        %get3A_332 = arith.index_cast %add3A_331 : i32 to index
        %get3A_333 = tpu.vector_load %arg6[%get3A_332] {strides = array<i32>} : memref<25344xf32, #tpu.memory_space<vmem>>, vector<16xf32>,
        %max3A_334 = arith.maximumf %max3A_324, %get3A_333 : vector<16xf32>
        %max3A_335 = arith.maximumf %max3A_334, %max3A_329 : vector<16xf32>
        %mul3A_336 = arith.constant 8 : i32
        %mul3A_337 = arith.muli %while3A_277, %mul3A_336 : i32
        %add3A_338 = arith.constant 0 : i32
        %add3A_339 = arith.addi %mul3A_337, %add3A_338 : i32
        %mul3A_340 = arith.constant 16 : i32
        %mul3A_341 = arith.muli %add3A_339, %mul3A_340 : i32
        %swap3A_342 = arith.index_cast %mul3A_341 : i32 to index
        %swap3A_343 = tpu.vector_load %arg8[%swap3A_342] {strides = array<i32>} : memref<1152xf32, #tpu.memory_space<vmem>>, vector<16xf32>,
        tpu.vector_store %arg8[%swap3A_342], %max3A_335 {strides = array<i32>} : memref<1152xf32, #tpu.memory_space<vmem>>, vector<16xf32>,
        %add3A_344 = arith.constant 176 : i32
        %add3A_345 = arith.addi %add3A_281, %add3A_344 : i32
        %get3A_346 = arith.index_cast %add3A_345 : i32 to index
        %get3A_347 = tpu.vector_load %arg6[%get3A_346] {strides = array<i32>} : memref<25344xf32, #tpu.memory_space<vmem>>, vector<16xf32>,
        %add3A_348 = arith.constant 16 : i32
        %add3A_349 = arith.addi %add3A_345, %add3A_348 : i32
        %get3A_350 = arith.index_cast %add3A_349 : i32 to index
        %get3A_351 = tpu.vector_load %arg6[%get3A_350] {strides = array<i32>} : memref<25344xf32, #tpu.memory_space<vmem>>, vector<16xf32>,
        %add3A_352 = arith.constant 32 : i32
        %add3A_353 = arith.addi %add3A_345, %add3A_352 : i32
        %get3A_354 = arith.index_cast %add3A_353 : i32 to index
        %get3A_355 = tpu.vector_load %arg6[%get3A_354] {strides = array<i32>} : memref<25344xf32, #tpu.memory_space<vmem>>, vector<16xf32>,
        %max3A_356 = arith.maximumf %get3A_347, %get3A_355 : vector<16xf32>
        %add3A_357 = arith.constant 48 : i32
        %add3A_358 = arith.addi %add3A_345, %add3A_357 : i32
        %get3A_359 = arith.index_cast %add3A_358 : i32 to index
        %get3A_360 = tpu.vector_load %arg6[%get3A_359] {strides = array<i32>} : memref<25344xf32, #tpu.memory_space<vmem>>, vector<16xf32>,
        %max3A_361 = arith.maximumf %get3A_351, %get3A_360 : vector<16xf32>
        %add3A_362 = arith.constant 64 : i32
        %add3A_363 = arith.addi %add3A_345, %add3A_362 : i32
        %get3A_364 = arith.index_cast %add3A_363 : i32 to index
        %get3A_365 = tpu.vector_load %arg6[%get3A_364] {strides = array<i32>} : memref<25344xf32, #tpu.memory_space<vmem>>, vector<16xf32>,
        %max3A_366 = arith.maximumf %max3A_356, %get3A_365 : vector<16xf32>
        %add3A_367 = arith.constant 80 : i32
        %add3A_368 = arith.addi %add3A_345, %add3A_367 : i32
        %get3A_369 = arith.index_cast %add3A_368 : i32 to index
        %get3A_370 = tpu.vector_load %arg6[%get3A_369] {strides = array<i32>} : memref<25344xf32, #tpu.memory_space<vmem>>, vector<16xf32>,
        %max3A_371 = arith.maximumf %max3A_361, %get3A_370 : vector<16xf32>
        %add3A_372 = arith.constant 96 : i32
        %add3A_373 = arith.addi %add3A_345, %add3A_372 : i32
        %get3A_374 = arith.index_cast %add3A_373 : i32 to index
        %get3A_375 = tpu.vector_load %arg6[%get3A_374] {strides = array<i32>} : memref<25344xf32, #tpu.memory_space<vmem>>, vector<16xf32>,
        %max3A_376 = arith.maximumf %max3A_366, %get3A_375 : vector<16xf32>
        %add3A_377 = arith.constant 112 : i32
        %add3A_378 = arith.addi %add3A_345, %add3A_377 : i32
        %get3A_379 = arith.index_cast %add3A_378 : i32 to index
        %get3A_380 = tpu.vector_load %arg6[%get3A_379] {strides = array<i32>} : memref<25344xf32, #tpu.memory_space<vmem>>, vector<16xf32>,
        %max3A_381 = arith.maximumf %max3A_371, %get3A_380 : vector<16xf32>
        %add3A_382 = arith.constant 128 : i32
        %add3A_383 = arith.addi %add3A_345, %add3A_382 : i32
        %get3A_384 = arith.index_cast %add3A_383 : i32 to index
        %get3A_385 = tpu.vector_load %arg6[%get3A_384] {strides = array<i32>} : memref<25344xf32, #tpu.memory_space<vmem>>, vector<16xf32>,
        %max3A_386 = arith.maximumf %max3A_376, %get3A_385 : vector<16xf32>
        %add3A_387 = arith.constant 144 : i32
        %add3A_388 = arith.addi %add3A_345, %add3A_387 : i32
        %get3A_389 = arith.index_cast %add3A_388 : i32 to index
        %get3A_390 = tpu.vector_load %arg6[%get3A_389] {strides = array<i32>} : memref<25344xf32, #tpu.memory_space<vmem>>, vector<16xf32>,
        %max3A_391 = arith.maximumf %max3A_381, %get3A_390 : vector<16xf32>
        %add3A_392 = arith.constant 160 : i32
        %add3A_393 = arith.addi %add3A_345, %add3A_392 : i32
        %get3A_394 = arith.index_cast %add3A_393 : i32 to index
        %get3A_395 = tpu.vector_load %arg6[%get3A_394] {strides = array<i32>} : memref<25344xf32, #tpu.memory_space<vmem>>, vector<16xf32>,
        %max3A_396 = arith.maximumf %max3A_386, %get3A_395 : vector<16xf32>
        %max3A_397 = arith.maximumf %max3A_396, %max3A_391 : vector<16xf32>
        %mul3A_398 = arith.constant 8 : i32
        %mul3A_399 = arith.muli %while3A_277, %mul3A_398 : i32
        %add3A_400 = arith.constant 1 : i32
        %add3A_401 = arith.addi %mul3A_399, %add3A_400 : i32
        %mul3A_402 = arith.constant 16 : i32
        %mul3A_403 = arith.muli %add3A_401, %mul3A_402 : i32
        %swap3A_404 = arith.index_cast %mul3A_403 : i32 to index
        %swap3A_405 = tpu.vector_load %arg8[%swap3A_404] {strides = array<i32>} : memref<1152xf32, #tpu.memory_space<vmem>>, vector<16xf32>,
        tpu.vector_store %arg8[%swap3A_404], %max3A_397 {strides = array<i32>} : memref<1152xf32, #tpu.memory_space<vmem>>, vector<16xf32>,
        %add3A_406 = arith.constant 352 : i32
        %add3A_407 = arith.addi %add3A_281, %add3A_406 : i32
        %get3A_408 = arith.index_cast %add3A_407 : i32 to index
        %get3A_409 = tpu.vector_load %arg6[%get3A_408] {strides = array<i32>} : memref<25344xf32, #tpu.memory_space<vmem>>, vector<16xf32>,
        %add3A_410 = arith.constant 16 : i32
        %add3A_411 = arith.addi %add3A_407, %add3A_410 : i32
        %get3A_412 = arith.index_cast %add3A_411 : i32 to index
        %get3A_413 = tpu.vector_load %arg6[%get3A_412] {strides = array<i32>} : memref<25344xf32, #tpu.memory_space<vmem>>, vector<16xf32>,
        %add3A_414 = arith.constant 32 : i32
        %add3A_415 = arith.addi %add3A_407, %add3A_414 : i32
        %get3A_416 = arith.index_cast %add3A_415 : i32 to index
        %get3A_417 = tpu.vector_load %arg6[%get3A_416] {strides = array<i32>} : memref<25344xf32, #tpu.memory_space<vmem>>, vector<16xf32>,
        %max3A_418 = arith.maximumf %get3A_409, %get3A_417 : vector<16xf32>
        %add3A_419 = arith.constant 48 : i32
        %add3A_420 = arith.addi %add3A_407, %add3A_419 : i32
        %get3A_421 = arith.index_cast %add3A_420 : i32 to index
        %get3A_422 = tpu.vector_load %arg6[%get3A_421] {strides = array<i32>} : memref<25344xf32, #tpu.memory_space<vmem>>, vector<16xf32>,
        %max3A_423 = arith.maximumf %get3A_413, %get3A_422 : vector<16xf32>
        %add3A_424 = arith.constant 64 : i32
        %add3A_425 = arith.addi %add3A_407, %add3A_424 : i32
        %get3A_426 = arith.index_cast %add3A_425 : i32 to index
        %get3A_427 = tpu.vector_load %arg6[%get3A_426] {strides = array<i32>} : memref<25344xf32, #tpu.memory_space<vmem>>, vector<16xf32>,
        %max3A_428 = arith.maximumf %max3A_418, %get3A_427 : vector<16xf32>
        %add3A_429 = arith.constant 80 : i32
        %add3A_430 = arith.addi %add3A_407, %add3A_429 : i32
        %get3A_431 = arith.index_cast %add3A_430 : i32 to index
        %get3A_432 = tpu.vector_load %arg6[%get3A_431] {strides = array<i32>} : memref<25344xf32, #tpu.memory_space<vmem>>, vector<16xf32>,
        %max3A_433 = arith.maximumf %max3A_423, %get3A_432 : vector<16xf32>
        %add3A_434 = arith.constant 96 : i32
        %add3A_435 = arith.addi %add3A_407, %add3A_434 : i32
        %get3A_436 = arith.index_cast %add3A_435 : i32 to index
        %get3A_437 = tpu.vector_load %arg6[%get3A_436] {strides = array<i32>} : memref<25344xf32, #tpu.memory_space<vmem>>, vector<16xf32>,
        %max3A_438 = arith.maximumf %max3A_428, %get3A_437 : vector<16xf32>
        %add3A_439 = arith.constant 112 : i32
        %add3A_440 = arith.addi %add3A_407, %add3A_439 : i32
        %get3A_441 = arith.index_cast %add3A_440 : i32 to index
        %get3A_442 = tpu.vector_load %arg6[%get3A_441] {strides = array<i32>} : memref<25344xf32, #tpu.memory_space<vmem>>, vector<16xf32>,
        %max3A_443 = arith.maximumf %max3A_433, %get3A_442 : vector<16xf32>
        %add3A_444 = arith.constant 128 : i32
        %add3A_445 = arith.addi %add3A_407, %add3A_444 : i32
        %get3A_446 = arith.index_cast %add3A_445 : i32 to index
        %get3A_447 = tpu.vector_load %arg6[%get3A_446] {strides = array<i32>} : memref<25344xf32, #tpu.memory_space<vmem>>, vector<16xf32>,
        %max3A_448 = arith.maximumf %max3A_438, %get3A_447 : vector<16xf32>
        %add3A_449 = arith.constant 144 : i32
        %add3A_450 = arith.addi %add3A_407, %add3A_449 : i32
        %get3A_451 = arith.index_cast %add3A_450 : i32 to index
        %get3A_452 = tpu.vector_load %arg6[%get3A_451] {strides = array<i32>} : memref<25344xf32, #tpu.memory_space<vmem>>, vector<16xf32>,
        %max3A_453 = arith.maximumf %max3A_443, %get3A_452 : vector<16xf32>
        %add3A_454 = arith.constant 160 : i32
        %add3A_455 = arith.addi %add3A_407, %add3A_454 : i32
        %get3A_456 = arith.index_cast %add3A_455 : i32 to index
        %get3A_457 = tpu.vector_load %arg6[%get3A_456] {strides = array<i32>} : memref<25344xf32, #tpu.memory_space<vmem>>, vector<16xf32>,
        %max3A_458 = arith.maximumf %max3A_448, %get3A_457 : vector<16xf32>
        %max3A_459 = arith.maximumf %max3A_458, %max3A_453 : vector<16xf32>
        %mul3A_460 = arith.constant 8 : i32
        %mul3A_461 = arith.muli %while3A_277, %mul3A_460 : i32
        %add3A_462 = arith.constant 2 : i32
        %add3A_463 = arith.addi %mul3A_461, %add3A_462 : i32
        %mul3A_464 = arith.constant 16 : i32
        %mul3A_465 = arith.muli %add3A_463, %mul3A_464 : i32
        %swap3A_466 = arith.index_cast %mul3A_465 : i32 to index
        %swap3A_467 = tpu.vector_load %arg8[%swap3A_466] {strides = array<i32>} : memref<1152xf32, #tpu.memory_space<vmem>>, vector<16xf32>,
        tpu.vector_store %arg8[%swap3A_466], %max3A_459 {strides = array<i32>} : memref<1152xf32, #tpu.memory_space<vmem>>, vector<16xf32>,
        %add3A_468 = arith.constant 528 : i32
        %add3A_469 = arith.addi %add3A_281, %add3A_468 : i32
        %get3A_470 = arith.index_cast %add3A_469 : i32 to index
        %get3A_471 = tpu.vector_load %arg6[%get3A_470] {strides = array<i32>} : memref<25344xf32, #tpu.memory_space<vmem>>, vector<16xf32>,
        %add3A_472 = arith.constant 16 : i32
        %add3A_473 = arith.addi %add3A_469, %add3A_472 : i32
        %get3A_474 = arith.index_cast %add3A_473 : i32 to index
        %get3A_475 = tpu.vector_load %arg6[%get3A_474] {strides = array<i32>} : memref<25344xf32, #tpu.memory_space<vmem>>, vector<16xf32>,
        %add3A_476 = arith.constant 32 : i32
        %add3A_477 = arith.addi %add3A_469, %add3A_476 : i32
        %get3A_478 = arith.index_cast %add3A_477 : i32 to index
        %get3A_479 = tpu.vector_load %arg6[%get3A_478] {strides = array<i32>} : memref<25344xf32, #tpu.memory_space<vmem>>, vector<16xf32>,
        %max3A_480 = arith.maximumf %get3A_471, %get3A_479 : vector<16xf32>
        %add3A_481 = arith.constant 48 : i32
        %add3A_482 = arith.addi %add3A_469, %add3A_481 : i32
        %get3A_483 = arith.index_cast %add3A_482 : i32 to index
        %get3A_484 = tpu.vector_load %arg6[%get3A_483] {strides = array<i32>} : memref<25344xf32, #tpu.memory_space<vmem>>, vector<16xf32>,
        %max3A_485 = arith.maximumf %get3A_475, %get3A_484 : vector<16xf32>
        %add3A_486 = arith.constant 64 : i32
        %add3A_487 = arith.addi %add3A_469, %add3A_486 : i32
        %get3A_488 = arith.index_cast %add3A_487 : i32 to index
        %get3A_489 = tpu.vector_load %arg6[%get3A_488] {strides = array<i32>} : memref<25344xf32, #tpu.memory_space<vmem>>, vector<16xf32>,
        %max3A_490 = arith.maximumf %max3A_480, %get3A_489 : vector<16xf32>
        %add3A_491 = arith.constant 80 : i32
        %add3A_492 = arith.addi %add3A_469, %add3A_491 : i32
        %get3A_493 = arith.index_cast %add3A_492 : i32 to index
        %get3A_494 = tpu.vector_load %arg6[%get3A_493] {strides = array<i32>} : memref<25344xf32, #tpu.memory_space<vmem>>, vector<16xf32>,
        %max3A_495 = arith.maximumf %max3A_485, %get3A_494 : vector<16xf32>
        %add3A_496 = arith.constant 96 : i32
        %add3A_497 = arith.addi %add3A_469, %add3A_496 : i32
        %get3A_498 = arith.index_cast %add3A_497 : i32 to index
        %get3A_499 = tpu.vector_load %arg6[%get3A_498] {strides = array<i32>} : memref<25344xf32, #tpu.memory_space<vmem>>, vector<16xf32>,
        %max3A_500 = arith.maximumf %max3A_490, %get3A_499 : vector<16xf32>
        %add3A_501 = arith.constant 112 : i32
        %add3A_502 = arith.addi %add3A_469, %add3A_501 : i32
        %get3A_503 = arith.index_cast %add3A_502 : i32 to index
        %get3A_504 = tpu.vector_load %arg6[%get3A_503] {strides = array<i32>} : memref<25344xf32, #tpu.memory_space<vmem>>, vector<16xf32>,
        %max3A_505 = arith.maximumf %max3A_495, %get3A_504 : vector<16xf32>
        %add3A_506 = arith.constant 128 : i32
        %add3A_507 = arith.addi %add3A_469, %add3A_506 : i32
        %get3A_508 = arith.index_cast %add3A_507 : i32 to index
        %get3A_509 = tpu.vector_load %arg6[%get3A_508] {strides = array<i32>} : memref<25344xf32, #tpu.memory_space<vmem>>, vector<16xf32>,
        %max3A_510 = arith.maximumf %max3A_500, %get3A_509 : vector<16xf32>
        %add3A_511 = arith.constant 144 : i32
        %add3A_512 = arith.addi %add3A_469, %add3A_511 : i32
        %get3A_513 = arith.index_cast %add3A_512 : i32 to index
        %get3A_514 = tpu.vector_load %arg6[%get3A_513] {strides = array<i32>} : memref<25344xf32, #tpu.memory_space<vmem>>, vector<16xf32>,
        %max3A_515 = arith.maximumf %max3A_505, %get3A_514 : vector<16xf32>
        %add3A_516 = arith.constant 160 : i32
        %add3A_517 = arith.addi %add3A_469, %add3A_516 : i32
        %get3A_518 = arith.index_cast %add3A_517 : i32 to index
        %get3A_519 = tpu.vector_load %arg6[%get3A_518] {strides = array<i32>} : memref<25344xf32, #tpu.memory_space<vmem>>, vector<16xf32>,
        %max3A_520 = arith.maximumf %max3A_510, %get3A_519 : vector<16xf32>
        %max3A_521 = arith.maximumf %max3A_520, %max3A_515 : vector<16xf32>
        %mul3A_522 = arith.constant 8 : i32
        %mul3A_523 = arith.muli %while3A_277, %mul3A_522 : i32
        %add3A_524 = arith.constant 3 : i32
        %add3A_525 = arith.addi %mul3A_523, %add3A_524 : i32
        %mul3A_526 = arith.constant 16 : i32
        %mul3A_527 = arith.muli %add3A_525, %mul3A_526 : i32
        %swap3A_528 = arith.index_cast %mul3A_527 : i32 to index
        %swap3A_529 = tpu.vector_load %arg8[%swap3A_528] {strides = array<i32>} : memref<1152xf32, #tpu.memory_space<vmem>>, vector<16xf32>,
        tpu.vector_store %arg8[%swap3A_528], %max3A_521 {strides = array<i32>} : memref<1152xf32, #tpu.memory_space<vmem>>, vector<16xf32>,
        %add3A_530 = arith.constant 704 : i32
        %add3A_531 = arith.addi %add3A_281, %add3A_530 : i32
        %get3A_532 = arith.index_cast %add3A_531 : i32 to index
        %get3A_533 = tpu.vector_load %arg6[%get3A_532] {strides = array<i32>} : memref<25344xf32, #tpu.memory_space<vmem>>, vector<16xf32>,
        %add3A_534 = arith.constant 16 : i32
        %add3A_535 = arith.addi %add3A_531, %add3A_534 : i32
        %get3A_536 = arith.index_cast %add3A_535 : i32 to index
        %get3A_537 = tpu.vector_load %arg6[%get3A_536] {strides = array<i32>} : memref<25344xf32, #tpu.memory_space<vmem>>, vector<16xf32>,
        %add3A_538 = arith.constant 32 : i32
        %add3A_539 = arith.addi %add3A_531, %add3A_538 : i32
        %get3A_540 = arith.index_cast %add3A_539 : i32 to index
        %get3A_541 = tpu.vector_load %arg6[%get3A_540] {strides = array<i32>} : memref<25344xf32, #tpu.memory_space<vmem>>, vector<16xf32>,
        %max3A_542 = arith.maximumf %get3A_533, %get3A_541 : vector<16xf32>
        %add3A_543 = arith.constant 48 : i32
        %add3A_544 = arith.addi %add3A_531, %add3A_543 : i32
        %get3A_545 = arith.index_cast %add3A_544 : i32 to index
        %get3A_546 = tpu.vector_load %arg6[%get3A_545] {strides = array<i32>} : memref<25344xf32, #tpu.memory_space<vmem>>, vector<16xf32>,
        %max3A_547 = arith.maximumf %get3A_537, %get3A_546 : vector<16xf32>
        %add3A_548 = arith.constant 64 : i32
        %add3A_549 = arith.addi %add3A_531, %add3A_548 : i32
        %get3A_550 = arith.index_cast %add3A_549 : i32 to index
        %get3A_551 = tpu.vector_load %arg6[%get3A_550] {strides = array<i32>} : memref<25344xf32, #tpu.memory_space<vmem>>, vector<16xf32>,
        %max3A_552 = arith.maximumf %max3A_542, %get3A_551 : vector<16xf32>
        %add3A_553 = arith.constant 80 : i32
        %add3A_554 = arith.addi %add3A_531, %add3A_553 : i32
        %get3A_555 = arith.index_cast %add3A_554 : i32 to index
        %get3A_556 = tpu.vector_load %arg6[%get3A_555] {strides = array<i32>} : memref<25344xf32, #tpu.memory_space<vmem>>, vector<16xf32>,
        %max3A_557 = arith.maximumf %max3A_547, %get3A_556 : vector<16xf32>
        %add3A_558 = arith.constant 96 : i32
        %add3A_559 = arith.addi %add3A_531, %add3A_558 : i32
        %get3A_560 = arith.index_cast %add3A_559 : i32 to index
        %get3A_561 = tpu.vector_load %arg6[%get3A_560] {strides = array<i32>} : memref<25344xf32, #tpu.memory_space<vmem>>, vector<16xf32>,
        %max3A_562 = arith.maximumf %max3A_552, %get3A_561 : vector<16xf32>
        %add3A_563 = arith.constant 112 : i32
        %add3A_564 = arith.addi %add3A_531, %add3A_563 : i32
        %get3A_565 = arith.index_cast %add3A_564 : i32 to index
        %get3A_566 = tpu.vector_load %arg6[%get3A_565] {strides = array<i32>} : memref<25344xf32, #tpu.memory_space<vmem>>, vector<16xf32>,
        %max3A_567 = arith.maximumf %max3A_557, %get3A_566 : vector<16xf32>
        %add3A_568 = arith.constant 128 : i32
        %add3A_569 = arith.addi %add3A_531, %add3A_568 : i32
        %get3A_570 = arith.index_cast %add3A_569 : i32 to index
        %get3A_571 = tpu.vector_load %arg6[%get3A_570] {strides = array<i32>} : memref<25344xf32, #tpu.memory_space<vmem>>, vector<16xf32>,
        %max3A_572 = arith.maximumf %max3A_562, %get3A_571 : vector<16xf32>
        %add3A_573 = arith.constant 144 : i32
        %add3A_574 = arith.addi %add3A_531, %add3A_573 : i32
        %get3A_575 = arith.index_cast %add3A_574 : i32 to index
        %get3A_576 = tpu.vector_load %arg6[%get3A_575] {strides = array<i32>} : memref<25344xf32, #tpu.memory_space<vmem>>, vector<16xf32>,
        %max3A_577 = arith.maximumf %max3A_567, %get3A_576 : vector<16xf32>
        %add3A_578 = arith.constant 160 : i32
        %add3A_579 = arith.addi %add3A_531, %add3A_578 : i32
        %get3A_580 = arith.index_cast %add3A_579 : i32 to index
        %get3A_581 = tpu.vector_load %arg6[%get3A_580] {strides = array<i32>} : memref<25344xf32, #tpu.memory_space<vmem>>, vector<16xf32>,
        %max3A_582 = arith.maximumf %max3A_572, %get3A_581 : vector<16xf32>
        %max3A_583 = arith.maximumf %max3A_582, %max3A_577 : vector<16xf32>
        %mul3A_584 = arith.constant 8 : i32
        %mul3A_585 = arith.muli %while3A_277, %mul3A_584 : i32
        %add3A_586 = arith.constant 4 : i32
        %add3A_587 = arith.addi %mul3A_585, %add3A_586 : i32
        %mul3A_588 = arith.constant 16 : i32
        %mul3A_589 = arith.muli %add3A_587, %mul3A_588 : i32
        %swap3A_590 = arith.index_cast %mul3A_589 : i32 to index
        %swap3A_591 = tpu.vector_load %arg8[%swap3A_590] {strides = array<i32>} : memref<1152xf32, #tpu.memory_space<vmem>>, vector<16xf32>,
        tpu.vector_store %arg8[%swap3A_590], %max3A_583 {strides = array<i32>} : memref<1152xf32, #tpu.memory_space<vmem>>, vector<16xf32>,
        %add3A_592 = arith.constant 880 : i32
        %add3A_593 = arith.addi %add3A_281, %add3A_592 : i32
        %get3A_594 = arith.index_cast %add3A_593 : i32 to index
        %get3A_595 = tpu.vector_load %arg6[%get3A_594] {strides = array<i32>} : memref<25344xf32, #tpu.memory_space<vmem>>, vector<16xf32>,
        %add3A_596 = arith.constant 16 : i32
        %add3A_597 = arith.addi %add3A_593, %add3A_596 : i32
        %get3A_598 = arith.index_cast %add3A_597 : i32 to index
        %get3A_599 = tpu.vector_load %arg6[%get3A_598] {strides = array<i32>} : memref<25344xf32, #tpu.memory_space<vmem>>, vector<16xf32>,
        %add3A_600 = arith.constant 32 : i32
        %add3A_601 = arith.addi %add3A_593, %add3A_600 : i32
        %get3A_602 = arith.index_cast %add3A_601 : i32 to index
        %get3A_603 = tpu.vector_load %arg6[%get3A_602] {strides = array<i32>} : memref<25344xf32, #tpu.memory_space<vmem>>, vector<16xf32>,
        %max3A_604 = arith.maximumf %get3A_595, %get3A_603 : vector<16xf32>
        %add3A_605 = arith.constant 48 : i32
        %add3A_606 = arith.addi %add3A_593, %add3A_605 : i32
        %get3A_607 = arith.index_cast %add3A_606 : i32 to index
        %get3A_608 = tpu.vector_load %arg6[%get3A_607] {strides = array<i32>} : memref<25344xf32, #tpu.memory_space<vmem>>, vector<16xf32>,
        %max3A_609 = arith.maximumf %get3A_599, %get3A_608 : vector<16xf32>
        %add3A_610 = arith.constant 64 : i32
        %add3A_611 = arith.addi %add3A_593, %add3A_610 : i32
        %get3A_612 = arith.index_cast %add3A_611 : i32 to index
        %get3A_613 = tpu.vector_load %arg6[%get3A_612] {strides = array<i32>} : memref<25344xf32, #tpu.memory_space<vmem>>, vector<16xf32>,
        %max3A_614 = arith.maximumf %max3A_604, %get3A_613 : vector<16xf32>
        %add3A_615 = arith.constant 80 : i32
        %add3A_616 = arith.addi %add3A_593, %add3A_615 : i32
        %get3A_617 = arith.index_cast %add3A_616 : i32 to index
        %get3A_618 = tpu.vector_load %arg6[%get3A_617] {strides = array<i32>} : memref<25344xf32, #tpu.memory_space<vmem>>, vector<16xf32>,
        %max3A_619 = arith.maximumf %max3A_609, %get3A_618 : vector<16xf32>
        %add3A_620 = arith.constant 96 : i32
        %add3A_621 = arith.addi %add3A_593, %add3A_620 : i32
        %get3A_622 = arith.index_cast %add3A_621 : i32 to index
        %get3A_623 = tpu.vector_load %arg6[%get3A_622] {strides = array<i32>} : memref<25344xf32, #tpu.memory_space<vmem>>, vector<16xf32>,
        %max3A_624 = arith.maximumf %max3A_614, %get3A_623 : vector<16xf32>
        %add3A_625 = arith.constant 112 : i32
        %add3A_626 = arith.addi %add3A_593, %add3A_625 : i32
        %get3A_627 = arith.index_cast %add3A_626 : i32 to index
        %get3A_628 = tpu.vector_load %arg6[%get3A_627] {strides = array<i32>} : memref<25344xf32, #tpu.memory_space<vmem>>, vector<16xf32>,
        %max3A_629 = arith.maximumf %max3A_619, %get3A_628 : vector<16xf32>
        %add3A_630 = arith.constant 128 : i32
        %add3A_631 = arith.addi %add3A_593, %add3A_630 : i32
        %get3A_632 = arith.index_cast %add3A_631 : i32 to index
        %get3A_633 = tpu.vector_load %arg6[%get3A_632] {strides = array<i32>} : memref<25344xf32, #tpu.memory_space<vmem>>, vector<16xf32>,
        %max3A_634 = arith.maximumf %max3A_624, %get3A_633 : vector<16xf32>
        %add3A_635 = arith.constant 144 : i32
        %add3A_636 = arith.addi %add3A_593, %add3A_635 : i32
        %get3A_637 = arith.index_cast %add3A_636 : i32 to index
        %get3A_638 = tpu.vector_load %arg6[%get3A_637] {strides = array<i32>} : memref<25344xf32, #tpu.memory_space<vmem>>, vector<16xf32>,
        %max3A_639 = arith.maximumf %max3A_629, %get3A_638 : vector<16xf32>
        %add3A_640 = arith.constant 160 : i32
        %add3A_641 = arith.addi %add3A_593, %add3A_640 : i32
        %get3A_642 = arith.index_cast %add3A_641 : i32 to index
        %get3A_643 = tpu.vector_load %arg6[%get3A_642] {strides = array<i32>} : memref<25344xf32, #tpu.memory_space<vmem>>, vector<16xf32>,
        %max3A_644 = arith.maximumf %max3A_634, %get3A_643 : vector<16xf32>
        %max3A_645 = arith.maximumf %max3A_644, %max3A_639 : vector<16xf32>
        %mul3A_646 = arith.constant 8 : i32
        %mul3A_647 = arith.muli %while3A_277, %mul3A_646 : i32
        %add3A_648 = arith.constant 5 : i32
        %add3A_649 = arith.addi %mul3A_647, %add3A_648 : i32
        %mul3A_650 = arith.constant 16 : i32
        %mul3A_651 = arith.muli %add3A_649, %mul3A_650 : i32
        %swap3A_652 = arith.index_cast %mul3A_651 : i32 to index
        %swap3A_653 = tpu.vector_load %arg8[%swap3A_652] {strides = array<i32>} : memref<1152xf32, #tpu.memory_space<vmem>>, vector<16xf32>,
        tpu.vector_store %arg8[%swap3A_652], %max3A_645 {strides = array<i32>} : memref<1152xf32, #tpu.memory_space<vmem>>, vector<16xf32>,
        %add3A_654 = arith.constant 1056 : i32
        %add3A_655 = arith.addi %add3A_281, %add3A_654 : i32
        %get3A_656 = arith.index_cast %add3A_655 : i32 to index
        %get3A_657 = tpu.vector_load %arg6[%get3A_656] {strides = array<i32>} : memref<25344xf32, #tpu.memory_space<vmem>>, vector<16xf32>,
        %add3A_658 = arith.constant 16 : i32
        %add3A_659 = arith.addi %add3A_655, %add3A_658 : i32
        %get3A_660 = arith.index_cast %add3A_659 : i32 to index
        %get3A_661 = tpu.vector_load %arg6[%get3A_660] {strides = array<i32>} : memref<25344xf32, #tpu.memory_space<vmem>>, vector<16xf32>,
        %add3A_662 = arith.constant 32 : i32
        %add3A_663 = arith.addi %add3A_655, %add3A_662 : i32
        %get3A_664 = arith.index_cast %add3A_663 : i32 to index
        %get3A_665 = tpu.vector_load %arg6[%get3A_664] {strides = array<i32>} : memref<25344xf32, #tpu.memory_space<vmem>>, vector<16xf32>,
        %max3A_666 = arith.maximumf %get3A_657, %get3A_665 : vector<16xf32>
        %add3A_667 = arith.constant 48 : i32
        %add3A_668 = arith.addi %add3A_655, %add3A_667 : i32
        %get3A_669 = arith.index_cast %add3A_668 : i32 to index
        %get3A_670 = tpu.vector_load %arg6[%get3A_669] {strides = array<i32>} : memref<25344xf32, #tpu.memory_space<vmem>>, vector<16xf32>,
        %max3A_671 = arith.maximumf %get3A_661, %get3A_670 : vector<16xf32>
        %add3A_672 = arith.constant 64 : i32
        %add3A_673 = arith.addi %add3A_655, %add3A_672 : i32
        %get3A_674 = arith.index_cast %add3A_673 : i32 to index
        %get3A_675 = tpu.vector_load %arg6[%get3A_674] {strides = array<i32>} : memref<25344xf32, #tpu.memory_space<vmem>>, vector<16xf32>,
        %max3A_676 = arith.maximumf %max3A_666, %get3A_675 : vector<16xf32>
        %add3A_677 = arith.constant 80 : i32
        %add3A_678 = arith.addi %add3A_655, %add3A_677 : i32
        %get3A_679 = arith.index_cast %add3A_678 : i32 to index
        %get3A_680 = tpu.vector_load %arg6[%get3A_679] {strides = array<i32>} : memref<25344xf32, #tpu.memory_space<vmem>>, vector<16xf32>,
        %max3A_681 = arith.maximumf %max3A_671, %get3A_680 : vector<16xf32>
        %add3A_682 = arith.constant 96 : i32
        %add3A_683 = arith.addi %add3A_655, %add3A_682 : i32
        %get3A_684 = arith.index_cast %add3A_683 : i32 to index
        %get3A_685 = tpu.vector_load %arg6[%get3A_684] {strides = array<i32>} : memref<25344xf32, #tpu.memory_space<vmem>>, vector<16xf32>,
        %max3A_686 = arith.maximumf %max3A_676, %get3A_685 : vector<16xf32>
        %add3A_687 = arith.constant 112 : i32
        %add3A_688 = arith.addi %add3A_655, %add3A_687 : i32
        %get3A_689 = arith.index_cast %add3A_688 : i32 to index
        %get3A_690 = tpu.vector_load %arg6[%get3A_689] {strides = array<i32>} : memref<25344xf32, #tpu.memory_space<vmem>>, vector<16xf32>,
        %max3A_691 = arith.maximumf %max3A_681, %get3A_690 : vector<16xf32>
        %add3A_692 = arith.constant 128 : i32
        %add3A_693 = arith.addi %add3A_655, %add3A_692 : i32
        %get3A_694 = arith.index_cast %add3A_693 : i32 to index
        %get3A_695 = tpu.vector_load %arg6[%get3A_694] {strides = array<i32>} : memref<25344xf32, #tpu.memory_space<vmem>>, vector<16xf32>,
        %max3A_696 = arith.maximumf %max3A_686, %get3A_695 : vector<16xf32>
        %add3A_697 = arith.constant 144 : i32
        %add3A_698 = arith.addi %add3A_655, %add3A_697 : i32
        %get3A_699 = arith.index_cast %add3A_698 : i32 to index
        %get3A_700 = tpu.vector_load %arg6[%get3A_699] {strides = array<i32>} : memref<25344xf32, #tpu.memory_space<vmem>>, vector<16xf32>,
        %max3A_701 = arith.maximumf %max3A_691, %get3A_700 : vector<16xf32>
        %add3A_702 = arith.constant 160 : i32
        %add3A_703 = arith.addi %add3A_655, %add3A_702 : i32
        %get3A_704 = arith.index_cast %add3A_703 : i32 to index
        %get3A_705 = tpu.vector_load %arg6[%get3A_704] {strides = array<i32>} : memref<25344xf32, #tpu.memory_space<vmem>>, vector<16xf32>,
        %max3A_706 = arith.maximumf %max3A_696, %get3A_705 : vector<16xf32>
        %max3A_707 = arith.maximumf %max3A_706, %max3A_701 : vector<16xf32>
        %mul3A_708 = arith.constant 8 : i32
        %mul3A_709 = arith.muli %while3A_277, %mul3A_708 : i32
        %add3A_710 = arith.constant 6 : i32
        %add3A_711 = arith.addi %mul3A_709, %add3A_710 : i32
        %mul3A_712 = arith.constant 16 : i32
        %mul3A_713 = arith.muli %add3A_711, %mul3A_712 : i32
        %swap3A_714 = arith.index_cast %mul3A_713 : i32 to index
        %swap3A_715 = tpu.vector_load %arg8[%swap3A_714] {strides = array<i32>} : memref<1152xf32, #tpu.memory_space<vmem>>, vector<16xf32>,
        tpu.vector_store %arg8[%swap3A_714], %max3A_707 {strides = array<i32>} : memref<1152xf32, #tpu.memory_space<vmem>>, vector<16xf32>,
        %add3A_716 = arith.constant 1232 : i32
        %add3A_717 = arith.addi %add3A_281, %add3A_716 : i32
        %get3A_718 = arith.index_cast %add3A_717 : i32 to index
        %get3A_719 = tpu.vector_load %arg6[%get3A_718] {strides = array<i32>} : memref<25344xf32, #tpu.memory_space<vmem>>, vector<16xf32>,
        %add3A_720 = arith.constant 16 : i32
        %add3A_721 = arith.addi %add3A_717, %add3A_720 : i32
        %get3A_722 = arith.index_cast %add3A_721 : i32 to index
        %get3A_723 = tpu.vector_load %arg6[%get3A_722] {strides = array<i32>} : memref<25344xf32, #tpu.memory_space<vmem>>, vector<16xf32>,
        %add3A_724 = arith.constant 32 : i32
        %add3A_725 = arith.addi %add3A_717, %add3A_724 : i32
        %get3A_726 = arith.index_cast %add3A_725 : i32 to index
        %get3A_727 = tpu.vector_load %arg6[%get3A_726] {strides = array<i32>} : memref<25344xf32, #tpu.memory_space<vmem>>, vector<16xf32>,
        %max3A_728 = arith.maximumf %get3A_719, %get3A_727 : vector<16xf32>
        %add3A_729 = arith.constant 48 : i32
        %add3A_730 = arith.addi %add3A_717, %add3A_729 : i32
        %get3A_731 = arith.index_cast %add3A_730 : i32 to index
        %get3A_732 = tpu.vector_load %arg6[%get3A_731] {strides = array<i32>} : memref<25344xf32, #tpu.memory_space<vmem>>, vector<16xf32>,
        %max3A_733 = arith.maximumf %get3A_723, %get3A_732 : vector<16xf32>
        %add3A_734 = arith.constant 64 : i32
        %add3A_735 = arith.addi %add3A_717, %add3A_734 : i32
        %get3A_736 = arith.index_cast %add3A_735 : i32 to index
        %get3A_737 = tpu.vector_load %arg6[%get3A_736] {strides = array<i32>} : memref<25344xf32, #tpu.memory_space<vmem>>, vector<16xf32>,
        %max3A_738 = arith.maximumf %max3A_728, %get3A_737 : vector<16xf32>
        %add3A_739 = arith.constant 80 : i32
        %add3A_740 = arith.addi %add3A_717, %add3A_739 : i32
        %get3A_741 = arith.index_cast %add3A_740 : i32 to index
        %get3A_742 = tpu.vector_load %arg6[%get3A_741] {strides = array<i32>} : memref<25344xf32, #tpu.memory_space<vmem>>, vector<16xf32>,
        %max3A_743 = arith.maximumf %max3A_733, %get3A_742 : vector<16xf32>
        %add3A_744 = arith.constant 96 : i32
        %add3A_745 = arith.addi %add3A_717, %add3A_744 : i32
        %get3A_746 = arith.index_cast %add3A_745 : i32 to index
        %get3A_747 = tpu.vector_load %arg6[%get3A_746] {strides = array<i32>} : memref<25344xf32, #tpu.memory_space<vmem>>, vector<16xf32>,
        %max3A_748 = arith.maximumf %max3A_738, %get3A_747 : vector<16xf32>
        %add3A_749 = arith.constant 112 : i32
        %add3A_750 = arith.addi %add3A_717, %add3A_749 : i32
        %get3A_751 = arith.index_cast %add3A_750 : i32 to index
        %get3A_752 = tpu.vector_load %arg6[%get3A_751] {strides = array<i32>} : memref<25344xf32, #tpu.memory_space<vmem>>, vector<16xf32>,
        %max3A_753 = arith.maximumf %max3A_743, %get3A_752 : vector<16xf32>
        %add3A_754 = arith.constant 128 : i32
        %add3A_755 = arith.addi %add3A_717, %add3A_754 : i32
        %get3A_756 = arith.index_cast %add3A_755 : i32 to index
        %get3A_757 = tpu.vector_load %arg6[%get3A_756] {strides = array<i32>} : memref<25344xf32, #tpu.memory_space<vmem>>, vector<16xf32>,
        %max3A_758 = arith.maximumf %max3A_748, %get3A_757 : vector<16xf32>
        %add3A_759 = arith.constant 144 : i32
        %add3A_760 = arith.addi %add3A_717, %add3A_759 : i32
        %get3A_761 = arith.index_cast %add3A_760 : i32 to index
        %get3A_762 = tpu.vector_load %arg6[%get3A_761] {strides = array<i32>} : memref<25344xf32, #tpu.memory_space<vmem>>, vector<16xf32>,
        %max3A_763 = arith.maximumf %max3A_753, %get3A_762 : vector<16xf32>
        %add3A_764 = arith.constant 160 : i32
        %add3A_765 = arith.addi %add3A_717, %add3A_764 : i32
        %get3A_766 = arith.index_cast %add3A_765 : i32 to index
        %get3A_767 = tpu.vector_load %arg6[%get3A_766] {strides = array<i32>} : memref<25344xf32, #tpu.memory_space<vmem>>, vector<16xf32>,
        %max3A_768 = arith.maximumf %max3A_758, %get3A_767 : vector<16xf32>
        %max3A_769 = arith.maximumf %max3A_768, %max3A_763 : vector<16xf32>
        %mul3A_770 = arith.constant 8 : i32
        %mul3A_771 = arith.muli %while3A_277, %mul3A_770 : i32
        %add3A_772 = arith.constant 7 : i32
        %add3A_773 = arith.addi %mul3A_771, %add3A_772 : i32
        %mul3A_774 = arith.constant 16 : i32
        %mul3A_775 = arith.muli %add3A_773, %mul3A_774 : i32
        %swap3A_776 = arith.index_cast %mul3A_775 : i32 to index
        %swap3A_777 = tpu.vector_load %arg8[%swap3A_776] {strides = array<i32>} : memref<1152xf32, #tpu.memory_space<vmem>>, vector<16xf32>,
        tpu.vector_store %arg8[%swap3A_776], %max3A_769 {strides = array<i32>} : memref<1152xf32, #tpu.memory_space<vmem>>, vector<16xf32>,
        %max3A_778 = arith.maximumf %max3A_335, %max3A_397 : vector<16xf32>
        %max3A_779 = arith.maximumf %max3A_459, %max3A_521 : vector<16xf32>
        %max3A_780 = arith.maximumf %max3A_778, %max3A_779 : vector<16xf32>
        %max3A_781 = arith.maximumf %max3A_583, %max3A_645 : vector<16xf32>
        %max3A_782 = arith.maximumf %max3A_707, %max3A_769 : vector<16xf32>
        %max3A_783 = arith.maximumf %max3A_781, %max3A_782 : vector<16xf32>
        %max3A_784 = arith.maximumf %max3A_780, %max3A_783 : vector<16xf32>
        %mul3A_785 = arith.constant 16 : i32
        %mul3A_786 = arith.muli %while3A_277, %mul3A_785 : i32
        %swap3A_787 = arith.index_cast %mul3A_786 : i32 to index
        %swap3A_788 = tpu.vector_load %arg7[%swap3A_787] {strides = array<i32>} : memref<144xf32, #tpu.memory_space<vmem>>, vector<16xf32>,
        tpu.vector_store %arg7[%swap3A_787], %max3A_784 {strides = array<i32>} : memref<144xf32, #tpu.memory_space<vmem>>, vector<16xf32>,
        %slice3A_789 = vector.extract_strided_slice %while3A_278 {offsets = [0], sizes = [1], strides = [1]} : vector<16xf32> to vector<1xf32>
        %squeeze3A_790 = vector.extract %slice3A_789[0] : f32 from vector<1xf32>
        %gt3A_791 = vector.broadcast %squeeze3A_790 : f32 to vector<16xf32>
        %gt3A_792 = arith.cmpf ogt, %max3A_784, %gt3A_791 : vector<16xf32>
        %all_reduce_population_count3A_793 = tpu.all_reduce %gt3A_792 {dim = 0 : i64, kind = #tpu.reduction_kind<sum>} : vector<16xi1> -> vector<16xi32>
        %slice3A_794 = vector.extract_strided_slice %all_reduce_population_count3A_793 {offsets = [0], sizes = [1], strides = [1]} : vector<16xi32> to vector<1xi32>
        %squeeze3A_795 = vector.extract %slice3A_794[0] : i32 from vector<1xi32>
        %gt3A_796 = arith.constant 0 : i32
        %gt3A_797 = arith.cmpi sgt, %squeeze3A_795, %gt3A_796 : i32
        %convert_element_type3A_798 = arith.extui %gt3A_797 : i1 to i32
        %cond3A_799 = arith.constant 0 : i32
        %cond3A_800 = arith.cmpi ne, %convert_element_type3A_798, %cond3A_799 : i32
        %cond3A_801 = scf.if %cond3A_800 -> (vector<16xf32>) {
          %sort3A = arith.constant dense<true> : vector<16xi1>
          %sort3A_802, %sort3A_803, %sort3A_804 = tpu.sort %max3A_784, %max3A_784 masked %sort3A : (vector<16xf32>, vector<16xf32>, vector<16xi1>) -> (vector<16xi1>, vector<16xf32>, vector<16xf32>)
          %rev3A = arith.constant 15 : i32
          %rev3A_805 = vector.broadcast %rev3A : i32 to vector<16xi32>
          %rev3A_806 = tpu.iota {dimensions = array<i32: 0>} : vector<16xi32>
          %rev3A_807 = arith.subi %rev3A_805, %rev3A_806 : vector<16xi32>
          %rev3A_808 = tpu.dynamic_gather %sort3A_803[%rev3A_807] in [0] : vector<16xf32>, vector<16xi32> -> vector<16xf32>
          %max3A_809 = arith.maximumf %while3A_278, %rev3A_808 : vector<16xf32>
          %sort3A_810 = arith.constant dense<true> : vector<16xi1>
          %sort3A_811, %sort3A_812, %sort3A_813 = tpu.sort %max3A_809, %max3A_809 masked %sort3A_810 : (vector<16xf32>, vector<16xf32>, vector<16xi1>) -> (vector<16xi1>, vector<16xf32>, vector<16xf32>)
          scf.yield %sort3A_812 : vector<16xf32>
        } else {
          scf.yield %while3A_278 : vector<16xf32>
        }
        scf.yield %cond3A_801 : vector<16xf32>
      }
      %while3A_117 = arith.constant 1 : i32
      %while3A_118 = scf.for %while3A_277 = %while3A_114 to %while3A_110 step %while3A_117 iter_args(%while3A_278 = %while3A_116) -> (vector<16xf32>)  : i32 {
        %mul3A_279 = arith.constant 1408 : i32
        %mul3A_280 = arith.muli %while3A_277, %mul3A_279 : i32
        %add3A_281 = arith.addi %mul3A_56, %mul3A_280 : i32
        %add3A_282 = arith.constant 0 : i32
        %add3A_283 = arith.addi %add3A_281, %add3A_282 : i32
        %get3A_284 = arith.index_cast %add3A_283 : i32 to index
        %get3A_285 = tpu.vector_load %arg6[%get3A_284] {strides = array<i32>} : memref<25344xf32, #tpu.memory_space<vmem>>, vector<16xf32>,
        %add3A_286 = arith.constant 16 : i32
        %add3A_287 = arith.addi %add3A_283, %add3A_286 : i32
        %get3A_288 = arith.index_cast %add3A_287 : i32 to index
        %get3A_289 = tpu.vector_load %arg6[%get3A_288] {strides = array<i32>} : memref<25344xf32, #tpu.memory_space<vmem>>, vector<16xf32>,
        %add3A_290 = arith.constant 32 : i32
        %add3A_291 = arith.addi %add3A_283, %add3A_290 : i32
        %get3A_292 = arith.index_cast %add3A_291 : i32 to index
        %get3A_293 = tpu.vector_load %arg6[%get3A_292] {strides = array<i32>} : memref<25344xf32, #tpu.memory_space<vmem>>, vector<16xf32>,
        %max3A_294 = arith.maximumf %get3A_285, %get3A_293 : vector<16xf32>
        %add3A_295 = arith.constant 48 : i32
        %add3A_296 = arith.addi %add3A_283, %add3A_295 : i32
        %get3A_297 = arith.index_cast %add3A_296 : i32 to index
        %get3A_298 = tpu.vector_load %arg6[%get3A_297] {strides = array<i32>} : memref<25344xf32, #tpu.memory_space<vmem>>, vector<16xf32>,
        %max3A_299 = arith.maximumf %get3A_289, %get3A_298 : vector<16xf32>
        %add3A_300 = arith.constant 64 : i32
        %add3A_301 = arith.addi %add3A_283, %add3A_300 : i32
        %get3A_302 = arith.index_cast %add3A_301 : i32 to index
        %get3A_303 = tpu.vector_load %arg6[%get3A_302] {strides = array<i32>} : memref<25344xf32, #tpu.memory_space<vmem>>, vector<16xf32>,
        %max3A_304 = arith.maximumf %max3A_294, %get3A_303 : vector<16xf32>
        %add3A_305 = arith.constant 80 : i32
        %add3A_306 = arith.addi %add3A_283, %add3A_305 : i32
        %get3A_307 = arith.index_cast %add3A_306 : i32 to index
        %get3A_308 = tpu.vector_load %arg6[%get3A_307] {strides = array<i32>} : memref<25344xf32, #tpu.memory_space<vmem>>, vector<16xf32>,
        %max3A_309 = arith.maximumf %max3A_299, %get3A_308 : vector<16xf32>
        %add3A_310 = arith.constant 96 : i32
        %add3A_311 = arith.addi %add3A_283, %add3A_310 : i32
        %get3A_312 = arith.index_cast %add3A_311 : i32 to index
        %get3A_313 = tpu.vector_load %arg6[%get3A_312] {strides = array<i32>} : memref<25344xf32, #tpu.memory_space<vmem>>, vector<16xf32>,
        %max3A_314 = arith.maximumf %max3A_304, %get3A_313 : vector<16xf32>
        %add3A_315 = arith.constant 112 : i32
        %add3A_316 = arith.addi %add3A_283, %add3A_315 : i32
        %get3A_317 = arith.index_cast %add3A_316 : i32 to index
        %get3A_318 = tpu.vector_load %arg6[%get3A_317] {strides = array<i32>} : memref<25344xf32, #tpu.memory_space<vmem>>, vector<16xf32>,
        %max3A_319 = arith.maximumf %max3A_309, %get3A_318 : vector<16xf32>
        %add3A_320 = arith.constant 128 : i32
        %add3A_321 = arith.addi %add3A_283, %add3A_320 : i32
        %get3A_322 = arith.index_cast %add3A_321 : i32 to index
        %get3A_323 = tpu.vector_load %arg6[%get3A_322] {strides = array<i32>} : memref<25344xf32, #tpu.memory_space<vmem>>, vector<16xf32>,
        %max3A_324 = arith.maximumf %max3A_314, %get3A_323 : vector<16xf32>
        %add3A_325 = arith.constant 144 : i32
        %add3A_326 = arith.addi %add3A_283, %add3A_325 : i32
        %get3A_327 = arith.index_cast %add3A_326 : i32 to index
        %get3A_328 = tpu.vector_load %arg6[%get3A_327] {strides = array<i32>} : memref<25344xf32, #tpu.memory_space<vmem>>, vector<16xf32>,
        %max3A_329 = arith.maximumf %max3A_319, %get3A_328 : vector<16xf32>
        %add3A_330 = arith.constant 160 : i32
        %add3A_331 = arith.addi %add3A_283, %add3A_330 : i32
        %get3A_332 = arith.index_cast %add3A_331 : i32 to index
        %get3A_333 = tpu.vector_load %arg6[%get3A_332] {strides = array<i32>} : memref<25344xf32, #tpu.memory_space<vmem>>, vector<16xf32>,
        %max3A_334 = arith.maximumf %max3A_324, %get3A_333 : vector<16xf32>
        %max3A_335 = arith.maximumf %max3A_334, %max3A_329 : vector<16xf32>
        %mul3A_336 = arith.constant 8 : i32
        %mul3A_337 = arith.muli %while3A_277, %mul3A_336 : i32
        %add3A_338 = arith.constant 0 : i32
        %add3A_339 = arith.addi %mul3A_337, %add3A_338 : i32
        %mul3A_340 = arith.constant 16 : i32
        %mul3A_341 = arith.muli %add3A_339, %mul3A_340 : i32
        %swap3A_342 = arith.index_cast %mul3A_341 : i32 to index
        %swap3A_343 = tpu.vector_load %arg8[%swap3A_342] {strides = array<i32>} : memref<1152xf32, #tpu.memory_space<vmem>>, vector<16xf32>,
        tpu.vector_store %arg8[%swap3A_342], %max3A_335 {strides = array<i32>} : memref<1152xf32, #tpu.memory_space<vmem>>, vector<16xf32>,
        %add3A_344 = arith.constant 176 : i32
        %add3A_345 = arith.addi %add3A_281, %add3A_344 : i32
        %get3A_346 = arith.index_cast %add3A_345 : i32 to index
        %get3A_347 = tpu.vector_load %arg6[%get3A_346] {strides = array<i32>} : memref<25344xf32, #tpu.memory_space<vmem>>, vector<16xf32>,
        %add3A_348 = arith.constant 16 : i32
        %add3A_349 = arith.addi %add3A_345, %add3A_348 : i32
        %get3A_350 = arith.index_cast %add3A_349 : i32 to index
        %get3A_351 = tpu.vector_load %arg6[%get3A_350] {strides = array<i32>} : memref<25344xf32, #tpu.memory_space<vmem>>, vector<16xf32>,
        %add3A_352 = arith.constant 32 : i32
        %add3A_353 = arith.addi %add3A_345, %add3A_352 : i32
        %get3A_354 = arith.index_cast %add3A_353 : i32 to index
        %get3A_355 = tpu.vector_load %arg6[%get3A_354] {strides = array<i32>} : memref<25344xf32, #tpu.memory_space<vmem>>, vector<16xf32>,
        %max3A_356 = arith.maximumf %get3A_347, %get3A_355 : vector<16xf32>
        %add3A_357 = arith.constant 48 : i32
        %add3A_358 = arith.addi %add3A_345, %add3A_357 : i32
        %get3A_359 = arith.index_cast %add3A_358 : i32 to index
        %get3A_360 = tpu.vector_load %arg6[%get3A_359] {strides = array<i32>} : memref<25344xf32, #tpu.memory_space<vmem>>, vector<16xf32>,
        %max3A_361 = arith.maximumf %get3A_351, %get3A_360 : vector<16xf32>
        %add3A_362 = arith.constant 64 : i32
        %add3A_363 = arith.addi %add3A_345, %add3A_362 : i32
        %get3A_364 = arith.index_cast %add3A_363 : i32 to index
        %get3A_365 = tpu.vector_load %arg6[%get3A_364] {strides = array<i32>} : memref<25344xf32, #tpu.memory_space<vmem>>, vector<16xf32>,
        %max3A_366 = arith.maximumf %max3A_356, %get3A_365 : vector<16xf32>
        %add3A_367 = arith.constant 80 : i32
        %add3A_368 = arith.addi %add3A_345, %add3A_367 : i32
        %get3A_369 = arith.index_cast %add3A_368 : i32 to index
        %get3A_370 = tpu.vector_load %arg6[%get3A_369] {strides = array<i32>} : memref<25344xf32, #tpu.memory_space<vmem>>, vector<16xf32>,
        %max3A_371 = arith.maximumf %max3A_361, %get3A_370 : vector<16xf32>
        %add3A_372 = arith.constant 96 : i32
        %add3A_373 = arith.addi %add3A_345, %add3A_372 : i32
        %get3A_374 = arith.index_cast %add3A_373 : i32 to index
        %get3A_375 = tpu.vector_load %arg6[%get3A_374] {strides = array<i32>} : memref<25344xf32, #tpu.memory_space<vmem>>, vector<16xf32>,
        %max3A_376 = arith.maximumf %max3A_366, %get3A_375 : vector<16xf32>
        %add3A_377 = arith.constant 112 : i32
        %add3A_378 = arith.addi %add3A_345, %add3A_377 : i32
        %get3A_379 = arith.index_cast %add3A_378 : i32 to index
        %get3A_380 = tpu.vector_load %arg6[%get3A_379] {strides = array<i32>} : memref<25344xf32, #tpu.memory_space<vmem>>, vector<16xf32>,
        %max3A_381 = arith.maximumf %max3A_371, %get3A_380 : vector<16xf32>
        %add3A_382 = arith.constant 128 : i32
        %add3A_383 = arith.addi %add3A_345, %add3A_382 : i32
        %get3A_384 = arith.index_cast %add3A_383 : i32 to index
        %get3A_385 = tpu.vector_load %arg6[%get3A_384] {strides = array<i32>} : memref<25344xf32, #tpu.memory_space<vmem>>, vector<16xf32>,
        %max3A_386 = arith.maximumf %max3A_376, %get3A_385 : vector<16xf32>
        %add3A_387 = arith.constant 144 : i32
        %add3A_388 = arith.addi %add3A_345, %add3A_387 : i32
        %get3A_389 = arith.index_cast %add3A_388 : i32 to index
        %get3A_390 = tpu.vector_load %arg6[%get3A_389] {strides = array<i32>} : memref<25344xf32, #tpu.memory_space<vmem>>, vector<16xf32>,
        %max3A_391 = arith.maximumf %max3A_381, %get3A_390 : vector<16xf32>
        %add3A_392 = arith.constant 160 : i32
        %add3A_393 = arith.addi %add3A_345, %add3A_392 : i32
        %get3A_394 = arith.index_cast %add3A_393 : i32 to index
        %get3A_395 = tpu.vector_load %arg6[%get3A_394] {strides = array<i32>} : memref<25344xf32, #tpu.memory_space<vmem>>, vector<16xf32>,
        %max3A_396 = arith.maximumf %max3A_386, %get3A_395 : vector<16xf32>
        %max3A_397 = arith.maximumf %max3A_396, %max3A_391 : vector<16xf32>
        %mul3A_398 = arith.constant 8 : i32
        %mul3A_399 = arith.muli %while3A_277, %mul3A_398 : i32
        %add3A_400 = arith.constant 1 : i32
        %add3A_401 = arith.addi %mul3A_399, %add3A_400 : i32
        %mul3A_402 = arith.constant 16 : i32
        %mul3A_403 = arith.muli %add3A_401, %mul3A_402 : i32
        %swap3A_404 = arith.index_cast %mul3A_403 : i32 to index
        %swap3A_405 = tpu.vector_load %arg8[%swap3A_404] {strides = array<i32>} : memref<1152xf32, #tpu.memory_space<vmem>>, vector<16xf32>,
        tpu.vector_store %arg8[%swap3A_404], %max3A_397 {strides = array<i32>} : memref<1152xf32, #tpu.memory_space<vmem>>, vector<16xf32>,
        %add3A_406 = arith.constant 352 : i32
        %add3A_407 = arith.addi %add3A_281, %add3A_406 : i32
        %get3A_408 = arith.index_cast %add3A_407 : i32 to index
        %get3A_409 = tpu.vector_load %arg6[%get3A_408] {strides = array<i32>} : memref<25344xf32, #tpu.memory_space<vmem>>, vector<16xf32>,
        %add3A_410 = arith.constant 16 : i32
        %add3A_411 = arith.addi %add3A_407, %add3A_410 : i32
        %get3A_412 = arith.index_cast %add3A_411 : i32 to index
        %get3A_413 = tpu.vector_load %arg6[%get3A_412] {strides = array<i32>} : memref<25344xf32, #tpu.memory_space<vmem>>, vector<16xf32>,
        %add3A_414 = arith.constant 32 : i32
        %add3A_415 = arith.addi %add3A_407, %add3A_414 : i32
        %get3A_416 = arith.index_cast %add3A_415 : i32 to index
        %get3A_417 = tpu.vector_load %arg6[%get3A_416] {strides = array<i32>} : memref<25344xf32, #tpu.memory_space<vmem>>, vector<16xf32>,
        %max3A_418 = arith.maximumf %get3A_409, %get3A_417 : vector<16xf32>
        %add3A_419 = arith.constant 48 : i32
        %add3A_420 = arith.addi %add3A_407, %add3A_419 : i32
        %get3A_421 = arith.index_cast %add3A_420 : i32 to index
        %get3A_422 = tpu.vector_load %arg6[%get3A_421] {strides = array<i32>} : memref<25344xf32, #tpu.memory_space<vmem>>, vector<16xf32>,
        %max3A_423 = arith.maximumf %get3A_413, %get3A_422 : vector<16xf32>
        %add3A_424 = arith.constant 64 : i32
        %add3A_425 = arith.addi %add3A_407, %add3A_424 : i32
        %get3A_426 = arith.index_cast %add3A_425 : i32 to index
        %get3A_427 = tpu.vector_load %arg6[%get3A_426] {strides = array<i32>} : memref<25344xf32, #tpu.memory_space<vmem>>, vector<16xf32>,
        %max3A_428 = arith.maximumf %max3A_418, %get3A_427 : vector<16xf32>
        %add3A_429 = arith.constant 80 : i32
        %add3A_430 = arith.addi %add3A_407, %add3A_429 : i32
        %get3A_431 = arith.index_cast %add3A_430 : i32 to index
        %get3A_432 = tpu.vector_load %arg6[%get3A_431] {strides = array<i32>} : memref<25344xf32, #tpu.memory_space<vmem>>, vector<16xf32>,
        %max3A_433 = arith.maximumf %max3A_423, %get3A_432 : vector<16xf32>
        %add3A_434 = arith.constant 96 : i32
        %add3A_435 = arith.addi %add3A_407, %add3A_434 : i32
        %get3A_436 = arith.index_cast %add3A_435 : i32 to index
        %get3A_437 = tpu.vector_load %arg6[%get3A_436] {strides = array<i32>} : memref<25344xf32, #tpu.memory_space<vmem>>, vector<16xf32>,
        %max3A_438 = arith.maximumf %max3A_428, %get3A_437 : vector<16xf32>
        %add3A_439 = arith.constant 112 : i32
        %add3A_440 = arith.addi %add3A_407, %add3A_439 : i32
        %get3A_441 = arith.index_cast %add3A_440 : i32 to index
        %get3A_442 = tpu.vector_load %arg6[%get3A_441] {strides = array<i32>} : memref<25344xf32, #tpu.memory_space<vmem>>, vector<16xf32>,
        %max3A_443 = arith.maximumf %max3A_433, %get3A_442 : vector<16xf32>
        %add3A_444 = arith.constant 128 : i32
        %add3A_445 = arith.addi %add3A_407, %add3A_444 : i32
        %get3A_446 = arith.index_cast %add3A_445 : i32 to index
        %get3A_447 = tpu.vector_load %arg6[%get3A_446] {strides = array<i32>} : memref<25344xf32, #tpu.memory_space<vmem>>, vector<16xf32>,
        %max3A_448 = arith.maximumf %max3A_438, %get3A_447 : vector<16xf32>
        %add3A_449 = arith.constant 144 : i32
        %add3A_450 = arith.addi %add3A_407, %add3A_449 : i32
        %get3A_451 = arith.index_cast %add3A_450 : i32 to index
        %get3A_452 = tpu.vector_load %arg6[%get3A_451] {strides = array<i32>} : memref<25344xf32, #tpu.memory_space<vmem>>, vector<16xf32>,
        %max3A_453 = arith.maximumf %max3A_443, %get3A_452 : vector<16xf32>
        %add3A_454 = arith.constant 160 : i32
        %add3A_455 = arith.addi %add3A_407, %add3A_454 : i32
        %get3A_456 = arith.index_cast %add3A_455 : i32 to index
        %get3A_457 = tpu.vector_load %arg6[%get3A_456] {strides = array<i32>} : memref<25344xf32, #tpu.memory_space<vmem>>, vector<16xf32>,
        %max3A_458 = arith.maximumf %max3A_448, %get3A_457 : vector<16xf32>
        %max3A_459 = arith.maximumf %max3A_458, %max3A_453 : vector<16xf32>
        %mul3A_460 = arith.constant 8 : i32
        %mul3A_461 = arith.muli %while3A_277, %mul3A_460 : i32
        %add3A_462 = arith.constant 2 : i32
        %add3A_463 = arith.addi %mul3A_461, %add3A_462 : i32
        %mul3A_464 = arith.constant 16 : i32
        %mul3A_465 = arith.muli %add3A_463, %mul3A_464 : i32
        %swap3A_466 = arith.index_cast %mul3A_465 : i32 to index
        %swap3A_467 = tpu.vector_load %arg8[%swap3A_466] {strides = array<i32>} : memref<1152xf32, #tpu.memory_space<vmem>>, vector<16xf32>,
        tpu.vector_store %arg8[%swap3A_466], %max3A_459 {strides = array<i32>} : memref<1152xf32, #tpu.memory_space<vmem>>, vector<16xf32>,
        %add3A_468 = arith.constant 528 : i32
        %add3A_469 = arith.addi %add3A_281, %add3A_468 : i32
        %get3A_470 = arith.index_cast %add3A_469 : i32 to index
        %get3A_471 = tpu.vector_load %arg6[%get3A_470] {strides = array<i32>} : memref<25344xf32, #tpu.memory_space<vmem>>, vector<16xf32>,
        %add3A_472 = arith.constant 16 : i32
        %add3A_473 = arith.addi %add3A_469, %add3A_472 : i32
        %get3A_474 = arith.index_cast %add3A_473 : i32 to index
        %get3A_475 = tpu.vector_load %arg6[%get3A_474] {strides = array<i32>} : memref<25344xf32, #tpu.memory_space<vmem>>, vector<16xf32>,
        %add3A_476 = arith.constant 32 : i32
        %add3A_477 = arith.addi %add3A_469, %add3A_476 : i32
        %get3A_478 = arith.index_cast %add3A_477 : i32 to index
        %get3A_479 = tpu.vector_load %arg6[%get3A_478] {strides = array<i32>} : memref<25344xf32, #tpu.memory_space<vmem>>, vector<16xf32>,
        %max3A_480 = arith.maximumf %get3A_471, %get3A_479 : vector<16xf32>
        %add3A_481 = arith.constant 48 : i32
        %add3A_482 = arith.addi %add3A_469, %add3A_481 : i32
        %get3A_483 = arith.index_cast %add3A_482 : i32 to index
        %get3A_484 = tpu.vector_load %arg6[%get3A_483] {strides = array<i32>} : memref<25344xf32, #tpu.memory_space<vmem>>, vector<16xf32>,
        %max3A_485 = arith.maximumf %get3A_475, %get3A_484 : vector<16xf32>
        %add3A_486 = arith.constant 64 : i32
        %add3A_487 = arith.addi %add3A_469, %add3A_486 : i32
        %get3A_488 = arith.index_cast %add3A_487 : i32 to index
        %get3A_489 = tpu.vector_load %arg6[%get3A_488] {strides = array<i32>} : memref<25344xf32, #tpu.memory_space<vmem>>, vector<16xf32>,
        %max3A_490 = arith.maximumf %max3A_480, %get3A_489 : vector<16xf32>
        %add3A_491 = arith.constant 80 : i32
        %add3A_492 = arith.addi %add3A_469, %add3A_491 : i32
        %get3A_493 = arith.index_cast %add3A_492 : i32 to index
        %get3A_494 = tpu.vector_load %arg6[%get3A_493] {strides = array<i32>} : memref<25344xf32, #tpu.memory_space<vmem>>, vector<16xf32>,
        %max3A_495 = arith.maximumf %max3A_485, %get3A_494 : vector<16xf32>
        %add3A_496 = arith.constant 96 : i32
        %add3A_497 = arith.addi %add3A_469, %add3A_496 : i32
        %get3A_498 = arith.index_cast %add3A_497 : i32 to index
        %get3A_499 = tpu.vector_load %arg6[%get3A_498] {strides = array<i32>} : memref<25344xf32, #tpu.memory_space<vmem>>, vector<16xf32>,
        %max3A_500 = arith.maximumf %max3A_490, %get3A_499 : vector<16xf32>
        %add3A_501 = arith.constant 112 : i32
        %add3A_502 = arith.addi %add3A_469, %add3A_501 : i32
        %get3A_503 = arith.index_cast %add3A_502 : i32 to index
        %get3A_504 = tpu.vector_load %arg6[%get3A_503] {strides = array<i32>} : memref<25344xf32, #tpu.memory_space<vmem>>, vector<16xf32>,
        %max3A_505 = arith.maximumf %max3A_495, %get3A_504 : vector<16xf32>
        %add3A_506 = arith.constant 128 : i32
        %add3A_507 = arith.addi %add3A_469, %add3A_506 : i32
        %get3A_508 = arith.index_cast %add3A_507 : i32 to index
        %get3A_509 = tpu.vector_load %arg6[%get3A_508] {strides = array<i32>} : memref<25344xf32, #tpu.memory_space<vmem>>, vector<16xf32>,
        %max3A_510 = arith.maximumf %max3A_500, %get3A_509 : vector<16xf32>
        %add3A_511 = arith.constant 144 : i32
        %add3A_512 = arith.addi %add3A_469, %add3A_511 : i32
        %get3A_513 = arith.index_cast %add3A_512 : i32 to index
        %get3A_514 = tpu.vector_load %arg6[%get3A_513] {strides = array<i32>} : memref<25344xf32, #tpu.memory_space<vmem>>, vector<16xf32>,
        %max3A_515 = arith.maximumf %max3A_505, %get3A_514 : vector<16xf32>
        %add3A_516 = arith.constant 160 : i32
        %add3A_517 = arith.addi %add3A_469, %add3A_516 : i32
        %get3A_518 = arith.index_cast %add3A_517 : i32 to index
        %get3A_519 = tpu.vector_load %arg6[%get3A_518] {strides = array<i32>} : memref<25344xf32, #tpu.memory_space<vmem>>, vector<16xf32>,
        %max3A_520 = arith.maximumf %max3A_510, %get3A_519 : vector<16xf32>
        %max3A_521 = arith.maximumf %max3A_520, %max3A_515 : vector<16xf32>
        %mul3A_522 = arith.constant 8 : i32
        %mul3A_523 = arith.muli %while3A_277, %mul3A_522 : i32
        %add3A_524 = arith.constant 3 : i32
        %add3A_525 = arith.addi %mul3A_523, %add3A_524 : i32
        %mul3A_526 = arith.constant 16 : i32
        %mul3A_527 = arith.muli %add3A_525, %mul3A_526 : i32
        %swap3A_528 = arith.index_cast %mul3A_527 : i32 to index
        %swap3A_529 = tpu.vector_load %arg8[%swap3A_528] {strides = array<i32>} : memref<1152xf32, #tpu.memory_space<vmem>>, vector<16xf32>,
        tpu.vector_store %arg8[%swap3A_528], %max3A_521 {strides = array<i32>} : memref<1152xf32, #tpu.memory_space<vmem>>, vector<16xf32>,
        %add3A_530 = arith.constant 704 : i32
        %add3A_531 = arith.addi %add3A_281, %add3A_530 : i32
        %get3A_532 = arith.index_cast %add3A_531 : i32 to index
        %get3A_533 = tpu.vector_load %arg6[%get3A_532] {strides = array<i32>} : memref<25344xf32, #tpu.memory_space<vmem>>, vector<16xf32>,
        %add3A_534 = arith.constant 16 : i32
        %add3A_535 = arith.addi %add3A_531, %add3A_534 : i32
        %get3A_536 = arith.index_cast %add3A_535 : i32 to index
        %get3A_537 = tpu.vector_load %arg6[%get3A_536] {strides = array<i32>} : memref<25344xf32, #tpu.memory_space<vmem>>, vector<16xf32>,
        %add3A_538 = arith.constant 32 : i32
        %add3A_539 = arith.addi %add3A_531, %add3A_538 : i32
        %get3A_540 = arith.index_cast %add3A_539 : i32 to index
        %get3A_541 = tpu.vector_load %arg6[%get3A_540] {strides = array<i32>} : memref<25344xf32, #tpu.memory_space<vmem>>, vector<16xf32>,
        %max3A_542 = arith.maximumf %get3A_533, %get3A_541 : vector<16xf32>
        %add3A_543 = arith.constant 48 : i32
        %add3A_544 = arith.addi %add3A_531, %add3A_543 : i32
        %get3A_545 = arith.index_cast %add3A_544 : i32 to index
        %get3A_546 = tpu.vector_load %arg6[%get3A_545] {strides = array<i32>} : memref<25344xf32, #tpu.memory_space<vmem>>, vector<16xf32>,
        %max3A_547 = arith.maximumf %get3A_537, %get3A_546 : vector<16xf32>
        %add3A_548 = arith.constant 64 : i32
        %add3A_549 = arith.addi %add3A_531, %add3A_548 : i32
        %get3A_550 = arith.index_cast %add3A_549 : i32 to index
        %get3A_551 = tpu.vector_load %arg6[%get3A_550] {strides = array<i32>} : memref<25344xf32, #tpu.memory_space<vmem>>, vector<16xf32>,
        %max3A_552 = arith.maximumf %max3A_542, %get3A_551 : vector<16xf32>
        %add3A_553 = arith.constant 80 : i32
        %add3A_554 = arith.addi %add3A_531, %add3A_553 : i32
        %get3A_555 = arith.index_cast %add3A_554 : i32 to index
        %get3A_556 = tpu.vector_load %arg6[%get3A_555] {strides = array<i32>} : memref<25344xf32, #tpu.memory_space<vmem>>, vector<16xf32>,
        %max3A_557 = arith.maximumf %max3A_547, %get3A_556 : vector<16xf32>
        %add3A_558 = arith.constant 96 : i32
        %add3A_559 = arith.addi %add3A_531, %add3A_558 : i32
        %get3A_560 = arith.index_cast %add3A_559 : i32 to index
        %get3A_561 = tpu.vector_load %arg6[%get3A_560] {strides = array<i32>} : memref<25344xf32, #tpu.memory_space<vmem>>, vector<16xf32>,
        %max3A_562 = arith.maximumf %max3A_552, %get3A_561 : vector<16xf32>
        %add3A_563 = arith.constant 112 : i32
        %add3A_564 = arith.addi %add3A_531, %add3A_563 : i32
        %get3A_565 = arith.index_cast %add3A_564 : i32 to index
        %get3A_566 = tpu.vector_load %arg6[%get3A_565] {strides = array<i32>} : memref<25344xf32, #tpu.memory_space<vmem>>, vector<16xf32>,
        %max3A_567 = arith.maximumf %max3A_557, %get3A_566 : vector<16xf32>
        %add3A_568 = arith.constant 128 : i32
        %add3A_569 = arith.addi %add3A_531, %add3A_568 : i32
        %get3A_570 = arith.index_cast %add3A_569 : i32 to index
        %get3A_571 = tpu.vector_load %arg6[%get3A_570] {strides = array<i32>} : memref<25344xf32, #tpu.memory_space<vmem>>, vector<16xf32>,
        %max3A_572 = arith.maximumf %max3A_562, %get3A_571 : vector<16xf32>
        %add3A_573 = arith.constant 144 : i32
        %add3A_574 = arith.addi %add3A_531, %add3A_573 : i32
        %get3A_575 = arith.index_cast %add3A_574 : i32 to index
        %get3A_576 = tpu.vector_load %arg6[%get3A_575] {strides = array<i32>} : memref<25344xf32, #tpu.memory_space<vmem>>, vector<16xf32>,
        %max3A_577 = arith.maximumf %max3A_567, %get3A_576 : vector<16xf32>
        %add3A_578 = arith.constant 160 : i32
        %add3A_579 = arith.addi %add3A_531, %add3A_578 : i32
        %get3A_580 = arith.index_cast %add3A_579 : i32 to index
        %get3A_581 = tpu.vector_load %arg6[%get3A_580] {strides = array<i32>} : memref<25344xf32, #tpu.memory_space<vmem>>, vector<16xf32>,
        %max3A_582 = arith.maximumf %max3A_572, %get3A_581 : vector<16xf32>
        %max3A_583 = arith.maximumf %max3A_582, %max3A_577 : vector<16xf32>
        %mul3A_584 = arith.constant 8 : i32
        %mul3A_585 = arith.muli %while3A_277, %mul3A_584 : i32
        %add3A_586 = arith.constant 4 : i32
        %add3A_587 = arith.addi %mul3A_585, %add3A_586 : i32
        %mul3A_588 = arith.constant 16 : i32
        %mul3A_589 = arith.muli %add3A_587, %mul3A_588 : i32
        %swap3A_590 = arith.index_cast %mul3A_589 : i32 to index
        %swap3A_591 = tpu.vector_load %arg8[%swap3A_590] {strides = array<i32>} : memref<1152xf32, #tpu.memory_space<vmem>>, vector<16xf32>,
        tpu.vector_store %arg8[%swap3A_590], %max3A_583 {strides = array<i32>} : memref<1152xf32, #tpu.memory_space<vmem>>, vector<16xf32>,
        %add3A_592 = arith.constant 880 : i32
        %add3A_593 = arith.addi %add3A_281, %add3A_592 : i32
        %get3A_594 = arith.index_cast %add3A_593 : i32 to index
        %get3A_595 = tpu.vector_load %arg6[%get3A_594] {strides = array<i32>} : memref<25344xf32, #tpu.memory_space<vmem>>, vector<16xf32>,
        %add3A_596 = arith.constant 16 : i32
        %add3A_597 = arith.addi %add3A_593, %add3A_596 : i32
        %get3A_598 = arith.index_cast %add3A_597 : i32 to index
        %get3A_599 = tpu.vector_load %arg6[%get3A_598] {strides = array<i32>} : memref<25344xf32, #tpu.memory_space<vmem>>, vector<16xf32>,
        %add3A_600 = arith.constant 32 : i32
        %add3A_601 = arith.addi %add3A_593, %add3A_600 : i32
        %get3A_602 = arith.index_cast %add3A_601 : i32 to index
        %get3A_603 = tpu.vector_load %arg6[%get3A_602] {strides = array<i32>} : memref<25344xf32, #tpu.memory_space<vmem>>, vector<16xf32>,
        %max3A_604 = arith.maximumf %get3A_595, %get3A_603 : vector<16xf32>
        %add3A_605 = arith.constant 48 : i32
        %add3A_606 = arith.addi %add3A_593, %add3A_605 : i32
        %get3A_607 = arith.index_cast %add3A_606 : i32 to index
        %get3A_608 = tpu.vector_load %arg6[%get3A_607] {strides = array<i32>} : memref<25344xf32, #tpu.memory_space<vmem>>, vector<16xf32>,
        %max3A_609 = arith.maximumf %get3A_599, %get3A_608 : vector<16xf32>
        %add3A_610 = arith.constant 64 : i32
        %add3A_611 = arith.addi %add3A_593, %add3A_610 : i32
        %get3A_612 = arith.index_cast %add3A_611 : i32 to index
        %get3A_613 = tpu.vector_load %arg6[%get3A_612] {strides = array<i32>} : memref<25344xf32, #tpu.memory_space<vmem>>, vector<16xf32>,
        %max3A_614 = arith.maximumf %max3A_604, %get3A_613 : vector<16xf32>
        %add3A_615 = arith.constant 80 : i32
        %add3A_616 = arith.addi %add3A_593, %add3A_615 : i32
        %get3A_617 = arith.index_cast %add3A_616 : i32 to index
        %get3A_618 = tpu.vector_load %arg6[%get3A_617] {strides = array<i32>} : memref<25344xf32, #tpu.memory_space<vmem>>, vector<16xf32>,
        %max3A_619 = arith.maximumf %max3A_609, %get3A_618 : vector<16xf32>
        %add3A_620 = arith.constant 96 : i32
        %add3A_621 = arith.addi %add3A_593, %add3A_620 : i32
        %get3A_622 = arith.index_cast %add3A_621 : i32 to index
        %get3A_623 = tpu.vector_load %arg6[%get3A_622] {strides = array<i32>} : memref<25344xf32, #tpu.memory_space<vmem>>, vector<16xf32>,
        %max3A_624 = arith.maximumf %max3A_614, %get3A_623 : vector<16xf32>
        %add3A_625 = arith.constant 112 : i32
        %add3A_626 = arith.addi %add3A_593, %add3A_625 : i32
        %get3A_627 = arith.index_cast %add3A_626 : i32 to index
        %get3A_628 = tpu.vector_load %arg6[%get3A_627] {strides = array<i32>} : memref<25344xf32, #tpu.memory_space<vmem>>, vector<16xf32>,
        %max3A_629 = arith.maximumf %max3A_619, %get3A_628 : vector<16xf32>
        %add3A_630 = arith.constant 128 : i32
        %add3A_631 = arith.addi %add3A_593, %add3A_630 : i32
        %get3A_632 = arith.index_cast %add3A_631 : i32 to index
        %get3A_633 = tpu.vector_load %arg6[%get3A_632] {strides = array<i32>} : memref<25344xf32, #tpu.memory_space<vmem>>, vector<16xf32>,
        %max3A_634 = arith.maximumf %max3A_624, %get3A_633 : vector<16xf32>
        %add3A_635 = arith.constant 144 : i32
        %add3A_636 = arith.addi %add3A_593, %add3A_635 : i32
        %get3A_637 = arith.index_cast %add3A_636 : i32 to index
        %get3A_638 = tpu.vector_load %arg6[%get3A_637] {strides = array<i32>} : memref<25344xf32, #tpu.memory_space<vmem>>, vector<16xf32>,
        %max3A_639 = arith.maximumf %max3A_629, %get3A_638 : vector<16xf32>
        %add3A_640 = arith.constant 160 : i32
        %add3A_641 = arith.addi %add3A_593, %add3A_640 : i32
        %get3A_642 = arith.index_cast %add3A_641 : i32 to index
        %get3A_643 = tpu.vector_load %arg6[%get3A_642] {strides = array<i32>} : memref<25344xf32, #tpu.memory_space<vmem>>, vector<16xf32>,
        %max3A_644 = arith.maximumf %max3A_634, %get3A_643 : vector<16xf32>
        %max3A_645 = arith.maximumf %max3A_644, %max3A_639 : vector<16xf32>
        %mul3A_646 = arith.constant 8 : i32
        %mul3A_647 = arith.muli %while3A_277, %mul3A_646 : i32
        %add3A_648 = arith.constant 5 : i32
        %add3A_649 = arith.addi %mul3A_647, %add3A_648 : i32
        %mul3A_650 = arith.constant 16 : i32
        %mul3A_651 = arith.muli %add3A_649, %mul3A_650 : i32
        %swap3A_652 = arith.index_cast %mul3A_651 : i32 to index
        %swap3A_653 = tpu.vector_load %arg8[%swap3A_652] {strides = array<i32>} : memref<1152xf32, #tpu.memory_space<vmem>>, vector<16xf32>,
        tpu.vector_store %arg8[%swap3A_652], %max3A_645 {strides = array<i32>} : memref<1152xf32, #tpu.memory_space<vmem>>, vector<16xf32>,
        %add3A_654 = arith.constant 1056 : i32
        %add3A_655 = arith.addi %add3A_281, %add3A_654 : i32
        %get3A_656 = arith.index_cast %add3A_655 : i32 to index
        %get3A_657 = tpu.vector_load %arg6[%get3A_656] {strides = array<i32>} : memref<25344xf32, #tpu.memory_space<vmem>>, vector<16xf32>,
        %add3A_658 = arith.constant 16 : i32
        %add3A_659 = arith.addi %add3A_655, %add3A_658 : i32
        %get3A_660 = arith.index_cast %add3A_659 : i32 to index
        %get3A_661 = tpu.vector_load %arg6[%get3A_660] {strides = array<i32>} : memref<25344xf32, #tpu.memory_space<vmem>>, vector<16xf32>,
        %add3A_662 = arith.constant 32 : i32
        %add3A_663 = arith.addi %add3A_655, %add3A_662 : i32
        %get3A_664 = arith.index_cast %add3A_663 : i32 to index
        %get3A_665 = tpu.vector_load %arg6[%get3A_664] {strides = array<i32>} : memref<25344xf32, #tpu.memory_space<vmem>>, vector<16xf32>,
        %max3A_666 = arith.maximumf %get3A_657, %get3A_665 : vector<16xf32>
        %add3A_667 = arith.constant 48 : i32
        %add3A_668 = arith.addi %add3A_655, %add3A_667 : i32
        %get3A_669 = arith.index_cast %add3A_668 : i32 to index
        %get3A_670 = tpu.vector_load %arg6[%get3A_669] {strides = array<i32>} : memref<25344xf32, #tpu.memory_space<vmem>>, vector<16xf32>,
        %max3A_671 = arith.maximumf %get3A_661, %get3A_670 : vector<16xf32>
        %add3A_672 = arith.constant 64 : i32
        %add3A_673 = arith.addi %add3A_655, %add3A_672 : i32
        %get3A_674 = arith.index_cast %add3A_673 : i32 to index
        %get3A_675 = tpu.vector_load %arg6[%get3A_674] {strides = array<i32>} : memref<25344xf32, #tpu.memory_space<vmem>>, vector<16xf32>,
        %max3A_676 = arith.maximumf %max3A_666, %get3A_675 : vector<16xf32>
        %add3A_677 = arith.constant 80 : i32
        %add3A_678 = arith.addi %add3A_655, %add3A_677 : i32
        %get3A_679 = arith.index_cast %add3A_678 : i32 to index
        %get3A_680 = tpu.vector_load %arg6[%get3A_679] {strides = array<i32>} : memref<25344xf32, #tpu.memory_space<vmem>>, vector<16xf32>,
        %max3A_681 = arith.maximumf %max3A_671, %get3A_680 : vector<16xf32>
        %add3A_682 = arith.constant 96 : i32
        %add3A_683 = arith.addi %add3A_655, %add3A_682 : i32
        %get3A_684 = arith.index_cast %add3A_683 : i32 to index
        %get3A_685 = tpu.vector_load %arg6[%get3A_684] {strides = array<i32>} : memref<25344xf32, #tpu.memory_space<vmem>>, vector<16xf32>,
        %max3A_686 = arith.maximumf %max3A_676, %get3A_685 : vector<16xf32>
        %add3A_687 = arith.constant 112 : i32
        %add3A_688 = arith.addi %add3A_655, %add3A_687 : i32
        %get3A_689 = arith.index_cast %add3A_688 : i32 to index
        %get3A_690 = tpu.vector_load %arg6[%get3A_689] {strides = array<i32>} : memref<25344xf32, #tpu.memory_space<vmem>>, vector<16xf32>,
        %max3A_691 = arith.maximumf %max3A_681, %get3A_690 : vector<16xf32>
        %add3A_692 = arith.constant 128 : i32
        %add3A_693 = arith.addi %add3A_655, %add3A_692 : i32
        %get3A_694 = arith.index_cast %add3A_693 : i32 to index
        %get3A_695 = tpu.vector_load %arg6[%get3A_694] {strides = array<i32>} : memref<25344xf32, #tpu.memory_space<vmem>>, vector<16xf32>,
        %max3A_696 = arith.maximumf %max3A_686, %get3A_695 : vector<16xf32>
        %add3A_697 = arith.constant 144 : i32
        %add3A_698 = arith.addi %add3A_655, %add3A_697 : i32
        %get3A_699 = arith.index_cast %add3A_698 : i32 to index
        %get3A_700 = tpu.vector_load %arg6[%get3A_699] {strides = array<i32>} : memref<25344xf32, #tpu.memory_space<vmem>>, vector<16xf32>,
        %max3A_701 = arith.maximumf %max3A_691, %get3A_700 : vector<16xf32>
        %add3A_702 = arith.constant 160 : i32
        %add3A_703 = arith.addi %add3A_655, %add3A_702 : i32
        %get3A_704 = arith.index_cast %add3A_703 : i32 to index
        %get3A_705 = tpu.vector_load %arg6[%get3A_704] {strides = array<i32>} : memref<25344xf32, #tpu.memory_space<vmem>>, vector<16xf32>,
        %max3A_706 = arith.maximumf %max3A_696, %get3A_705 : vector<16xf32>
        %max3A_707 = arith.maximumf %max3A_706, %max3A_701 : vector<16xf32>
        %mul3A_708 = arith.constant 8 : i32
        %mul3A_709 = arith.muli %while3A_277, %mul3A_708 : i32
        %add3A_710 = arith.constant 6 : i32
        %add3A_711 = arith.addi %mul3A_709, %add3A_710 : i32
        %mul3A_712 = arith.constant 16 : i32
        %mul3A_713 = arith.muli %add3A_711, %mul3A_712 : i32
        %swap3A_714 = arith.index_cast %mul3A_713 : i32 to index
        %swap3A_715 = tpu.vector_load %arg8[%swap3A_714] {strides = array<i32>} : memref<1152xf32, #tpu.memory_space<vmem>>, vector<16xf32>,
        tpu.vector_store %arg8[%swap3A_714], %max3A_707 {strides = array<i32>} : memref<1152xf32, #tpu.memory_space<vmem>>, vector<16xf32>,
        %add3A_716 = arith.constant 1232 : i32
        %add3A_717 = arith.addi %add3A_281, %add3A_716 : i32
        %get3A_718 = arith.index_cast %add3A_717 : i32 to index
        %get3A_719 = tpu.vector_load %arg6[%get3A_718] {strides = array<i32>} : memref<25344xf32, #tpu.memory_space<vmem>>, vector<16xf32>,
        %add3A_720 = arith.constant 16 : i32
        %add3A_721 = arith.addi %add3A_717, %add3A_720 : i32
        %get3A_722 = arith.index_cast %add3A_721 : i32 to index
        %get3A_723 = tpu.vector_load %arg6[%get3A_722] {strides = array<i32>} : memref<25344xf32, #tpu.memory_space<vmem>>, vector<16xf32>,
        %add3A_724 = arith.constant 32 : i32
        %add3A_725 = arith.addi %add3A_717, %add3A_724 : i32
        %get3A_726 = arith.index_cast %add3A_725 : i32 to index
        %get3A_727 = tpu.vector_load %arg6[%get3A_726] {strides = array<i32>} : memref<25344xf32, #tpu.memory_space<vmem>>, vector<16xf32>,
        %max3A_728 = arith.maximumf %get3A_719, %get3A_727 : vector<16xf32>
        %add3A_729 = arith.constant 48 : i32
        %add3A_730 = arith.addi %add3A_717, %add3A_729 : i32
        %get3A_731 = arith.index_cast %add3A_730 : i32 to index
        %get3A_732 = tpu.vector_load %arg6[%get3A_731] {strides = array<i32>} : memref<25344xf32, #tpu.memory_space<vmem>>, vector<16xf32>,
        %max3A_733 = arith.maximumf %get3A_723, %get3A_732 : vector<16xf32>
        %add3A_734 = arith.constant 64 : i32
        %add3A_735 = arith.addi %add3A_717, %add3A_734 : i32
        %get3A_736 = arith.index_cast %add3A_735 : i32 to index
        %get3A_737 = tpu.vector_load %arg6[%get3A_736] {strides = array<i32>} : memref<25344xf32, #tpu.memory_space<vmem>>, vector<16xf32>,
        %max3A_738 = arith.maximumf %max3A_728, %get3A_737 : vector<16xf32>
        %add3A_739 = arith.constant 80 : i32
        %add3A_740 = arith.addi %add3A_717, %add3A_739 : i32
        %get3A_741 = arith.index_cast %add3A_740 : i32 to index
        %get3A_742 = tpu.vector_load %arg6[%get3A_741] {strides = array<i32>} : memref<25344xf32, #tpu.memory_space<vmem>>, vector<16xf32>,
        %max3A_743 = arith.maximumf %max3A_733, %get3A_742 : vector<16xf32>
        %add3A_744 = arith.constant 96 : i32
        %add3A_745 = arith.addi %add3A_717, %add3A_744 : i32
        %get3A_746 = arith.index_cast %add3A_745 : i32 to index
        %get3A_747 = tpu.vector_load %arg6[%get3A_746] {strides = array<i32>} : memref<25344xf32, #tpu.memory_space<vmem>>, vector<16xf32>,
        %max3A_748 = arith.maximumf %max3A_738, %get3A_747 : vector<16xf32>
        %add3A_749 = arith.constant 112 : i32
        %add3A_750 = arith.addi %add3A_717, %add3A_749 : i32
        %get3A_751 = arith.index_cast %add3A_750 : i32 to index
        %get3A_752 = tpu.vector_load %arg6[%get3A_751] {strides = array<i32>} : memref<25344xf32, #tpu.memory_space<vmem>>, vector<16xf32>,
        %max3A_753 = arith.maximumf %max3A_743, %get3A_752 : vector<16xf32>
        %add3A_754 = arith.constant 128 : i32
        %add3A_755 = arith.addi %add3A_717, %add3A_754 : i32
        %get3A_756 = arith.index_cast %add3A_755 : i32 to index
        %get3A_757 = tpu.vector_load %arg6[%get3A_756] {strides = array<i32>} : memref<25344xf32, #tpu.memory_space<vmem>>, vector<16xf32>,
        %max3A_758 = arith.maximumf %max3A_748, %get3A_757 : vector<16xf32>
        %add3A_759 = arith.constant 144 : i32
        %add3A_760 = arith.addi %add3A_717, %add3A_759 : i32
        %get3A_761 = arith.index_cast %add3A_760 : i32 to index
        %get3A_762 = tpu.vector_load %arg6[%get3A_761] {strides = array<i32>} : memref<25344xf32, #tpu.memory_space<vmem>>, vector<16xf32>,
        %max3A_763 = arith.maximumf %max3A_753, %get3A_762 : vector<16xf32>
        %add3A_764 = arith.constant 160 : i32
        %add3A_765 = arith.addi %add3A_717, %add3A_764 : i32
        %get3A_766 = arith.index_cast %add3A_765 : i32 to index
        %get3A_767 = tpu.vector_load %arg6[%get3A_766] {strides = array<i32>} : memref<25344xf32, #tpu.memory_space<vmem>>, vector<16xf32>,
        %max3A_768 = arith.maximumf %max3A_758, %get3A_767 : vector<16xf32>
        %max3A_769 = arith.maximumf %max3A_768, %max3A_763 : vector<16xf32>
        %mul3A_770 = arith.constant 8 : i32
        %mul3A_771 = arith.muli %while3A_277, %mul3A_770 : i32
        %add3A_772 = arith.constant 7 : i32
        %add3A_773 = arith.addi %mul3A_771, %add3A_772 : i32
        %mul3A_774 = arith.constant 16 : i32
        %mul3A_775 = arith.muli %add3A_773, %mul3A_774 : i32
        %swap3A_776 = arith.index_cast %mul3A_775 : i32 to index
        %swap3A_777 = tpu.vector_load %arg8[%swap3A_776] {strides = array<i32>} : memref<1152xf32, #tpu.memory_space<vmem>>, vector<16xf32>,
        tpu.vector_store %arg8[%swap3A_776], %max3A_769 {strides = array<i32>} : memref<1152xf32, #tpu.memory_space<vmem>>, vector<16xf32>,
        %max3A_778 = arith.maximumf %max3A_335, %max3A_397 : vector<16xf32>
        %max3A_779 = arith.maximumf %max3A_459, %max3A_521 : vector<16xf32>
        %max3A_780 = arith.maximumf %max3A_778, %max3A_779 : vector<16xf32>
        %max3A_781 = arith.maximumf %max3A_583, %max3A_645 : vector<16xf32>
        %max3A_782 = arith.maximumf %max3A_707, %max3A_769 : vector<16xf32>
        %max3A_783 = arith.maximumf %max3A_781, %max3A_782 : vector<16xf32>
        %max3A_784 = arith.maximumf %max3A_780, %max3A_783 : vector<16xf32>
        %mul3A_785 = arith.constant 16 : i32
        %mul3A_786 = arith.muli %while3A_277, %mul3A_785 : i32
        %swap3A_787 = arith.index_cast %mul3A_786 : i32 to index
        %swap3A_788 = tpu.vector_load %arg7[%swap3A_787] {strides = array<i32>} : memref<144xf32, #tpu.memory_space<vmem>>, vector<16xf32>,
        tpu.vector_store %arg7[%swap3A_787], %max3A_784 {strides = array<i32>} : memref<144xf32, #tpu.memory_space<vmem>>, vector<16xf32>,
        %slice3A_789 = vector.extract_strided_slice %while3A_278 {offsets = [0], sizes = [1], strides = [1]} : vector<16xf32> to vector<1xf32>
        %squeeze3A_790 = vector.extract %slice3A_789[0] : f32 from vector<1xf32>
        %gt3A_791 = vector.broadcast %squeeze3A_790 : f32 to vector<16xf32>
        %gt3A_792 = arith.cmpf ogt, %max3A_784, %gt3A_791 : vector<16xf32>
        %all_reduce_population_count3A_793 = tpu.all_reduce %gt3A_792 {dim = 0 : i64, kind = #tpu.reduction_kind<sum>} : vector<16xi1> -> vector<16xi32>
        %slice3A_794 = vector.extract_strided_slice %all_reduce_population_count3A_793 {offsets = [0], sizes = [1], strides = [1]} : vector<16xi32> to vector<1xi32>
        %squeeze3A_795 = vector.extract %slice3A_794[0] : i32 from vector<1xi32>
        %gt3A_796 = arith.constant 0 : i32
        %gt3A_797 = arith.cmpi sgt, %squeeze3A_795, %gt3A_796 : i32
        %convert_element_type3A_798 = arith.extui %gt3A_797 : i1 to i32
        %cond3A_799 = arith.constant 0 : i32
        %cond3A_800 = arith.cmpi ne, %convert_element_type3A_798, %cond3A_799 : i32
        %cond3A_801 = scf.if %cond3A_800 -> (vector<16xf32>) {
          %sort3A = arith.constant dense<true> : vector<16xi1>
          %sort3A_802, %sort3A_803, %sort3A_804 = tpu.sort %max3A_784, %max3A_784 masked %sort3A : (vector<16xf32>, vector<16xf32>, vector<16xi1>) -> (vector<16xi1>, vector<16xf32>, vector<16xf32>)
          %rev3A = arith.constant 15 : i32
          %rev3A_805 = vector.broadcast %rev3A : i32 to vector<16xi32>
          %rev3A_806 = tpu.iota {dimensions = array<i32: 0>} : vector<16xi32>
          %rev3A_807 = arith.subi %rev3A_805, %rev3A_806 : vector<16xi32>
          %rev3A_808 = tpu.dynamic_gather %sort3A_803[%rev3A_807] in [0] : vector<16xf32>, vector<16xi32> -> vector<16xf32>
          %max3A_809 = arith.maximumf %while3A_278, %rev3A_808 : vector<16xf32>
          %sort3A_810 = arith.constant dense<true> : vector<16xi1>
          %sort3A_811, %sort3A_812, %sort3A_813 = tpu.sort %max3A_809, %max3A_809 masked %sort3A_810 : (vector<16xf32>, vector<16xf32>, vector<16xi1>) -> (vector<16xi1>, vector<16xf32>, vector<16xf32>)
          scf.yield %sort3A_812 : vector<16xf32>
        } else {
          scf.yield %while3A_278 : vector<16xf32>
        }
        scf.yield %cond3A_801 : vector<16xf32>
      }
      %slice3A = vector.extract_strided_slice %while3A_118 {offsets = [5], sizes = [1], strides = [1]} : vector<16xf32> to vector<1xf32>
      %squeeze3A = vector.extract %slice3A[0] : f32 from vector<1xf32>
      %get3A = arith.constant 0 : index
      %get3A_119 = tpu.vector_load %arg7[%get3A] {strides = array<i32>} : memref<144xf32, #tpu.memory_space<vmem>>, vector<16xf32>,
      %gt3A = vector.broadcast %squeeze3A : f32 to vector<16xf32>
      %gt3A_120 = arith.cmpf ogt, %get3A_119, %gt3A : vector<16xf32>
      %while3A_121 = arith.constant 1 : i32
      %while3A_122 = arith.subi %select_n3A_98, %while3A_121 : i32
      %while3A_123 = arith.addi %while3A_121, %while3A_122 : i32
      %while3A_124 = arith.constant 1 : i32
      %while3A_125 = arith.divsi %while3A_122, %while3A_124 : i32
      %while3A_126 = arith.muli %while3A_125, %while3A_124 : i32
      %while3A_127 = arith.addi %while3A_121, %while3A_126 : i32
      %while3A_128 = arith.constant 1 : i32
      %while3A_129 = scf.for %while3A_277 = %while3A_121 to %while3A_127 step %while3A_128 iter_args(%while3A_278 = %gt3A_120) -> (vector<16xi1>)  : i32 {
        %mul3A_279 = arith.constant 16 : i32
        %mul3A_280 = arith.muli %while3A_277, %mul3A_279 : i32
        %get3A_281 = arith.index_cast %mul3A_280 : i32 to index
        %get3A_282 = tpu.vector_load %arg7[%get3A_281] {strides = array<i32>} : memref<144xf32, #tpu.memory_space<vmem>>, vector<16xf32>,
        %gt3A_283 = vector.broadcast %squeeze3A : f32 to vector<16xf32>
        %gt3A_284 = arith.cmpf ogt, %get3A_282, %gt3A_283 : vector<16xf32>
        %or3A = arith.ori %while3A_278, %gt3A_284 : vector<16xi1>
        scf.yield %or3A : vector<16xi1>
      }
      %while3A_130 = arith.constant 1 : i32
      %while3A_131 = scf.for %while3A_277 = %while3A_127 to %while3A_123 step %while3A_130 iter_args(%while3A_278 = %while3A_129) -> (vector<16xi1>)  : i32 {
        %mul3A_279 = arith.constant 16 : i32
        %mul3A_280 = arith.muli %while3A_277, %mul3A_279 : i32
        %get3A_281 = arith.index_cast %mul3A_280 : i32 to index
        %get3A_282 = tpu.vector_load %arg7[%get3A_281] {strides = array<i32>} : memref<144xf32, #tpu.memory_space<vmem>>, vector<16xf32>,
        %gt3A_283 = vector.broadcast %squeeze3A : f32 to vector<16xf32>
        %gt3A_284 = arith.cmpf ogt, %get3A_282, %gt3A_283 : vector<16xf32>
        %or3A = arith.ori %while3A_278, %gt3A_284 : vector<16xi1>
        scf.yield %or3A : vector<16xi1>
      }
      %all_reduce_population_count3A = tpu.all_reduce %while3A_131 {dim = 0 : i64, kind = #tpu.reduction_kind<sum>} : vector<16xi1> -> vector<16xi32>
      %slice3A_132 = vector.extract_strided_slice %all_reduce_population_count3A {offsets = [0], sizes = [1], strides = [1]} : vector<16xi32> to vector<1xi32>
      %squeeze3A_133 = vector.extract %slice3A_132[0] : i32 from vector<1xi32>
      %gt3A_134 = arith.constant 0 : i32
      %gt3A_135 = arith.cmpi sgt, %squeeze3A_133, %gt3A_134 : i32
      %convert_element_type3A_136 = arith.extui %gt3A_135 : i1 to i32
      %cond3A_137 = arith.constant 0 : i32
      %cond3A_138 = arith.cmpi ne, %convert_element_type3A_136, %cond3A_137 : i32
      %cond3A_139 = scf.if %cond3A_138 -> (i32) {
        %while3A_277 = arith.constant 0 : i32
        %while3A_278 = arith.subi %select_n3A_98, %while3A_277 : i32
        %while3A_279 = arith.addi %while3A_277, %while3A_278 : i32
        %while3A_280 = arith.constant 1 : i32
        %while3A_281 = arith.divsi %while3A_278, %while3A_280 : i32
        %while3A_282 = arith.muli %while3A_281, %while3A_280 : i32
        %while3A_283 = arith.addi %while3A_277, %while3A_282 : i32
        %while3A_284 = arith.constant 1 : i32
        %while3A_285 = scf.for %while3A_288 = %while3A_277 to %while3A_283 step %while3A_284 iter_args(%while3A_289 = %scan3A_41) -> (i32)  : i32 {
          %mul3A_290 = arith.constant 16 : i32
          %mul3A_291 = arith.muli %while3A_288, %mul3A_290 : i32
          %get3A_292 = arith.index_cast %mul3A_291 : i32 to index
          %get3A_293 = tpu.vector_load %arg7[%get3A_292] {strides = array<i32>} : memref<144xf32, #tpu.memory_space<vmem>>, vector<16xf32>,
          %gt3A_294 = vector.broadcast %squeeze3A : f32 to vector<16xf32>
          %gt3A_295 = arith.cmpf ogt, %get3A_293, %gt3A_294 : vector<16xf32>
          %all_reduce_population_count3A_296 = tpu.all_reduce %gt3A_295 {dim = 0 : i64, kind = #tpu.reduction_kind<sum>} : vector<16xi1> -> vector<16xi32>
          %slice3A_297 = vector.extract_strided_slice %all_reduce_population_count3A_296 {offsets = [0], sizes = [1], strides = [1]} : vector<16xi32> to vector<1xi32>
          %squeeze3A_298 = vector.extract %slice3A_297[0] : i32 from vector<1xi32>
          %gt3A_299 = arith.constant 0 : i32
          %gt3A_300 = arith.cmpi sgt, %squeeze3A_298, %gt3A_299 : i32
          %convert_element_type3A_301 = arith.extui %gt3A_300 : i1 to i32
          %cond3A_302 = arith.constant 0 : i32
          %cond3A_303 = arith.cmpi ne, %convert_element_type3A_301, %cond3A_302 : i32
          %cond3A_304 = scf.if %cond3A_303 -> (i32) {
            %mul3A_305 = arith.constant 8 : i32
            %mul3A_306 = arith.muli %while3A_288, %mul3A_305 : i32
            %add3A_307 = arith.constant 0 : i32
            %add3A_308 = arith.addi %mul3A_306, %add3A_307 : i32
            %mul3A_309 = arith.constant 16 : i32
            %mul3A_310 = arith.muli %add3A_308, %mul3A_309 : i32
            %get3A_311 = arith.index_cast %mul3A_310 : i32 to index
            %get3A_312 = tpu.vector_load %arg8[%get3A_311] {strides = array<i32>} : memref<1152xf32, #tpu.memory_space<vmem>>, vector<16xf32>,
            %mul3A_313 = arith.constant 8 : i32
            %mul3A_314 = arith.muli %while3A_288, %mul3A_313 : i32
            %add3A_315 = arith.constant 1 : i32
            %add3A_316 = arith.addi %mul3A_314, %add3A_315 : i32
            %mul3A_317 = arith.constant 16 : i32
            %mul3A_318 = arith.muli %add3A_316, %mul3A_317 : i32
            %get3A_319 = arith.index_cast %mul3A_318 : i32 to index
            %get3A_320 = tpu.vector_load %arg8[%get3A_319] {strides = array<i32>} : memref<1152xf32, #tpu.memory_space<vmem>>, vector<16xf32>,
            %mul3A_321 = arith.constant 8 : i32
            %mul3A_322 = arith.muli %while3A_288, %mul3A_321 : i32
            %add3A_323 = arith.constant 2 : i32
            %add3A_324 = arith.addi %mul3A_322, %add3A_323 : i32
            %mul3A_325 = arith.constant 16 : i32
            %mul3A_326 = arith.muli %add3A_324, %mul3A_325 : i32
            %get3A_327 = arith.index_cast %mul3A_326 : i32 to index
            %get3A_328 = tpu.vector_load %arg8[%get3A_327] {strides = array<i32>} : memref<1152xf32, #tpu.memory_space<vmem>>, vector<16xf32>,
            %mul3A_329 = arith.constant 8 : i32
            %mul3A_330 = arith.muli %while3A_288, %mul3A_329 : i32
            %add3A_331 = arith.constant 3 : i32
            %add3A_332 = arith.addi %mul3A_330, %add3A_331 : i32
            %mul3A_333 = arith.constant 16 : i32
            %mul3A_334 = arith.muli %add3A_332, %mul3A_333 : i32
            %get3A_335 = arith.index_cast %mul3A_334 : i32 to index
            %get3A_336 = tpu.vector_load %arg8[%get3A_335] {strides = array<i32>} : memref<1152xf32, #tpu.memory_space<vmem>>, vector<16xf32>,
            %mul3A_337 = arith.constant 8 : i32
            %mul3A_338 = arith.muli %while3A_288, %mul3A_337 : i32
            %add3A_339 = arith.constant 4 : i32
            %add3A_340 = arith.addi %mul3A_338, %add3A_339 : i32
            %mul3A_341 = arith.constant 16 : i32
            %mul3A_342 = arith.muli %add3A_340, %mul3A_341 : i32
            %get3A_343 = arith.index_cast %mul3A_342 : i32 to index
            %get3A_344 = tpu.vector_load %arg8[%get3A_343] {strides = array<i32>} : memref<1152xf32, #tpu.memory_space<vmem>>, vector<16xf32>,
            %mul3A_345 = arith.constant 8 : i32
            %mul3A_346 = arith.muli %while3A_288, %mul3A_345 : i32
            %add3A_347 = arith.constant 5 : i32
            %add3A_348 = arith.addi %mul3A_346, %add3A_347 : i32
            %mul3A_349 = arith.constant 16 : i32
            %mul3A_350 = arith.muli %add3A_348, %mul3A_349 : i32
            %get3A_351 = arith.index_cast %mul3A_350 : i32 to index
            %get3A_352 = tpu.vector_load %arg8[%get3A_351] {strides = array<i32>} : memref<1152xf32, #tpu.memory_space<vmem>>, vector<16xf32>,
            %mul3A_353 = arith.constant 8 : i32
            %mul3A_354 = arith.muli %while3A_288, %mul3A_353 : i32
            %add3A_355 = arith.constant 6 : i32
            %add3A_356 = arith.addi %mul3A_354, %add3A_355 : i32
            %mul3A_357 = arith.constant 16 : i32
            %mul3A_358 = arith.muli %add3A_356, %mul3A_357 : i32
            %get3A_359 = arith.index_cast %mul3A_358 : i32 to index
            %get3A_360 = tpu.vector_load %arg8[%get3A_359] {strides = array<i32>} : memref<1152xf32, #tpu.memory_space<vmem>>, vector<16xf32>,
            %mul3A_361 = arith.constant 8 : i32
            %mul3A_362 = arith.muli %while3A_288, %mul3A_361 : i32
            %add3A_363 = arith.constant 7 : i32
            %add3A_364 = arith.addi %mul3A_362, %add3A_363 : i32
            %mul3A_365 = arith.constant 16 : i32
            %mul3A_366 = arith.muli %add3A_364, %mul3A_365 : i32
            %get3A_367 = arith.index_cast %mul3A_366 : i32 to index
            %get3A_368 = tpu.vector_load %arg8[%get3A_367] {strides = array<i32>} : memref<1152xf32, #tpu.memory_space<vmem>>, vector<16xf32>,
            %gt3A_369 = vector.broadcast %squeeze3A : f32 to vector<16xf32>
            %gt3A_370 = arith.cmpf ogt, %get3A_312, %gt3A_369 : vector<16xf32>
            %gt3A_371 = vector.broadcast %squeeze3A : f32 to vector<16xf32>
            %gt3A_372 = arith.cmpf ogt, %get3A_320, %gt3A_371 : vector<16xf32>
            %gt3A_373 = vector.broadcast %squeeze3A : f32 to vector<16xf32>
            %gt3A_374 = arith.cmpf ogt, %get3A_328, %gt3A_373 : vector<16xf32>
            %gt3A_375 = vector.broadcast %squeeze3A : f32 to vector<16xf32>
            %gt3A_376 = arith.cmpf ogt, %get3A_336, %gt3A_375 : vector<16xf32>
            %gt3A_377 = vector.broadcast %squeeze3A : f32 to vector<16xf32>
            %gt3A_378 = arith.cmpf ogt, %get3A_344, %gt3A_377 : vector<16xf32>
            %gt3A_379 = vector.broadcast %squeeze3A : f32 to vector<16xf32>
            %gt3A_380 = arith.cmpf ogt, %get3A_352, %gt3A_379 : vector<16xf32>
            %gt3A_381 = vector.broadcast %squeeze3A : f32 to vector<16xf32>
            %gt3A_382 = arith.cmpf ogt, %get3A_360, %gt3A_381 : vector<16xf32>
            %gt3A_383 = vector.broadcast %squeeze3A : f32 to vector<16xf32>
            %gt3A_384 = arith.cmpf ogt, %get3A_368, %gt3A_383 : vector<16xf32>
            %or3A = arith.ori %gt3A_370, %gt3A_372 : vector<16xi1>
            %or3A_385 = arith.ori %gt3A_374, %gt3A_376 : vector<16xi1>
            %or3A_386 = arith.ori %or3A, %or3A_385 : vector<16xi1>
            %all_reduce_population_count3A_387 = tpu.all_reduce %or3A_386 {dim = 0 : i64, kind = #tpu.reduction_kind<sum>} : vector<16xi1> -> vector<16xi32>
            %slice3A_388 = vector.extract_strided_slice %all_reduce_population_count3A_387 {offsets = [0], sizes = [1], strides = [1]} : vector<16xi32> to vector<1xi32>
            %squeeze3A_389 = vector.extract %slice3A_388[0] : i32 from vector<1xi32>
            %gt3A_390 = arith.constant 0 : i32
            %gt3A_391 = arith.cmpi sgt, %squeeze3A_389, %gt3A_390 : i32
            %convert_element_type3A_392 = arith.extui %gt3A_391 : i1 to i32
            %cond3A_393 = arith.constant 0 : i32
            %cond3A_394 = arith.cmpi ne, %convert_element_type3A_392, %cond3A_393 : i32
            %cond3A_395 = scf.if %cond3A_394 -> (i32) {
              %all_reduce_population_count3A_408 = tpu.all_reduce %gt3A_370 {dim = 0 : i64, kind = #tpu.reduction_kind<sum>} : vector<16xi1> -> vector<16xi32>
              %slice3A_409 = vector.extract_strided_slice %all_reduce_population_count3A_408 {offsets = [0], sizes = [1], strides = [1]} : vector<16xi32> to vector<1xi32>
              %squeeze3A_410 = vector.extract %slice3A_409[0] : i32 from vector<1xi32>
              %gt3A_411 = arith.constant 0 : i32
              %gt3A_412 = arith.cmpi sgt, %squeeze3A_410, %gt3A_411 : i32
              %convert_element_type3A_413 = arith.extui %gt3A_412 : i1 to i32
              %cond3A_414 = arith.constant 0 : i32
              %cond3A_415 = arith.cmpi ne, %convert_element_type3A_413, %cond3A_414 : i32
              %cond3A_416 = scf.if %cond3A_415 -> (i32) {
                %mul3A_444 = arith.constant 1408 : i32
                %mul3A_445 = arith.muli %while3A_288, %mul3A_444 : i32
                %add3A_446 = arith.addi %mul3A_56, %mul3A_445 : i32
                %add3A_447 = arith.constant 0 : i32
                %add3A_448 = arith.addi %add3A_446, %add3A_447 : i32
                %scan3A_449 = arith.constant 0 : i32
                %scan3A_450 = arith.constant 11 : i32
                %scan3A_451 = arith.addi %scan3A_449, %scan3A_450 : i32
                %scan3A_452 = arith.constant 1 : i32
                %scan3A_453 = scf.for %scan3A_455 = %scan3A_449 to %scan3A_451 step %scan3A_452 iter_args(%scan3A_456 = %while3A_289) -> (i32)  : i32 {
                  %mul3A_457 = arith.constant 16 : i32
                  %mul3A_458 = arith.muli %scan3A_455, %mul3A_457 : i32
                  %add3A_459 = arith.addi %add3A_448, %mul3A_458 : i32
                  %get3A_460 = arith.index_cast %add3A_459 : i32 to index
                  %get3A_461 = tpu.vector_load %arg6[%get3A_460] {strides = array<i32>} : memref<25344xf32, #tpu.memory_space<vmem>>, vector<16xf32>,
                  %gt3A_462 = vector.broadcast %squeeze3A : f32 to vector<16xf32>
                  %gt3A_463 = arith.cmpf ogt, %get3A_461, %gt3A_462 : vector<16xf32>
                  %swap3A_464 = arith.index_cast %scan3A_456 : i32 to index
                  %swap3A_465 = tpu.vector_load %arg10[%swap3A_464] masked %gt3A_463 {strides = array<i32>} : memref<8192xf32, #tpu.memory_space<vmem>>, vector<16xf32>, vector<16xi1>
                  tpu.vector_store %arg10[%swap3A_464], %get3A_461 masked %gt3A_463 {strides = array<i32>} : memref<8192xf32, #tpu.memory_space<vmem>>, vector<16xf32>, vector<16xi1>
                  %all_reduce_population_count3A_466 = tpu.all_reduce %gt3A_463 {dim = 0 : i64, kind = #tpu.reduction_kind<sum>} : vector<16xi1> -> vector<16xi32>
                  %slice3A_467 = vector.extract_strided_slice %all_reduce_population_count3A_466 {offsets = [0], sizes = [1], strides = [1]} : vector<16xi32> to vector<1xi32>
                  %squeeze3A_468 = vector.extract %slice3A_467[0] : i32 from vector<1xi32>
                  %add3A_469 = arith.addi %scan3A_456, %squeeze3A_468 : i32
                  scf.yield %add3A_469 : i32
                }
                %scan3A_454 = arith.constant 11 : i32
                scf.yield %scan3A_453 : i32
              } else {
                scf.yield %while3A_289 : i32
              }
              %all_reduce_population_count3A_417 = tpu.all_reduce %gt3A_372 {dim = 0 : i64, kind = #tpu.reduction_kind<sum>} : vector<16xi1> -> vector<16xi32>
              %slice3A_418 = vector.extract_strided_slice %all_reduce_population_count3A_417 {offsets = [0], sizes = [1], strides = [1]} : vector<16xi32> to vector<1xi32>
              %squeeze3A_419 = vector.extract %slice3A_418[0] : i32 from vector<1xi32>
              %gt3A_420 = arith.constant 0 : i32
              %gt3A_421 = arith.cmpi sgt, %squeeze3A_419, %gt3A_420 : i32
              %convert_element_type3A_422 = arith.extui %gt3A_421 : i1 to i32
              %cond3A_423 = arith.constant 0 : i32
              %cond3A_424 = arith.cmpi ne, %convert_element_type3A_422, %cond3A_423 : i32
              %cond3A_425 = scf.if %cond3A_424 -> (i32) {
                %mul3A_444 = arith.constant 1408 : i32
                %mul3A_445 = arith.muli %while3A_288, %mul3A_444 : i32
                %add3A_446 = arith.addi %mul3A_56, %mul3A_445 : i32
                %add3A_447 = arith.constant 176 : i32
                %add3A_448 = arith.addi %add3A_446, %add3A_447 : i32
                %scan3A_449 = arith.constant 0 : i32
                %scan3A_450 = arith.constant 11 : i32
                %scan3A_451 = arith.addi %scan3A_449, %scan3A_450 : i32
                %scan3A_452 = arith.constant 1 : i32
                %scan3A_453 = scf.for %scan3A_455 = %scan3A_449 to %scan3A_451 step %scan3A_452 iter_args(%scan3A_456 = %cond3A_416) -> (i32)  : i32 {
                  %mul3A_457 = arith.constant 16 : i32
                  %mul3A_458 = arith.muli %scan3A_455, %mul3A_457 : i32
                  %add3A_459 = arith.addi %add3A_448, %mul3A_458 : i32
                  %get3A_460 = arith.index_cast %add3A_459 : i32 to index
                  %get3A_461 = tpu.vector_load %arg6[%get3A_460] {strides = array<i32>} : memref<25344xf32, #tpu.memory_space<vmem>>, vector<16xf32>,
                  %gt3A_462 = vector.broadcast %squeeze3A : f32 to vector<16xf32>
                  %gt3A_463 = arith.cmpf ogt, %get3A_461, %gt3A_462 : vector<16xf32>
                  %swap3A_464 = arith.index_cast %scan3A_456 : i32 to index
                  %swap3A_465 = tpu.vector_load %arg10[%swap3A_464] masked %gt3A_463 {strides = array<i32>} : memref<8192xf32, #tpu.memory_space<vmem>>, vector<16xf32>, vector<16xi1>
                  tpu.vector_store %arg10[%swap3A_464], %get3A_461 masked %gt3A_463 {strides = array<i32>} : memref<8192xf32, #tpu.memory_space<vmem>>, vector<16xf32>, vector<16xi1>
                  %all_reduce_population_count3A_466 = tpu.all_reduce %gt3A_463 {dim = 0 : i64, kind = #tpu.reduction_kind<sum>} : vector<16xi1> -> vector<16xi32>
                  %slice3A_467 = vector.extract_strided_slice %all_reduce_population_count3A_466 {offsets = [0], sizes = [1], strides = [1]} : vector<16xi32> to vector<1xi32>
                  %squeeze3A_468 = vector.extract %slice3A_467[0] : i32 from vector<1xi32>
                  %add3A_469 = arith.addi %scan3A_456, %squeeze3A_468 : i32
                  scf.yield %add3A_469 : i32
                }
                %scan3A_454 = arith.constant 11 : i32
                scf.yield %scan3A_453 : i32
              } else {
                scf.yield %cond3A_416 : i32
              }
              %all_reduce_population_count3A_426 = tpu.all_reduce %gt3A_374 {dim = 0 : i64, kind = #tpu.reduction_kind<sum>} : vector<16xi1> -> vector<16xi32>
              %slice3A_427 = vector.extract_strided_slice %all_reduce_population_count3A_426 {offsets = [0], sizes = [1], strides = [1]} : vector<16xi32> to vector<1xi32>
              %squeeze3A_428 = vector.extract %slice3A_427[0] : i32 from vector<1xi32>
              %gt3A_429 = arith.constant 0 : i32
              %gt3A_430 = arith.cmpi sgt, %squeeze3A_428, %gt3A_429 : i32
              %convert_element_type3A_431 = arith.extui %gt3A_430 : i1 to i32
              %cond3A_432 = arith.constant 0 : i32
              %cond3A_433 = arith.cmpi ne, %convert_element_type3A_431, %cond3A_432 : i32
              %cond3A_434 = scf.if %cond3A_433 -> (i32) {
                %mul3A_444 = arith.constant 1408 : i32
                %mul3A_445 = arith.muli %while3A_288, %mul3A_444 : i32
                %add3A_446 = arith.addi %mul3A_56, %mul3A_445 : i32
                %add3A_447 = arith.constant 352 : i32
                %add3A_448 = arith.addi %add3A_446, %add3A_447 : i32
                %scan3A_449 = arith.constant 0 : i32
                %scan3A_450 = arith.constant 11 : i32
                %scan3A_451 = arith.addi %scan3A_449, %scan3A_450 : i32
                %scan3A_452 = arith.constant 1 : i32
                %scan3A_453 = scf.for %scan3A_455 = %scan3A_449 to %scan3A_451 step %scan3A_452 iter_args(%scan3A_456 = %cond3A_425) -> (i32)  : i32 {
                  %mul3A_457 = arith.constant 16 : i32
                  %mul3A_458 = arith.muli %scan3A_455, %mul3A_457 : i32
                  %add3A_459 = arith.addi %add3A_448, %mul3A_458 : i32
                  %get3A_460 = arith.index_cast %add3A_459 : i32 to index
                  %get3A_461 = tpu.vector_load %arg6[%get3A_460] {strides = array<i32>} : memref<25344xf32, #tpu.memory_space<vmem>>, vector<16xf32>,
                  %gt3A_462 = vector.broadcast %squeeze3A : f32 to vector<16xf32>
                  %gt3A_463 = arith.cmpf ogt, %get3A_461, %gt3A_462 : vector<16xf32>
                  %swap3A_464 = arith.index_cast %scan3A_456 : i32 to index
                  %swap3A_465 = tpu.vector_load %arg10[%swap3A_464] masked %gt3A_463 {strides = array<i32>} : memref<8192xf32, #tpu.memory_space<vmem>>, vector<16xf32>, vector<16xi1>
                  tpu.vector_store %arg10[%swap3A_464], %get3A_461 masked %gt3A_463 {strides = array<i32>} : memref<8192xf32, #tpu.memory_space<vmem>>, vector<16xf32>, vector<16xi1>
                  %all_reduce_population_count3A_466 = tpu.all_reduce %gt3A_463 {dim = 0 : i64, kind = #tpu.reduction_kind<sum>} : vector<16xi1> -> vector<16xi32>
                  %slice3A_467 = vector.extract_strided_slice %all_reduce_population_count3A_466 {offsets = [0], sizes = [1], strides = [1]} : vector<16xi32> to vector<1xi32>
                  %squeeze3A_468 = vector.extract %slice3A_467[0] : i32 from vector<1xi32>
                  %add3A_469 = arith.addi %scan3A_456, %squeeze3A_468 : i32
                  scf.yield %add3A_469 : i32
                }
                %scan3A_454 = arith.constant 11 : i32
                scf.yield %scan3A_453 : i32
              } else {
                scf.yield %cond3A_425 : i32
              }
              %all_reduce_population_count3A_435 = tpu.all_reduce %gt3A_376 {dim = 0 : i64, kind = #tpu.reduction_kind<sum>} : vector<16xi1> -> vector<16xi32>
              %slice3A_436 = vector.extract_strided_slice %all_reduce_population_count3A_435 {offsets = [0], sizes = [1], strides = [1]} : vector<16xi32> to vector<1xi32>
              %squeeze3A_437 = vector.extract %slice3A_436[0] : i32 from vector<1xi32>
              %gt3A_438 = arith.constant 0 : i32
              %gt3A_439 = arith.cmpi sgt, %squeeze3A_437, %gt3A_438 : i32
              %convert_element_type3A_440 = arith.extui %gt3A_439 : i1 to i32
              %cond3A_441 = arith.constant 0 : i32
              %cond3A_442 = arith.cmpi ne, %convert_element_type3A_440, %cond3A_441 : i32
              %cond3A_443 = scf.if %cond3A_442 -> (i32) {
                %mul3A_444 = arith.constant 1408 : i32
                %mul3A_445 = arith.muli %while3A_288, %mul3A_444 : i32
                %add3A_446 = arith.addi %mul3A_56, %mul3A_445 : i32
                %add3A_447 = arith.constant 528 : i32
                %add3A_448 = arith.addi %add3A_446, %add3A_447 : i32
                %scan3A_449 = arith.constant 0 : i32
                %scan3A_450 = arith.constant 11 : i32
                %scan3A_451 = arith.addi %scan3A_449, %scan3A_450 : i32
                %scan3A_452 = arith.constant 1 : i32
                %scan3A_453 = scf.for %scan3A_455 = %scan3A_449 to %scan3A_451 step %scan3A_452 iter_args(%scan3A_456 = %cond3A_434) -> (i32)  : i32 {
                  %mul3A_457 = arith.constant 16 : i32
                  %mul3A_458 = arith.muli %scan3A_455, %mul3A_457 : i32
                  %add3A_459 = arith.addi %add3A_448, %mul3A_458 : i32
                  %get3A_460 = arith.index_cast %add3A_459 : i32 to index
                  %get3A_461 = tpu.vector_load %arg6[%get3A_460] {strides = array<i32>} : memref<25344xf32, #tpu.memory_space<vmem>>, vector<16xf32>,
                  %gt3A_462 = vector.broadcast %squeeze3A : f32 to vector<16xf32>
                  %gt3A_463 = arith.cmpf ogt, %get3A_461, %gt3A_462 : vector<16xf32>
                  %swap3A_464 = arith.index_cast %scan3A_456 : i32 to index
                  %swap3A_465 = tpu.vector_load %arg10[%swap3A_464] masked %gt3A_463 {strides = array<i32>} : memref<8192xf32, #tpu.memory_space<vmem>>, vector<16xf32>, vector<16xi1>
                  tpu.vector_store %arg10[%swap3A_464], %get3A_461 masked %gt3A_463 {strides = array<i32>} : memref<8192xf32, #tpu.memory_space<vmem>>, vector<16xf32>, vector<16xi1>
                  %all_reduce_population_count3A_466 = tpu.all_reduce %gt3A_463 {dim = 0 : i64, kind = #tpu.reduction_kind<sum>} : vector<16xi1> -> vector<16xi32>
                  %slice3A_467 = vector.extract_strided_slice %all_reduce_population_count3A_466 {offsets = [0], sizes = [1], strides = [1]} : vector<16xi32> to vector<1xi32>
                  %squeeze3A_468 = vector.extract %slice3A_467[0] : i32 from vector<1xi32>
                  %add3A_469 = arith.addi %scan3A_456, %squeeze3A_468 : i32
                  scf.yield %add3A_469 : i32
                }
                %scan3A_454 = arith.constant 11 : i32
                scf.yield %scan3A_453 : i32
              } else {
                scf.yield %cond3A_434 : i32
              }
              scf.yield %cond3A_443 : i32
            } else {
              scf.yield %while3A_289 : i32
            }
            %or3A_396 = arith.ori %gt3A_378, %gt3A_380 : vector<16xi1>
            %or3A_397 = arith.ori %gt3A_382, %gt3A_384 : vector<16xi1>
            %or3A_398 = arith.ori %or3A_396, %or3A_397 : vector<16xi1>
            %all_reduce_population_count3A_399 = tpu.all_reduce %or3A_398 {dim = 0 : i64, kind = #tpu.reduction_kind<sum>} : vector<16xi1> -> vector<16xi32>
            %slice3A_400 = vector.extract_strided_slice %all_reduce_population_count3A_399 {offsets = [0], sizes = [1], strides = [1]} : vector<16xi32> to vector<1xi32>
            %squeeze3A_401 = vector.extract %slice3A_400[0] : i32 from vector<1xi32>
            %gt3A_402 = arith.constant 0 : i32
            %gt3A_403 = arith.cmpi sgt, %squeeze3A_401, %gt3A_402 : i32
            %convert_element_type3A_404 = arith.extui %gt3A_403 : i1 to i32
            %cond3A_405 = arith.constant 0 : i32
            %cond3A_406 = arith.cmpi ne, %convert_element_type3A_404, %cond3A_405 : i32
            %cond3A_407 = scf.if %cond3A_406 -> (i32) {
              %all_reduce_population_count3A_408 = tpu.all_reduce %gt3A_378 {dim = 0 : i64, kind = #tpu.reduction_kind<sum>} : vector<16xi1> -> vector<16xi32>
              %slice3A_409 = vector.extract_strided_slice %all_reduce_population_count3A_408 {offsets = [0], sizes = [1], strides = [1]} : vector<16xi32> to vector<1xi32>
              %squeeze3A_410 = vector.extract %slice3A_409[0] : i32 from vector<1xi32>
              %gt3A_411 = arith.constant 0 : i32
              %gt3A_412 = arith.cmpi sgt, %squeeze3A_410, %gt3A_411 : i32
              %convert_element_type3A_413 = arith.extui %gt3A_412 : i1 to i32
              %cond3A_414 = arith.constant 0 : i32
              %cond3A_415 = arith.cmpi ne, %convert_element_type3A_413, %cond3A_414 : i32
              %cond3A_416 = scf.if %cond3A_415 -> (i32) {
                %mul3A_444 = arith.constant 1408 : i32
                %mul3A_445 = arith.muli %while3A_288, %mul3A_444 : i32
                %add3A_446 = arith.addi %mul3A_56, %mul3A_445 : i32
                %add3A_447 = arith.constant 704 : i32
                %add3A_448 = arith.addi %add3A_446, %add3A_447 : i32
                %scan3A_449 = arith.constant 0 : i32
                %scan3A_450 = arith.constant 11 : i32
                %scan3A_451 = arith.addi %scan3A_449, %scan3A_450 : i32
                %scan3A_452 = arith.constant 1 : i32
                %scan3A_453 = scf.for %scan3A_455 = %scan3A_449 to %scan3A_451 step %scan3A_452 iter_args(%scan3A_456 = %cond3A_395) -> (i32)  : i32 {
                  %mul3A_457 = arith.constant 16 : i32
                  %mul3A_458 = arith.muli %scan3A_455, %mul3A_457 : i32
                  %add3A_459 = arith.addi %add3A_448, %mul3A_458 : i32
                  %get3A_460 = arith.index_cast %add3A_459 : i32 to index
                  %get3A_461 = tpu.vector_load %arg6[%get3A_460] {strides = array<i32>} : memref<25344xf32, #tpu.memory_space<vmem>>, vector<16xf32>,
                  %gt3A_462 = vector.broadcast %squeeze3A : f32 to vector<16xf32>
                  %gt3A_463 = arith.cmpf ogt, %get3A_461, %gt3A_462 : vector<16xf32>
                  %swap3A_464 = arith.index_cast %scan3A_456 : i32 to index
                  %swap3A_465 = tpu.vector_load %arg10[%swap3A_464] masked %gt3A_463 {strides = array<i32>} : memref<8192xf32, #tpu.memory_space<vmem>>, vector<16xf32>, vector<16xi1>
                  tpu.vector_store %arg10[%swap3A_464], %get3A_461 masked %gt3A_463 {strides = array<i32>} : memref<8192xf32, #tpu.memory_space<vmem>>, vector<16xf32>, vector<16xi1>
                  %all_reduce_population_count3A_466 = tpu.all_reduce %gt3A_463 {dim = 0 : i64, kind = #tpu.reduction_kind<sum>} : vector<16xi1> -> vector<16xi32>
                  %slice3A_467 = vector.extract_strided_slice %all_reduce_population_count3A_466 {offsets = [0], sizes = [1], strides = [1]} : vector<16xi32> to vector<1xi32>
                  %squeeze3A_468 = vector.extract %slice3A_467[0] : i32 from vector<1xi32>
                  %add3A_469 = arith.addi %scan3A_456, %squeeze3A_468 : i32
                  scf.yield %add3A_469 : i32
                }
                %scan3A_454 = arith.constant 11 : i32
                scf.yield %scan3A_453 : i32
              } else {
                scf.yield %cond3A_395 : i32
              }
              %all_reduce_population_count3A_417 = tpu.all_reduce %gt3A_380 {dim = 0 : i64, kind = #tpu.reduction_kind<sum>} : vector<16xi1> -> vector<16xi32>
              %slice3A_418 = vector.extract_strided_slice %all_reduce_population_count3A_417 {offsets = [0], sizes = [1], strides = [1]} : vector<16xi32> to vector<1xi32>
              %squeeze3A_419 = vector.extract %slice3A_418[0] : i32 from vector<1xi32>
              %gt3A_420 = arith.constant 0 : i32
              %gt3A_421 = arith.cmpi sgt, %squeeze3A_419, %gt3A_420 : i32
              %convert_element_type3A_422 = arith.extui %gt3A_421 : i1 to i32
              %cond3A_423 = arith.constant 0 : i32
              %cond3A_424 = arith.cmpi ne, %convert_element_type3A_422, %cond3A_423 : i32
              %cond3A_425 = scf.if %cond3A_424 -> (i32) {
                %mul3A_444 = arith.constant 1408 : i32
                %mul3A_445 = arith.muli %while3A_288, %mul3A_444 : i32
                %add3A_446 = arith.addi %mul3A_56, %mul3A_445 : i32
                %add3A_447 = arith.constant 880 : i32
                %add3A_448 = arith.addi %add3A_446, %add3A_447 : i32
                %scan3A_449 = arith.constant 0 : i32
                %scan3A_450 = arith.constant 11 : i32
                %scan3A_451 = arith.addi %scan3A_449, %scan3A_450 : i32
                %scan3A_452 = arith.constant 1 : i32
                %scan3A_453 = scf.for %scan3A_455 = %scan3A_449 to %scan3A_451 step %scan3A_452 iter_args(%scan3A_456 = %cond3A_416) -> (i32)  : i32 {
                  %mul3A_457 = arith.constant 16 : i32
                  %mul3A_458 = arith.muli %scan3A_455, %mul3A_457 : i32
                  %add3A_459 = arith.addi %add3A_448, %mul3A_458 : i32
                  %get3A_460 = arith.index_cast %add3A_459 : i32 to index
                  %get3A_461 = tpu.vector_load %arg6[%get3A_460] {strides = array<i32>} : memref<25344xf32, #tpu.memory_space<vmem>>, vector<16xf32>,
                  %gt3A_462 = vector.broadcast %squeeze3A : f32 to vector<16xf32>
                  %gt3A_463 = arith.cmpf ogt, %get3A_461, %gt3A_462 : vector<16xf32>
                  %swap3A_464 = arith.index_cast %scan3A_456 : i32 to index
                  %swap3A_465 = tpu.vector_load %arg10[%swap3A_464] masked %gt3A_463 {strides = array<i32>} : memref<8192xf32, #tpu.memory_space<vmem>>, vector<16xf32>, vector<16xi1>
                  tpu.vector_store %arg10[%swap3A_464], %get3A_461 masked %gt3A_463 {strides = array<i32>} : memref<8192xf32, #tpu.memory_space<vmem>>, vector<16xf32>, vector<16xi1>
                  %all_reduce_population_count3A_466 = tpu.all_reduce %gt3A_463 {dim = 0 : i64, kind = #tpu.reduction_kind<sum>} : vector<16xi1> -> vector<16xi32>
                  %slice3A_467 = vector.extract_strided_slice %all_reduce_population_count3A_466 {offsets = [0], sizes = [1], strides = [1]} : vector<16xi32> to vector<1xi32>
                  %squeeze3A_468 = vector.extract %slice3A_467[0] : i32 from vector<1xi32>
                  %add3A_469 = arith.addi %scan3A_456, %squeeze3A_468 : i32
                  scf.yield %add3A_469 : i32
                }
                %scan3A_454 = arith.constant 11 : i32
                scf.yield %scan3A_453 : i32
              } else {
                scf.yield %cond3A_416 : i32
              }
              %all_reduce_population_count3A_426 = tpu.all_reduce %gt3A_382 {dim = 0 : i64, kind = #tpu.reduction_kind<sum>} : vector<16xi1> -> vector<16xi32>
              %slice3A_427 = vector.extract_strided_slice %all_reduce_population_count3A_426 {offsets = [0], sizes = [1], strides = [1]} : vector<16xi32> to vector<1xi32>
              %squeeze3A_428 = vector.extract %slice3A_427[0] : i32 from vector<1xi32>
              %gt3A_429 = arith.constant 0 : i32
              %gt3A_430 = arith.cmpi sgt, %squeeze3A_428, %gt3A_429 : i32
              %convert_element_type3A_431 = arith.extui %gt3A_430 : i1 to i32
              %cond3A_432 = arith.constant 0 : i32
              %cond3A_433 = arith.cmpi ne, %convert_element_type3A_431, %cond3A_432 : i32
              %cond3A_434 = scf.if %cond3A_433 -> (i32) {
                %mul3A_444 = arith.constant 1408 : i32
                %mul3A_445 = arith.muli %while3A_288, %mul3A_444 : i32
                %add3A_446 = arith.addi %mul3A_56, %mul3A_445 : i32
                %add3A_447 = arith.constant 1056 : i32
                %add3A_448 = arith.addi %add3A_446, %add3A_447 : i32
                %scan3A_449 = arith.constant 0 : i32
                %scan3A_450 = arith.constant 11 : i32
                %scan3A_451 = arith.addi %scan3A_449, %scan3A_450 : i32
                %scan3A_452 = arith.constant 1 : i32
                %scan3A_453 = scf.for %scan3A_455 = %scan3A_449 to %scan3A_451 step %scan3A_452 iter_args(%scan3A_456 = %cond3A_425) -> (i32)  : i32 {
                  %mul3A_457 = arith.constant 16 : i32
                  %mul3A_458 = arith.muli %scan3A_455, %mul3A_457 : i32
                  %add3A_459 = arith.addi %add3A_448, %mul3A_458 : i32
                  %get3A_460 = arith.index_cast %add3A_459 : i32 to index
                  %get3A_461 = tpu.vector_load %arg6[%get3A_460] {strides = array<i32>} : memref<25344xf32, #tpu.memory_space<vmem>>, vector<16xf32>,
                  %gt3A_462 = vector.broadcast %squeeze3A : f32 to vector<16xf32>
                  %gt3A_463 = arith.cmpf ogt, %get3A_461, %gt3A_462 : vector<16xf32>
                  %swap3A_464 = arith.index_cast %scan3A_456 : i32 to index
                  %swap3A_465 = tpu.vector_load %arg10[%swap3A_464] masked %gt3A_463 {strides = array<i32>} : memref<8192xf32, #tpu.memory_space<vmem>>, vector<16xf32>, vector<16xi1>
                  tpu.vector_store %arg10[%swap3A_464], %get3A_461 masked %gt3A_463 {strides = array<i32>} : memref<8192xf32, #tpu.memory_space<vmem>>, vector<16xf32>, vector<16xi1>
                  %all_reduce_population_count3A_466 = tpu.all_reduce %gt3A_463 {dim = 0 : i64, kind = #tpu.reduction_kind<sum>} : vector<16xi1> -> vector<16xi32>
                  %slice3A_467 = vector.extract_strided_slice %all_reduce_population_count3A_466 {offsets = [0], sizes = [1], strides = [1]} : vector<16xi32> to vector<1xi32>
                  %squeeze3A_468 = vector.extract %slice3A_467[0] : i32 from vector<1xi32>
                  %add3A_469 = arith.addi %scan3A_456, %squeeze3A_468 : i32
                  scf.yield %add3A_469 : i32
                }
                %scan3A_454 = arith.constant 11 : i32
                scf.yield %scan3A_453 : i32
              } else {
                scf.yield %cond3A_425 : i32
              }
              %all_reduce_population_count3A_435 = tpu.all_reduce %gt3A_384 {dim = 0 : i64, kind = #tpu.reduction_kind<sum>} : vector<16xi1> -> vector<16xi32>
              %slice3A_436 = vector.extract_strided_slice %all_reduce_population_count3A_435 {offsets = [0], sizes = [1], strides = [1]} : vector<16xi32> to vector<1xi32>
              %squeeze3A_437 = vector.extract %slice3A_436[0] : i32 from vector<1xi32>
              %gt3A_438 = arith.constant 0 : i32
              %gt3A_439 = arith.cmpi sgt, %squeeze3A_437, %gt3A_438 : i32
              %convert_element_type3A_440 = arith.extui %gt3A_439 : i1 to i32
              %cond3A_441 = arith.constant 0 : i32
              %cond3A_442 = arith.cmpi ne, %convert_element_type3A_440, %cond3A_441 : i32
              %cond3A_443 = scf.if %cond3A_442 -> (i32) {
                %mul3A_444 = arith.constant 1408 : i32
                %mul3A_445 = arith.muli %while3A_288, %mul3A_444 : i32
                %add3A_446 = arith.addi %mul3A_56, %mul3A_445 : i32
                %add3A_447 = arith.constant 1232 : i32
                %add3A_448 = arith.addi %add3A_446, %add3A_447 : i32
                %scan3A_449 = arith.constant 0 : i32
                %scan3A_450 = arith.constant 11 : i32
                %scan3A_451 = arith.addi %scan3A_449, %scan3A_450 : i32
                %scan3A_452 = arith.constant 1 : i32
                %scan3A_453 = scf.for %scan3A_455 = %scan3A_449 to %scan3A_451 step %scan3A_452 iter_args(%scan3A_456 = %cond3A_434) -> (i32)  : i32 {
                  %mul3A_457 = arith.constant 16 : i32
                  %mul3A_458 = arith.muli %scan3A_455, %mul3A_457 : i32
                  %add3A_459 = arith.addi %add3A_448, %mul3A_458 : i32
                  %get3A_460 = arith.index_cast %add3A_459 : i32 to index
                  %get3A_461 = tpu.vector_load %arg6[%get3A_460] {strides = array<i32>} : memref<25344xf32, #tpu.memory_space<vmem>>, vector<16xf32>,
                  %gt3A_462 = vector.broadcast %squeeze3A : f32 to vector<16xf32>
                  %gt3A_463 = arith.cmpf ogt, %get3A_461, %gt3A_462 : vector<16xf32>
                  %swap3A_464 = arith.index_cast %scan3A_456 : i32 to index
                  %swap3A_465 = tpu.vector_load %arg10[%swap3A_464] masked %gt3A_463 {strides = array<i32>} : memref<8192xf32, #tpu.memory_space<vmem>>, vector<16xf32>, vector<16xi1>
                  tpu.vector_store %arg10[%swap3A_464], %get3A_461 masked %gt3A_463 {strides = array<i32>} : memref<8192xf32, #tpu.memory_space<vmem>>, vector<16xf32>, vector<16xi1>
                  %all_reduce_population_count3A_466 = tpu.all_reduce %gt3A_463 {dim = 0 : i64, kind = #tpu.reduction_kind<sum>} : vector<16xi1> -> vector<16xi32>
                  %slice3A_467 = vector.extract_strided_slice %all_reduce_population_count3A_466 {offsets = [0], sizes = [1], strides = [1]} : vector<16xi32> to vector<1xi32>
                  %squeeze3A_468 = vector.extract %slice3A_467[0] : i32 from vector<1xi32>
                  %add3A_469 = arith.addi %scan3A_456, %squeeze3A_468 : i32
                  scf.yield %add3A_469 : i32
                }
                %scan3A_454 = arith.constant 11 : i32
                scf.yield %scan3A_453 : i32
              } else {
                scf.yield %cond3A_434 : i32
              }
              scf.yield %cond3A_443 : i32
            } else {
              scf.yield %cond3A_395 : i32
            }
            scf.yield %cond3A_407 : i32
          } else {
            scf.yield %while3A_289 : i32
          }
          scf.yield %cond3A_304 : i32
        }
        %while3A_286 = arith.constant 1 : i32
        %while3A_287 = scf.for %while3A_288 = %while3A_283 to %while3A_279 step %while3A_286 iter_args(%while3A_289 = %while3A_285) -> (i32)  : i32 {
          %mul3A_290 = arith.constant 16 : i32
          %mul3A_291 = arith.muli %while3A_288, %mul3A_290 : i32
          %get3A_292 = arith.index_cast %mul3A_291 : i32 to index
          %get3A_293 = tpu.vector_load %arg7[%get3A_292] {strides = array<i32>} : memref<144xf32, #tpu.memory_space<vmem>>, vector<16xf32>,
          %gt3A_294 = vector.broadcast %squeeze3A : f32 to vector<16xf32>
          %gt3A_295 = arith.cmpf ogt, %get3A_293, %gt3A_294 : vector<16xf32>
          %all_reduce_population_count3A_296 = tpu.all_reduce %gt3A_295 {dim = 0 : i64, kind = #tpu.reduction_kind<sum>} : vector<16xi1> -> vector<16xi32>
          %slice3A_297 = vector.extract_strided_slice %all_reduce_population_count3A_296 {offsets = [0], sizes = [1], strides = [1]} : vector<16xi32> to vector<1xi32>
          %squeeze3A_298 = vector.extract %slice3A_297[0] : i32 from vector<1xi32>
          %gt3A_299 = arith.constant 0 : i32
          %gt3A_300 = arith.cmpi sgt, %squeeze3A_298, %gt3A_299 : i32
          %convert_element_type3A_301 = arith.extui %gt3A_300 : i1 to i32
          %cond3A_302 = arith.constant 0 : i32
          %cond3A_303 = arith.cmpi ne, %convert_element_type3A_301, %cond3A_302 : i32
          %cond3A_304 = scf.if %cond3A_303 -> (i32) {
            %mul3A_305 = arith.constant 8 : i32
            %mul3A_306 = arith.muli %while3A_288, %mul3A_305 : i32
            %add3A_307 = arith.constant 0 : i32
            %add3A_308 = arith.addi %mul3A_306, %add3A_307 : i32
            %mul3A_309 = arith.constant 16 : i32
            %mul3A_310 = arith.muli %add3A_308, %mul3A_309 : i32
            %get3A_311 = arith.index_cast %mul3A_310 : i32 to index
            %get3A_312 = tpu.vector_load %arg8[%get3A_311] {strides = array<i32>} : memref<1152xf32, #tpu.memory_space<vmem>>, vector<16xf32>,
            %mul3A_313 = arith.constant 8 : i32
            %mul3A_314 = arith.muli %while3A_288, %mul3A_313 : i32
            %add3A_315 = arith.constant 1 : i32
            %add3A_316 = arith.addi %mul3A_314, %add3A_315 : i32
            %mul3A_317 = arith.constant 16 : i32
            %mul3A_318 = arith.muli %add3A_316, %mul3A_317 : i32
            %get3A_319 = arith.index_cast %mul3A_318 : i32 to index
            %get3A_320 = tpu.vector_load %arg8[%get3A_319] {strides = array<i32>} : memref<1152xf32, #tpu.memory_space<vmem>>, vector<16xf32>,
            %mul3A_321 = arith.constant 8 : i32
            %mul3A_322 = arith.muli %while3A_288, %mul3A_321 : i32
            %add3A_323 = arith.constant 2 : i32
            %add3A_324 = arith.addi %mul3A_322, %add3A_323 : i32
            %mul3A_325 = arith.constant 16 : i32
            %mul3A_326 = arith.muli %add3A_324, %mul3A_325 : i32
            %get3A_327 = arith.index_cast %mul3A_326 : i32 to index
            %get3A_328 = tpu.vector_load %arg8[%get3A_327] {strides = array<i32>} : memref<1152xf32, #tpu.memory_space<vmem>>, vector<16xf32>,
            %mul3A_329 = arith.constant 8 : i32
            %mul3A_330 = arith.muli %while3A_288, %mul3A_329 : i32
            %add3A_331 = arith.constant 3 : i32
            %add3A_332 = arith.addi %mul3A_330, %add3A_331 : i32
            %mul3A_333 = arith.constant 16 : i32
            %mul3A_334 = arith.muli %add3A_332, %mul3A_333 : i32
            %get3A_335 = arith.index_cast %mul3A_334 : i32 to index
            %get3A_336 = tpu.vector_load %arg8[%get3A_335] {strides = array<i32>} : memref<1152xf32, #tpu.memory_space<vmem>>, vector<16xf32>,
            %mul3A_337 = arith.constant 8 : i32
            %mul3A_338 = arith.muli %while3A_288, %mul3A_337 : i32
            %add3A_339 = arith.constant 4 : i32
            %add3A_340 = arith.addi %mul3A_338, %add3A_339 : i32
            %mul3A_341 = arith.constant 16 : i32
            %mul3A_342 = arith.muli %add3A_340, %mul3A_341 : i32
            %get3A_343 = arith.index_cast %mul3A_342 : i32 to index
            %get3A_344 = tpu.vector_load %arg8[%get3A_343] {strides = array<i32>} : memref<1152xf32, #tpu.memory_space<vmem>>, vector<16xf32>,
            %mul3A_345 = arith.constant 8 : i32
            %mul3A_346 = arith.muli %while3A_288, %mul3A_345 : i32
            %add3A_347 = arith.constant 5 : i32
            %add3A_348 = arith.addi %mul3A_346, %add3A_347 : i32
            %mul3A_349 = arith.constant 16 : i32
            %mul3A_350 = arith.muli %add3A_348, %mul3A_349 : i32
            %get3A_351 = arith.index_cast %mul3A_350 : i32 to index
            %get3A_352 = tpu.vector_load %arg8[%get3A_351] {strides = array<i32>} : memref<1152xf32, #tpu.memory_space<vmem>>, vector<16xf32>,
            %mul3A_353 = arith.constant 8 : i32
            %mul3A_354 = arith.muli %while3A_288, %mul3A_353 : i32
            %add3A_355 = arith.constant 6 : i32
            %add3A_356 = arith.addi %mul3A_354, %add3A_355 : i32
            %mul3A_357 = arith.constant 16 : i32
            %mul3A_358 = arith.muli %add3A_356, %mul3A_357 : i32
            %get3A_359 = arith.index_cast %mul3A_358 : i32 to index
            %get3A_360 = tpu.vector_load %arg8[%get3A_359] {strides = array<i32>} : memref<1152xf32, #tpu.memory_space<vmem>>, vector<16xf32>,
            %mul3A_361 = arith.constant 8 : i32
            %mul3A_362 = arith.muli %while3A_288, %mul3A_361 : i32
            %add3A_363 = arith.constant 7 : i32
            %add3A_364 = arith.addi %mul3A_362, %add3A_363 : i32
            %mul3A_365 = arith.constant 16 : i32
            %mul3A_366 = arith.muli %add3A_364, %mul3A_365 : i32
            %get3A_367 = arith.index_cast %mul3A_366 : i32 to index
            %get3A_368 = tpu.vector_load %arg8[%get3A_367] {strides = array<i32>} : memref<1152xf32, #tpu.memory_space<vmem>>, vector<16xf32>,
            %gt3A_369 = vector.broadcast %squeeze3A : f32 to vector<16xf32>
            %gt3A_370 = arith.cmpf ogt, %get3A_312, %gt3A_369 : vector<16xf32>
            %gt3A_371 = vector.broadcast %squeeze3A : f32 to vector<16xf32>
            %gt3A_372 = arith.cmpf ogt, %get3A_320, %gt3A_371 : vector<16xf32>
            %gt3A_373 = vector.broadcast %squeeze3A : f32 to vector<16xf32>
            %gt3A_374 = arith.cmpf ogt, %get3A_328, %gt3A_373 : vector<16xf32>
            %gt3A_375 = vector.broadcast %squeeze3A : f32 to vector<16xf32>
            %gt3A_376 = arith.cmpf ogt, %get3A_336, %gt3A_375 : vector<16xf32>
            %gt3A_377 = vector.broadcast %squeeze3A : f32 to vector<16xf32>
            %gt3A_378 = arith.cmpf ogt, %get3A_344, %gt3A_377 : vector<16xf32>
            %gt3A_379 = vector.broadcast %squeeze3A : f32 to vector<16xf32>
            %gt3A_380 = arith.cmpf ogt, %get3A_352, %gt3A_379 : vector<16xf32>
            %gt3A_381 = vector.broadcast %squeeze3A : f32 to vector<16xf32>
            %gt3A_382 = arith.cmpf ogt, %get3A_360, %gt3A_381 : vector<16xf32>
            %gt3A_383 = vector.broadcast %squeeze3A : f32 to vector<16xf32>
            %gt3A_384 = arith.cmpf ogt, %get3A_368, %gt3A_383 : vector<16xf32>
            %or3A = arith.ori %gt3A_370, %gt3A_372 : vector<16xi1>
            %or3A_385 = arith.ori %gt3A_374, %gt3A_376 : vector<16xi1>
            %or3A_386 = arith.ori %or3A, %or3A_385 : vector<16xi1>
            %all_reduce_population_count3A_387 = tpu.all_reduce %or3A_386 {dim = 0 : i64, kind = #tpu.reduction_kind<sum>} : vector<16xi1> -> vector<16xi32>
            %slice3A_388 = vector.extract_strided_slice %all_reduce_population_count3A_387 {offsets = [0], sizes = [1], strides = [1]} : vector<16xi32> to vector<1xi32>
            %squeeze3A_389 = vector.extract %slice3A_388[0] : i32 from vector<1xi32>
            %gt3A_390 = arith.constant 0 : i32
            %gt3A_391 = arith.cmpi sgt, %squeeze3A_389, %gt3A_390 : i32
            %convert_element_type3A_392 = arith.extui %gt3A_391 : i1 to i32
            %cond3A_393 = arith.constant 0 : i32
            %cond3A_394 = arith.cmpi ne, %convert_element_type3A_392, %cond3A_393 : i32
            %cond3A_395 = scf.if %cond3A_394 -> (i32) {
              %all_reduce_population_count3A_408 = tpu.all_reduce %gt3A_370 {dim = 0 : i64, kind = #tpu.reduction_kind<sum>} : vector<16xi1> -> vector<16xi32>
              %slice3A_409 = vector.extract_strided_slice %all_reduce_population_count3A_408 {offsets = [0], sizes = [1], strides = [1]} : vector<16xi32> to vector<1xi32>
              %squeeze3A_410 = vector.extract %slice3A_409[0] : i32 from vector<1xi32>
              %gt3A_411 = arith.constant 0 : i32
              %gt3A_412 = arith.cmpi sgt, %squeeze3A_410, %gt3A_411 : i32
              %convert_element_type3A_413 = arith.extui %gt3A_412 : i1 to i32
              %cond3A_414 = arith.constant 0 : i32
              %cond3A_415 = arith.cmpi ne, %convert_element_type3A_413, %cond3A_414 : i32
              %cond3A_416 = scf.if %cond3A_415 -> (i32) {
                %mul3A_444 = arith.constant 1408 : i32
                %mul3A_445 = arith.muli %while3A_288, %mul3A_444 : i32
                %add3A_446 = arith.addi %mul3A_56, %mul3A_445 : i32
                %add3A_447 = arith.constant 0 : i32
                %add3A_448 = arith.addi %add3A_446, %add3A_447 : i32
                %scan3A_449 = arith.constant 0 : i32
                %scan3A_450 = arith.constant 11 : i32
                %scan3A_451 = arith.addi %scan3A_449, %scan3A_450 : i32
                %scan3A_452 = arith.constant 1 : i32
                %scan3A_453 = scf.for %scan3A_455 = %scan3A_449 to %scan3A_451 step %scan3A_452 iter_args(%scan3A_456 = %while3A_289) -> (i32)  : i32 {
                  %mul3A_457 = arith.constant 16 : i32
                  %mul3A_458 = arith.muli %scan3A_455, %mul3A_457 : i32
                  %add3A_459 = arith.addi %add3A_448, %mul3A_458 : i32
                  %get3A_460 = arith.index_cast %add3A_459 : i32 to index
                  %get3A_461 = tpu.vector_load %arg6[%get3A_460] {strides = array<i32>} : memref<25344xf32, #tpu.memory_space<vmem>>, vector<16xf32>,
                  %gt3A_462 = vector.broadcast %squeeze3A : f32 to vector<16xf32>
                  %gt3A_463 = arith.cmpf ogt, %get3A_461, %gt3A_462 : vector<16xf32>
                  %swap3A_464 = arith.index_cast %scan3A_456 : i32 to index
                  %swap3A_465 = tpu.vector_load %arg10[%swap3A_464] masked %gt3A_463 {strides = array<i32>} : memref<8192xf32, #tpu.memory_space<vmem>>, vector<16xf32>, vector<16xi1>
                  tpu.vector_store %arg10[%swap3A_464], %get3A_461 masked %gt3A_463 {strides = array<i32>} : memref<8192xf32, #tpu.memory_space<vmem>>, vector<16xf32>, vector<16xi1>
                  %all_reduce_population_count3A_466 = tpu.all_reduce %gt3A_463 {dim = 0 : i64, kind = #tpu.reduction_kind<sum>} : vector<16xi1> -> vector<16xi32>
                  %slice3A_467 = vector.extract_strided_slice %all_reduce_population_count3A_466 {offsets = [0], sizes = [1], strides = [1]} : vector<16xi32> to vector<1xi32>
                  %squeeze3A_468 = vector.extract %slice3A_467[0] : i32 from vector<1xi32>
                  %add3A_469 = arith.addi %scan3A_456, %squeeze3A_468 : i32
                  scf.yield %add3A_469 : i32
                }
                %scan3A_454 = arith.constant 11 : i32
                scf.yield %scan3A_453 : i32
              } else {
                scf.yield %while3A_289 : i32
              }
              %all_reduce_population_count3A_417 = tpu.all_reduce %gt3A_372 {dim = 0 : i64, kind = #tpu.reduction_kind<sum>} : vector<16xi1> -> vector<16xi32>
              %slice3A_418 = vector.extract_strided_slice %all_reduce_population_count3A_417 {offsets = [0], sizes = [1], strides = [1]} : vector<16xi32> to vector<1xi32>
              %squeeze3A_419 = vector.extract %slice3A_418[0] : i32 from vector<1xi32>
              %gt3A_420 = arith.constant 0 : i32
              %gt3A_421 = arith.cmpi sgt, %squeeze3A_419, %gt3A_420 : i32
              %convert_element_type3A_422 = arith.extui %gt3A_421 : i1 to i32
              %cond3A_423 = arith.constant 0 : i32
              %cond3A_424 = arith.cmpi ne, %convert_element_type3A_422, %cond3A_423 : i32
              %cond3A_425 = scf.if %cond3A_424 -> (i32) {
                %mul3A_444 = arith.constant 1408 : i32
                %mul3A_445 = arith.muli %while3A_288, %mul3A_444 : i32
                %add3A_446 = arith.addi %mul3A_56, %mul3A_445 : i32
                %add3A_447 = arith.constant 176 : i32
                %add3A_448 = arith.addi %add3A_446, %add3A_447 : i32
                %scan3A_449 = arith.constant 0 : i32
                %scan3A_450 = arith.constant 11 : i32
                %scan3A_451 = arith.addi %scan3A_449, %scan3A_450 : i32
                %scan3A_452 = arith.constant 1 : i32
                %scan3A_453 = scf.for %scan3A_455 = %scan3A_449 to %scan3A_451 step %scan3A_452 iter_args(%scan3A_456 = %cond3A_416) -> (i32)  : i32 {
                  %mul3A_457 = arith.constant 16 : i32
                  %mul3A_458 = arith.muli %scan3A_455, %mul3A_457 : i32
                  %add3A_459 = arith.addi %add3A_448, %mul3A_458 : i32
                  %get3A_460 = arith.index_cast %add3A_459 : i32 to index
                  %get3A_461 = tpu.vector_load %arg6[%get3A_460] {strides = array<i32>} : memref<25344xf32, #tpu.memory_space<vmem>>, vector<16xf32>,
                  %gt3A_462 = vector.broadcast %squeeze3A : f32 to vector<16xf32>
                  %gt3A_463 = arith.cmpf ogt, %get3A_461, %gt3A_462 : vector<16xf32>
                  %swap3A_464 = arith.index_cast %scan3A_456 : i32 to index
                  %swap3A_465 = tpu.vector_load %arg10[%swap3A_464] masked %gt3A_463 {strides = array<i32>} : memref<8192xf32, #tpu.memory_space<vmem>>, vector<16xf32>, vector<16xi1>
                  tpu.vector_store %arg10[%swap3A_464], %get3A_461 masked %gt3A_463 {strides = array<i32>} : memref<8192xf32, #tpu.memory_space<vmem>>, vector<16xf32>, vector<16xi1>
                  %all_reduce_population_count3A_466 = tpu.all_reduce %gt3A_463 {dim = 0 : i64, kind = #tpu.reduction_kind<sum>} : vector<16xi1> -> vector<16xi32>
                  %slice3A_467 = vector.extract_strided_slice %all_reduce_population_count3A_466 {offsets = [0], sizes = [1], strides = [1]} : vector<16xi32> to vector<1xi32>
                  %squeeze3A_468 = vector.extract %slice3A_467[0] : i32 from vector<1xi32>
                  %add3A_469 = arith.addi %scan3A_456, %squeeze3A_468 : i32
                  scf.yield %add3A_469 : i32
                }
                %scan3A_454 = arith.constant 11 : i32
                scf.yield %scan3A_453 : i32
              } else {
                scf.yield %cond3A_416 : i32
              }
              %all_reduce_population_count3A_426 = tpu.all_reduce %gt3A_374 {dim = 0 : i64, kind = #tpu.reduction_kind<sum>} : vector<16xi1> -> vector<16xi32>
              %slice3A_427 = vector.extract_strided_slice %all_reduce_population_count3A_426 {offsets = [0], sizes = [1], strides = [1]} : vector<16xi32> to vector<1xi32>
              %squeeze3A_428 = vector.extract %slice3A_427[0] : i32 from vector<1xi32>
              %gt3A_429 = arith.constant 0 : i32
              %gt3A_430 = arith.cmpi sgt, %squeeze3A_428, %gt3A_429 : i32
              %convert_element_type3A_431 = arith.extui %gt3A_430 : i1 to i32
              %cond3A_432 = arith.constant 0 : i32
              %cond3A_433 = arith.cmpi ne, %convert_element_type3A_431, %cond3A_432 : i32
              %cond3A_434 = scf.if %cond3A_433 -> (i32) {
                %mul3A_444 = arith.constant 1408 : i32
                %mul3A_445 = arith.muli %while3A_288, %mul3A_444 : i32
                %add3A_446 = arith.addi %mul3A_56, %mul3A_445 : i32
                %add3A_447 = arith.constant 352 : i32
                %add3A_448 = arith.addi %add3A_446, %add3A_447 : i32
                %scan3A_449 = arith.constant 0 : i32
                %scan3A_450 = arith.constant 11 : i32
                %scan3A_451 = arith.addi %scan3A_449, %scan3A_450 : i32
                %scan3A_452 = arith.constant 1 : i32
                %scan3A_453 = scf.for %scan3A_455 = %scan3A_449 to %scan3A_451 step %scan3A_452 iter_args(%scan3A_456 = %cond3A_425) -> (i32)  : i32 {
                  %mul3A_457 = arith.constant 16 : i32
                  %mul3A_458 = arith.muli %scan3A_455, %mul3A_457 : i32
                  %add3A_459 = arith.addi %add3A_448, %mul3A_458 : i32
                  %get3A_460 = arith.index_cast %add3A_459 : i32 to index
                  %get3A_461 = tpu.vector_load %arg6[%get3A_460] {strides = array<i32>} : memref<25344xf32, #tpu.memory_space<vmem>>, vector<16xf32>,
                  %gt3A_462 = vector.broadcast %squeeze3A : f32 to vector<16xf32>
                  %gt3A_463 = arith.cmpf ogt, %get3A_461, %gt3A_462 : vector<16xf32>
                  %swap3A_464 = arith.index_cast %scan3A_456 : i32 to index
                  %swap3A_465 = tpu.vector_load %arg10[%swap3A_464] masked %gt3A_463 {strides = array<i32>} : memref<8192xf32, #tpu.memory_space<vmem>>, vector<16xf32>, vector<16xi1>
                  tpu.vector_store %arg10[%swap3A_464], %get3A_461 masked %gt3A_463 {strides = array<i32>} : memref<8192xf32, #tpu.memory_space<vmem>>, vector<16xf32>, vector<16xi1>
                  %all_reduce_population_count3A_466 = tpu.all_reduce %gt3A_463 {dim = 0 : i64, kind = #tpu.reduction_kind<sum>} : vector<16xi1> -> vector<16xi32>
                  %slice3A_467 = vector.extract_strided_slice %all_reduce_population_count3A_466 {offsets = [0], sizes = [1], strides = [1]} : vector<16xi32> to vector<1xi32>
                  %squeeze3A_468 = vector.extract %slice3A_467[0] : i32 from vector<1xi32>
                  %add3A_469 = arith.addi %scan3A_456, %squeeze3A_468 : i32
                  scf.yield %add3A_469 : i32
                }
                %scan3A_454 = arith.constant 11 : i32
                scf.yield %scan3A_453 : i32
              } else {
                scf.yield %cond3A_425 : i32
              }
              %all_reduce_population_count3A_435 = tpu.all_reduce %gt3A_376 {dim = 0 : i64, kind = #tpu.reduction_kind<sum>} : vector<16xi1> -> vector<16xi32>
              %slice3A_436 = vector.extract_strided_slice %all_reduce_population_count3A_435 {offsets = [0], sizes = [1], strides = [1]} : vector<16xi32> to vector<1xi32>
              %squeeze3A_437 = vector.extract %slice3A_436[0] : i32 from vector<1xi32>
              %gt3A_438 = arith.constant 0 : i32
              %gt3A_439 = arith.cmpi sgt, %squeeze3A_437, %gt3A_438 : i32
              %convert_element_type3A_440 = arith.extui %gt3A_439 : i1 to i32
              %cond3A_441 = arith.constant 0 : i32
              %cond3A_442 = arith.cmpi ne, %convert_element_type3A_440, %cond3A_441 : i32
              %cond3A_443 = scf.if %cond3A_442 -> (i32) {
                %mul3A_444 = arith.constant 1408 : i32
                %mul3A_445 = arith.muli %while3A_288, %mul3A_444 : i32
                %add3A_446 = arith.addi %mul3A_56, %mul3A_445 : i32
                %add3A_447 = arith.constant 528 : i32
                %add3A_448 = arith.addi %add3A_446, %add3A_447 : i32
                %scan3A_449 = arith.constant 0 : i32
                %scan3A_450 = arith.constant 11 : i32
                %scan3A_451 = arith.addi %scan3A_449, %scan3A_450 : i32
                %scan3A_452 = arith.constant 1 : i32
                %scan3A_453 = scf.for %scan3A_455 = %scan3A_449 to %scan3A_451 step %scan3A_452 iter_args(%scan3A_456 = %cond3A_434) -> (i32)  : i32 {
                  %mul3A_457 = arith.constant 16 : i32
                  %mul3A_458 = arith.muli %scan3A_455, %mul3A_457 : i32
                  %add3A_459 = arith.addi %add3A_448, %mul3A_458 : i32
                  %get3A_460 = arith.index_cast %add3A_459 : i32 to index
                  %get3A_461 = tpu.vector_load %arg6[%get3A_460] {strides = array<i32>} : memref<25344xf32, #tpu.memory_space<vmem>>, vector<16xf32>,
                  %gt3A_462 = vector.broadcast %squeeze3A : f32 to vector<16xf32>
                  %gt3A_463 = arith.cmpf ogt, %get3A_461, %gt3A_462 : vector<16xf32>
                  %swap3A_464 = arith.index_cast %scan3A_456 : i32 to index
                  %swap3A_465 = tpu.vector_load %arg10[%swap3A_464] masked %gt3A_463 {strides = array<i32>} : memref<8192xf32, #tpu.memory_space<vmem>>, vector<16xf32>, vector<16xi1>
                  tpu.vector_store %arg10[%swap3A_464], %get3A_461 masked %gt3A_463 {strides = array<i32>} : memref<8192xf32, #tpu.memory_space<vmem>>, vector<16xf32>, vector<16xi1>
                  %all_reduce_population_count3A_466 = tpu.all_reduce %gt3A_463 {dim = 0 : i64, kind = #tpu.reduction_kind<sum>} : vector<16xi1> -> vector<16xi32>
                  %slice3A_467 = vector.extract_strided_slice %all_reduce_population_count3A_466 {offsets = [0], sizes = [1], strides = [1]} : vector<16xi32> to vector<1xi32>
                  %squeeze3A_468 = vector.extract %slice3A_467[0] : i32 from vector<1xi32>
                  %add3A_469 = arith.addi %scan3A_456, %squeeze3A_468 : i32
                  scf.yield %add3A_469 : i32
                }
                %scan3A_454 = arith.constant 11 : i32
                scf.yield %scan3A_453 : i32
              } else {
                scf.yield %cond3A_434 : i32
              }
              scf.yield %cond3A_443 : i32
            } else {
              scf.yield %while3A_289 : i32
            }
            %or3A_396 = arith.ori %gt3A_378, %gt3A_380 : vector<16xi1>
            %or3A_397 = arith.ori %gt3A_382, %gt3A_384 : vector<16xi1>
            %or3A_398 = arith.ori %or3A_396, %or3A_397 : vector<16xi1>
            %all_reduce_population_count3A_399 = tpu.all_reduce %or3A_398 {dim = 0 : i64, kind = #tpu.reduction_kind<sum>} : vector<16xi1> -> vector<16xi32>
            %slice3A_400 = vector.extract_strided_slice %all_reduce_population_count3A_399 {offsets = [0], sizes = [1], strides = [1]} : vector<16xi32> to vector<1xi32>
            %squeeze3A_401 = vector.extract %slice3A_400[0] : i32 from vector<1xi32>
            %gt3A_402 = arith.constant 0 : i32
            %gt3A_403 = arith.cmpi sgt, %squeeze3A_401, %gt3A_402 : i32
            %convert_element_type3A_404 = arith.extui %gt3A_403 : i1 to i32
            %cond3A_405 = arith.constant 0 : i32
            %cond3A_406 = arith.cmpi ne, %convert_element_type3A_404, %cond3A_405 : i32
            %cond3A_407 = scf.if %cond3A_406 -> (i32) {
              %all_reduce_population_count3A_408 = tpu.all_reduce %gt3A_378 {dim = 0 : i64, kind = #tpu.reduction_kind<sum>} : vector<16xi1> -> vector<16xi32>
              %slice3A_409 = vector.extract_strided_slice %all_reduce_population_count3A_408 {offsets = [0], sizes = [1], strides = [1]} : vector<16xi32> to vector<1xi32>
              %squeeze3A_410 = vector.extract %slice3A_409[0] : i32 from vector<1xi32>
              %gt3A_411 = arith.constant 0 : i32
              %gt3A_412 = arith.cmpi sgt, %squeeze3A_410, %gt3A_411 : i32
              %convert_element_type3A_413 = arith.extui %gt3A_412 : i1 to i32
              %cond3A_414 = arith.constant 0 : i32
              %cond3A_415 = arith.cmpi ne, %convert_element_type3A_413, %cond3A_414 : i32
              %cond3A_416 = scf.if %cond3A_415 -> (i32) {
                %mul3A_444 = arith.constant 1408 : i32
                %mul3A_445 = arith.muli %while3A_288, %mul3A_444 : i32
                %add3A_446 = arith.addi %mul3A_56, %mul3A_445 : i32
                %add3A_447 = arith.constant 704 : i32
                %add3A_448 = arith.addi %add3A_446, %add3A_447 : i32
                %scan3A_449 = arith.constant 0 : i32
                %scan3A_450 = arith.constant 11 : i32
                %scan3A_451 = arith.addi %scan3A_449, %scan3A_450 : i32
                %scan3A_452 = arith.constant 1 : i32
                %scan3A_453 = scf.for %scan3A_455 = %scan3A_449 to %scan3A_451 step %scan3A_452 iter_args(%scan3A_456 = %cond3A_395) -> (i32)  : i32 {
                  %mul3A_457 = arith.constant 16 : i32
                  %mul3A_458 = arith.muli %scan3A_455, %mul3A_457 : i32
                  %add3A_459 = arith.addi %add3A_448, %mul3A_458 : i32
                  %get3A_460 = arith.index_cast %add3A_459 : i32 to index
                  %get3A_461 = tpu.vector_load %arg6[%get3A_460] {strides = array<i32>} : memref<25344xf32, #tpu.memory_space<vmem>>, vector<16xf32>,
                  %gt3A_462 = vector.broadcast %squeeze3A : f32 to vector<16xf32>
                  %gt3A_463 = arith.cmpf ogt, %get3A_461, %gt3A_462 : vector<16xf32>
                  %swap3A_464 = arith.index_cast %scan3A_456 : i32 to index
                  %swap3A_465 = tpu.vector_load %arg10[%swap3A_464] masked %gt3A_463 {strides = array<i32>} : memref<8192xf32, #tpu.memory_space<vmem>>, vector<16xf32>, vector<16xi1>
                  tpu.vector_store %arg10[%swap3A_464], %get3A_461 masked %gt3A_463 {strides = array<i32>} : memref<8192xf32, #tpu.memory_space<vmem>>, vector<16xf32>, vector<16xi1>
                  %all_reduce_population_count3A_466 = tpu.all_reduce %gt3A_463 {dim = 0 : i64, kind = #tpu.reduction_kind<sum>} : vector<16xi1> -> vector<16xi32>
                  %slice3A_467 = vector.extract_strided_slice %all_reduce_population_count3A_466 {offsets = [0], sizes = [1], strides = [1]} : vector<16xi32> to vector<1xi32>
                  %squeeze3A_468 = vector.extract %slice3A_467[0] : i32 from vector<1xi32>
                  %add3A_469 = arith.addi %scan3A_456, %squeeze3A_468 : i32
                  scf.yield %add3A_469 : i32
                }
                %scan3A_454 = arith.constant 11 : i32
                scf.yield %scan3A_453 : i32
              } else {
                scf.yield %cond3A_395 : i32
              }
              %all_reduce_population_count3A_417 = tpu.all_reduce %gt3A_380 {dim = 0 : i64, kind = #tpu.reduction_kind<sum>} : vector<16xi1> -> vector<16xi32>
              %slice3A_418 = vector.extract_strided_slice %all_reduce_population_count3A_417 {offsets = [0], sizes = [1], strides = [1]} : vector<16xi32> to vector<1xi32>
              %squeeze3A_419 = vector.extract %slice3A_418[0] : i32 from vector<1xi32>
              %gt3A_420 = arith.constant 0 : i32
              %gt3A_421 = arith.cmpi sgt, %squeeze3A_419, %gt3A_420 : i32
              %convert_element_type3A_422 = arith.extui %gt3A_421 : i1 to i32
              %cond3A_423 = arith.constant 0 : i32
              %cond3A_424 = arith.cmpi ne, %convert_element_type3A_422, %cond3A_423 : i32
              %cond3A_425 = scf.if %cond3A_424 -> (i32) {
                %mul3A_444 = arith.constant 1408 : i32
                %mul3A_445 = arith.muli %while3A_288, %mul3A_444 : i32
                %add3A_446 = arith.addi %mul3A_56, %mul3A_445 : i32
                %add3A_447 = arith.constant 880 : i32
                %add3A_448 = arith.addi %add3A_446, %add3A_447 : i32
                %scan3A_449 = arith.constant 0 : i32
                %scan3A_450 = arith.constant 11 : i32
                %scan3A_451 = arith.addi %scan3A_449, %scan3A_450 : i32
                %scan3A_452 = arith.constant 1 : i32
                %scan3A_453 = scf.for %scan3A_455 = %scan3A_449 to %scan3A_451 step %scan3A_452 iter_args(%scan3A_456 = %cond3A_416) -> (i32)  : i32 {
                  %mul3A_457 = arith.constant 16 : i32
                  %mul3A_458 = arith.muli %scan3A_455, %mul3A_457 : i32
                  %add3A_459 = arith.addi %add3A_448, %mul3A_458 : i32
                  %get3A_460 = arith.index_cast %add3A_459 : i32 to index
                  %get3A_461 = tpu.vector_load %arg6[%get3A_460] {strides = array<i32>} : memref<25344xf32, #tpu.memory_space<vmem>>, vector<16xf32>,
                  %gt3A_462 = vector.broadcast %squeeze3A : f32 to vector<16xf32>
                  %gt3A_463 = arith.cmpf ogt, %get3A_461, %gt3A_462 : vector<16xf32>
                  %swap3A_464 = arith.index_cast %scan3A_456 : i32 to index
                  %swap3A_465 = tpu.vector_load %arg10[%swap3A_464] masked %gt3A_463 {strides = array<i32>} : memref<8192xf32, #tpu.memory_space<vmem>>, vector<16xf32>, vector<16xi1>
                  tpu.vector_store %arg10[%swap3A_464], %get3A_461 masked %gt3A_463 {strides = array<i32>} : memref<8192xf32, #tpu.memory_space<vmem>>, vector<16xf32>, vector<16xi1>
                  %all_reduce_population_count3A_466 = tpu.all_reduce %gt3A_463 {dim = 0 : i64, kind = #tpu.reduction_kind<sum>} : vector<16xi1> -> vector<16xi32>
                  %slice3A_467 = vector.extract_strided_slice %all_reduce_population_count3A_466 {offsets = [0], sizes = [1], strides = [1]} : vector<16xi32> to vector<1xi32>
                  %squeeze3A_468 = vector.extract %slice3A_467[0] : i32 from vector<1xi32>
                  %add3A_469 = arith.addi %scan3A_456, %squeeze3A_468 : i32
                  scf.yield %add3A_469 : i32
                }
                %scan3A_454 = arith.constant 11 : i32
                scf.yield %scan3A_453 : i32
              } else {
                scf.yield %cond3A_416 : i32
              }
              %all_reduce_population_count3A_426 = tpu.all_reduce %gt3A_382 {dim = 0 : i64, kind = #tpu.reduction_kind<sum>} : vector<16xi1> -> vector<16xi32>
              %slice3A_427 = vector.extract_strided_slice %all_reduce_population_count3A_426 {offsets = [0], sizes = [1], strides = [1]} : vector<16xi32> to vector<1xi32>
              %squeeze3A_428 = vector.extract %slice3A_427[0] : i32 from vector<1xi32>
              %gt3A_429 = arith.constant 0 : i32
              %gt3A_430 = arith.cmpi sgt, %squeeze3A_428, %gt3A_429 : i32
              %convert_element_type3A_431 = arith.extui %gt3A_430 : i1 to i32
              %cond3A_432 = arith.constant 0 : i32
              %cond3A_433 = arith.cmpi ne, %convert_element_type3A_431, %cond3A_432 : i32
              %cond3A_434 = scf.if %cond3A_433 -> (i32) {
                %mul3A_444 = arith.constant 1408 : i32
                %mul3A_445 = arith.muli %while3A_288, %mul3A_444 : i32
                %add3A_446 = arith.addi %mul3A_56, %mul3A_445 : i32
                %add3A_447 = arith.constant 1056 : i32
                %add3A_448 = arith.addi %add3A_446, %add3A_447 : i32
                %scan3A_449 = arith.constant 0 : i32
                %scan3A_450 = arith.constant 11 : i32
                %scan3A_451 = arith.addi %scan3A_449, %scan3A_450 : i32
                %scan3A_452 = arith.constant 1 : i32
                %scan3A_453 = scf.for %scan3A_455 = %scan3A_449 to %scan3A_451 step %scan3A_452 iter_args(%scan3A_456 = %cond3A_425) -> (i32)  : i32 {
                  %mul3A_457 = arith.constant 16 : i32
                  %mul3A_458 = arith.muli %scan3A_455, %mul3A_457 : i32
                  %add3A_459 = arith.addi %add3A_448, %mul3A_458 : i32
                  %get3A_460 = arith.index_cast %add3A_459 : i32 to index
                  %get3A_461 = tpu.vector_load %arg6[%get3A_460] {strides = array<i32>} : memref<25344xf32, #tpu.memory_space<vmem>>, vector<16xf32>,
                  %gt3A_462 = vector.broadcast %squeeze3A : f32 to vector<16xf32>
                  %gt3A_463 = arith.cmpf ogt, %get3A_461, %gt3A_462 : vector<16xf32>
                  %swap3A_464 = arith.index_cast %scan3A_456 : i32 to index
                  %swap3A_465 = tpu.vector_load %arg10[%swap3A_464] masked %gt3A_463 {strides = array<i32>} : memref<8192xf32, #tpu.memory_space<vmem>>, vector<16xf32>, vector<16xi1>
                  tpu.vector_store %arg10[%swap3A_464], %get3A_461 masked %gt3A_463 {strides = array<i32>} : memref<8192xf32, #tpu.memory_space<vmem>>, vector<16xf32>, vector<16xi1>
                  %all_reduce_population_count3A_466 = tpu.all_reduce %gt3A_463 {dim = 0 : i64, kind = #tpu.reduction_kind<sum>} : vector<16xi1> -> vector<16xi32>
                  %slice3A_467 = vector.extract_strided_slice %all_reduce_population_count3A_466 {offsets = [0], sizes = [1], strides = [1]} : vector<16xi32> to vector<1xi32>
                  %squeeze3A_468 = vector.extract %slice3A_467[0] : i32 from vector<1xi32>
                  %add3A_469 = arith.addi %scan3A_456, %squeeze3A_468 : i32
                  scf.yield %add3A_469 : i32
                }
                %scan3A_454 = arith.constant 11 : i32
                scf.yield %scan3A_453 : i32
              } else {
                scf.yield %cond3A_425 : i32
              }
              %all_reduce_population_count3A_435 = tpu.all_reduce %gt3A_384 {dim = 0 : i64, kind = #tpu.reduction_kind<sum>} : vector<16xi1> -> vector<16xi32>
              %slice3A_436 = vector.extract_strided_slice %all_reduce_population_count3A_435 {offsets = [0], sizes = [1], strides = [1]} : vector<16xi32> to vector<1xi32>
              %squeeze3A_437 = vector.extract %slice3A_436[0] : i32 from vector<1xi32>
              %gt3A_438 = arith.constant 0 : i32
              %gt3A_439 = arith.cmpi sgt, %squeeze3A_437, %gt3A_438 : i32
              %convert_element_type3A_440 = arith.extui %gt3A_439 : i1 to i32
              %cond3A_441 = arith.constant 0 : i32
              %cond3A_442 = arith.cmpi ne, %convert_element_type3A_440, %cond3A_441 : i32
              %cond3A_443 = scf.if %cond3A_442 -> (i32) {
                %mul3A_444 = arith.constant 1408 : i32
                %mul3A_445 = arith.muli %while3A_288, %mul3A_444 : i32
                %add3A_446 = arith.addi %mul3A_56, %mul3A_445 : i32
                %add3A_447 = arith.constant 1232 : i32
                %add3A_448 = arith.addi %add3A_446, %add3A_447 : i32
                %scan3A_449 = arith.constant 0 : i32
                %scan3A_450 = arith.constant 11 : i32
                %scan3A_451 = arith.addi %scan3A_449, %scan3A_450 : i32
                %scan3A_452 = arith.constant 1 : i32
                %scan3A_453 = scf.for %scan3A_455 = %scan3A_449 to %scan3A_451 step %scan3A_452 iter_args(%scan3A_456 = %cond3A_434) -> (i32)  : i32 {
                  %mul3A_457 = arith.constant 16 : i32
                  %mul3A_458 = arith.muli %scan3A_455, %mul3A_457 : i32
                  %add3A_459 = arith.addi %add3A_448, %mul3A_458 : i32
                  %get3A_460 = arith.index_cast %add3A_459 : i32 to index
                  %get3A_461 = tpu.vector_load %arg6[%get3A_460] {strides = array<i32>} : memref<25344xf32, #tpu.memory_space<vmem>>, vector<16xf32>,
                  %gt3A_462 = vector.broadcast %squeeze3A : f32 to vector<16xf32>
                  %gt3A_463 = arith.cmpf ogt, %get3A_461, %gt3A_462 : vector<16xf32>
                  %swap3A_464 = arith.index_cast %scan3A_456 : i32 to index
                  %swap3A_465 = tpu.vector_load %arg10[%swap3A_464] masked %gt3A_463 {strides = array<i32>} : memref<8192xf32, #tpu.memory_space<vmem>>, vector<16xf32>, vector<16xi1>
                  tpu.vector_store %arg10[%swap3A_464], %get3A_461 masked %gt3A_463 {strides = array<i32>} : memref<8192xf32, #tpu.memory_space<vmem>>, vector<16xf32>, vector<16xi1>
                  %all_reduce_population_count3A_466 = tpu.all_reduce %gt3A_463 {dim = 0 : i64, kind = #tpu.reduction_kind<sum>} : vector<16xi1> -> vector<16xi32>
                  %slice3A_467 = vector.extract_strided_slice %all_reduce_population_count3A_466 {offsets = [0], sizes = [1], strides = [1]} : vector<16xi32> to vector<1xi32>
                  %squeeze3A_468 = vector.extract %slice3A_467[0] : i32 from vector<1xi32>
                  %add3A_469 = arith.addi %scan3A_456, %squeeze3A_468 : i32
                  scf.yield %add3A_469 : i32
                }
                %scan3A_454 = arith.constant 11 : i32
                scf.yield %scan3A_453 : i32
              } else {
                scf.yield %cond3A_434 : i32
              }
              scf.yield %cond3A_443 : i32
            } else {
              scf.yield %cond3A_395 : i32
            }
            scf.yield %cond3A_407 : i32
          } else {
            scf.yield %while3A_289 : i32
          }
          scf.yield %cond3A_304 : i32
        }
        scf.yield %while3A_287 : i32
      } else {
        scf.yield %scan3A_41 : i32
      }
      %add3A_140 = arith.addi %mul3A_2, %select_n3A_93 : i32
      %jit3A_141 = arith.constant 16 : i32
      %div3A_142 = arith.divsi %add3A_140, %jit3A_141 : i32
      %sign3A_143 = arith.constant 0 : i32
      %sign3A_144 = arith.cmpi sgt, %add3A_140, %sign3A_143 : i32
      %sign3A_145 = arith.extui %sign3A_144 : i1 to i32
      %sign3A_146 = arith.constant 0 : i32
      %sign3A_147 = arith.cmpi slt, %add3A_140, %sign3A_146 : i32
      %sign3A_148 = arith.extui %sign3A_147 : i1 to i32
      %sign3A_149 = arith.subi %sign3A_145, %sign3A_148 : i32
      %sign3A_150 = arith.constant 0 : i32
      %sign3A_151 = arith.cmpi sgt, %jit3A_141, %sign3A_150 : i32
      %sign3A_152 = arith.extui %sign3A_151 : i1 to i32
      %sign3A_153 = arith.constant 0 : i32
      %sign3A_154 = arith.cmpi slt, %jit3A_141, %sign3A_153 : i32
      %sign3A_155 = arith.extui %sign3A_154 : i1 to i32
      %sign3A_156 = arith.subi %sign3A_152, %sign3A_155 : i32
      %ne3A_157 = arith.cmpi ne, %sign3A_149, %sign3A_156 : i32
      %rem3A_158 = arith.remsi %add3A_140, %jit3A_141 : i32
      %ne3A_159 = arith.constant 0 : i32
      %ne3A_160 = arith.cmpi ne, %rem3A_158, %ne3A_159 : i32
      %and3A_161 = arith.andi %ne3A_157, %ne3A_160 : i1
      %sub3A_162 = arith.constant 1 : i32
      %sub3A_163 = arith.subi %div3A_142, %sub3A_162 : i32
      %select_n3A_164 = arith.select %and3A_161, %sub3A_163, %div3A_142 : i32
      %mul3A_165 = arith.constant 16 : i32
      %mul3A_166 = arith.muli %select_n3A_164, %mul3A_165 : i32
      %get3A_167 = arith.index_cast %mul3A_166 : i32 to index
      %get3A_168 = tpu.vector_load %arg9[%get3A_167] {strides = array<i32>} : memref<128xi32, #tpu.memory_space<vmem>>, vector<16xi32>,
      %jit3A_169 = arith.constant 16 : i32
      %eq3A_170 = arith.constant 0 : i32
      %eq3A_171 = arith.cmpi eq, %jit3A_169, %eq3A_170 : i32
      %jit3A_172 = arith.constant 1 : i32
      %select_n3A_173 = arith.select %eq3A_171, %jit3A_172, %jit3A_169 : i32
      %rem3A_174 = arith.remsi %add3A_140, %select_n3A_173 : i32
      %ne3A_175 = arith.constant 0 : i32
      %ne3A_176 = arith.cmpi ne, %rem3A_174, %ne3A_175 : i32
      %lt3A_177 = arith.constant 0 : i32
      %lt3A_178 = arith.cmpi slt, %rem3A_174, %lt3A_177 : i32
      %lt3A_179 = arith.constant 0 : i32
      %lt3A_180 = arith.cmpi slt, %select_n3A_173, %lt3A_179 : i32
      %ne3A_181 = arith.xori %lt3A_178, %lt3A_180 : i1
      %and3A_182 = arith.andi %ne3A_181, %ne3A_176 : i1
      %add3A_183 = arith.addi %rem3A_174, %select_n3A_173 : i32
      %select_n3A_184 = arith.select %and3A_182, %add3A_183, %rem3A_174 : i32
      %eq3A_185 = vector.broadcast %select_n3A_184 : i32 to vector<16xi32>
      %eq3A_186 = arith.cmpi eq, %iota3A, %eq3A_185 : vector<16xi32>
      %jit3A_187 = arith.constant -1 : i32
      %broadcast_in_dim3A_188 = vector.broadcast %jit3A_187 : i32 to vector<16xi32>
      %select_n3A_189 = arith.select %eq3A_186, %get3A_168, %broadcast_in_dim3A_188 : vector<16xi1>, vector<16xi32>
      %reduce_max3A = arith.constant true
      %reduce_max3A_190 = vector.broadcast %reduce_max3A : i1 to vector<16xi1>
      %reduce_max3A_191 = arith.constant -2147483648 : i32
      %reduce_max3A_192 = vector.broadcast %reduce_max3A_191 : i32 to vector<16xi32>
      %reduce_max3A_193 = arith.xori %select_n3A_189, %reduce_max3A_192 : vector<16xi32>
      %reduce_max3A_194 = tpu.scan <max>, %reduce_max3A_193 masked %reduce_max3A_190 : vector<16xi32>, vector<16xi1> -> vector<16xi32>
      %reduce_max3A_195 = arith.xori %reduce_max3A_194, %reduce_max3A_192 : vector<16xi32>
      %reduce_max3A_196 = vector.extract %reduce_max3A_195[15] : i32 from vector<16xi32>
      %mul3A_197 = arith.constant 12672 : i32
      %mul3A_198 = arith.muli %select_n3A_72, %mul3A_197 : i32
      %sub3A_199 = arith.subi %reduce_max3A_196, %mul3A_198 : i32
      %jit3A_200 = arith.constant 11296 : i32
      %jit3A_201 = arith.constant 12672 : i32
      %select_n3A_202 = arith.select %eq3A_95, %jit3A_200, %jit3A_201 : i32
      %ge3A = arith.constant 0 : i32
      %ge3A_203 = arith.cmpi sge, %sub3A_199, %ge3A : i32
      %lt3A_204 = arith.cmpi slt, %sub3A_199, %select_n3A_202 : i32
      %and3A_205 = arith.andi %ge3A_203, %lt3A_204 : i1
      %min3A = arith.constant 12671 : i32
      %min3A_206 = arith.minsi %sub3A_199, %min3A : i32
      %max3A = arith.constant 0 : i32
      %max3A_207 = arith.maxsi %min3A_206, %max3A : i32
      %jit3A_208 = arith.constant 16 : i32
      %div3A_209 = arith.divsi %max3A_207, %jit3A_208 : i32
      %sign3A_210 = arith.constant 0 : i32
      %sign3A_211 = arith.cmpi sgt, %max3A_207, %sign3A_210 : i32
      %sign3A_212 = arith.extui %sign3A_211 : i1 to i32
      %sign3A_213 = arith.constant 0 : i32
      %sign3A_214 = arith.cmpi slt, %max3A_207, %sign3A_213 : i32
      %sign3A_215 = arith.extui %sign3A_214 : i1 to i32
      %sign3A_216 = arith.subi %sign3A_212, %sign3A_215 : i32
      %sign3A_217 = arith.constant 0 : i32
      %sign3A_218 = arith.cmpi sgt, %jit3A_208, %sign3A_217 : i32
      %sign3A_219 = arith.extui %sign3A_218 : i1 to i32
      %sign3A_220 = arith.constant 0 : i32
      %sign3A_221 = arith.cmpi slt, %jit3A_208, %sign3A_220 : i32
      %sign3A_222 = arith.extui %sign3A_221 : i1 to i32
      %sign3A_223 = arith.subi %sign3A_219, %sign3A_222 : i32
      %ne3A_224 = arith.cmpi ne, %sign3A_216, %sign3A_223 : i32
      %rem3A_225 = arith.remsi %max3A_207, %jit3A_208 : i32
      %ne3A_226 = arith.constant 0 : i32
      %ne3A_227 = arith.cmpi ne, %rem3A_225, %ne3A_226 : i32
      %and3A_228 = arith.andi %ne3A_224, %ne3A_227 : i1
      %sub3A_229 = arith.constant 1 : i32
      %sub3A_230 = arith.subi %div3A_209, %sub3A_229 : i32
      %select_n3A_231 = arith.select %and3A_228, %sub3A_230, %div3A_209 : i32
      %mul3A_232 = arith.constant 16 : i32
      %mul3A_233 = arith.muli %select_n3A_231, %mul3A_232 : i32
      %add3A_234 = arith.addi %mul3A_56, %mul3A_233 : i32
      %get3A_235 = arith.index_cast %add3A_234 : i32 to index
      %get3A_236 = tpu.vector_load %arg6[%get3A_235] {strides = array<i32>} : memref<25344xf32, #tpu.memory_space<vmem>>, vector<16xf32>,
      %jit3A_237 = arith.constant 16 : i32
      %eq3A_238 = arith.constant 0 : i32
      %eq3A_239 = arith.cmpi eq, %jit3A_237, %eq3A_238 : i32
      %jit3A_240 = arith.constant 1 : i32
      %select_n3A_241 = arith.select %eq3A_239, %jit3A_240, %jit3A_237 : i32
      %rem3A_242 = arith.remsi %max3A_207, %select_n3A_241 : i32
      %ne3A_243 = arith.constant 0 : i32
      %ne3A_244 = arith.cmpi ne, %rem3A_242, %ne3A_243 : i32
      %lt3A_245 = arith.constant 0 : i32
      %lt3A_246 = arith.cmpi slt, %rem3A_242, %lt3A_245 : i32
      %lt3A_247 = arith.constant 0 : i32
      %lt3A_248 = arith.cmpi slt, %select_n3A_241, %lt3A_247 : i32
      %ne3A_249 = arith.xori %lt3A_246, %lt3A_248 : i1
      %and3A_250 = arith.andi %ne3A_249, %ne3A_244 : i1
      %add3A_251 = arith.addi %rem3A_242, %select_n3A_241 : i32
      %select_n3A_252 = arith.select %and3A_250, %add3A_251, %rem3A_242 : i32
      %eq3A_253 = vector.broadcast %select_n3A_252 : i32 to vector<16xi32>
      %eq3A_254 = arith.cmpi eq, %iota3A, %eq3A_253 : vector<16xi32>
      %jit3A_255 = arith.constant 0xFF800000 : f32
      %broadcast_in_dim3A_256 = vector.broadcast %jit3A_255 : f32 to vector<16xf32>
      %select_n3A_257 = arith.select %eq3A_254, %get3A_236, %broadcast_in_dim3A_256 : vector<16xi1>, vector<16xf32>
      %reduce_max3A_258 = arith.constant true
      %reduce_max3A_259 = vector.broadcast %reduce_max3A_258 : i1 to vector<16xi1>
      %reduce_max3A_260 = tpu.scan <max>, %select_n3A_257 masked %reduce_max3A_259 : vector<16xf32>, vector<16xi1> -> vector<16xf32>
      %reduce_max3A_261 = vector.extract %reduce_max3A_260[15] : f32 from vector<16xf32>
      %select_n3A_262 = arith.select %and3A_205, %reduce_max3A_261, %scan3A_42 : f32
      %eq3A_263 = arith.constant 0 : i32
      %eq3A_264 = arith.cmpi eq, %select_n3A_54, %eq3A_263 : i32
      %convert_element_type3A_265 = arith.extui %eq3A_264 : i1 to i32
      %cond3A_266 = arith.constant 0 : i32
      %cond3A_267 = arith.cmpi ne, %convert_element_type3A_265, %cond3A_266 : i32
      scf.if %cond3A_267 {
        %add3A_277 = arith.constant 2 : i32
        %add3A_278 = arith.addi %scan3A_39, %add3A_277 : i32
        %jit3A_279 = arith.constant 8 : i32
        %eq3A_280 = arith.constant 0 : i32
        %eq3A_281 = arith.cmpi eq, %jit3A_279, %eq3A_280 : i32
        %jit3A_282 = arith.constant 1 : i32
        %select_n3A_283 = arith.select %eq3A_281, %jit3A_282, %jit3A_279 : i32
        %rem3A_284 = arith.remsi %add3A_278, %select_n3A_283 : i32
        %ne3A_285 = arith.constant 0 : i32
        %ne3A_286 = arith.cmpi ne, %rem3A_284, %ne3A_285 : i32
        %lt3A_287 = arith.constant 0 : i32
        %lt3A_288 = arith.cmpi slt, %rem3A_284, %lt3A_287 : i32
        %lt3A_289 = arith.constant 0 : i32
        %lt3A_290 = arith.cmpi slt, %select_n3A_283, %lt3A_289 : i32
        %ne3A_291 = arith.xori %lt3A_288, %lt3A_290 : i1
        %and3A_292 = arith.andi %ne3A_291, %ne3A_286 : i1
        %add3A_293 = arith.addi %rem3A_284, %select_n3A_283 : i32
        %select_n3A_294 = arith.select %and3A_292, %add3A_293, %rem3A_284 : i32
        %lt3A_295 = arith.constant 32 : i32
        %lt3A_296 = arith.cmpi slt, %add3A_278, %lt3A_295 : i32
        %lt3A_297 = arith.constant 7 : i32
        %lt3A_298 = arith.cmpi slt, %select_n3A_294, %lt3A_297 : i32
        %and3A_299 = arith.andi %lt3A_296, %lt3A_298 : i1
        %convert_element_type3A_300 = arith.extui %and3A_299 : i1 to i32
        %cond3A_301 = arith.constant 0 : i32
        %cond3A_302 = arith.cmpi ne, %convert_element_type3A_300, %cond3A_301 : i32
        scf.if %cond3A_302 {
          %jit3A_311 = arith.constant 8 : i32
          %div3A_312 = arith.divsi %add3A_278, %jit3A_311 : i32
          %sign3A_313 = arith.constant 0 : i32
          %sign3A_314 = arith.cmpi sgt, %add3A_278, %sign3A_313 : i32
          %sign3A_315 = arith.extui %sign3A_314 : i1 to i32
          %sign3A_316 = arith.constant 0 : i32
          %sign3A_317 = arith.cmpi slt, %add3A_278, %sign3A_316 : i32
          %sign3A_318 = arith.extui %sign3A_317 : i1 to i32
          %sign3A_319 = arith.subi %sign3A_315, %sign3A_318 : i32
          %sign3A_320 = arith.constant 0 : i32
          %sign3A_321 = arith.cmpi sgt, %jit3A_311, %sign3A_320 : i32
          %sign3A_322 = arith.extui %sign3A_321 : i1 to i32
          %sign3A_323 = arith.constant 0 : i32
          %sign3A_324 = arith.cmpi slt, %jit3A_311, %sign3A_323 : i32
          %sign3A_325 = arith.extui %sign3A_324 : i1 to i32
          %sign3A_326 = arith.subi %sign3A_322, %sign3A_325 : i32
          %ne3A_327 = arith.cmpi ne, %sign3A_319, %sign3A_326 : i32
          %rem3A_328 = arith.remsi %add3A_278, %jit3A_311 : i32
          %ne3A_329 = arith.constant 0 : i32
          %ne3A_330 = arith.cmpi ne, %rem3A_328, %ne3A_329 : i32
          %and3A_331 = arith.andi %ne3A_327, %ne3A_330 : i1
          %sub3A_332 = arith.constant 1 : i32
          %sub3A_333 = arith.subi %div3A_312, %sub3A_332 : i32
          %select_n3A_334 = arith.select %and3A_331, %sub3A_333, %div3A_312 : i32
          %add3A_335 = arith.addi %mul3A_2, %select_n3A_334 : i32
          %jit3A_336 = arith.constant 8 : i32
          %eq3A_337 = arith.constant 0 : i32
          %eq3A_338 = arith.cmpi eq, %jit3A_336, %eq3A_337 : i32
          %jit3A_339 = arith.constant 1 : i32
          %select_n3A_340 = arith.select %eq3A_338, %jit3A_339, %jit3A_336 : i32
          %rem3A_341 = arith.remsi %add3A_278, %select_n3A_340 : i32
          %ne3A_342 = arith.constant 0 : i32
          %ne3A_343 = arith.cmpi ne, %rem3A_341, %ne3A_342 : i32
          %lt3A_344 = arith.constant 0 : i32
          %lt3A_345 = arith.cmpi slt, %rem3A_341, %lt3A_344 : i32
          %lt3A_346 = arith.constant 0 : i32
          %lt3A_347 = arith.cmpi slt, %select_n3A_340, %lt3A_346 : i32
          %ne3A_348 = arith.xori %lt3A_345, %lt3A_347 : i1
          %and3A_349 = arith.andi %ne3A_348, %ne3A_343 : i1
          %add3A_350 = arith.addi %rem3A_341, %select_n3A_340 : i32
          %select_n3A_351 = arith.select %and3A_349, %add3A_350, %rem3A_341 : i32
          %mul3A_352 = arith.constant 12672 : i32
          %mul3A_353 = arith.muli %select_n3A_351, %mul3A_352 : i32
          %multiple_of3A = tpu.assume_multiple %mul3A_353, 128 : i32
          %dma_start3A = arith.constant 0 : i32
          %dma_start3A_354 = tpu.memref_slice %arg6[%dma_start3A] : memref<25344xf32, #tpu.memory_space<vmem>> -> memref<12672xf32, #tpu.memory_space<vmem>>
          %dma_start3A_355 = arith.constant 0 : i32
          %dma_start3A_356 = tpu.memref_slice %arg2[%add3A_335, %dma_start3A_355] : memref<128x100000xf32, #tpu.memory_space<hbm>> -> memref<1x100000xf32, #tpu.memory_space<hbm>>
          %dma_start3A_357 = tpu.memref_squeeze %dma_start3A_356 : memref<1x100000xf32, #tpu.memory_space<hbm>> -> memref<100000xf32, #tpu.memory_space<hbm>>
          %dma_start3A_358 = tpu.memref_slice %dma_start3A_357[%multiple_of3A] : memref<100000xf32, #tpu.memory_space<hbm>> -> memref<12672xf32, #tpu.memory_space<hbm>>
          %dma_start3A_359 = arith.constant 0 : i32
          %dma_start3A_360 = tpu.memref_slice %arg6[%dma_start3A_359] : memref<25344xf32, #tpu.memory_space<vmem>> -> memref<12672xf32, #tpu.memory_space<vmem>>
          %dma_start3A_361 = arith.constant 0 : i32
          %dma_start3A_362 = tpu.memref_slice %arg2[%add3A_335, %dma_start3A_361] : memref<128x100000xf32, #tpu.memory_space<hbm>> -> memref<1x100000xf32, #tpu.memory_space<hbm>>
          %dma_start3A_363 = tpu.memref_squeeze %dma_start3A_362 : memref<1x100000xf32, #tpu.memory_space<hbm>> -> memref<100000xf32, #tpu.memory_space<hbm>>
          %dma_start3A_364 = tpu.memref_slice %dma_start3A_363[%multiple_of3A] : memref<100000xf32, #tpu.memory_space<hbm>> -> memref<12672xf32, #tpu.memory_space<hbm>>
          tpu.enqueue_dma source(%dma_start3A_364 : memref<12672xf32, #tpu.memory_space<hbm>>) target(%dma_start3A_360 : memref<12672xf32, #tpu.memory_space<vmem>>) target_semaphore(%arg13 : memref<!tpu.dma_semaphore, #tpu.memory_space<semaphore_mem>>)
        } else {
        }
        %lt3A_303 = arith.constant 32 : i32
        %lt3A_304 = arith.cmpi slt, %add3A_278, %lt3A_303 : i32
        %eq3A_305 = arith.constant 7 : i32
        %eq3A_306 = arith.cmpi eq, %select_n3A_294, %eq3A_305 : i32
        %and3A_307 = arith.andi %lt3A_304, %eq3A_306 : i1
        %convert_element_type3A_308 = arith.extui %and3A_307 : i1 to i32
        %cond3A_309 = arith.constant 0 : i32
        %cond3A_310 = arith.cmpi ne, %convert_element_type3A_308, %cond3A_309 : i32
        scf.if %cond3A_310 {
          %mul3A_311 = arith.constant 0 : i32
          %mul3A_312 = arith.muli %mul3A_311, %add3A_278 : i32
          %add3A_313 = arith.constant 88704 : i32
          %add3A_314 = arith.addi %add3A_313, %mul3A_312 : i32
          %multiple_of3A = tpu.assume_multiple %add3A_314, 128 : i32
          %jit3A_315 = arith.constant 8 : i32
          %div3A_316 = arith.divsi %add3A_278, %jit3A_315 : i32
          %sign3A_317 = arith.constant 0 : i32
          %sign3A_318 = arith.cmpi sgt, %add3A_278, %sign3A_317 : i32
          %sign3A_319 = arith.extui %sign3A_318 : i1 to i32
          %sign3A_320 = arith.constant 0 : i32
          %sign3A_321 = arith.cmpi slt, %add3A_278, %sign3A_320 : i32
          %sign3A_322 = arith.extui %sign3A_321 : i1 to i32
          %sign3A_323 = arith.subi %sign3A_319, %sign3A_322 : i32
          %sign3A_324 = arith.constant 0 : i32
          %sign3A_325 = arith.cmpi sgt, %jit3A_315, %sign3A_324 : i32
          %sign3A_326 = arith.extui %sign3A_325 : i1 to i32
          %sign3A_327 = arith.constant 0 : i32
          %sign3A_328 = arith.cmpi slt, %jit3A_315, %sign3A_327 : i32
          %sign3A_329 = arith.extui %sign3A_328 : i1 to i32
          %sign3A_330 = arith.subi %sign3A_326, %sign3A_329 : i32
          %ne3A_331 = arith.cmpi ne, %sign3A_323, %sign3A_330 : i32
          %rem3A_332 = arith.remsi %add3A_278, %jit3A_315 : i32
          %ne3A_333 = arith.constant 0 : i32
          %ne3A_334 = arith.cmpi ne, %rem3A_332, %ne3A_333 : i32
          %and3A_335 = arith.andi %ne3A_331, %ne3A_334 : i1
          %sub3A_336 = arith.constant 1 : i32
          %sub3A_337 = arith.subi %div3A_316, %sub3A_336 : i32
          %select_n3A_338 = arith.select %and3A_335, %sub3A_337, %div3A_316 : i32
          %add3A_339 = arith.addi %mul3A_2, %select_n3A_338 : i32
          %dma_start3A = arith.constant 0 : i32
          %dma_start3A_340 = tpu.memref_slice %arg6[%dma_start3A] : memref<25344xf32, #tpu.memory_space<vmem>> -> memref<11392xf32, #tpu.memory_space<vmem>>
          %dma_start3A_341 = arith.constant 0 : i32
          %dma_start3A_342 = tpu.memref_slice %arg2[%add3A_339, %dma_start3A_341] : memref<128x100000xf32, #tpu.memory_space<hbm>> -> memref<1x100000xf32, #tpu.memory_space<hbm>>
          %dma_start3A_343 = tpu.memref_squeeze %dma_start3A_342 : memref<1x100000xf32, #tpu.memory_space<hbm>> -> memref<100000xf32, #tpu.memory_space<hbm>>
          %dma_start3A_344 = tpu.memref_slice %dma_start3A_343[%multiple_of3A] : memref<100000xf32, #tpu.memory_space<hbm>> -> memref<11392xf32, #tpu.memory_space<hbm>>
          %dma_start3A_345 = arith.constant 0 : i32
          %dma_start3A_346 = tpu.memref_slice %arg6[%dma_start3A_345] : memref<25344xf32, #tpu.memory_space<vmem>> -> memref<11392xf32, #tpu.memory_space<vmem>>
          %dma_start3A_347 = arith.constant 0 : i32
          %dma_start3A_348 = tpu.memref_slice %arg2[%add3A_339, %dma_start3A_347] : memref<128x100000xf32, #tpu.memory_space<hbm>> -> memref<1x100000xf32, #tpu.memory_space<hbm>>
          %dma_start3A_349 = tpu.memref_squeeze %dma_start3A_348 : memref<1x100000xf32, #tpu.memory_space<hbm>> -> memref<100000xf32, #tpu.memory_space<hbm>>
          %dma_start3A_350 = tpu.memref_slice %dma_start3A_349[%multiple_of3A] : memref<100000xf32, #tpu.memory_space<hbm>> -> memref<11392xf32, #tpu.memory_space<hbm>>
          tpu.enqueue_dma source(%dma_start3A_350 : memref<11392xf32, #tpu.memory_space<hbm>>) target(%dma_start3A_346 : memref<11392xf32, #tpu.memory_space<vmem>>) target_semaphore(%arg13 : memref<!tpu.dma_semaphore, #tpu.memory_space<semaphore_mem>>)
        } else {
        }
      } else {
      }
      %eq3A_268 = arith.constant 1 : i32
      %eq3A_269 = arith.cmpi eq, %select_n3A_54, %eq3A_268 : i32
      %convert_element_type3A_270 = arith.extui %eq3A_269 : i1 to i32
      %cond3A_271 = arith.constant 0 : i32
      %cond3A_272 = arith.cmpi ne, %convert_element_type3A_270, %cond3A_271 : i32
      scf.if %cond3A_272 {
        %add3A_277 = arith.constant 2 : i32
        %add3A_278 = arith.addi %scan3A_39, %add3A_277 : i32
        %jit3A_279 = arith.constant 8 : i32
        %eq3A_280 = arith.constant 0 : i32
        %eq3A_281 = arith.cmpi eq, %jit3A_279, %eq3A_280 : i32
        %jit3A_282 = arith.constant 1 : i32
        %select_n3A_283 = arith.select %eq3A_281, %jit3A_282, %jit3A_279 : i32
        %rem3A_284 = arith.remsi %add3A_278, %select_n3A_283 : i32
        %ne3A_285 = arith.constant 0 : i32
        %ne3A_286 = arith.cmpi ne, %rem3A_284, %ne3A_285 : i32
        %lt3A_287 = arith.constant 0 : i32
        %lt3A_288 = arith.cmpi slt, %rem3A_284, %lt3A_287 : i32
        %lt3A_289 = arith.constant 0 : i32
        %lt3A_290 = arith.cmpi slt, %select_n3A_283, %lt3A_289 : i32
        %ne3A_291 = arith.xori %lt3A_288, %lt3A_290 : i1
        %and3A_292 = arith.andi %ne3A_291, %ne3A_286 : i1
        %add3A_293 = arith.addi %rem3A_284, %select_n3A_283 : i32
        %select_n3A_294 = arith.select %and3A_292, %add3A_293, %rem3A_284 : i32
        %lt3A_295 = arith.constant 32 : i32
        %lt3A_296 = arith.cmpi slt, %add3A_278, %lt3A_295 : i32
        %lt3A_297 = arith.constant 7 : i32
        %lt3A_298 = arith.cmpi slt, %select_n3A_294, %lt3A_297 : i32
        %and3A_299 = arith.andi %lt3A_296, %lt3A_298 : i1
        %convert_element_type3A_300 = arith.extui %and3A_299 : i1 to i32
        %cond3A_301 = arith.constant 0 : i32
        %cond3A_302 = arith.cmpi ne, %convert_element_type3A_300, %cond3A_301 : i32
        scf.if %cond3A_302 {
          %jit3A_311 = arith.constant 8 : i32
          %div3A_312 = arith.divsi %add3A_278, %jit3A_311 : i32
          %sign3A_313 = arith.constant 0 : i32
          %sign3A_314 = arith.cmpi sgt, %add3A_278, %sign3A_313 : i32
          %sign3A_315 = arith.extui %sign3A_314 : i1 to i32
          %sign3A_316 = arith.constant 0 : i32
          %sign3A_317 = arith.cmpi slt, %add3A_278, %sign3A_316 : i32
          %sign3A_318 = arith.extui %sign3A_317 : i1 to i32
          %sign3A_319 = arith.subi %sign3A_315, %sign3A_318 : i32
          %sign3A_320 = arith.constant 0 : i32
          %sign3A_321 = arith.cmpi sgt, %jit3A_311, %sign3A_320 : i32
          %sign3A_322 = arith.extui %sign3A_321 : i1 to i32
          %sign3A_323 = arith.constant 0 : i32
          %sign3A_324 = arith.cmpi slt, %jit3A_311, %sign3A_323 : i32
          %sign3A_325 = arith.extui %sign3A_324 : i1 to i32
          %sign3A_326 = arith.subi %sign3A_322, %sign3A_325 : i32
          %ne3A_327 = arith.cmpi ne, %sign3A_319, %sign3A_326 : i32
          %rem3A_328 = arith.remsi %add3A_278, %jit3A_311 : i32
          %ne3A_329 = arith.constant 0 : i32
          %ne3A_330 = arith.cmpi ne, %rem3A_328, %ne3A_329 : i32
          %and3A_331 = arith.andi %ne3A_327, %ne3A_330 : i1
          %sub3A_332 = arith.constant 1 : i32
          %sub3A_333 = arith.subi %div3A_312, %sub3A_332 : i32
          %select_n3A_334 = arith.select %and3A_331, %sub3A_333, %div3A_312 : i32
          %add3A_335 = arith.addi %mul3A_2, %select_n3A_334 : i32
          %jit3A_336 = arith.constant 8 : i32
          %eq3A_337 = arith.constant 0 : i32
          %eq3A_338 = arith.cmpi eq, %jit3A_336, %eq3A_337 : i32
          %jit3A_339 = arith.constant 1 : i32
          %select_n3A_340 = arith.select %eq3A_338, %jit3A_339, %jit3A_336 : i32
          %rem3A_341 = arith.remsi %add3A_278, %select_n3A_340 : i32
          %ne3A_342 = arith.constant 0 : i32
          %ne3A_343 = arith.cmpi ne, %rem3A_341, %ne3A_342 : i32
          %lt3A_344 = arith.constant 0 : i32
          %lt3A_345 = arith.cmpi slt, %rem3A_341, %lt3A_344 : i32
          %lt3A_346 = arith.constant 0 : i32
          %lt3A_347 = arith.cmpi slt, %select_n3A_340, %lt3A_346 : i32
          %ne3A_348 = arith.xori %lt3A_345, %lt3A_347 : i1
          %and3A_349 = arith.andi %ne3A_348, %ne3A_343 : i1
          %add3A_350 = arith.addi %rem3A_341, %select_n3A_340 : i32
          %select_n3A_351 = arith.select %and3A_349, %add3A_350, %rem3A_341 : i32
          %mul3A_352 = arith.constant 12672 : i32
          %mul3A_353 = arith.muli %select_n3A_351, %mul3A_352 : i32
          %multiple_of3A = tpu.assume_multiple %mul3A_353, 128 : i32
          %dma_start3A = arith.constant 12672 : i32
          %dma_start3A_354 = tpu.memref_slice %arg6[%dma_start3A] : memref<25344xf32, #tpu.memory_space<vmem>> -> memref<12672xf32, #tpu.memory_space<vmem>>
          %dma_start3A_355 = arith.constant 0 : i32
          %dma_start3A_356 = tpu.memref_slice %arg2[%add3A_335, %dma_start3A_355] : memref<128x100000xf32, #tpu.memory_space<hbm>> -> memref<1x100000xf32, #tpu.memory_space<hbm>>
          %dma_start3A_357 = tpu.memref_squeeze %dma_start3A_356 : memref<1x100000xf32, #tpu.memory_space<hbm>> -> memref<100000xf32, #tpu.memory_space<hbm>>
          %dma_start3A_358 = tpu.memref_slice %dma_start3A_357[%multiple_of3A] : memref<100000xf32, #tpu.memory_space<hbm>> -> memref<12672xf32, #tpu.memory_space<hbm>>
          %dma_start3A_359 = arith.constant 12672 : i32
          %dma_start3A_360 = tpu.memref_slice %arg6[%dma_start3A_359] : memref<25344xf32, #tpu.memory_space<vmem>> -> memref<12672xf32, #tpu.memory_space<vmem>>
          %dma_start3A_361 = arith.constant 0 : i32
          %dma_start3A_362 = tpu.memref_slice %arg2[%add3A_335, %dma_start3A_361] : memref<128x100000xf32, #tpu.memory_space<hbm>> -> memref<1x100000xf32, #tpu.memory_space<hbm>>
          %dma_start3A_363 = tpu.memref_squeeze %dma_start3A_362 : memref<1x100000xf32, #tpu.memory_space<hbm>> -> memref<100000xf32, #tpu.memory_space<hbm>>
          %dma_start3A_364 = tpu.memref_slice %dma_start3A_363[%multiple_of3A] : memref<100000xf32, #tpu.memory_space<hbm>> -> memref<12672xf32, #tpu.memory_space<hbm>>
          tpu.enqueue_dma source(%dma_start3A_364 : memref<12672xf32, #tpu.memory_space<hbm>>) target(%dma_start3A_360 : memref<12672xf32, #tpu.memory_space<vmem>>) target_semaphore(%arg14 : memref<!tpu.dma_semaphore, #tpu.memory_space<semaphore_mem>>)
        } else {
        }
        %lt3A_303 = arith.constant 32 : i32
        %lt3A_304 = arith.cmpi slt, %add3A_278, %lt3A_303 : i32
        %eq3A_305 = arith.constant 7 : i32
        %eq3A_306 = arith.cmpi eq, %select_n3A_294, %eq3A_305 : i32
        %and3A_307 = arith.andi %lt3A_304, %eq3A_306 : i1
        %convert_element_type3A_308 = arith.extui %and3A_307 : i1 to i32
        %cond3A_309 = arith.constant 0 : i32
        %cond3A_310 = arith.cmpi ne, %convert_element_type3A_308, %cond3A_309 : i32
        scf.if %cond3A_310 {
          %mul3A_311 = arith.constant 0 : i32
          %mul3A_312 = arith.muli %mul3A_311, %add3A_278 : i32
          %add3A_313 = arith.constant 88704 : i32
          %add3A_314 = arith.addi %add3A_313, %mul3A_312 : i32
          %multiple_of3A = tpu.assume_multiple %add3A_314, 128 : i32
          %jit3A_315 = arith.constant 8 : i32
          %div3A_316 = arith.divsi %add3A_278, %jit3A_315 : i32
          %sign3A_317 = arith.constant 0 : i32
          %sign3A_318 = arith.cmpi sgt, %add3A_278, %sign3A_317 : i32
          %sign3A_319 = arith.extui %sign3A_318 : i1 to i32
          %sign3A_320 = arith.constant 0 : i32
          %sign3A_321 = arith.cmpi slt, %add3A_278, %sign3A_320 : i32
          %sign3A_322 = arith.extui %sign3A_321 : i1 to i32
          %sign3A_323 = arith.subi %sign3A_319, %sign3A_322 : i32
          %sign3A_324 = arith.constant 0 : i32
          %sign3A_325 = arith.cmpi sgt, %jit3A_315, %sign3A_324 : i32
          %sign3A_326 = arith.extui %sign3A_325 : i1 to i32
          %sign3A_327 = arith.constant 0 : i32
          %sign3A_328 = arith.cmpi slt, %jit3A_315, %sign3A_327 : i32
          %sign3A_329 = arith.extui %sign3A_328 : i1 to i32
          %sign3A_330 = arith.subi %sign3A_326, %sign3A_329 : i32
          %ne3A_331 = arith.cmpi ne, %sign3A_323, %sign3A_330 : i32
          %rem3A_332 = arith.remsi %add3A_278, %jit3A_315 : i32
          %ne3A_333 = arith.constant 0 : i32
          %ne3A_334 = arith.cmpi ne, %rem3A_332, %ne3A_333 : i32
          %and3A_335 = arith.andi %ne3A_331, %ne3A_334 : i1
          %sub3A_336 = arith.constant 1 : i32
          %sub3A_337 = arith.subi %div3A_316, %sub3A_336 : i32
          %select_n3A_338 = arith.select %and3A_335, %sub3A_337, %div3A_316 : i32
          %add3A_339 = arith.addi %mul3A_2, %select_n3A_338 : i32
          %dma_start3A = arith.constant 12672 : i32
          %dma_start3A_340 = tpu.memref_slice %arg6[%dma_start3A] : memref<25344xf32, #tpu.memory_space<vmem>> -> memref<11392xf32, #tpu.memory_space<vmem>>
          %dma_start3A_341 = arith.constant 0 : i32
          %dma_start3A_342 = tpu.memref_slice %arg2[%add3A_339, %dma_start3A_341] : memref<128x100000xf32, #tpu.memory_space<hbm>> -> memref<1x100000xf32, #tpu.memory_space<hbm>>
          %dma_start3A_343 = tpu.memref_squeeze %dma_start3A_342 : memref<1x100000xf32, #tpu.memory_space<hbm>> -> memref<100000xf32, #tpu.memory_space<hbm>>
          %dma_start3A_344 = tpu.memref_slice %dma_start3A_343[%multiple_of3A] : memref<100000xf32, #tpu.memory_space<hbm>> -> memref<11392xf32, #tpu.memory_space<hbm>>
          %dma_start3A_345 = arith.constant 12672 : i32
          %dma_start3A_346 = tpu.memref_slice %arg6[%dma_start3A_345] : memref<25344xf32, #tpu.memory_space<vmem>> -> memref<11392xf32, #tpu.memory_space<vmem>>
          %dma_start3A_347 = arith.constant 0 : i32
          %dma_start3A_348 = tpu.memref_slice %arg2[%add3A_339, %dma_start3A_347] : memref<128x100000xf32, #tpu.memory_space<hbm>> -> memref<1x100000xf32, #tpu.memory_space<hbm>>
          %dma_start3A_349 = tpu.memref_squeeze %dma_start3A_348 : memref<1x100000xf32, #tpu.memory_space<hbm>> -> memref<100000xf32, #tpu.memory_space<hbm>>
          %dma_start3A_350 = tpu.memref_slice %dma_start3A_349[%multiple_of3A] : memref<100000xf32, #tpu.memory_space<hbm>> -> memref<11392xf32, #tpu.memory_space<hbm>>
          tpu.enqueue_dma source(%dma_start3A_350 : memref<11392xf32, #tpu.memory_space<hbm>>) target(%dma_start3A_346 : memref<11392xf32, #tpu.memory_space<vmem>>) target_semaphore(%arg14 : memref<!tpu.dma_semaphore, #tpu.memory_space<semaphore_mem>>)
        } else {
        }
      } else {
      }
      %convert_element_type3A_273 = arith.extui %eq3A_95 : i1 to i32
      %cond3A_274 = arith.constant 0 : i32
      %cond3A_275 = arith.cmpi ne, %convert_element_type3A_273, %cond3A_274 : i32
      %cond3A_276:5 = scf.if %cond3A_275 -> (vector<16xf32>, i32, f32, vector<16xf32>, vector<16xf32>) {
        %add3A_277 = arith.constant 16 : i32
        %add3A_278 = arith.addi %cond3A_139, %add3A_277 : i32
        %sub3A_279 = arith.constant 1 : i32
        %sub3A_280 = arith.subi %add3A_278, %sub3A_279 : i32
        %jit3A_281 = arith.constant 16 : i32
        %div3A_282 = arith.divsi %sub3A_280, %jit3A_281 : i32
        %sign3A_283 = arith.constant 0 : i32
        %sign3A_284 = arith.cmpi sgt, %sub3A_280, %sign3A_283 : i32
        %sign3A_285 = arith.extui %sign3A_284 : i1 to i32
        %sign3A_286 = arith.constant 0 : i32
        %sign3A_287 = arith.cmpi slt, %sub3A_280, %sign3A_286 : i32
        %sign3A_288 = arith.extui %sign3A_287 : i1 to i32
        %sign3A_289 = arith.subi %sign3A_285, %sign3A_288 : i32
        %sign3A_290 = arith.constant 0 : i32
        %sign3A_291 = arith.cmpi sgt, %jit3A_281, %sign3A_290 : i32
        %sign3A_292 = arith.extui %sign3A_291 : i1 to i32
        %sign3A_293 = arith.constant 0 : i32
        %sign3A_294 = arith.cmpi slt, %jit3A_281, %sign3A_293 : i32
        %sign3A_295 = arith.extui %sign3A_294 : i1 to i32
        %sign3A_296 = arith.subi %sign3A_292, %sign3A_295 : i32
        %ne3A_297 = arith.cmpi ne, %sign3A_289, %sign3A_296 : i32
        %rem3A_298 = arith.remsi %sub3A_280, %jit3A_281 : i32
        %ne3A_299 = arith.constant 0 : i32
        %ne3A_300 = arith.cmpi ne, %rem3A_298, %ne3A_299 : i32
        %and3A_301 = arith.andi %ne3A_297, %ne3A_300 : i1
        %sub3A_302 = arith.constant 1 : i32
        %sub3A_303 = arith.subi %div3A_282, %sub3A_302 : i32
        %select_n3A_304 = arith.select %and3A_301, %sub3A_303, %div3A_282 : i32
        %broadcast_in_dim3A_305 = arith.constant 0xFF800000 : f32
        %broadcast_in_dim3A_306 = vector.broadcast %broadcast_in_dim3A_305 : f32 to vector<16xf32>
        %while3A_307 = arith.constant 0 : i32
        %while3A_308 = arith.subi %select_n3A_304, %while3A_307 : i32
        %while3A_309 = arith.addi %while3A_307, %while3A_308 : i32
        %while3A_310 = arith.constant 1 : i32
        %while3A_311 = arith.divsi %while3A_308, %while3A_310 : i32
        %while3A_312 = arith.muli %while3A_311, %while3A_310 : i32
        %while3A_313 = arith.addi %while3A_307, %while3A_312 : i32
        %while3A_314 = arith.constant 1 : i32
        %while3A_315 = scf.for %while3A_375 = %while3A_307 to %while3A_313 step %while3A_314 iter_args(%while3A_376 = %broadcast_in_dim3A_306) -> (vector<16xf32>)  : i32 {
          %mul3A_377 = arith.constant 16 : i32
          %mul3A_378 = arith.muli %while3A_375, %mul3A_377 : i32
          %get3A_379 = arith.index_cast %mul3A_378 : i32 to index
          %get3A_380 = tpu.vector_load %arg10[%get3A_379] {strides = array<i32>} : memref<8192xf32, #tpu.memory_space<vmem>>, vector<16xf32>,
          %mul3A_381 = arith.constant 16 : i32
          %mul3A_382 = arith.muli %while3A_375, %mul3A_381 : i32
          %sub3A_383 = arith.subi %cond3A_139, %mul3A_382 : i32
          %lt3A_384 = vector.broadcast %sub3A_383 : i32 to vector<16xi32>
          %lt3A_385 = arith.cmpi slt, %iota3A, %lt3A_384 : vector<16xi32>
          %jit3A_386 = arith.constant 0xFF800000 : f32
          %broadcast_in_dim3A_387 = vector.broadcast %jit3A_386 : f32 to vector<16xf32>
          %select_n3A_388 = arith.select %lt3A_385, %get3A_380, %broadcast_in_dim3A_387 : vector<16xi1>, vector<16xf32>
          %sort3A_389 = arith.constant dense<true> : vector<16xi1>
          %sort3A_390, %sort3A_391, %sort3A_392 = tpu.sort %select_n3A_388, %select_n3A_388 masked %sort3A_389 : (vector<16xf32>, vector<16xf32>, vector<16xi1>) -> (vector<16xi1>, vector<16xf32>, vector<16xf32>)
          %rev3A_393 = arith.constant 15 : i32
          %rev3A_394 = vector.broadcast %rev3A_393 : i32 to vector<16xi32>
          %rev3A_395 = tpu.iota {dimensions = array<i32: 0>} : vector<16xi32>
          %rev3A_396 = arith.subi %rev3A_394, %rev3A_395 : vector<16xi32>
          %rev3A_397 = tpu.dynamic_gather %sort3A_391[%rev3A_396] in [0] : vector<16xf32>, vector<16xi32> -> vector<16xf32>
          %max3A_398 = arith.maximumf %while3A_376, %rev3A_397 : vector<16xf32>
          %sort3A_399 = arith.constant dense<true> : vector<16xi1>
          %sort3A_400, %sort3A_401, %sort3A_402 = tpu.sort %max3A_398, %max3A_398 masked %sort3A_399 : (vector<16xf32>, vector<16xf32>, vector<16xi1>) -> (vector<16xi1>, vector<16xf32>, vector<16xf32>)
          scf.yield %sort3A_401 : vector<16xf32>
        }
        %while3A_316 = arith.constant 1 : i32
        %while3A_317 = scf.for %while3A_375 = %while3A_313 to %while3A_309 step %while3A_316 iter_args(%while3A_376 = %while3A_315) -> (vector<16xf32>)  : i32 {
          %mul3A_377 = arith.constant 16 : i32
          %mul3A_378 = arith.muli %while3A_375, %mul3A_377 : i32
          %get3A_379 = arith.index_cast %mul3A_378 : i32 to index
          %get3A_380 = tpu.vector_load %arg10[%get3A_379] {strides = array<i32>} : memref<8192xf32, #tpu.memory_space<vmem>>, vector<16xf32>,
          %mul3A_381 = arith.constant 16 : i32
          %mul3A_382 = arith.muli %while3A_375, %mul3A_381 : i32
          %sub3A_383 = arith.subi %cond3A_139, %mul3A_382 : i32
          %lt3A_384 = vector.broadcast %sub3A_383 : i32 to vector<16xi32>
          %lt3A_385 = arith.cmpi slt, %iota3A, %lt3A_384 : vector<16xi32>
          %jit3A_386 = arith.constant 0xFF800000 : f32
          %broadcast_in_dim3A_387 = vector.broadcast %jit3A_386 : f32 to vector<16xf32>
          %select_n3A_388 = arith.select %lt3A_385, %get3A_380, %broadcast_in_dim3A_387 : vector<16xi1>, vector<16xf32>
          %sort3A_389 = arith.constant dense<true> : vector<16xi1>
          %sort3A_390, %sort3A_391, %sort3A_392 = tpu.sort %select_n3A_388, %select_n3A_388 masked %sort3A_389 : (vector<16xf32>, vector<16xf32>, vector<16xi1>) -> (vector<16xi1>, vector<16xf32>, vector<16xf32>)
          %rev3A_393 = arith.constant 15 : i32
          %rev3A_394 = vector.broadcast %rev3A_393 : i32 to vector<16xi32>
          %rev3A_395 = tpu.iota {dimensions = array<i32: 0>} : vector<16xi32>
          %rev3A_396 = arith.subi %rev3A_394, %rev3A_395 : vector<16xi32>
          %rev3A_397 = tpu.dynamic_gather %sort3A_391[%rev3A_396] in [0] : vector<16xf32>, vector<16xi32> -> vector<16xf32>
          %max3A_398 = arith.maximumf %while3A_376, %rev3A_397 : vector<16xf32>
          %sort3A_399 = arith.constant dense<true> : vector<16xi1>
          %sort3A_400, %sort3A_401, %sort3A_402 = tpu.sort %max3A_398, %max3A_398 masked %sort3A_399 : (vector<16xf32>, vector<16xf32>, vector<16xi1>) -> (vector<16xi1>, vector<16xf32>, vector<16xf32>)
          scf.yield %sort3A_401 : vector<16xf32>
        }
        %add3A_318 = arith.constant 11264 : i32
        %add3A_319 = arith.addi %mul3A_56, %add3A_318 : i32
        %get3A_320 = arith.index_cast %add3A_319 : i32 to index
        %get3A_321 = tpu.vector_load %arg6[%get3A_320] {strides = array<i32>} : memref<25344xf32, #tpu.memory_space<vmem>>, vector<16xf32>,
        %add3A_322 = arith.constant 11264 : i32
        %add3A_323 = arith.addi %mul3A_56, %add3A_322 : i32
        %add3A_324 = arith.constant 16 : i32
        %add3A_325 = arith.addi %add3A_323, %add3A_324 : i32
        %get3A_326 = arith.index_cast %add3A_325 : i32 to index
        %get3A_327 = tpu.vector_load %arg6[%get3A_326] {strides = array<i32>} : memref<25344xf32, #tpu.memory_space<vmem>>, vector<16xf32>,
        %sort3A = arith.constant dense<true> : vector<16xi1>
        %sort3A_328, %sort3A_329, %sort3A_330 = tpu.sort %get3A_321, %get3A_321 masked %sort3A : (vector<16xf32>, vector<16xf32>, vector<16xi1>) -> (vector<16xi1>, vector<16xf32>, vector<16xf32>)
        %rev3A = arith.constant 15 : i32
        %rev3A_331 = vector.broadcast %rev3A : i32 to vector<16xi32>
        %rev3A_332 = tpu.iota {dimensions = array<i32: 0>} : vector<16xi32>
        %rev3A_333 = arith.subi %rev3A_331, %rev3A_332 : vector<16xi32>
        %rev3A_334 = tpu.dynamic_gather %sort3A_329[%rev3A_333] in [0] : vector<16xf32>, vector<16xi32> -> vector<16xf32>
        %max3A_335 = arith.maximumf %while3A_317, %rev3A_334 : vector<16xf32>
        %sort3A_336 = arith.constant dense<true> : vector<16xi1>
        %sort3A_337, %sort3A_338, %sort3A_339 = tpu.sort %max3A_335, %max3A_335 masked %sort3A_336 : (vector<16xf32>, vector<16xf32>, vector<16xi1>) -> (vector<16xi1>, vector<16xf32>, vector<16xf32>)
        %sort3A_340 = arith.constant dense<true> : vector<16xi1>
        %sort3A_341, %sort3A_342, %sort3A_343 = tpu.sort %get3A_327, %get3A_327 masked %sort3A_340 : (vector<16xf32>, vector<16xf32>, vector<16xi1>) -> (vector<16xi1>, vector<16xf32>, vector<16xf32>)
        %rev3A_344 = arith.constant 15 : i32
        %rev3A_345 = vector.broadcast %rev3A_344 : i32 to vector<16xi32>
        %rev3A_346 = tpu.iota {dimensions = array<i32: 0>} : vector<16xi32>
        %rev3A_347 = arith.subi %rev3A_345, %rev3A_346 : vector<16xi32>
        %rev3A_348 = tpu.dynamic_gather %sort3A_342[%rev3A_347] in [0] : vector<16xf32>, vector<16xi32> -> vector<16xf32>
        %max3A_349 = arith.maximumf %sort3A_338, %rev3A_348 : vector<16xf32>
        %sort3A_350 = arith.constant dense<true> : vector<16xi1>
        %sort3A_351, %sort3A_352, %sort3A_353 = tpu.sort %max3A_349, %max3A_349 masked %sort3A_350 : (vector<16xf32>, vector<16xf32>, vector<16xi1>) -> (vector<16xi1>, vector<16xf32>, vector<16xf32>)
        %slice3A_354 = vector.extract_strided_slice %while3A_118 {offsets = [5], sizes = [1], strides = [1]} : vector<16xf32> to vector<1xf32>
        %squeeze3A_355 = vector.extract %slice3A_354[0] : f32 from vector<1xf32>
        %gt3A_356 = vector.broadcast %squeeze3A_355 : f32 to vector<16xf32>
        %gt3A_357 = arith.cmpf ogt, %sort3A_352, %gt3A_356 : vector<16xf32>
        %all_reduce_population_count3A_358 = tpu.all_reduce %gt3A_357 {dim = 0 : i64, kind = #tpu.reduction_kind<sum>} : vector<16xi1> -> vector<16xi32>
        %slice3A_359 = vector.extract_strided_slice %all_reduce_population_count3A_358 {offsets = [0], sizes = [1], strides = [1]} : vector<16xi32> to vector<1xi32>
        %squeeze3A_360 = vector.extract %slice3A_359[0] : i32 from vector<1xi32>
        %le3A = arith.constant 10 : i32
        %le3A_361 = arith.cmpi sle, %squeeze3A_360, %le3A : i32
        %slice3A_362 = vector.extract_strided_slice %sort3A_352 {offsets = [5], sizes = [1], strides = [1]} : vector<16xf32> to vector<1xf32>
        %squeeze3A_363 = vector.extract %slice3A_362[0] : f32 from vector<1xf32>
        %select_n3A_364 = arith.select %le3A_361, %squeeze3A_355, %squeeze3A_363 : f32
        %eq3A_365 = vector.broadcast %select_n3A_93 : i32 to vector<16xi32>
        %eq3A_366 = arith.cmpi eq, %iota3A, %eq3A_365 : vector<16xi32>
        %broadcast_in_dim3A_367 = vector.broadcast %select_n3A_364 : f32 to vector<16xf32>
        %select_n3A_368 = arith.select %eq3A_366, %broadcast_in_dim3A_367, %scan3A_43 : vector<16xi1>, vector<16xf32>
        %broadcast_in_dim3A_369 = vector.broadcast %select_n3A_262 : f32 to vector<16xf32>
        %select_n3A_370 = arith.select %eq3A_366, %broadcast_in_dim3A_369, %scan3A_44 : vector<16xi1>, vector<16xf32>
        %broadcast_in_dim3A_371 = arith.constant 0xFF800000 : f32
        %broadcast_in_dim3A_372 = vector.broadcast %broadcast_in_dim3A_371 : f32 to vector<16xf32>
        %cond3A_373 = arith.constant 0 : i32
        %cond3A_374 = arith.constant 0.000000e+00 : f32
        scf.yield %broadcast_in_dim3A_372, %cond3A_373, %cond3A_374, %select_n3A_368, %select_n3A_370 : vector<16xf32>, i32, f32, vector<16xf32>, vector<16xf32>
      } else {
        scf.yield %while3A_118, %cond3A_139, %select_n3A_262, %scan3A_43, %scan3A_44 : vector<16xf32>, i32, f32, vector<16xf32>, vector<16xf32>
      }
      scf.yield %cond3A_276#0, %cond3A_276#1, %cond3A_276#2, %cond3A_276#3, %cond3A_276#4 : vector<16xf32>, i32, f32, vector<16xf32>, vector<16xf32>
    }
    %scan3A_35 = arith.constant 32 : i32
    %swap3A = arith.constant 0 : index
    %swap3A_36 = tpu.vector_load %arg11[%swap3A] {strides = array<i32>} : memref<16xf32, #tpu.memory_space<vmem>>, vector<16xf32>,
    tpu.vector_store %arg11[%swap3A], %scan3A_34#3 {strides = array<i32>} : memref<16xf32, #tpu.memory_space<vmem>>, vector<16xf32>,
    %swap3A_37 = arith.constant 0 : index
    %swap3A_38 = tpu.vector_load %arg12[%swap3A_37] {strides = array<i32>} : memref<16xf32, #tpu.memory_space<vmem>>, vector<16xf32>,
    tpu.vector_store %arg12[%swap3A_37], %scan3A_34#4 {strides = array<i32>} : memref<16xf32, #tpu.memory_space<vmem>>, vector<16xf32>,
    "tpu.region"() ({
      %run_scoped3A = tpu.sem_alloc : memref<!tpu.dma_semaphore, #tpu.memory_space<semaphore_mem>>
      %dma_start3A = arith.constant 0 : i32
      %dma_start3A_39 = tpu.memref_slice %arg4[%add3A, %dma_start3A] : memref<32x16xf32, #tpu.memory_space<hbm>> -> memref<1x16xf32, #tpu.memory_space<hbm>>
      %dma_start3A_40 = tpu.memref_squeeze %dma_start3A_39 : memref<1x16xf32, #tpu.memory_space<hbm>> -> memref<16xf32, #tpu.memory_space<hbm>>
      %dma_start3A_41 = arith.constant 0 : i32
      %dma_start3A_42 = tpu.memref_slice %arg4[%add3A, %dma_start3A_41] : memref<32x16xf32, #tpu.memory_space<hbm>> -> memref<1x16xf32, #tpu.memory_space<hbm>>
      %dma_start3A_43 = tpu.memref_squeeze %dma_start3A_42 : memref<1x16xf32, #tpu.memory_space<hbm>> -> memref<16xf32, #tpu.memory_space<hbm>>
      tpu.enqueue_dma source(%arg11 : memref<16xf32, #tpu.memory_space<vmem>>) target(%dma_start3A_43 : memref<16xf32, #tpu.memory_space<hbm>>) target_semaphore(%run_scoped3A : memref<!tpu.dma_semaphore, #tpu.memory_space<semaphore_mem>>)
      %dma_wait3A = arith.constant 0 : i32
      %dma_wait3A_44 = tpu.memref_slice %arg4[%add3A, %dma_wait3A] : memref<32x16xf32, #tpu.memory_space<hbm>> -> memref<1x16xf32, #tpu.memory_space<hbm>>
      %dma_wait3A_45 = tpu.memref_squeeze %dma_wait3A_44 : memref<1x16xf32, #tpu.memory_space<hbm>> -> memref<16xf32, #tpu.memory_space<hbm>>
      %dma_wait3A_46 = arith.constant 0 : i32
      %dma_wait3A_47 = tpu.memref_slice %arg4[%add3A, %dma_wait3A_46] : memref<32x16xf32, #tpu.memory_space<hbm>> -> memref<1x16xf32, #tpu.memory_space<hbm>>
      %dma_wait3A_48 = tpu.memref_squeeze %dma_wait3A_47 : memref<1x16xf32, #tpu.memory_space<hbm>> -> memref<16xf32, #tpu.memory_space<hbm>>
      tpu.wait_dma2 semaphore(%run_scoped3A : memref<!tpu.dma_semaphore, #tpu.memory_space<semaphore_mem>>) src(%arg11 : memref<16xf32, #tpu.memory_space<vmem>>) dst(%dma_wait3A_48 : memref<16xf32, #tpu.memory_space<hbm>>)
      tpu.yield
    }) : () -> ()
    "tpu.region"() ({
      %run_scoped3A = tpu.sem_alloc : memref<!tpu.dma_semaphore, #tpu.memory_space<semaphore_mem>>
      %dma_start3A = arith.constant 0 : i32
      %dma_start3A_39 = tpu.memref_slice %arg5[%add3A, %dma_start3A] : memref<32x16xf32, #tpu.memory_space<hbm>> -> memref<1x16xf32, #tpu.memory_space<hbm>>
      %dma_start3A_40 = tpu.memref_squeeze %dma_start3A_39 : memref<1x16xf32, #tpu.memory_space<hbm>> -> memref<16xf32, #tpu.memory_space<hbm>>
      %dma_start3A_41 = arith.constant 0 : i32
      %dma_start3A_42 = tpu.memref_slice %arg5[%add3A, %dma_start3A_41] : memref<32x16xf32, #tpu.memory_space<hbm>> -> memref<1x16xf32, #tpu.memory_space<hbm>>
      %dma_start3A_43 = tpu.memref_squeeze %dma_start3A_42 : memref<1x16xf32, #tpu.memory_space<hbm>> -> memref<16xf32, #tpu.memory_space<hbm>>
      tpu.enqueue_dma source(%arg12 : memref<16xf32, #tpu.memory_space<vmem>>) target(%dma_start3A_43 : memref<16xf32, #tpu.memory_space<hbm>>) target_semaphore(%run_scoped3A : memref<!tpu.dma_semaphore, #tpu.memory_space<semaphore_mem>>)
      %dma_wait3A = arith.constant 0 : i32
      %dma_wait3A_44 = tpu.memref_slice %arg5[%add3A, %dma_wait3A] : memref<32x16xf32, #tpu.memory_space<hbm>> -> memref<1x16xf32, #tpu.memory_space<hbm>>
      %dma_wait3A_45 = tpu.memref_squeeze %dma_wait3A_44 : memref<1x16xf32, #tpu.memory_space<hbm>> -> memref<16xf32, #tpu.memory_space<hbm>>
      %dma_wait3A_46 = arith.constant 0 : i32
      %dma_wait3A_47 = tpu.memref_slice %arg5[%add3A, %dma_wait3A_46] : memref<32x16xf32, #tpu.memory_space<hbm>> -> memref<1x16xf32, #tpu.memory_space<hbm>>
      %dma_wait3A_48 = tpu.memref_squeeze %dma_wait3A_47 : memref<1x16xf32, #tpu.memory_space<hbm>> -> memref<16xf32, #tpu.memory_space<hbm>>
      tpu.wait_dma2 semaphore(%run_scoped3A : memref<!tpu.dma_semaphore, #tpu.memory_space<semaphore_mem>>) src(%arg12 : memref<16xf32, #tpu.memory_space<vmem>>) dst(%dma_wait3A_48 : memref<16xf32, #tpu.memory_space<hbm>>)
      tpu.yield
    }) : () -> ()
    return
  }
}

#map = affine_map<(d0, d1) -> (0, 0)>
#map1 = affine_map<(d0, d1) -> (0)>
module attributes {stable_mosaic.version = 14 : i64} {
  func.func @_pair_mean(%arg0: i32, %arg1: i32, %arg2: memref<32x16xf32, #tpu.memory_space<hbm>>, %arg3: memref<32x16xf32, #tpu.memory_space<hbm>>, %arg4: memref<16xf32, #tpu.memory_space<hbm>>, %arg5: memref<32x16xf32, #tpu.memory_space<vmem>>, %arg6: memref<32x16xf32, #tpu.memory_space<vmem>>, %arg7: memref<16xf32, #tpu.memory_space<vmem>>) attributes {dimension_semantics = [#tpu.dimension_semantics<core_parallel>, #tpu.dimension_semantics<subcore_parallel>], iteration_bounds = array<i64: 2, 16>, scalar_prefetch = 0 : i64, scratch_operands = 3 : i64, tpu.core_type = #tpu.core_type<sc_vector_subcore>, window_params = [{transform_indices = #map}, {transform_indices = #map}, {transform_indices = #map1}]} {
    %mul3A = arith.constant 2 : i32
    %mul3A_0 = arith.muli %arg1, %mul3A : i32
    %add3A = arith.addi %mul3A_0, %arg0 : i32
    %eq3A = arith.constant 0 : i32
    %eq3A_1 = arith.cmpi eq, %add3A, %eq3A : i32
    %convert_element_type3A = arith.extui %eq3A_1 : i1 to i32
    %cond3A = arith.constant 0 : i32
    %cond3A_2 = arith.cmpi ne, %convert_element_type3A, %cond3A : i32
    scf.if %cond3A_2 {
      "tpu.region"() ({
        %run_scoped3A = tpu.sem_alloc : memref<!tpu.dma_semaphore, #tpu.memory_space<semaphore_mem>>
        tpu.enqueue_dma source(%arg2 : memref<32x16xf32, #tpu.memory_space<hbm>>) target(%arg5 : memref<32x16xf32, #tpu.memory_space<vmem>>) target_semaphore(%run_scoped3A : memref<!tpu.dma_semaphore, #tpu.memory_space<semaphore_mem>>)
        tpu.wait_dma2 semaphore(%run_scoped3A : memref<!tpu.dma_semaphore, #tpu.memory_space<semaphore_mem>>) src(%arg2 : memref<32x16xf32, #tpu.memory_space<hbm>>) dst(%arg5 : memref<32x16xf32, #tpu.memory_space<vmem>>)
        tpu.yield
      }) : () -> ()
      "tpu.region"() ({
        %run_scoped3A = tpu.sem_alloc : memref<!tpu.dma_semaphore, #tpu.memory_space<semaphore_mem>>
        tpu.enqueue_dma source(%arg3 : memref<32x16xf32, #tpu.memory_space<hbm>>) target(%arg6 : memref<32x16xf32, #tpu.memory_space<vmem>>) target_semaphore(%run_scoped3A : memref<!tpu.dma_semaphore, #tpu.memory_space<semaphore_mem>>)
        tpu.wait_dma2 semaphore(%run_scoped3A : memref<!tpu.dma_semaphore, #tpu.memory_space<semaphore_mem>>) src(%arg3 : memref<32x16xf32, #tpu.memory_space<hbm>>) dst(%arg6 : memref<32x16xf32, #tpu.memory_space<vmem>>)
        tpu.yield
      }) : () -> ()
      %get3A = arith.constant 0 : i32
      %get3A_3 = arith.index_cast %get3A : i32 to index
      %get3A_4 = arith.constant 0 : index
      %get3A_5 = tpu.vector_load %arg5[%get3A_3, %get3A_4] {strides = array<i32>} : memref<32x16xf32, #tpu.memory_space<vmem>>, vector<16xf32>,
      %add3A_6 = arith.constant 1.000000e+00 : f32
      %add3A_7 = vector.broadcast %add3A_6 : f32 to vector<16xf32>
      %add3A_8 = arith.addf %add3A_7, %get3A_5 : vector<16xf32>
      %get3A_9 = arith.constant 1 : i32
      %get3A_10 = arith.index_cast %get3A_9 : i32 to index
      %get3A_11 = arith.constant 0 : index
      %get3A_12 = tpu.vector_load %arg5[%get3A_10, %get3A_11] {strides = array<i32>} : memref<32x16xf32, #tpu.memory_space<vmem>>, vector<16xf32>,
      %add3A_13 = arith.constant 1.000000e+00 : f32
      %add3A_14 = vector.broadcast %add3A_13 : f32 to vector<16xf32>
      %add3A_15 = arith.addf %add3A_14, %get3A_12 : vector<16xf32>
      %get3A_16 = arith.constant 2 : i32
      %get3A_17 = arith.index_cast %get3A_16 : i32 to index
      %get3A_18 = arith.constant 0 : index
      %get3A_19 = tpu.vector_load %arg5[%get3A_17, %get3A_18] {strides = array<i32>} : memref<32x16xf32, #tpu.memory_space<vmem>>, vector<16xf32>,
      %add3A_20 = arith.constant 1.000000e+00 : f32
      %add3A_21 = vector.broadcast %add3A_20 : f32 to vector<16xf32>
      %add3A_22 = arith.addf %add3A_21, %get3A_19 : vector<16xf32>
      %get3A_23 = arith.constant 3 : i32
      %get3A_24 = arith.index_cast %get3A_23 : i32 to index
      %get3A_25 = arith.constant 0 : index
      %get3A_26 = tpu.vector_load %arg5[%get3A_24, %get3A_25] {strides = array<i32>} : memref<32x16xf32, #tpu.memory_space<vmem>>, vector<16xf32>,
      %add3A_27 = arith.constant 1.000000e+00 : f32
      %add3A_28 = vector.broadcast %add3A_27 : f32 to vector<16xf32>
      %add3A_29 = arith.addf %add3A_28, %get3A_26 : vector<16xf32>
      %get3A_30 = arith.constant 4 : i32
      %get3A_31 = arith.index_cast %get3A_30 : i32 to index
      %get3A_32 = arith.constant 0 : index
      %get3A_33 = tpu.vector_load %arg5[%get3A_31, %get3A_32] {strides = array<i32>} : memref<32x16xf32, #tpu.memory_space<vmem>>, vector<16xf32>,
      %add3A_34 = arith.constant 1.000000e+00 : f32
      %add3A_35 = vector.broadcast %add3A_34 : f32 to vector<16xf32>
      %add3A_36 = arith.addf %add3A_35, %get3A_33 : vector<16xf32>
      %get3A_37 = arith.constant 5 : i32
      %get3A_38 = arith.index_cast %get3A_37 : i32 to index
      %get3A_39 = arith.constant 0 : index
      %get3A_40 = tpu.vector_load %arg5[%get3A_38, %get3A_39] {strides = array<i32>} : memref<32x16xf32, #tpu.memory_space<vmem>>, vector<16xf32>,
      %add3A_41 = arith.constant 1.000000e+00 : f32
      %add3A_42 = vector.broadcast %add3A_41 : f32 to vector<16xf32>
      %add3A_43 = arith.addf %add3A_42, %get3A_40 : vector<16xf32>
      %get3A_44 = arith.constant 6 : i32
      %get3A_45 = arith.index_cast %get3A_44 : i32 to index
      %get3A_46 = arith.constant 0 : index
      %get3A_47 = tpu.vector_load %arg5[%get3A_45, %get3A_46] {strides = array<i32>} : memref<32x16xf32, #tpu.memory_space<vmem>>, vector<16xf32>,
      %add3A_48 = arith.constant 1.000000e+00 : f32
      %add3A_49 = vector.broadcast %add3A_48 : f32 to vector<16xf32>
      %add3A_50 = arith.addf %add3A_49, %get3A_47 : vector<16xf32>
      %get3A_51 = arith.constant 7 : i32
      %get3A_52 = arith.index_cast %get3A_51 : i32 to index
      %get3A_53 = arith.constant 0 : index
      %get3A_54 = tpu.vector_load %arg5[%get3A_52, %get3A_53] {strides = array<i32>} : memref<32x16xf32, #tpu.memory_space<vmem>>, vector<16xf32>,
      %add3A_55 = arith.constant 1.000000e+00 : f32
      %add3A_56 = vector.broadcast %add3A_55 : f32 to vector<16xf32>
      %add3A_57 = arith.addf %add3A_56, %get3A_54 : vector<16xf32>
      %get3A_58 = arith.constant 8 : i32
      %get3A_59 = arith.index_cast %get3A_58 : i32 to index
      %get3A_60 = arith.constant 0 : index
      %get3A_61 = tpu.vector_load %arg5[%get3A_59, %get3A_60] {strides = array<i32>} : memref<32x16xf32, #tpu.memory_space<vmem>>, vector<16xf32>,
      %add3A_62 = arith.constant 1.000000e+00 : f32
      %add3A_63 = vector.broadcast %add3A_62 : f32 to vector<16xf32>
      %add3A_64 = arith.addf %add3A_63, %get3A_61 : vector<16xf32>
      %get3A_65 = arith.constant 9 : i32
      %get3A_66 = arith.index_cast %get3A_65 : i32 to index
      %get3A_67 = arith.constant 0 : index
      %get3A_68 = tpu.vector_load %arg5[%get3A_66, %get3A_67] {strides = array<i32>} : memref<32x16xf32, #tpu.memory_space<vmem>>, vector<16xf32>,
      %add3A_69 = arith.constant 1.000000e+00 : f32
      %add3A_70 = vector.broadcast %add3A_69 : f32 to vector<16xf32>
      %add3A_71 = arith.addf %add3A_70, %get3A_68 : vector<16xf32>
      %get3A_72 = arith.constant 10 : i32
      %get3A_73 = arith.index_cast %get3A_72 : i32 to index
      %get3A_74 = arith.constant 0 : index
      %get3A_75 = tpu.vector_load %arg5[%get3A_73, %get3A_74] {strides = array<i32>} : memref<32x16xf32, #tpu.memory_space<vmem>>, vector<16xf32>,
      %add3A_76 = arith.constant 1.000000e+00 : f32
      %add3A_77 = vector.broadcast %add3A_76 : f32 to vector<16xf32>
      %add3A_78 = arith.addf %add3A_77, %get3A_75 : vector<16xf32>
      %get3A_79 = arith.constant 11 : i32
      %get3A_80 = arith.index_cast %get3A_79 : i32 to index
      %get3A_81 = arith.constant 0 : index
      %get3A_82 = tpu.vector_load %arg5[%get3A_80, %get3A_81] {strides = array<i32>} : memref<32x16xf32, #tpu.memory_space<vmem>>, vector<16xf32>,
      %add3A_83 = arith.constant 1.000000e+00 : f32
      %add3A_84 = vector.broadcast %add3A_83 : f32 to vector<16xf32>
      %add3A_85 = arith.addf %add3A_84, %get3A_82 : vector<16xf32>
      %get3A_86 = arith.constant 12 : i32
      %get3A_87 = arith.index_cast %get3A_86 : i32 to index
      %get3A_88 = arith.constant 0 : index
      %get3A_89 = tpu.vector_load %arg5[%get3A_87, %get3A_88] {strides = array<i32>} : memref<32x16xf32, #tpu.memory_space<vmem>>, vector<16xf32>,
      %add3A_90 = arith.constant 1.000000e+00 : f32
      %add3A_91 = vector.broadcast %add3A_90 : f32 to vector<16xf32>
      %add3A_92 = arith.addf %add3A_91, %get3A_89 : vector<16xf32>
      %get3A_93 = arith.constant 13 : i32
      %get3A_94 = arith.index_cast %get3A_93 : i32 to index
      %get3A_95 = arith.constant 0 : index
      %get3A_96 = tpu.vector_load %arg5[%get3A_94, %get3A_95] {strides = array<i32>} : memref<32x16xf32, #tpu.memory_space<vmem>>, vector<16xf32>,
      %add3A_97 = arith.constant 1.000000e+00 : f32
      %add3A_98 = vector.broadcast %add3A_97 : f32 to vector<16xf32>
      %add3A_99 = arith.addf %add3A_98, %get3A_96 : vector<16xf32>
      %get3A_100 = arith.constant 14 : i32
      %get3A_101 = arith.index_cast %get3A_100 : i32 to index
      %get3A_102 = arith.constant 0 : index
      %get3A_103 = tpu.vector_load %arg5[%get3A_101, %get3A_102] {strides = array<i32>} : memref<32x16xf32, #tpu.memory_space<vmem>>, vector<16xf32>,
      %add3A_104 = arith.constant 1.000000e+00 : f32
      %add3A_105 = vector.broadcast %add3A_104 : f32 to vector<16xf32>
      %add3A_106 = arith.addf %add3A_105, %get3A_103 : vector<16xf32>
      %get3A_107 = arith.constant 15 : i32
      %get3A_108 = arith.index_cast %get3A_107 : i32 to index
      %get3A_109 = arith.constant 0 : index
      %get3A_110 = tpu.vector_load %arg5[%get3A_108, %get3A_109] {strides = array<i32>} : memref<32x16xf32, #tpu.memory_space<vmem>>, vector<16xf32>,
      %add3A_111 = arith.constant 1.000000e+00 : f32
      %add3A_112 = vector.broadcast %add3A_111 : f32 to vector<16xf32>
      %add3A_113 = arith.addf %add3A_112, %get3A_110 : vector<16xf32>
      %get3A_114 = arith.constant 16 : i32
      %get3A_115 = arith.index_cast %get3A_114 : i32 to index
      %get3A_116 = arith.constant 0 : index
      %get3A_117 = tpu.vector_load %arg5[%get3A_115, %get3A_116] {strides = array<i32>} : memref<32x16xf32, #tpu.memory_space<vmem>>, vector<16xf32>,
      %add3A_118 = arith.constant 1.000000e+00 : f32
      %add3A_119 = vector.broadcast %add3A_118 : f32 to vector<16xf32>
      %add3A_120 = arith.addf %add3A_119, %get3A_117 : vector<16xf32>
      %get3A_121 = arith.constant 17 : i32
      %get3A_122 = arith.index_cast %get3A_121 : i32 to index
      %get3A_123 = arith.constant 0 : index
      %get3A_124 = tpu.vector_load %arg5[%get3A_122, %get3A_123] {strides = array<i32>} : memref<32x16xf32, #tpu.memory_space<vmem>>, vector<16xf32>,
      %add3A_125 = arith.constant 1.000000e+00 : f32
      %add3A_126 = vector.broadcast %add3A_125 : f32 to vector<16xf32>
      %add3A_127 = arith.addf %add3A_126, %get3A_124 : vector<16xf32>
      %get3A_128 = arith.constant 18 : i32
      %get3A_129 = arith.index_cast %get3A_128 : i32 to index
      %get3A_130 = arith.constant 0 : index
      %get3A_131 = tpu.vector_load %arg5[%get3A_129, %get3A_130] {strides = array<i32>} : memref<32x16xf32, #tpu.memory_space<vmem>>, vector<16xf32>,
      %add3A_132 = arith.constant 1.000000e+00 : f32
      %add3A_133 = vector.broadcast %add3A_132 : f32 to vector<16xf32>
      %add3A_134 = arith.addf %add3A_133, %get3A_131 : vector<16xf32>
      %get3A_135 = arith.constant 19 : i32
      %get3A_136 = arith.index_cast %get3A_135 : i32 to index
      %get3A_137 = arith.constant 0 : index
      %get3A_138 = tpu.vector_load %arg5[%get3A_136, %get3A_137] {strides = array<i32>} : memref<32x16xf32, #tpu.memory_space<vmem>>, vector<16xf32>,
      %add3A_139 = arith.constant 1.000000e+00 : f32
      %add3A_140 = vector.broadcast %add3A_139 : f32 to vector<16xf32>
      %add3A_141 = arith.addf %add3A_140, %get3A_138 : vector<16xf32>
      %get3A_142 = arith.constant 20 : i32
      %get3A_143 = arith.index_cast %get3A_142 : i32 to index
      %get3A_144 = arith.constant 0 : index
      %get3A_145 = tpu.vector_load %arg5[%get3A_143, %get3A_144] {strides = array<i32>} : memref<32x16xf32, #tpu.memory_space<vmem>>, vector<16xf32>,
      %add3A_146 = arith.constant 1.000000e+00 : f32
      %add3A_147 = vector.broadcast %add3A_146 : f32 to vector<16xf32>
      %add3A_148 = arith.addf %add3A_147, %get3A_145 : vector<16xf32>
      %get3A_149 = arith.constant 21 : i32
      %get3A_150 = arith.index_cast %get3A_149 : i32 to index
      %get3A_151 = arith.constant 0 : index
      %get3A_152 = tpu.vector_load %arg5[%get3A_150, %get3A_151] {strides = array<i32>} : memref<32x16xf32, #tpu.memory_space<vmem>>, vector<16xf32>,
      %add3A_153 = arith.constant 1.000000e+00 : f32
      %add3A_154 = vector.broadcast %add3A_153 : f32 to vector<16xf32>
      %add3A_155 = arith.addf %add3A_154, %get3A_152 : vector<16xf32>
      %get3A_156 = arith.constant 22 : i32
      %get3A_157 = arith.index_cast %get3A_156 : i32 to index
      %get3A_158 = arith.constant 0 : index
      %get3A_159 = tpu.vector_load %arg5[%get3A_157, %get3A_158] {strides = array<i32>} : memref<32x16xf32, #tpu.memory_space<vmem>>, vector<16xf32>,
      %add3A_160 = arith.constant 1.000000e+00 : f32
      %add3A_161 = vector.broadcast %add3A_160 : f32 to vector<16xf32>
      %add3A_162 = arith.addf %add3A_161, %get3A_159 : vector<16xf32>
      %get3A_163 = arith.constant 23 : i32
      %get3A_164 = arith.index_cast %get3A_163 : i32 to index
      %get3A_165 = arith.constant 0 : index
      %get3A_166 = tpu.vector_load %arg5[%get3A_164, %get3A_165] {strides = array<i32>} : memref<32x16xf32, #tpu.memory_space<vmem>>, vector<16xf32>,
      %add3A_167 = arith.constant 1.000000e+00 : f32
      %add3A_168 = vector.broadcast %add3A_167 : f32 to vector<16xf32>
      %add3A_169 = arith.addf %add3A_168, %get3A_166 : vector<16xf32>
      %get3A_170 = arith.constant 24 : i32
      %get3A_171 = arith.index_cast %get3A_170 : i32 to index
      %get3A_172 = arith.constant 0 : index
      %get3A_173 = tpu.vector_load %arg5[%get3A_171, %get3A_172] {strides = array<i32>} : memref<32x16xf32, #tpu.memory_space<vmem>>, vector<16xf32>,
      %add3A_174 = arith.constant 1.000000e+00 : f32
      %add3A_175 = vector.broadcast %add3A_174 : f32 to vector<16xf32>
      %add3A_176 = arith.addf %add3A_175, %get3A_173 : vector<16xf32>
      %get3A_177 = arith.constant 25 : i32
      %get3A_178 = arith.index_cast %get3A_177 : i32 to index
      %get3A_179 = arith.constant 0 : index
      %get3A_180 = tpu.vector_load %arg5[%get3A_178, %get3A_179] {strides = array<i32>} : memref<32x16xf32, #tpu.memory_space<vmem>>, vector<16xf32>,
      %add3A_181 = arith.constant 1.000000e+00 : f32
      %add3A_182 = vector.broadcast %add3A_181 : f32 to vector<16xf32>
      %add3A_183 = arith.addf %add3A_182, %get3A_180 : vector<16xf32>
      %get3A_184 = arith.constant 26 : i32
      %get3A_185 = arith.index_cast %get3A_184 : i32 to index
      %get3A_186 = arith.constant 0 : index
      %get3A_187 = tpu.vector_load %arg5[%get3A_185, %get3A_186] {strides = array<i32>} : memref<32x16xf32, #tpu.memory_space<vmem>>, vector<16xf32>,
      %add3A_188 = arith.constant 1.000000e+00 : f32
      %add3A_189 = vector.broadcast %add3A_188 : f32 to vector<16xf32>
      %add3A_190 = arith.addf %add3A_189, %get3A_187 : vector<16xf32>
      %get3A_191 = arith.constant 27 : i32
      %get3A_192 = arith.index_cast %get3A_191 : i32 to index
      %get3A_193 = arith.constant 0 : index
      %get3A_194 = tpu.vector_load %arg5[%get3A_192, %get3A_193] {strides = array<i32>} : memref<32x16xf32, #tpu.memory_space<vmem>>, vector<16xf32>,
      %add3A_195 = arith.constant 1.000000e+00 : f32
      %add3A_196 = vector.broadcast %add3A_195 : f32 to vector<16xf32>
      %add3A_197 = arith.addf %add3A_196, %get3A_194 : vector<16xf32>
      %get3A_198 = arith.constant 28 : i32
      %get3A_199 = arith.index_cast %get3A_198 : i32 to index
      %get3A_200 = arith.constant 0 : index
      %get3A_201 = tpu.vector_load %arg5[%get3A_199, %get3A_200] {strides = array<i32>} : memref<32x16xf32, #tpu.memory_space<vmem>>, vector<16xf32>,
      %add3A_202 = arith.constant 1.000000e+00 : f32
      %add3A_203 = vector.broadcast %add3A_202 : f32 to vector<16xf32>
      %add3A_204 = arith.addf %add3A_203, %get3A_201 : vector<16xf32>
      %get3A_205 = arith.constant 29 : i32
      %get3A_206 = arith.index_cast %get3A_205 : i32 to index
      %get3A_207 = arith.constant 0 : index
      %get3A_208 = tpu.vector_load %arg5[%get3A_206, %get3A_207] {strides = array<i32>} : memref<32x16xf32, #tpu.memory_space<vmem>>, vector<16xf32>,
      %add3A_209 = arith.constant 1.000000e+00 : f32
      %add3A_210 = vector.broadcast %add3A_209 : f32 to vector<16xf32>
      %add3A_211 = arith.addf %add3A_210, %get3A_208 : vector<16xf32>
      %get3A_212 = arith.constant 30 : i32
      %get3A_213 = arith.index_cast %get3A_212 : i32 to index
      %get3A_214 = arith.constant 0 : index
      %get3A_215 = tpu.vector_load %arg5[%get3A_213, %get3A_214] {strides = array<i32>} : memref<32x16xf32, #tpu.memory_space<vmem>>, vector<16xf32>,
      %add3A_216 = arith.constant 1.000000e+00 : f32
      %add3A_217 = vector.broadcast %add3A_216 : f32 to vector<16xf32>
      %add3A_218 = arith.addf %add3A_217, %get3A_215 : vector<16xf32>
      %get3A_219 = arith.constant 31 : i32
      %get3A_220 = arith.index_cast %get3A_219 : i32 to index
      %get3A_221 = arith.constant 0 : index
      %get3A_222 = tpu.vector_load %arg5[%get3A_220, %get3A_221] {strides = array<i32>} : memref<32x16xf32, #tpu.memory_space<vmem>>, vector<16xf32>,
      %add3A_223 = arith.constant 1.000000e+00 : f32
      %add3A_224 = vector.broadcast %add3A_223 : f32 to vector<16xf32>
      %add3A_225 = arith.addf %add3A_224, %get3A_222 : vector<16xf32>
      %iota3A = tpu.iota {dimensions = array<i32: 0>} : vector<16xi32>
      %broadcast_in_dim3A = arith.constant 0.000000e+00 : f32
      %broadcast_in_dim3A_226 = vector.broadcast %broadcast_in_dim3A : f32 to vector<16xf32>
      %scan3A = arith.constant 0 : i32
      %scan3A_227 = arith.constant 128 : i32
      %scan3A_228 = arith.addi %scan3A, %scan3A_227 : i32
      %scan3A_229 = arith.constant 1 : i32
      %scan3A_230 = scf.for %scan3A_239 = %scan3A to %scan3A_228 step %scan3A_229 iter_args(%scan3A_240 = %broadcast_in_dim3A_226) -> (vector<16xf32>)  : i32 {
        %jit3A = arith.constant 4 : i32
        %div3A = arith.divsi %scan3A_239, %jit3A : i32
        %sign3A = arith.constant 0 : i32
        %sign3A_241 = arith.cmpi sgt, %scan3A_239, %sign3A : i32
        %sign3A_242 = arith.extui %sign3A_241 : i1 to i32
        %sign3A_243 = arith.constant 0 : i32
        %sign3A_244 = arith.cmpi slt, %scan3A_239, %sign3A_243 : i32
        %sign3A_245 = arith.extui %sign3A_244 : i1 to i32
        %sign3A_246 = arith.subi %sign3A_242, %sign3A_245 : i32
        %sign3A_247 = arith.constant 0 : i32
        %sign3A_248 = arith.cmpi sgt, %jit3A, %sign3A_247 : i32
        %sign3A_249 = arith.extui %sign3A_248 : i1 to i32
        %sign3A_250 = arith.constant 0 : i32
        %sign3A_251 = arith.cmpi slt, %jit3A, %sign3A_250 : i32
        %sign3A_252 = arith.extui %sign3A_251 : i1 to i32
        %sign3A_253 = arith.subi %sign3A_249, %sign3A_252 : i32
        %ne3A = arith.cmpi ne, %sign3A_246, %sign3A_253 : i32
        %rem3A = arith.remsi %scan3A_239, %jit3A : i32
        %ne3A_254 = arith.constant 0 : i32
        %ne3A_255 = arith.cmpi ne, %rem3A, %ne3A_254 : i32
        %and3A = arith.andi %ne3A, %ne3A_255 : i1
        %sub3A = arith.constant 1 : i32
        %sub3A_256 = arith.subi %div3A, %sub3A : i32
        %select_n3A = arith.select %and3A, %sub3A_256, %div3A : i32
        %get3A_257 = arith.index_cast %select_n3A : i32 to index
        %get3A_258 = arith.constant 0 : index
        %get3A_259 = tpu.vector_load %arg6[%get3A_257, %get3A_258] {strides = array<i32>} : memref<32x16xf32, #tpu.memory_space<vmem>>, vector<16xf32>,
        %jit3A_260 = arith.constant 4 : i32
        %eq3A_261 = arith.constant 0 : i32
        %eq3A_262 = arith.cmpi eq, %jit3A_260, %eq3A_261 : i32
        %jit3A_263 = arith.constant 1 : i32
        %select_n3A_264 = arith.select %eq3A_262, %jit3A_263, %jit3A_260 : i32
        %rem3A_265 = arith.remsi %scan3A_239, %select_n3A_264 : i32
        %ne3A_266 = arith.constant 0 : i32
        %ne3A_267 = arith.cmpi ne, %rem3A_265, %ne3A_266 : i32
        %lt3A = arith.constant 0 : i32
        %lt3A_268 = arith.cmpi slt, %rem3A_265, %lt3A : i32
        %lt3A_269 = arith.constant 0 : i32
        %lt3A_270 = arith.cmpi slt, %select_n3A_264, %lt3A_269 : i32
        %ne3A_271 = arith.xori %lt3A_268, %lt3A_270 : i1
        %and3A_272 = arith.andi %ne3A_271, %ne3A_267 : i1
        %add3A_273 = arith.addi %rem3A_265, %select_n3A_264 : i32
        %select_n3A_274 = arith.select %and3A_272, %add3A_273, %rem3A_265 : i32
        %eq3A_275 = vector.broadcast %select_n3A_274 : i32 to vector<16xi32>
        %eq3A_276 = arith.cmpi eq, %iota3A, %eq3A_275 : vector<16xi32>
        %jit3A_277 = arith.constant 0xFF800000 : f32
        %broadcast_in_dim3A_278 = vector.broadcast %jit3A_277 : f32 to vector<16xf32>
        %select_n3A_279 = arith.select %eq3A_276, %get3A_259, %broadcast_in_dim3A_278 : vector<16xi1>, vector<16xf32>
        %reduce_max3A = arith.constant true
        %reduce_max3A_280 = vector.broadcast %reduce_max3A : i1 to vector<16xi1>
        %reduce_max3A_281 = tpu.scan <max>, %select_n3A_279 masked %reduce_max3A_280 : vector<16xf32>, vector<16xi1> -> vector<16xf32>
        %reduce_max3A_282 = vector.extract %reduce_max3A_281[15] : f32 from vector<16xf32>
        %sub3A_283 = vector.broadcast %reduce_max3A_282 : f32 to vector<16xf32>
        %sub3A_284 = arith.subf %add3A_8, %sub3A_283 : vector<16xf32>
        %max3A = arith.constant 0.000000e+00 : f32
        %max3A_285 = vector.broadcast %max3A : f32 to vector<16xf32>
        %max3A_286 = arith.maximumf %sub3A_284, %max3A_285 : vector<16xf32>
        %add3A_287 = arith.addf %scan3A_240, %max3A_286 : vector<16xf32>
        %sub3A_288 = vector.broadcast %reduce_max3A_282 : f32 to vector<16xf32>
        %sub3A_289 = arith.subf %add3A_15, %sub3A_288 : vector<16xf32>
        %max3A_290 = arith.constant 0.000000e+00 : f32
        %max3A_291 = vector.broadcast %max3A_290 : f32 to vector<16xf32>
        %max3A_292 = arith.maximumf %sub3A_289, %max3A_291 : vector<16xf32>
        %add3A_293 = arith.addf %add3A_287, %max3A_292 : vector<16xf32>
        %sub3A_294 = vector.broadcast %reduce_max3A_282 : f32 to vector<16xf32>
        %sub3A_295 = arith.subf %add3A_22, %sub3A_294 : vector<16xf32>
        %max3A_296 = arith.constant 0.000000e+00 : f32
        %max3A_297 = vector.broadcast %max3A_296 : f32 to vector<16xf32>
        %max3A_298 = arith.maximumf %sub3A_295, %max3A_297 : vector<16xf32>
        %add3A_299 = arith.addf %add3A_293, %max3A_298 : vector<16xf32>
        %sub3A_300 = vector.broadcast %reduce_max3A_282 : f32 to vector<16xf32>
        %sub3A_301 = arith.subf %add3A_29, %sub3A_300 : vector<16xf32>
        %max3A_302 = arith.constant 0.000000e+00 : f32
        %max3A_303 = vector.broadcast %max3A_302 : f32 to vector<16xf32>
        %max3A_304 = arith.maximumf %sub3A_301, %max3A_303 : vector<16xf32>
        %add3A_305 = arith.addf %add3A_299, %max3A_304 : vector<16xf32>
        %sub3A_306 = vector.broadcast %reduce_max3A_282 : f32 to vector<16xf32>
        %sub3A_307 = arith.subf %add3A_36, %sub3A_306 : vector<16xf32>
        %max3A_308 = arith.constant 0.000000e+00 : f32
        %max3A_309 = vector.broadcast %max3A_308 : f32 to vector<16xf32>
        %max3A_310 = arith.maximumf %sub3A_307, %max3A_309 : vector<16xf32>
        %add3A_311 = arith.addf %add3A_305, %max3A_310 : vector<16xf32>
        %sub3A_312 = vector.broadcast %reduce_max3A_282 : f32 to vector<16xf32>
        %sub3A_313 = arith.subf %add3A_43, %sub3A_312 : vector<16xf32>
        %max3A_314 = arith.constant 0.000000e+00 : f32
        %max3A_315 = vector.broadcast %max3A_314 : f32 to vector<16xf32>
        %max3A_316 = arith.maximumf %sub3A_313, %max3A_315 : vector<16xf32>
        %add3A_317 = arith.addf %add3A_311, %max3A_316 : vector<16xf32>
        %sub3A_318 = vector.broadcast %reduce_max3A_282 : f32 to vector<16xf32>
        %sub3A_319 = arith.subf %add3A_50, %sub3A_318 : vector<16xf32>
        %max3A_320 = arith.constant 0.000000e+00 : f32
        %max3A_321 = vector.broadcast %max3A_320 : f32 to vector<16xf32>
        %max3A_322 = arith.maximumf %sub3A_319, %max3A_321 : vector<16xf32>
        %add3A_323 = arith.addf %add3A_317, %max3A_322 : vector<16xf32>
        %sub3A_324 = vector.broadcast %reduce_max3A_282 : f32 to vector<16xf32>
        %sub3A_325 = arith.subf %add3A_57, %sub3A_324 : vector<16xf32>
        %max3A_326 = arith.constant 0.000000e+00 : f32
        %max3A_327 = vector.broadcast %max3A_326 : f32 to vector<16xf32>
        %max3A_328 = arith.maximumf %sub3A_325, %max3A_327 : vector<16xf32>
        %add3A_329 = arith.addf %add3A_323, %max3A_328 : vector<16xf32>
        %sub3A_330 = vector.broadcast %reduce_max3A_282 : f32 to vector<16xf32>
        %sub3A_331 = arith.subf %add3A_64, %sub3A_330 : vector<16xf32>
        %max3A_332 = arith.constant 0.000000e+00 : f32
        %max3A_333 = vector.broadcast %max3A_332 : f32 to vector<16xf32>
        %max3A_334 = arith.maximumf %sub3A_331, %max3A_333 : vector<16xf32>
        %add3A_335 = arith.addf %add3A_329, %max3A_334 : vector<16xf32>
        %sub3A_336 = vector.broadcast %reduce_max3A_282 : f32 to vector<16xf32>
        %sub3A_337 = arith.subf %add3A_71, %sub3A_336 : vector<16xf32>
        %max3A_338 = arith.constant 0.000000e+00 : f32
        %max3A_339 = vector.broadcast %max3A_338 : f32 to vector<16xf32>
        %max3A_340 = arith.maximumf %sub3A_337, %max3A_339 : vector<16xf32>
        %add3A_341 = arith.addf %add3A_335, %max3A_340 : vector<16xf32>
        %sub3A_342 = vector.broadcast %reduce_max3A_282 : f32 to vector<16xf32>
        %sub3A_343 = arith.subf %add3A_78, %sub3A_342 : vector<16xf32>
        %max3A_344 = arith.constant 0.000000e+00 : f32
        %max3A_345 = vector.broadcast %max3A_344 : f32 to vector<16xf32>
        %max3A_346 = arith.maximumf %sub3A_343, %max3A_345 : vector<16xf32>
        %add3A_347 = arith.addf %add3A_341, %max3A_346 : vector<16xf32>
        %sub3A_348 = vector.broadcast %reduce_max3A_282 : f32 to vector<16xf32>
        %sub3A_349 = arith.subf %add3A_85, %sub3A_348 : vector<16xf32>
        %max3A_350 = arith.constant 0.000000e+00 : f32
        %max3A_351 = vector.broadcast %max3A_350 : f32 to vector<16xf32>
        %max3A_352 = arith.maximumf %sub3A_349, %max3A_351 : vector<16xf32>
        %add3A_353 = arith.addf %add3A_347, %max3A_352 : vector<16xf32>
        %sub3A_354 = vector.broadcast %reduce_max3A_282 : f32 to vector<16xf32>
        %sub3A_355 = arith.subf %add3A_92, %sub3A_354 : vector<16xf32>
        %max3A_356 = arith.constant 0.000000e+00 : f32
        %max3A_357 = vector.broadcast %max3A_356 : f32 to vector<16xf32>
        %max3A_358 = arith.maximumf %sub3A_355, %max3A_357 : vector<16xf32>
        %add3A_359 = arith.addf %add3A_353, %max3A_358 : vector<16xf32>
        %sub3A_360 = vector.broadcast %reduce_max3A_282 : f32 to vector<16xf32>
        %sub3A_361 = arith.subf %add3A_99, %sub3A_360 : vector<16xf32>
        %max3A_362 = arith.constant 0.000000e+00 : f32
        %max3A_363 = vector.broadcast %max3A_362 : f32 to vector<16xf32>
        %max3A_364 = arith.maximumf %sub3A_361, %max3A_363 : vector<16xf32>
        %add3A_365 = arith.addf %add3A_359, %max3A_364 : vector<16xf32>
        %sub3A_366 = vector.broadcast %reduce_max3A_282 : f32 to vector<16xf32>
        %sub3A_367 = arith.subf %add3A_106, %sub3A_366 : vector<16xf32>
        %max3A_368 = arith.constant 0.000000e+00 : f32
        %max3A_369 = vector.broadcast %max3A_368 : f32 to vector<16xf32>
        %max3A_370 = arith.maximumf %sub3A_367, %max3A_369 : vector<16xf32>
        %add3A_371 = arith.addf %add3A_365, %max3A_370 : vector<16xf32>
        %sub3A_372 = vector.broadcast %reduce_max3A_282 : f32 to vector<16xf32>
        %sub3A_373 = arith.subf %add3A_113, %sub3A_372 : vector<16xf32>
        %max3A_374 = arith.constant 0.000000e+00 : f32
        %max3A_375 = vector.broadcast %max3A_374 : f32 to vector<16xf32>
        %max3A_376 = arith.maximumf %sub3A_373, %max3A_375 : vector<16xf32>
        %add3A_377 = arith.addf %add3A_371, %max3A_376 : vector<16xf32>
        %sub3A_378 = vector.broadcast %reduce_max3A_282 : f32 to vector<16xf32>
        %sub3A_379 = arith.subf %add3A_120, %sub3A_378 : vector<16xf32>
        %max3A_380 = arith.constant 0.000000e+00 : f32
        %max3A_381 = vector.broadcast %max3A_380 : f32 to vector<16xf32>
        %max3A_382 = arith.maximumf %sub3A_379, %max3A_381 : vector<16xf32>
        %add3A_383 = arith.addf %add3A_377, %max3A_382 : vector<16xf32>
        %sub3A_384 = vector.broadcast %reduce_max3A_282 : f32 to vector<16xf32>
        %sub3A_385 = arith.subf %add3A_127, %sub3A_384 : vector<16xf32>
        %max3A_386 = arith.constant 0.000000e+00 : f32
        %max3A_387 = vector.broadcast %max3A_386 : f32 to vector<16xf32>
        %max3A_388 = arith.maximumf %sub3A_385, %max3A_387 : vector<16xf32>
        %add3A_389 = arith.addf %add3A_383, %max3A_388 : vector<16xf32>
        %sub3A_390 = vector.broadcast %reduce_max3A_282 : f32 to vector<16xf32>
        %sub3A_391 = arith.subf %add3A_134, %sub3A_390 : vector<16xf32>
        %max3A_392 = arith.constant 0.000000e+00 : f32
        %max3A_393 = vector.broadcast %max3A_392 : f32 to vector<16xf32>
        %max3A_394 = arith.maximumf %sub3A_391, %max3A_393 : vector<16xf32>
        %add3A_395 = arith.addf %add3A_389, %max3A_394 : vector<16xf32>
        %sub3A_396 = vector.broadcast %reduce_max3A_282 : f32 to vector<16xf32>
        %sub3A_397 = arith.subf %add3A_141, %sub3A_396 : vector<16xf32>
        %max3A_398 = arith.constant 0.000000e+00 : f32
        %max3A_399 = vector.broadcast %max3A_398 : f32 to vector<16xf32>
        %max3A_400 = arith.maximumf %sub3A_397, %max3A_399 : vector<16xf32>
        %add3A_401 = arith.addf %add3A_395, %max3A_400 : vector<16xf32>
        %sub3A_402 = vector.broadcast %reduce_max3A_282 : f32 to vector<16xf32>
        %sub3A_403 = arith.subf %add3A_148, %sub3A_402 : vector<16xf32>
        %max3A_404 = arith.constant 0.000000e+00 : f32
        %max3A_405 = vector.broadcast %max3A_404 : f32 to vector<16xf32>
        %max3A_406 = arith.maximumf %sub3A_403, %max3A_405 : vector<16xf32>
        %add3A_407 = arith.addf %add3A_401, %max3A_406 : vector<16xf32>
        %sub3A_408 = vector.broadcast %reduce_max3A_282 : f32 to vector<16xf32>
        %sub3A_409 = arith.subf %add3A_155, %sub3A_408 : vector<16xf32>
        %max3A_410 = arith.constant 0.000000e+00 : f32
        %max3A_411 = vector.broadcast %max3A_410 : f32 to vector<16xf32>
        %max3A_412 = arith.maximumf %sub3A_409, %max3A_411 : vector<16xf32>
        %add3A_413 = arith.addf %add3A_407, %max3A_412 : vector<16xf32>
        %sub3A_414 = vector.broadcast %reduce_max3A_282 : f32 to vector<16xf32>
        %sub3A_415 = arith.subf %add3A_162, %sub3A_414 : vector<16xf32>
        %max3A_416 = arith.constant 0.000000e+00 : f32
        %max3A_417 = vector.broadcast %max3A_416 : f32 to vector<16xf32>
        %max3A_418 = arith.maximumf %sub3A_415, %max3A_417 : vector<16xf32>
        %add3A_419 = arith.addf %add3A_413, %max3A_418 : vector<16xf32>
        %sub3A_420 = vector.broadcast %reduce_max3A_282 : f32 to vector<16xf32>
        %sub3A_421 = arith.subf %add3A_169, %sub3A_420 : vector<16xf32>
        %max3A_422 = arith.constant 0.000000e+00 : f32
        %max3A_423 = vector.broadcast %max3A_422 : f32 to vector<16xf32>
        %max3A_424 = arith.maximumf %sub3A_421, %max3A_423 : vector<16xf32>
        %add3A_425 = arith.addf %add3A_419, %max3A_424 : vector<16xf32>
        %sub3A_426 = vector.broadcast %reduce_max3A_282 : f32 to vector<16xf32>
        %sub3A_427 = arith.subf %add3A_176, %sub3A_426 : vector<16xf32>
        %max3A_428 = arith.constant 0.000000e+00 : f32
        %max3A_429 = vector.broadcast %max3A_428 : f32 to vector<16xf32>
        %max3A_430 = arith.maximumf %sub3A_427, %max3A_429 : vector<16xf32>
        %add3A_431 = arith.addf %add3A_425, %max3A_430 : vector<16xf32>
        %sub3A_432 = vector.broadcast %reduce_max3A_282 : f32 to vector<16xf32>
        %sub3A_433 = arith.subf %add3A_183, %sub3A_432 : vector<16xf32>
        %max3A_434 = arith.constant 0.000000e+00 : f32
        %max3A_435 = vector.broadcast %max3A_434 : f32 to vector<16xf32>
        %max3A_436 = arith.maximumf %sub3A_433, %max3A_435 : vector<16xf32>
        %add3A_437 = arith.addf %add3A_431, %max3A_436 : vector<16xf32>
        %sub3A_438 = vector.broadcast %reduce_max3A_282 : f32 to vector<16xf32>
        %sub3A_439 = arith.subf %add3A_190, %sub3A_438 : vector<16xf32>
        %max3A_440 = arith.constant 0.000000e+00 : f32
        %max3A_441 = vector.broadcast %max3A_440 : f32 to vector<16xf32>
        %max3A_442 = arith.maximumf %sub3A_439, %max3A_441 : vector<16xf32>
        %add3A_443 = arith.addf %add3A_437, %max3A_442 : vector<16xf32>
        %sub3A_444 = vector.broadcast %reduce_max3A_282 : f32 to vector<16xf32>
        %sub3A_445 = arith.subf %add3A_197, %sub3A_444 : vector<16xf32>
        %max3A_446 = arith.constant 0.000000e+00 : f32
        %max3A_447 = vector.broadcast %max3A_446 : f32 to vector<16xf32>
        %max3A_448 = arith.maximumf %sub3A_445, %max3A_447 : vector<16xf32>
        %add3A_449 = arith.addf %add3A_443, %max3A_448 : vector<16xf32>
        %sub3A_450 = vector.broadcast %reduce_max3A_282 : f32 to vector<16xf32>
        %sub3A_451 = arith.subf %add3A_204, %sub3A_450 : vector<16xf32>
        %max3A_452 = arith.constant 0.000000e+00 : f32
        %max3A_453 = vector.broadcast %max3A_452 : f32 to vector<16xf32>
        %max3A_454 = arith.maximumf %sub3A_451, %max3A_453 : vector<16xf32>
        %add3A_455 = arith.addf %add3A_449, %max3A_454 : vector<16xf32>
        %sub3A_456 = vector.broadcast %reduce_max3A_282 : f32 to vector<16xf32>
        %sub3A_457 = arith.subf %add3A_211, %sub3A_456 : vector<16xf32>
        %max3A_458 = arith.constant 0.000000e+00 : f32
        %max3A_459 = vector.broadcast %max3A_458 : f32 to vector<16xf32>
        %max3A_460 = arith.maximumf %sub3A_457, %max3A_459 : vector<16xf32>
        %add3A_461 = arith.addf %add3A_455, %max3A_460 : vector<16xf32>
        %sub3A_462 = vector.broadcast %reduce_max3A_282 : f32 to vector<16xf32>
        %sub3A_463 = arith.subf %add3A_218, %sub3A_462 : vector<16xf32>
        %max3A_464 = arith.constant 0.000000e+00 : f32
        %max3A_465 = vector.broadcast %max3A_464 : f32 to vector<16xf32>
        %max3A_466 = arith.maximumf %sub3A_463, %max3A_465 : vector<16xf32>
        %add3A_467 = arith.addf %add3A_461, %max3A_466 : vector<16xf32>
        %sub3A_468 = vector.broadcast %reduce_max3A_282 : f32 to vector<16xf32>
        %sub3A_469 = arith.subf %add3A_225, %sub3A_468 : vector<16xf32>
        %max3A_470 = arith.constant 0.000000e+00 : f32
        %max3A_471 = vector.broadcast %max3A_470 : f32 to vector<16xf32>
        %max3A_472 = arith.maximumf %sub3A_469, %max3A_471 : vector<16xf32>
        %add3A_473 = arith.addf %add3A_467, %max3A_472 : vector<16xf32>
        scf.yield %add3A_473 : vector<16xf32>
      }
      %scan3A_231 = arith.constant 128 : i32
      %reduce_sum3A = arith.constant true
      %reduce_sum3A_232 = vector.broadcast %reduce_sum3A : i1 to vector<16xi1>
      %reduce_sum3A_233 = tpu.scan <sum>, %scan3A_230 masked %reduce_sum3A_232 : vector<16xf32>, vector<16xi1> -> vector<16xf32>
      %reduce_sum3A_234 = vector.extract %reduce_sum3A_233[15] : f32 from vector<16xf32>
      %mul3A_235 = arith.constant 6.10351563E-5 : f32
      %mul3A_236 = arith.mulf %reduce_sum3A_234, %mul3A_235 : f32
      %broadcast_in_dim3A_237 = vector.broadcast %mul3A_236 : f32 to vector<16xf32>
      %swap3A = arith.constant 0 : index
      %swap3A_238 = tpu.vector_load %arg7[%swap3A] {strides = array<i32>} : memref<16xf32, #tpu.memory_space<vmem>>, vector<16xf32>,
      tpu.vector_store %arg7[%swap3A], %broadcast_in_dim3A_237 {strides = array<i32>} : memref<16xf32, #tpu.memory_space<vmem>>, vector<16xf32>,
      "tpu.region"() ({
        %run_scoped3A = tpu.sem_alloc : memref<!tpu.dma_semaphore, #tpu.memory_space<semaphore_mem>>
        tpu.enqueue_dma source(%arg7 : memref<16xf32, #tpu.memory_space<vmem>>) target(%arg4 : memref<16xf32, #tpu.memory_space<hbm>>) target_semaphore(%run_scoped3A : memref<!tpu.dma_semaphore, #tpu.memory_space<semaphore_mem>>)
        tpu.wait_dma2 semaphore(%run_scoped3A : memref<!tpu.dma_semaphore, #tpu.memory_space<semaphore_mem>>) src(%arg7 : memref<16xf32, #tpu.memory_space<vmem>>) dst(%arg4 : memref<16xf32, #tpu.memory_space<hbm>>)
        tpu.yield
      }) : () -> ()
    } else {
    }
    return
  }
}

</mosaic_0001>

<sc_bundles>
// kernel: kernel.4.cloned.1.call-start
scs
__scs_entry_jumppad:
0x0: {  	(pc) =	sbr.rel $0x88, $3  }
0x1: {  	(tag) =	ssettag $0x0;
	lr =	simm.s32 $0x1  }
0x2: {  	[smem:$0x3F9F] =	sst lr;
	_ =	strace $0xD0000000  }
0x3: {  	_ = 	snop  }
0x4: {  	_ = 	snop  }
0x5: {  	_ = 	snop  }
0x6: {  	_ = 	snop  }
0x7: {  	_ = 	snop  }
__scs_overlays_trampoline_lowered:
0x8: {  	[smem:$0x3FAE] =	sst s0  }
0x9: {  	[smem:$0x3FAF] =	sst s1  }
0xa: {  	[smem:$0x3FB0] =	sst s2  }
0xb: {  	[smem:$0x3FB1] =	sst s3  }
0xc: {  	[smem:$0x3FB2] =	sst s4  }
0xd: {  	[smem:$0x3FB3] =	sst s5  }
0xe: {  	[smem:$0x3FB4] =	sst s6  }
0xf: {  	[smem:$0x3FB5] =	sst s7  }
0x10: {  	[smem:$0x3FB6] =	sst s8  }
0x11: {  	[smem:$0x3FB7] =	sst s9;
	s0 =	simm.s32 @!p0 $0x0  }
0x12: {  	s1 =	sld [smem:$0x3F9D];
	s0 =	simm.s32 @p0 $0x1  }
0x13: {  	[smem:$0x3FB8] =	sst s0;
	s0 =	simm.s32 @!p1 $0x0  }
0x14: {  	s2 =	sld [smem:$0x3F9C];
	s0 =	simm.s32 @p1 $0x1  }
0x15: {  	[smem:$0x3FB9] =	sst s0;
	s0 =	simm.s32 @!p2 $0x0  }
0x16: {  	s3 =	sld [smem:$0x3FDB];
	s0 =	simm.s32 @p2 $0x1  }
0x17: {  	s4 =	simm.s32 $0x1BF5;
	[smem:$0x3FBB] =	sst s0  }
0x18: {  	s0 =	sld [smem:$0x3F9E];
	_ =	swait.ge [sflag:s4], $0x0  }
0x19: {  	s7 =	sld [smem:$0x3F9F]  }
0x1a: {  	s8 =	sadd.s32 $0xFFFFE003, lr  }
0x1b: {  	s9 =	sadd.s32 $0xFFFFFEF7, lr;
	s5 =	simm.s32 $0xFFFFFFFF;
	p2 =	slt.u32 s8, $0xFFFFF086  }
0x1c: {  	p1 =	slt.u32 s9, $0xF7A;
	s5 =	simm.s32 @!p2 $0x0  }
0x1d: {  	s5 =	simm.s32 @p1 $0x1;
	p0 =	seq.s32 s7, s2  }
0x1e: {  	s7 =	smul.u32 @!p0 $0xF7A, s2;
	p2 =	seq.s32 @!p0 s5, $0x0  }
0x1f: {  	s9 =	smul.u32 $0xF7A, s1;
	s8 =	simm.s32 @!p0 $0x1BF5;
	p2 =	por !p2, p0  }
0x20: {  	[sflag:s8] =	ssyncset.s32 @!p0 $0xFFFFF086;
	s6 =	sadd.s32 @!p0 s3, s7;
	s7 =	simm.s32 @!p0 $0x108  }
0x21: {  	s3 =	sadd.s32 s3, s9;
	s6 =	sadd.s32 @!p0 $0x88, s6;
	s7 =	simm.s32 @p2 $0x1082  }
0x22: {  	[simem:s7], [sflag:s8] =	dma.local @!p0 [hbm:s6], $0xF7A  }
0x23: {  	s9 =	sor.u32 $0xD0000000, s2;
	s6 =	simm.s32 $0x108;
	_ =	swait.ge @!p0 [sflag:s8], $0x0  }
0x24: {  	s3 =	sadd.s32 $0x88, s3;
	s6 =	simm.s32 @!p1 $0x1082;
	[sflag:s4] =	ssyncset.s32 $0xFFFFF086  }
0x25: {  	[simem:s6], [sflag:s4] =	dma.local [hbm:s3], $0xF7A  }
0x26: {  	[smem:$0x3F9F] =	sst s1;
	(tag) =	ssettag s2;
	_ =	strace s9  }
0x27: {  	s1 =	sld [smem:$0x3FAF]  }
0x28: {  	s2 =	sld [smem:$0x3FB0]  }
0x29: {  	s4 =	sld [smem:$0x3FB2]  }
0x2a: {  	p0 =	seq.s32 s5, $0x0;
	s5 =	sld [smem:$0x3FB3]  }
0x2b: {  	s6 =	sld [smem:$0x3FB4]  }
0x2c: {  	s7 =	sld [smem:$0x3FB5]  }
0x2d: {  	s3 =	simm.s32 $0x108;
	s8 =	sld [smem:$0x3FB6]  }
0x2e: {  	s3 =	simm.s32 @!p0 $0x1082;
	s9 =	sld [smem:$0x3FB7]  }
0x2f: {  	lr =	sadd.s32 s0, s3;
	s0 =	sld [smem:$0x3FAE]  }
0x30: {  	s3 =	sld [smem:$0x3FB1]  }
0x31: {  	[smem:$0x3FBA] =	sst s10  }
0x32: {  	s10 =	sld [smem:$0x3FB8];
	_ =	sdelay $0x3  }
0x33: {  	p0 =	seq.s32 s10, $0x1;
	s10 =	sld [smem:$0x3FBA];
	_ =	sdelay $0x3  }
0x34: {  	[smem:$0x3FBA] =	sst s10  }
0x35: {  	s10 =	sld [smem:$0x3FB9];
	_ =	sdelay $0x3  }
0x36: {  	p1 =	seq.s32 s10, $0x1;
	s10 =	sld [smem:$0x3FBA];
	_ =	sdelay $0x3  }
0x37: {  	[smem:$0x3FBA] =	sst s10  }
0x38: {  	s10 =	sld [smem:$0x3FBB]  }
0x39: {  	_ = 	snop;
	(pc) =	sbr.ind lr, $3  }
0x3a: {  	_ = 	snop  }
0x3b: {  	_ = 	snop  }
0x3c: {  	p2 =	seq.s32 s10, $0x1;
	s10 =	sld [smem:$0x3FBA]  }
0x3d: {  	_ =	shalt  }
0x3e: {  	_ =	shalt  }
0x3f: {  	_ =	shalt  }
0x40: {  	_ =	shalt  }
0x41: {  	_ =	shalt  }
0x42: {  	_ =	shalt  }
0x43: {  	_ =	shalt  }
0x44: {  	_ =	shalt  }
0x45: {  	_ =	shalt  }
0x46: {  	_ =	shalt  }
0x47: {  	_ =	shalt  }
0x48: {  	_ =	shalt  }
0x49: {  	_ =	shalt  }
0x4a: {  	_ =	shalt  }
0x4b: {  	_ =	shalt  }
0x4c: {  	_ =	shalt  }
0x4d: {  	_ =	shalt  }
0x4e: {  	_ =	shalt  }
0x4f: {  	_ =	shalt  }
0x50: {  	_ =	shalt  }
0x51: {  	_ =	shalt  }
0x52: {  	_ =	shalt  }
0x53: {  	_ =	shalt  }
0x54: {  	_ =	shalt  }
0x55: {  	_ =	shalt  }
0x56: {  	_ =	shalt  }
0x57: {  	_ =	shalt  }
0x58: {  	_ =	shalt  }
0x59: {  	_ =	shalt  }
0x5a: {  	_ =	shalt  }
0x5b: {  	_ =	shalt  }
0x5c: {  	_ =	shalt  }
0x5d: {  	_ =	shalt  }
0x5e: {  	_ =	shalt  }
0x5f: {  	_ =	shalt  }
0x60: {  	_ =	shalt  }
0x61: {  	_ =	shalt  }
0x62: {  	_ =	shalt  }
0x63: {  	_ =	shalt  }
0x64: {  	_ =	shalt  }
0x65: {  	_ =	shalt  }
0x66: {  	_ =	shalt  }
0x67: {  	_ =	shalt  }
0x68: {  	_ =	shalt  }
0x69: {  	_ =	shalt  }
0x6a: {  	_ =	shalt  }
0x6b: {  	_ =	shalt  }
0x6c: {  	_ =	shalt  }
0x6d: {  	_ =	shalt  }
0x6e: {  	_ =	shalt  }
0x6f: {  	_ =	shalt  }
0x70: {  	_ =	shalt  }
0x71: {  	_ =	shalt  }
0x72: {  	_ =	shalt  }
0x73: {  	_ =	shalt  }
0x74: {  	_ =	shalt  }
0x75: {  	_ =	shalt  }
0x76: {  	_ =	shalt  }
0x77: {  	_ =	shalt  }
0x78: {  	_ =	shalt  }
0x79: {  	_ =	shalt  }
0x7a: {  	_ =	shalt  }
0x7b: {  	_ =	shalt  }
0x7c: {  	_ =	shalt  }
0x7d: {  	_ =	shalt  }
0x7e: {  	_ =	shalt  }
0x7f: {  	_ =	shalt  }
0x80: {  	_ =	shalt  }
0x81: {  	_ =	shalt  }
0x82: {  	_ =	shalt  }
0x83: {  	_ =	shalt  }
0x84: {  	_ =	shalt  }
0x85: {  	_ =	shalt  }
0x86: {  	_ =	shalt  }
0x87: {  	_ =	shalt  }
.Lfunc_end0:
.L_simem_size_0:
called_computation_lowered:
.L_overlay_start_0:
0x88: {  	s2 =	sld [smem:$0x3FD9]  }
0x89: {  	s3 =	sld [smem:$0x3FFE];
	_ =	sdelay $0x1  }
0x8a: {  	s1 =	srdreg.scid  }
0x8b: {  	s0 =	sand.u32 $0x1, s1  }
0x8c: {  	s17 =	sshll.u32 s0, $0xA;
	s2 =	sadd.s32 s3, s2  }
0x8d: {  	s2 =	sadd.s32 s2, s17  }
0x8e: {  	[smem:$0x3FC6] =	sst s2  }
0x8f: {  	_ = 	snop  }
0x90: {  	s2 =	sld [smem:$0x3FC8];
	(tm) =	ssettm $0x1  }
0x91: {  	s18 =	sld [smem:$0x3FFB];
	_ =	sdelay $0x3  }
0x92: {  	_ =	strace s18  }
0x93: {  	s3 =	sld [smem:$0x3FFC];
	_ =	sdelay $0x3  }
0x94: {  	_ =	strace s3  }
0x95: {  	s3 =	sld [smem:$0x3FFD];
	_ =	sdelay $0x3  }
0x96: {  	_ =	strace s3  }
0x97: {  	_ =	strace $0x8FFFFFFF  }
0x98: {  	s19 =	sld [smem:$0x3FDB];
	_ =	sdelay $0x1  }
0x99: {  	s4 =	simm.s32 $_scs_section_size  }
0x9a: {  	s5 =	simm.s32 $_size__tile_overlayer_lowered;
	s6 =	simm.s32 $_tile_overlayer_lowered  }
0x9b: {  	s22 =	simm.s32 $0x1BFF;
	s21 =	sshll.u32 s6, $0x1;
	s3 =	sadd.s32 s4, s19  }
0x9c: {  	s7 =	simm.s32 $0x0;
	s20 =	sshll.u32 s5, $0x1;
	s5 =	sadd.s32 s21, s3  }
0x9d: {  	[timem:s7], [sflag:s22] =	dma.local [hbm:s5], s20  }
0x9e: {  	_ =	swait.ge [sflag:s22], s20  }
0x9f: {  	s4 =	ssub.s32 $0x0, s20;
	[sflag:s22] =	ssyncset.done $0x0  }
0xa0: {  	[sflag:s22] =	ssyncadd.s32 s4;
	_ =	sdelay $0x1  }
0xa1: {  	s23 =	simm.s32 $0x1B8B  }
0xa2: {  	_ =	swait.ge [sflag:s23], $0x1  }
0xa3: {  	[sflag:s23] =	ssyncset.done $0x0  }
0xa4: {  	s25 =	simm.s32 $0x1B8E;
	s24 =	sld [smem:$0x3FFE];
	[sflag:s23] =	ssyncadd.s32 $0xFFFFFFFF  }
0xa5: {  	s26 =	simm.s32 $execute0_lowered;
	[smem:$0x3FD2] =	sst s25  }
0xa6: {  	s5 =	sshll.u32 s26, $0x1;
	_ =	strace $0x80000046;
	[dreg:$0x1] =	wrdreg $0xFFFFFFFF  }
0xa7: {  	s28 =	simm.s32 $_size_execute0_lowered;
	s3 =	sadd.s32 s3, s5;
	[dreg:$0x0] =	wrdreg $0x0  }
0xa8: {  	s5 =	sshll.u32 s28, $0x1;
	[dreg:$0x2] =	wrdreg s3  }
0xa9: {  	[dreg:$0x3] =	wrdreg s5  }
0xaa: {  	[dreg:$0x4] =	wrdreg $0xC0  }
0xab: {  	_ =	task [dreg:s7], $0x5FFFF  }
0xac: {  	[dreg:$0x1] =	wrdreg $0xFFFFFFFF  }
0xad: {  	[dreg:$0x0] =	wrdreg $0x60  }
0xae: {  	[dreg:$0x2] =	wrdreg s24  }
0xaf: {  	[dreg:$0x3] =	wrdreg s2  }
0xb0: {  	[dreg:$0x4] =	wrdreg $0x9  }
0xb1: {  	_ =	task.clear_ibuf [dreg:s7], $0x5FFFF;
	_ =	strace $0x90000046  }
0xb2: {  	s29 =	simm.s32 $0x9;
	_ =	strace $0x80000048  }
0xb3: {  	_ =	swait.ge [sflag:s29], $0x1  }
0xb4: {  	[sflag:s29] =	ssyncadd.s32 $0xFFFFFFFF  }
0xb5: {  	_ =	strace $0x90000048  }
0xb6: {  	_ =	sfence  }
0xb7: {  	s30 =	sld [smem:$0x0];
	_ =	sdelay $0x2  }
0xb8: {  	s31 =	sshll.u32 s1, $0xD;
	s1 =	sshrl.u32 s1, $0x2  }
0xb9: {  	s3 =	sand.u32 $0x4000, s31;
	s1 =	sadd.s32 s1, s30  }
0xba: {  	s0 =	sor.u32 s3, s0;
	s1 =	sshll.u32 s1, $0x11  }
0xbb: {  	s0 =	sor.u32 s1, s0  }
0xbc: {  	s0 =	sadd.s32 $0x8F2B, s0  }
0xbd: {  	[sflag:s0] =	ssyncadd.remote.s32 $0x1  }
0xbe: {  	_ =	sfence.sel $0xFFFF  }
0xbf: {  	[dreg:$0x0] =	wrdreg $0xFFFFFFFF;
	(pc) =	sbr.abs _section_cstart, $3  }
0xc0: {  	[dreg:$0x1] =	wrdreg $0xFFFFFFFF  }
0xc1: {  	_ =	task.clear_ibuf [dreg:s7], $0x2FFFF;
	_ =	strace $0x9FFFFFFF  }
0xc2: {  	(tm) =	ssettm $0x7FFFFFFF  }
0xc3: {  	_ =	shalt  }
tec
execute0_lowered:
.L_overlay_start_1:
0x0: {  	(tag) =	ssettag $0x1  }
0x1: {  	s0 =	rddreg [dreg:$0x0];
	s2 =	simm.s32 $0x0;
	s1 =	srdreg.scid  }
0x2: {  	s9 =	stileid.u32;
	s12 =	simm.s32 $0x3;
	s13 =	simm.s32 $0x80  }
0x3: {  	s14 =	simm.s32 $0x400;
	s16 =	simm.s32 $0x3180;
	s20 =	simm.s32 $0x0  }
0x4: {  	[smem:$0x7FF] =	sst s2;
	s4 =	sadd.s32 $0xC00, s0;
	s1 =	sand.u32 $0x1, s1  }
0x5: {  	s3 =	sshll.u32 s9, $0x1;
	s5 =	smul.u32 $0xC3800, s9;
	s30 =	sshll.u32 s9, $0x5  }
0x6: {  	_ =	strace $0x80000047;
	s3 =	sor.u32 s1, s3;
	s6 =	ssub.s32 $0x2, s1  }
0x7: {  	s1 =	sshll.u32 s1, $0x9;
	s7 =	sshll.u32 s3, $0x4;
	s8 =	sshrl.u32 s6, $0x1  }
.Ltmp0:
0x8: {  	s1 =	sor.u32 s1, s5;
	s5 =	sshll.u32 s3, $0x2;
	(pc) =	sbr.rel .LBB2_1-.Ltmp0, $4  }
0x9: {  	s0 =	sadd.s32 s7, s0;
	s10 =	ssub.s32 s6, s8;
	s1 =	sshrl.u32 s1, $0x3  }
0xa: {  	s7 =	sand.u32 $0xC, s5;
	s6 =	sadd.s32 s4, s1;
	s1 =	sand.u32 $0x1C0, s30  }
0xb: {  	s31 =	sadd.s32 $0x187C00, s0;
	s9 =	sadd.s32 $0x187E00, s0;
	s10 =	smax.u32 s10, $0x1  }
0xc: {  	v0 =	vlaneseq.u32;
	[dreg:$0x3] =	wrdreg s31;
	s15 =	sadd.s32 $0x3180, s6;
	s17 =	sshrl.u32 s1, $0x2  }
.LBB2_48:
0xd: {  	[tilespmem:$0x8900] =	vst v2  }
0xe: {  	[tilespmem:$0x8980] =	vst v1;
	s0 =	rddreg [dreg:$0x3];
	s1 =	simm.s32 $0x8900  }
0xf: {  	[hbm4b:s0+s2] =	stream.linear.scatter [tilespmem:s1], [sflag:$0x3], $0x80, $0x38;
	[tilespmem:$0x8A00] =	vst v63  }
0x10: {  	s20 =	sadd.s32 $0x1, s20;
	_ =	swait.ge [sflag:s12], $0x80  }
0x11: {  	p0 =	sne.s32 s20, s10;
	[sflag:s12] =	ssyncset.done $0x0  }
.Ltmp1:
0x12: {  	s31 =	simm.s32 $0x8980;
	[sflag:s12] =	ssyncadd.s32 $0xFFFFFF80;
	(pc) =	sbr.rel @!p0 .LBB2_49-.Ltmp1, $4  }
0x13: {  	[hbm4b:s9+s2] =	stream.linear.scatter [tilespmem:s31], [sflag:$0x3], $0x80, $0x38;
	[tilespmem:$0x8A00] =	vst v63  }
0x14: {  	_ =	swait.ge [sflag:s12], $0x80  }
0x15: {  	[sflag:s12] =	ssyncset.done $0x0  }
0x16: {  	[sflag:s12] =	ssyncadd.s32 $0xFFFFFF80  }
.LBB2_1:
0x17: {  	s0 =	rddreg [dreg:$0x1];
	s1 =	simm.s32 $0x6880  }
0x18: {  	[tilespmem:s1], [sflag:$0x3] =	stream.linear.gather [hbm4b:s0+s2], $0x80, $0x38;
	[tilespmem:$0x8A00] =	vst v63  }
0x19: {  	_ =	swait.ge [sflag:s12], $0x80  }
.Ltmp2:
0x1a: {  	[sflag:s12] =	ssyncset.done $0x0;
	(pc) =	sbr.rel .LBB2_2-.Ltmp2, $4  }
0x1b: {  	s21 =	simm.f32 $0.0e+00;
	[sflag:s12] =	ssyncadd.s32 $0xFFFFFF80  }
0x1c: {  	[tilespmem:s2], [sflag:$0x1] =	stream.strided.gather [hbm4b:s6+s13], $0x3180, s14, s13, $0x38;
	[tilespmem:$0x8A00] =	vst v63  }
0x1d: {  	p0 =	por $0x0, $0x0;
	s30 =	simm.s32 $0x0;
	s22 =	simm.s32 $0x0  }
0x1e: {  	v3 =	vimm.f32 $-Inf;
	v1 =	vimm.f32 $-Inf;
	v2 =	vimm.f32 $-Inf;
	[tilespmem:s16], [sflag:$0x2] =	stream.strided.gather [hbm4b:s15+s13], $0x3180, s14, s13, $0x38;
	[tilespmem:$0x8A00] =	vst v63  }
.LBB2_40:
0x1f: {  	s0 =	smov.u32 s30  }
.LBB2_45:
0x20: {  	s0 =	sadd.s32 @p2 $0xFFFFFFF0, s0;
	s1 =	smov.u32 s30  }
0x21: {  	s1 =	smov.u32 @p2 s0  }
0x22: {  	v7 =	vmul.u32 @p2 $0xFFFFFFFF, v0;
	v8 =	vmov s1;
	_ =	sdelay $0x1  }
0x23: {  	v9, _, _ =	vpop @p2 (xrf1);
	v7 =	vadd.s32 @p2 $0xF, v7  }
0x24: {  	vm0 =	vgt.s32 v8, v0;
	v7 =	vperm.xlane @p2 v9, v7;
	v8, _, _ =	vpop @p3 (xrf1)  }
0x25: {  	v6 =	vnsel vm0, $0xFF800000, v6;
	v8 =	vpsel p3, v8, v5  }
0x26: {  	(xrf1) =	vsort.ascd.msk.f32 $0xffff, v6, v6;
	v6 =	vmax.f32 @p2 v8, v7  }
0x27: {  	(xrf1) =	vsort.ascd.msk.f32 @p2 $0xffff, v6, v6;
	_ =	sdelay $0xa  }
0x28: {  	v6 =	vmul.u32 $0xFFFFFFFF, v0;
	_ =	sdelay $0x1  }
0x29: {  	v6 =	vadd.s32 $0xF, v6;
	v7, _, _ =	vpop (xrf1)  }
0x2a: {  	v6 =	vperm.xlane v7, v6;
	v7, _, _ =	vpop @p2 (xrf1)  }
0x2b: {  	v5 =	vpsel p2, v7, v5  }
0x2c: {  	v5 =	vmax.f32 v5, v6  }
0x2d: {  	(xrf1) =	vsort.ascd.msk.f32 $0xffff, v5, v5;
	_ =	sdelay $0xd  }
0x2e: {  	v5, _, _ =	vpop (xrf1)  }
.LBB2_46:
0x2f: {  	v6 =	vld [tilespmem:s24+$0x2C00];
	_ =	sdelay $0x4  }
0x30: {  	(xrf1) =	vsort.ascd.msk.f32 $0xffff, v6, v6;
	_ =	sdelay $0xb  }
0x31: {  	v63 =	vmul.u32 $0xFFFFFFFF, v0;
	_ =	sdelay $0x1  }
0x32: {  	v7 =	vld [tilespmem:s24+$0x2C10];
	v6 =	vadd.s32 $0xF, v63;
	v8, _, _ =	vpop (xrf1)  }
0x33: {  	v8 =	vperm.xlane v8, v6;
	_ =	sdelay $0x1  }
0x34: {  	v5 =	vmax.f32 v5, v8  }
0x35: {  	(xrf1) =	vsort.ascd.msk.f32 $0xffff, v5, v5  }
0x36: {  	(xrf1) =	vsort.ascd.msk.f32 $0xffff, v7, v7;
	_ =	sdelay $0xc  }
0x37: {  	v5, _, _ =	vpop (xrf1)  }
0x38: {  	v7, _, _ =	vpop (xrf1)  }
0x39: {  	v6 =	vperm.xlane v7, v6;
	_ =	sdelay $0x1  }
0x3a: {  	v5 =	vmax.f32 v5, v6  }
0x3b: {  	(xrf1) =	vsort.ascd.msk.f32 $0xffff, v5, v5;
	_ =	sdelay $0xd  }
0x3c: {  	v5, _, _ =	vpop (xrf1)  }
0x3d: {  	vm0 =	vgt.f32 v5, v4  }
0x3e: {  	v4 =	vmpcnt.ones.xlane vm0;
	_ =	sdelay $0x1  }
0x3f: {  	(v2sf) =	vpush v4, $0x0  }
0x40: {  	(v2sf) =	vpush v5, $0x5;
	_ =	sdelay $0xd  }
0x41: {  	s0 =	spop (v2sf)  }
0x42: {  	v4 =	vmov s23;
	p2 =	slt.s32 s0, $0xB;
	s0 =	spop (v2sf)  }
0x43: {  	vm15 =	veq.s32 v4, v0;
	s0 =	smov.u32 @p2 s31  }
0x44: {  	v1 =	vsel vm15, s21, v1;
	v2 =	vsel vm15, s0, v2  }
.LBB2_47:
0x45: {  	s22 =	sadd.s32 $0x1, s22  }
0x46: {  	p2 =	sne.s32 s22, $0x20  }
.Ltmp3:
0x47: {  	_ = 	snop;
	(pc) =	sbr.rel @!p2 .LBB2_48-.Ltmp3, $2  }
0x48: {  	_ =	sdelay $0x2  }
0x49: {  	s30 =	simm.s32 @p1 $0x0;
	s21 =	simm.s32 @p1 $0x0;
	v3 =	vpsel p1, $0xFF800000, v3;
	p0 =	por !p0, !p0  }
.LBB2_2:
0x4a: {  	s26 =	sand.u32 $0x1, s22  }
0x4b: {  	s25 =	sand.u32 $0x7, s22;
	p1 =	seq.s32 s26, $0x1  }
0x4c: {  	p2 =	seq.s32 @p1 s25, $0x7  }
0x4d: {  	p3 =	por !p2, !p1  }
0x4e: {  	s0 =	simm.s32 @!p3 $0x2  }
0x4f: {  	_ =	swait.ge @!p3 [sflag:s0], $0x2C80  }
0x50: {  	p2 =	por p2, !p1;
	[sflag:s0] =	ssyncset.done @!p3 $0x0  }
0x51: {  	[sflag:s0] =	ssyncadd.s32 @!p3 $0xFFFFD380;
	s0 =	simm.s32 @!p2 $0x2  }
0x52: {  	_ =	swait.ge @!p2 [sflag:s0], $0x3180  }
0x53: {  	[sflag:s0] =	ssyncset.done @!p2 $0x0  }
0x54: {  	[sflag:s0] =	ssyncadd.s32 @!p2 $0xFFFFCE80;
	s0 =	simm.s32 @!p1 $0x1  }
0x55: {  	s3 =	simm.s32 $0x1;
	p2 =	sne.s32 @!p1 s25, $0x7;
	_ =	swait.ge @!p1 [sflag:s0], $0x3180  }
0x56: {  	s3 =	simm.s32 @!p0 $0x0;
	p2 =	por p2, p1;
	[sflag:s0] =	ssyncset.done @!p1 $0x0  }
0x57: {  	s1 =	smul.u32 $0xC600, s3;
	[sflag:s0] =	ssyncadd.s32 @!p1 $0xFFFFCE80;
	s0 =	simm.s32 @!p2 $0x1  }
0x58: {  	s28 =	simm.s32 $0x8;
	p1 =	seq.s32 s25, $0x7;
	_ =	swait.ge @!p2 [sflag:s0], $0x2C80  }
0x59: {  	s1 =	sshrl.u32 s1, $0x2;
	s28 =	simm.s32 @!p1 $0x9;
	[sflag:s0] =	ssyncset.done @!p2 $0x0  }
0x5a: {  	s1 =	sadd.s32 $0x2C0, s1;
	s31 =	sadd.s32 $0xFFFFFFFF, s28;
	[sflag:s0] =	ssyncadd.s32 @!p2 $0xFFFFD380  }
0x5b: {  	p2 =	sne.s32 s31, $0x0;
	v8 =	vld [tilespmem:s1+$0xFFFFFD40]  }
.Ltmp4:
0x5c: {  	v6 =	vld [tilespmem:s1+$0xFFFFFDE0];
	(pc) =	sbr.rel @!p2 .LBB2_3-.Ltmp4, $4  }
0x5d: {  	v7 =	vld [tilespmem:s1+$0xFFFFFDC0]  }
0x5e: {  	v9 =	vld [tilespmem:s1+$0xFFFFFDA0]  }
0x5f: {  	s23 =	sshrl.u32 s22, $0x3;
	s24 =	smul.u32 $0x3180, s26;
	v10 =	vld [tilespmem:s1+$0xFFFFFD80]  }
0x60: {  	s29 =	smul.u32 $0x3180, s3;
	s3 =	simm.s32 $0x6440;
	s0 =	simm.s32 $0x6300;
	v11 =	vld [tilespmem:s1+$0xFFFFFD70]  }
0x61: {  	v4 =	vld [tilespmem:s1+$0xFFFFFD60]  }
0x62: {  	v5 =	vld [tilespmem:s1+$0xFFFFFD50]  }
0x63: {  	v12 =	vld [tilespmem:s1+$0xFFFFFD90]  }
0x64: {  	v13 =	vld [tilespmem:s1+$0xFFFFFDB0]  }
0x65: {  	v14 =	vld [tilespmem:s1+$0xFFFFFDD0]  }
0x66: {  	v4 =	vmax.f32 v8, v4  }
0x67: {  	v5 =	vmax.f32 v5, v11;
	v4 =	vmax.f32 v4, v10  }
0x68: {  	v5 =	vmax.f32 v5, v12;
	v4 =	vmax.f32 v4, v9  }
0x69: {  	v5 =	vmax.f32 v5, v13;
	v4 =	vmax.f32 v4, v7  }
0x6a: {  	v5 =	vmax.f32 v5, v14;
	v4 =	vmax.f32 v4, v6  }
0x6b: {  	v4 =	vmax.f32 v4, v5  }
0x6c: {  	[tilespmem:s3+$0xFFFFFFC0] =	vst v4  }
0x6d: {  	v5 =	vld [tilespmem:s1+$0xFFFFFE60]  }
0x6e: {  	v6 =	vld [tilespmem:s1+$0xFFFFFE30]  }
0x6f: {  	v7 =	vld [tilespmem:s1+$0xFFFFFE40]  }
0x70: {  	v8 =	vld [tilespmem:s1+$0xFFFFFE20]  }
0x71: {  	v9 =	vld [tilespmem:s1+$0xFFFFFDF0]  }
0x72: {  	v10 =	vld [tilespmem:s1+$0xFFFFFE00]  }
0x73: {  	v11 =	vld [tilespmem:s1+$0xFFFFFE10]  }
0x74: {  	v21 =	vld [tilespmem:s1+$0xFFFFFE50]  }
0x75: {  	v22 =	vld [tilespmem:s1+$0xFFFFFE70]  }
0x76: {  	v23 =	vld [tilespmem:s1+$0xFFFFFE80]  }
0x77: {  	v15 =	vld [tilespmem:s1+$0xFFFFFE90]  }
0x78: {  	v9 =	vmax.f32 v9, v11  }
0x79: {  	v8 =	vmax.f32 v10, v8;
	v6 =	vmax.f32 v9, v6  }
0x7a: {  	v7 =	vmax.f32 v8, v7;
	v6 =	vmax.f32 v6, v21  }
0x7b: {  	v5 =	vmax.f32 v7, v5;
	v6 =	vmax.f32 v6, v22  }
0x7c: {  	v5 =	vmax.f32 v5, v23;
	v6 =	vmax.f32 v6, v15  }
0x7d: {  	v5 =	vmax.f32 v6, v5  }
0x7e: {  	[tilespmem:s3+$0xFFFFFFD0] =	vst v5  }
0x7f: {  	v6 =	vld [tilespmem:s1+$0xFFFFFF00]  }
0x80: {  	v7 =	vld [tilespmem:s1+$0xFFFFFF10]  }
0x81: {  	v8 =	vld [tilespmem:s1+$0xFFFFFEF0]  }
0x82: {  	v9 =	vld [tilespmem:s1+$0xFFFFFEE0]  }
0x83: {  	v10 =	vld [tilespmem:s1+$0xFFFFFEC0]  }
0x84: {  	v11 =	vld [tilespmem:s1+$0xFFFFFEB0]  }
0x85: {  	v24 =	vld [tilespmem:s1+$0xFFFFFEA0]  }
0x86: {  	v25 =	vld [tilespmem:s1+$0xFFFFFED0]  }
0x87: {  	v26 =	vld [tilespmem:s1+$0xFFFFFF40]  }
0x88: {  	v27 =	vld [tilespmem:s1+$0xFFFFFF20]  }
0x89: {  	v16 =	vld [tilespmem:s1+$0xFFFFFF30]  }
0x8a: {  	v10 =	vmax.f32 v24, v10  }
0x8b: {  	v11 =	vmax.f32 v11, v25;
	v9 =	vmax.f32 v10, v9  }
0x8c: {  	v8 =	vmax.f32 v11, v8;
	v6 =	vmax.f32 v9, v6  }
0x8d: {  	v7 =	vmax.f32 v8, v7;
	v6 =	vmax.f32 v6, v27  }
0x8e: {  	v7 =	vmax.f32 v7, v16;
	v6 =	vmax.f32 v6, v26  }
0x8f: {  	v6 =	vmax.f32 v6, v7  }
0x90: {  	[tilespmem:s3+$0xFFFFFFE0] =	vst v6  }
0x91: {  	v7 =	vld [tilespmem:s1+$0xFFFFFFC0]  }
0x92: {  	v8 =	vld [tilespmem:s1+$0xFFFFFF70]  }
0x93: {  	v9 =	vld [tilespmem:s1+$0xFFFFFF90]  }
0x94: {  	v10 =	vld [tilespmem:s1+$0xFFFFFFA0]  }
0x95: {  	v11 =	vld [tilespmem:s1+$0xFFFFFF80]  }
0x96: {  	v28 =	vld [tilespmem:s1+$0xFFFFFF60]  }
0x97: {  	v29 =	vld [tilespmem:s1+$0xFFFFFF50]  }
0x98: {  	v30 =	vld [tilespmem:s1+$0xFFFFFFB0]  }
0x99: {  	v31 =	vld [tilespmem:s1+$0xFFFFFFD0]  }
0x9a: {  	v32 =	vld [tilespmem:s1+$0xFFFFFFE0]  }
0x9b: {  	v17 =	vld [tilespmem:s1+$0xFFFFFFF0]  }
0x9c: {  	v8 =	vmax.f32 v29, v8  }
0x9d: {  	v11 =	vmax.f32 v28, v11;
	v8 =	vmax.f32 v8, v9  }
0x9e: {  	v9 =	vmax.f32 v11, v10;
	v8 =	vmax.f32 v8, v30  }
0x9f: {  	v7 =	vmax.f32 v9, v7;
	v8 =	vmax.f32 v8, v31  }
0xa0: {  	v7 =	vmax.f32 v7, v32;
	v8 =	vmax.f32 v8, v17  }
0xa1: {  	v7 =	vmax.f32 v8, v7  }
0xa2: {  	[tilespmem:s3+$0xFFFFFFF0] =	vst v7  }
0xa3: {  	v8 =	vld [tilespmem:s1+$0x70]  }
0xa4: {  	v9 =	vld [tilespmem:s1+$0x50]  }
0xa5: {  	v10 =	vld [tilespmem:s1+$0x20]  }
0xa6: {  	v11 =	vld [tilespmem:s1+$0x80]  }
0xa7: {  	v33 =	vld [tilespmem:s1+$0x10]  }
0xa8: {  	v34 =	vld [tilespmem:s1+$0x40]  }
0xa9: {  	v35 =	vld [tilespmem:s1+$0x0]  }
0xaa: {  	v36 =	vld [tilespmem:s1+$0x30]  }
0xab: {  	v37 =	vld [tilespmem:s1+$0x60]  }
0xac: {  	v38 =	vld [tilespmem:s1+$0xA0]  }
0xad: {  	v18 =	vld [tilespmem:s1+$0x90]  }
0xae: {  	v10 =	vmax.f32 v35, v10  }
0xaf: {  	v12 =	vmax.f32 v33, v36;
	v10 =	vmax.f32 v10, v34  }
0xb0: {  	v9 =	vmax.f32 v12, v9;
	v10 =	vmax.f32 v10, v37  }
0xb1: {  	v8 =	vmax.f32 v9, v8;
	v9 =	vmax.f32 v10, v11  }
0xb2: {  	v8 =	vmax.f32 v8, v18;
	v9 =	vmax.f32 v9, v38  }
0xb3: {  	v8 =	vmax.f32 v9, v8  }
0xb4: {  	[tilespmem:s3+$0x0] =	vst v8  }
0xb5: {  	v9 =	vld [tilespmem:s1+$0x120]  }
0xb6: {  	v10 =	vld [tilespmem:s1+$0x100]  }
0xb7: {  	v11 =	vld [tilespmem:s1+$0xD0]  }
0xb8: {  	v39 =	vld [tilespmem:s1+$0x110]  }
0xb9: {  	v40 =	vld [tilespmem:s1+$0xF0]  }
0xba: {  	v41 =	vld [tilespmem:s1+$0xC0]  }
0xbb: {  	v42 =	vld [tilespmem:s1+$0xB0]  }
0xbc: {  	v43 =	vld [tilespmem:s1+$0xE0]  }
0xbd: {  	v44 =	vld [tilespmem:s1+$0x130]  }
0xbe: {  	v45 =	vld [tilespmem:s1+$0x140]  }
0xbf: {  	v19 =	vld [tilespmem:s1+$0x150]  }
0xc0: {  	v11 =	vmax.f32 v42, v11  }
0xc1: {  	v14 =	vmax.f32 v41, v43;
	v11 =	vmax.f32 v11, v40  }
0xc2: {  	v10 =	vmax.f32 v14, v10;
	v11 =	vmax.f32 v11, v39  }
0xc3: {  	v9 =	vmax.f32 v10, v9;
	v10 =	vmax.f32 v11, v44  }
0xc4: {  	v9 =	vmax.f32 v9, v45;
	v10 =	vmax.f32 v10, v19  }
0xc5: {  	v9 =	vmax.f32 v10, v9  }
0xc6: {  	[tilespmem:s3+$0x10] =	vst v9  }
0xc7: {  	v10 =	vld [tilespmem:s1+$0x1B0]  }
0xc8: {  	v11 =	vld [tilespmem:s1+$0x1C0]  }
0xc9: {  	v46 =	vld [tilespmem:s1+$0x1E0]  }
0xca: {  	v47 =	vld [tilespmem:s1+$0x180]  }
0xcb: {  	v48 =	vld [tilespmem:s1+$0x170]  }
0xcc: {  	v49 =	vld [tilespmem:s1+$0x1A0]  }
0xcd: {  	v50 =	vld [tilespmem:s1+$0x160]  }
0xce: {  	v51 =	vld [tilespmem:s1+$0x190]  }
0xcf: {  	v52 =	vld [tilespmem:s1+$0x1D0]  }
0xd0: {  	v53 =	vld [tilespmem:s1+$0x1F0]  }
0xd1: {  	v20 =	vld [tilespmem:s1+$0x200]  }
0xd2: {  	v13 =	vmax.f32 v50, v47  }
0xd3: {  	v14 =	vmax.f32 v48, v51;
	v13 =	vmax.f32 v13, v49  }
0xd4: {  	v10 =	vmax.f32 v14, v10;
	v11 =	vmax.f32 v13, v11  }
0xd5: {  	v10 =	vmax.f32 v10, v52;
	v11 =	vmax.f32 v11, v46  }
0xd6: {  	v10 =	vmax.f32 v10, v53;
	v11 =	vmax.f32 v11, v20  }
0xd7: {  	v10 =	vmax.f32 v11, v10  }
0xd8: {  	[tilespmem:s3+$0x20] =	vst v10  }
0xd9: {  	v11 =	vld [tilespmem:s1+$0x2A0]  }
0xda: {  	v54 =	vld [tilespmem:s1+$0x240]  }
0xdb: {  	v55 =	vld [tilespmem:s1+$0x230]  }
0xdc: {  	v56 =	vld [tilespmem:s1+$0x270]  }
0xdd: {  	v57 =	vld [tilespmem:s1+$0x290]  }
0xde: {  	v58 =	vld [tilespmem:s1+$0x220]  }
0xdf: {  	v59 =	vld [tilespmem:s1+$0x210]  }
0xe0: {  	v60 =	vld [tilespmem:s1+$0x250]  }
0xe1: {  	v61 =	vld [tilespmem:s1+$0x260]  }
0xe2: {  	v62 =	vld [tilespmem:s1+$0x280]  }
0xe3: {  	v21 =	vld [tilespmem:s1+$0x2B0]  }
0xe4: {  	v13 =	vmax.f32 v59, v55  }
0xe5: {  	v12 =	vmax.f32 v58, v54;
	v13 =	vmax.f32 v13, v60  }
0xe6: {  	v12 =	vmax.f32 v12, v61;
	v13 =	vmax.f32 v13, v56  }
0xe7: {  	v12 =	vmax.f32 v12, v62;
	v13 =	vmax.f32 v13, v57  }
0xe8: {  	v11 =	vmax.f32 v12, v11;
	v63 =	vmax.f32 v13, v21  }
0xe9: {  	v4 =	vmax.f32 v4, v5;
	v5 =	vmax.f32 v63, v11  }
0xea: {  	v6 =	vmax.f32 v6, v7;
	v7 =	vmax.f32 v8, v9;
	v8 =	vmax.f32 v10, v5  }
0xeb: {  	v4 =	vmax.f32 v4, v6;
	v6 =	vmax.f32 v7, v8  }
0xec: {  	[tilespmem:s3+$0x30] =	vst v5;
	v5 =	vmax.f32 v4, v6;
	v4 =	vbroadcast v3, $0x0;
	_ =	sdelay $0x1  }
0xed: {  	s19 =	sadd.s32 $0xFFFFFFFF, s31;
	s1 =	sadd.s32 $0x580, s1;
	[tilespmem:s0+$0x0] =	vst v5;
	vm0 =	vgt.f32 v5, v4  }
0xee: {  	p3 =	sne.s32 s19, $0x0;
	v8 =	vld [tilespmem:s1+$0xFFFFFD40];
	v4 =	vmpcnt.ones.xlane vm0  }
.Ltmp5:
0xef: {  	v6 =	vld [tilespmem:s1+$0xFFFFFDE0];
	(pc) =	sbr.rel @!p3 .LBB2_5-.Ltmp5, $4  }
0xf0: {  	v7 =	vld [tilespmem:s1+$0xFFFFFDC0];
	(v2sf) =	vpush v4, $0x0  }
0xf1: {  	v9 =	vld [tilespmem:s1+$0xFFFFFDA0]  }
0xf2: {  	v10 =	vld [tilespmem:s1+$0xFFFFFD80]  }
0xf3: {  	p2 =	por $0x1, $0x1;
	s11 =	simm.s32 $0x6300;
	s18 =	simm.s32 $0x6440;
	v11 =	vld [tilespmem:s1+$0xFFFFFD70];
	v4 =	vmov v3  }
.LBB2_6:
0xf4: {  	s19 =	sadd.s32 $0xFFFFFFFF, s19;
	v12 =	vld [tilespmem:s1+$0xFFFFFD60];
	s11 =	sadd.s32 $0x10, s11;
	s18 =	sadd.s32 $0x80, s18  }
0xf5: {  	p3 =	sne.s32 s19, $0x0;
	v13 =	vld [tilespmem:s1+$0xFFFFFD50]  }
0xf6: {  	v14 =	vld [tilespmem:s1+$0xFFFFFD90]  }
0xf7: {  	v15 =	vld [tilespmem:s1+$0xFFFFFDB0]  }
0xf8: {  	v16 =	vld [tilespmem:s1+$0xFFFFFDD0]  }
0xf9: {  	v8 =	vmax.f32 v8, v12  }
0xfa: {  	v11 =	vmax.f32 v13, v11;
	v8 =	vmax.f32 v8, v10  }
0xfb: {  	v10 =	vmax.f32 v11, v14;
	v8 =	vmax.f32 v8, v9  }
0xfc: {  	v9 =	vmax.f32 v10, v15;
	v7 =	vmax.f32 v8, v7  }
0xfd: {  	v8 =	vmax.f32 v9, v16;
	v6 =	vmax.f32 v7, v6  }
0xfe: {  	v6 =	vmax.f32 v6, v8  }
0xff: {  	[tilespmem:s18+$0xFFFFFFC0] =	vst v6;
	s8 =	spop (v2sf)  }
0x100: {  	v7 =	vld [tilespmem:s1+$0xFFFFFE60];
	p4 =	slt.s32 s8, $0x1  }
0x101: {  	v8 =	vld [tilespmem:s1+$0xFFFFFE30];
	v9 =	vlaneseq.u32 @!p4;
	(xrf1) =	vsort.ascd.msk.f32 @!p4 $0xffff, v5, v5  }
0x102: {  	v5 =	vld [tilespmem:s1+$0xFFFFFE40];
	v9 =	vmul.u32 @!p4 $0xFFFFFFFF, v9  }
0x103: {  	v10 =	vld [tilespmem:s1+$0xFFFFFE20]  }
0x104: {  	v11 =	vld [tilespmem:s1+$0xFFFFFDF0];
	v9 =	vadd.s32 @!p4 $0xF, v9  }
0x105: {  	v12 =	vld [tilespmem:s1+$0xFFFFFE00]  }
0x106: {  	v13 =	vld [tilespmem:s1+$0xFFFFFE10]  }
0x107: {  	v14 =	vld [tilespmem:s1+$0xFFFFFE50]  }
0x108: {  	v15 =	vld [tilespmem:s1+$0xFFFFFE70]  }
0x109: {  	v16 =	vld [tilespmem:s1+$0xFFFFFE80]  }
0x10a: {  	v10 =	vmax.f32 v12, v10;
	v12 =	vld [tilespmem:s1+$0xFFFFFE90]  }
0x10b: {  	v11 =	vmax.f32 v11, v13;
	v5 =	vmax.f32 v10, v5  }
0x10c: {  	v8 =	vmax.f32 v11, v8;
	v5 =	vmax.f32 v5, v7  }
0x10d: {  	v7 =	vmax.f32 v8, v14  }
0x10e: {  	v7 =	vmax.f32 v7, v15;
	v5 =	vmax.f32 v5, v16  }
0x10f: {  	v7 =	vmax.f32 v7, v12;
	v8, _, _ =	vpop @!p4 (xrf1)  }
0x110: {  	v5 =	vmax.f32 v7, v5;
	v7 =	vperm.xlane @!p4 v8, v9  }
0x111: {  	[tilespmem:s18+$0xFFFFFFD0] =	vst v5;
	v5 =	vmax.f32 v6, v5  }
0x112: {  	v6 =	vld [tilespmem:s1+$0xFFFFFF00];
	v7 =	vmax.f32 @!p4 v4, v7  }
0x113: {  	v8 =	vld [tilespmem:s1+$0xFFFFFF10];
	(xrf1) =	vsort.ascd.msk.f32 @!p4 $0xffff, v7, v7  }
0x114: {  	v7 =	vld [tilespmem:s1+$0xFFFFFEF0]  }
0x115: {  	v9 =	vld [tilespmem:s1+$0xFFFFFEE0]  }
0x116: {  	v10 =	vld [tilespmem:s1+$0xFFFFFEC0]  }
0x117: {  	v11 =	vld [tilespmem:s1+$0xFFFFFEB0]  }
0x118: {  	v12 =	vld [tilespmem:s1+$0xFFFFFED0]  }
0x119: {  	v13 =	vld [tilespmem:s1+$0xFFFFFEA0]  }
0x11a: {  	v14 =	vld [tilespmem:s1+$0xFFFFFF40]  }
0x11b: {  	v15 =	vld [tilespmem:s1+$0xFFFFFF20]  }
0x11c: {  	v16 =	vld [tilespmem:s1+$0xFFFFFF30]  }
0x11d: {  	v11 =	vmax.f32 v11, v12  }
0x11e: {  	v10 =	vmax.f32 v13, v10;
	v7 =	vmax.f32 v11, v7  }
0x11f: {  	v9 =	vmax.f32 v10, v9;
	v7 =	vmax.f32 v7, v8  }
0x120: {  	v6 =	vmax.f32 v9, v6  }
0x121: {  	v6 =	vmax.f32 v6, v15;
	v8, _, _ =	vpop @!p4 (xrf1)  }
0x122: {  	v7 =	vmax.f32 v7, v16;
	v6 =	vmax.f32 v6, v14;
	v4 =	vpsel p4, v4, v8  }
0x123: {  	v6 =	vmax.f32 v6, v7  }
0x124: {  	[tilespmem:s18+$0xFFFFFFE0] =	vst v6  }
0x125: {  	v7 =	vld [tilespmem:s1+$0xFFFFFFC0]  }
0x126: {  	v8 =	vld [tilespmem:s1+$0xFFFFFF70]  }
0x127: {  	v9 =	vld [tilespmem:s1+$0xFFFFFF90]  }
0x128: {  	v10 =	vld [tilespmem:s1+$0xFFFFFFA0]  }
0x129: {  	v11 =	vld [tilespmem:s1+$0xFFFFFF80]  }
0x12a: {  	v12 =	vld [tilespmem:s1+$0xFFFFFF60]  }
0x12b: {  	v13 =	vld [tilespmem:s1+$0xFFFFFF50]  }
0x12c: {  	v14 =	vld [tilespmem:s1+$0xFFFFFFB0]  }
0x12d: {  	v15 =	vld [tilespmem:s1+$0xFFFFFFD0]  }
0x12e: {  	v16 =	vld [tilespmem:s1+$0xFFFFFFE0]  }
0x12f: {  	v11 =	vmax.f32 v12, v11;
	v12 =	vld [tilespmem:s1+$0xFFFFFFF0]  }
0x130: {  	v8 =	vmax.f32 v13, v8;
	v10 =	vmax.f32 v11, v10  }
0x131: {  	v8 =	vmax.f32 v8, v9  }
0x132: {  	v8 =	vmax.f32 v8, v14  }
0x133: {  	v7 =	vmax.f32 v10, v7;
	v8 =	vmax.f32 v8, v15  }
0x134: {  	v7 =	vmax.f32 v7, v16;
	v8 =	vmax.f32 v8, v12  }
0x135: {  	v7 =	vmax.f32 v8, v7  }
0x136: {  	[tilespmem:s18+$0xFFFFFFF0] =	vst v7;
	v6 =	vmax.f32 v6, v7  }
0x137: {  	v7 =	vld [tilespmem:s1+$0x70]  }
0x138: {  	v8 =	vld [tilespmem:s1+$0x50]  }
0x139: {  	v9 =	vld [tilespmem:s1+$0x20]  }
0x13a: {  	v10 =	vld [tilespmem:s1+$0x80]  }
0x13b: {  	v11 =	vld [tilespmem:s1+$0x60]  }
0x13c: {  	v12 =	vld [tilespmem:s1+$0x10]  }
0x13d: {  	v13 =	vld [tilespmem:s1+$0x40]  }
0x13e: {  	v14 =	vld [tilespmem:s1+$0x0]  }
0x13f: {  	v15 =	vld [tilespmem:s1+$0x30]  }
0x140: {  	v16 =	vld [tilespmem:s1+$0xA0]  }
0x141: {  	v17 =	vld [tilespmem:s1+$0x90];
	_ =	sdelay $0x1  }
0x142: {  	v9 =	vmax.f32 v14, v9  }
0x143: {  	v12 =	vmax.f32 v12, v15;
	v9 =	vmax.f32 v9, v13  }
0x144: {  	v8 =	vmax.f32 v12, v8;
	v9 =	vmax.f32 v9, v11  }
0x145: {  	v7 =	vmax.f32 v8, v7;
	v8 =	vmax.f32 v9, v10  }
0x146: {  	v7 =	vmax.f32 v7, v17;
	v8 =	vmax.f32 v8, v16  }
0x147: {  	v7 =	vmax.f32 v8, v7  }
0x148: {  	[tilespmem:s18+$0x0] =	vst v7  }
0x149: {  	v8 =	vld [tilespmem:s1+$0x120]  }
0x14a: {  	v9 =	vld [tilespmem:s1+$0x100]  }
0x14b: {  	v10 =	vld [tilespmem:s1+$0xD0]  }
0x14c: {  	v11 =	vld [tilespmem:s1+$0x110]  }
0x14d: {  	v12 =	vld [tilespmem:s1+$0xF0]  }
0x14e: {  	v13 =	vld [tilespmem:s1+$0xC0]  }
0x14f: {  	v14 =	vld [tilespmem:s1+$0xB0]  }
0x150: {  	v15 =	vld [tilespmem:s1+$0xE0]  }
0x151: {  	v16 =	vld [tilespmem:s1+$0x130]  }
0x152: {  	v17 =	vld [tilespmem:s1+$0x140]  }
0x153: {  	v18 =	vld [tilespmem:s1+$0x150]  }
0x154: {  	v10 =	vmax.f32 v14, v10  }
0x155: {  	v13 =	vmax.f32 v13, v15;
	v10 =	vmax.f32 v10, v12  }
0x156: {  	v9 =	vmax.f32 v13, v9;
	v10 =	vmax.f32 v10, v11  }
0x157: {  	v8 =	vmax.f32 v9, v8;
	v9 =	vmax.f32 v10, v16  }
0x158: {  	v8 =	vmax.f32 v8, v17;
	v9 =	vmax.f32 v9, v18  }
0x159: {  	v8 =	vmax.f32 v9, v8  }
0x15a: {  	[tilespmem:s18+$0x10] =	vst v8;
	v7 =	vmax.f32 v7, v8  }
0x15b: {  	v8 =	vld [tilespmem:s1+$0x1B0]  }
0x15c: {  	v9 =	vld [tilespmem:s1+$0x1C0]  }
0x15d: {  	v10 =	vld [tilespmem:s1+$0x1E0]  }
0x15e: {  	v11 =	vld [tilespmem:s1+$0x180]  }
0x15f: {  	v12 =	vld [tilespmem:s1+$0x170]  }
0x160: {  	v13 =	vld [tilespmem:s1+$0x1A0]  }
0x161: {  	v14 =	vld [tilespmem:s1+$0x160]  }
0x162: {  	v15 =	vld [tilespmem:s1+$0x190]  }
0x163: {  	v16 =	vld [tilespmem:s1+$0x1D0]  }
0x164: {  	v17 =	vld [tilespmem:s1+$0x1F0]  }
0x165: {  	v18 =	vld [tilespmem:s1+$0x200]  }
0x166: {  	v11 =	vmax.f32 v14, v11  }
0x167: {  	v12 =	vmax.f32 v12, v15;
	v11 =	vmax.f32 v11, v13  }
0x168: {  	v8 =	vmax.f32 v12, v8;
	v9 =	vmax.f32 v11, v9  }
0x169: {  	v8 =	vmax.f32 v8, v16;
	v9 =	vmax.f32 v9, v10  }
0x16a: {  	v8 =	vmax.f32 v8, v17;
	v9 =	vmax.f32 v9, v18  }
0x16b: {  	v8 =	vmax.f32 v9, v8  }
0x16c: {  	[tilespmem:s18+$0x20] =	vst v8  }
0x16d: {  	v9 =	vld [tilespmem:s1+$0x2A0]  }
0x16e: {  	v10 =	vld [tilespmem:s1+$0x240]  }
0x16f: {  	v11 =	vld [tilespmem:s1+$0x230]  }
0x170: {  	v12 =	vld [tilespmem:s1+$0x270]  }
0x171: {  	v13 =	vld [tilespmem:s1+$0x290]  }
0x172: {  	v14 =	vld [tilespmem:s1+$0x220]  }
0x173: {  	v15 =	vld [tilespmem:s1+$0x260]  }
0x174: {  	v16 =	vld [tilespmem:s1+$0x280]  }
0x175: {  	v17 =	vld [tilespmem:s1+$0x210]  }
0x176: {  	v18 =	vld [tilespmem:s1+$0x250]  }
0x177: {  	v10 =	vmax.f32 v14, v10;
	v14 =	vld [tilespmem:s1+$0x2B0]  }
0x178: {  	v10 =	vmax.f32 v10, v15  }
0x179: {  	v10 =	vmax.f32 v10, v16  }
0x17a: {  	v11 =	vmax.f32 v17, v11;
	v9 =	vmax.f32 v10, v9  }
0x17b: {  	v10 =	vmax.f32 v11, v18  }
0x17c: {  	v10 =	vmax.f32 v10, v12  }
0x17d: {  	s1 =	sadd.s32 $0x580, s1;
	v10 =	vmax.f32 v10, v13  }
0x17e: {  	v10 =	vmax.f32 v10, v14  }
0x17f: {  	v9 =	vmax.f32 v10, v9  }
0x180: {  	v5 =	vmax.f32 v5, v6;
	[tilespmem:s18+$0x30] =	vst v9;
	v6 =	vmax.f32 v8, v9;
	v8 =	vbroadcast v4, $0x0  }
0x181: {  	v6 =	vmax.f32 v7, v6  }
0x182: {  	v5 =	vmax.f32 v5, v6  }
0x183: {  	[tilespmem:s11+$0x0] =	vst v5;
	vm0 =	vgt.f32 v5, v8  }
0x184: {  	v8 =	vld [tilespmem:s1+$0xFFFFFD40];
	v9 =	vmpcnt.ones.xlane vm0  }
.Ltmp6:
0x185: {  	v6 =	vld [tilespmem:s1+$0xFFFFFDE0];
	(pc) =	sbr.rel @p3 .LBB2_6-.Ltmp6, $4  }
0x186: {  	v7 =	vld [tilespmem:s1+$0xFFFFFDC0];
	(v2sf) =	vpush v9, $0x0  }
0x187: {  	v9 =	vld [tilespmem:s1+$0xFFFFFDA0]  }
0x188: {  	v10 =	vld [tilespmem:s1+$0xFFFFFD80]  }
0x189: {  	v11 =	vld [tilespmem:s1+$0xFFFFFD70]  }
.LBB2_7:
0x18a: {  	v12 =	vld [tilespmem:s1+$0xFFFFFD60]  }
0x18b: {  	v13 =	vld [tilespmem:s1+$0xFFFFFD50]  }
0x18c: {  	v14 =	vld [tilespmem:s1+$0xFFFFFD90]  }
0x18d: {  	v15 =	vld [tilespmem:s1+$0xFFFFFDB0]  }
0x18e: {  	v16 =	vld [tilespmem:s1+$0xFFFFFDD0]  }
0x18f: {  	v8 =	vmax.f32 v8, v12  }
0x190: {  	v11 =	vmax.f32 v13, v11;
	v8 =	vmax.f32 v8, v10  }
0x191: {  	v26 =	vmax.f32 v11, v14;
	v8 =	vmax.f32 v8, v9  }
0x192: {  	v27 =	vmax.f32 v26, v15;
	v7 =	vmax.f32 v8, v7  }
0x193: {  	s8 =	sadd.s32 @p2 $0x80, s18;
	v28 =	vmax.f32 v27, v16;
	v6 =	vmax.f32 v7, v6  }
0x194: {  	s3 =	smov.u32 @p2 s8;
	v6 =	vmax.f32 v6, v28  }
0x195: {  	[tilespmem:s3+$0xFFFFFFC0] =	vst v6  }
0x196: {  	v7 =	vld [tilespmem:s1+$0xFFFFFE60]  }
0x197: {  	v29 =	vld [tilespmem:s1+$0xFFFFFE30]  }
0x198: {  	v30 =	vld [tilespmem:s1+$0xFFFFFE40]  }
0x199: {  	v31 =	vld [tilespmem:s1+$0xFFFFFE20]  }
0x19a: {  	v32 =	vld [tilespmem:s1+$0xFFFFFDF0]  }
0x19b: {  	v33 =	vld [tilespmem:s1+$0xFFFFFE00]  }
0x19c: {  	v34 =	vld [tilespmem:s1+$0xFFFFFE10]  }
0x19d: {  	v35 =	vld [tilespmem:s1+$0xFFFFFE50]  }
0x19e: {  	v36 =	vld [tilespmem:s1+$0xFFFFFE70]  }
0x19f: {  	v37 =	vld [tilespmem:s1+$0xFFFFFE80]  }
0x1a0: {  	v17 =	vld [tilespmem:s1+$0xFFFFFE90]  }
0x1a1: {  	v11 =	vmax.f32 v32, v34  }
0x1a2: {  	v10 =	vmax.f32 v33, v31;
	v8 =	vmax.f32 v11, v29  }
0x1a3: {  	v9 =	vmax.f32 v10, v30;
	v8 =	vmax.f32 v8, v35  }
0x1a4: {  	v7 =	vmax.f32 v9, v7;
	v8 =	vmax.f32 v8, v36  }
0x1a5: {  	v7 =	vmax.f32 v7, v37;
	v8 =	vmax.f32 v8, v17  }
0x1a6: {  	v7 =	vmax.f32 v8, v7  }
0x1a7: {  	[tilespmem:s3+$0xFFFFFFD0] =	vst v7  }
0x1a8: {  	v38 =	vld [tilespmem:s1+$0xFFFFFF00]  }
0x1a9: {  	v39 =	vld [tilespmem:s1+$0xFFFFFF10]  }
0x1aa: {  	v40 =	vld [tilespmem:s1+$0xFFFFFEF0]  }
0x1ab: {  	v41 =	vld [tilespmem:s1+$0xFFFFFEE0]  }
0x1ac: {  	v42 =	vld [tilespmem:s1+$0xFFFFFEC0]  }
0x1ad: {  	v43 =	vld [tilespmem:s1+$0xFFFFFEB0]  }
0x1ae: {  	v44 =	vld [tilespmem:s1+$0xFFFFFEA0]  }
0x1af: {  	v45 =	vld [tilespmem:s1+$0xFFFFFED0]  }
0x1b0: {  	v46 =	vld [tilespmem:s1+$0xFFFFFF40]  }
0x1b1: {  	v47 =	vld [tilespmem:s1+$0xFFFFFF20]  }
0x1b2: {  	v18 =	vld [tilespmem:s1+$0xFFFFFF30]  }
0x1b3: {  	v12 =	vmax.f32 v44, v42  }
0x1b4: {  	v13 =	vmax.f32 v43, v45;
	v11 =	vmax.f32 v12, v41  }
0x1b5: {  	v10 =	vmax.f32 v13, v40;
	v8 =	vmax.f32 v11, v38  }
0x1b6: {  	v9 =	vmax.f32 v10, v39;
	v8 =	vmax.f32 v8, v47  }
0x1b7: {  	v9 =	vmax.f32 v9, v18;
	v8 =	vmax.f32 v8, v46  }
0x1b8: {  	v8 =	vmax.f32 v8, v9  }
0x1b9: {  	[tilespmem:s3+$0xFFFFFFE0] =	vst v8  }
0x1ba: {  	v48 =	vld [tilespmem:s1+$0xFFFFFFC0]  }
0x1bb: {  	v49 =	vld [tilespmem:s1+$0xFFFFFF70]  }
0x1bc: {  	v50 =	vld [tilespmem:s1+$0xFFFFFF90]  }
0x1bd: {  	v51 =	vld [tilespmem:s1+$0xFFFFFFA0]  }
0x1be: {  	v52 =	vld [tilespmem:s1+$0xFFFFFF80]  }
0x1bf: {  	v53 =	vld [tilespmem:s1+$0xFFFFFF60]  }
0x1c0: {  	v54 =	vld [tilespmem:s1+$0xFFFFFF50]  }
0x1c1: {  	v55 =	vld [tilespmem:s1+$0xFFFFFFB0]  }
0x1c2: {  	v56 =	vld [tilespmem:s1+$0xFFFFFFD0]  }
0x1c3: {  	v57 =	vld [tilespmem:s1+$0xFFFFFFE0]  }
0x1c4: {  	v19 =	vld [tilespmem:s1+$0xFFFFFFF0]  }
0x1c5: {  	v10 =	vmax.f32 v54, v49  }
0x1c6: {  	v13 =	vmax.f32 v53, v52;
	v10 =	vmax.f32 v10, v50  }
0x1c7: {  	v58 =	vmax.f32 v13, v51;
	v10 =	vmax.f32 v10, v55  }
0x1c8: {  	v9 =	vmax.f32 v58, v48;
	v10 =	vmax.f32 v10, v56  }
0x1c9: {  	v9 =	vmax.f32 v9, v57;
	v10 =	vmax.f32 v10, v19  }
0x1ca: {  	v9 =	vmax.f32 v10, v9  }
0x1cb: {  	[tilespmem:s3+$0xFFFFFFF0] =	vst v9  }
0x1cc: {  	v59 =	vld [tilespmem:s1+$0x70]  }
0x1cd: {  	v60 =	vld [tilespmem:s1+$0x50]  }
0x1ce: {  	v61 =	vld [tilespmem:s1+$0x20]  }
0x1cf: {  	v62 =	vld [tilespmem:s1+$0x80]  }
0x1d0: {  	v63 =	vld [tilespmem:s1+$0x10]  }
0x1d1: {  	v24 =	vld [tilespmem:s1+$0x40]  }
0x1d2: {  	v25 =	vld [tilespmem:s1+$0x0]  }
0x1d3: {  	v26 =	vld [tilespmem:s1+$0x30]  }
0x1d4: {  	v27 =	vld [tilespmem:s1+$0x60]  }
0x1d5: {  	v28 =	vld [tilespmem:s1+$0xA0]  }
0x1d6: {  	v20 =	vld [tilespmem:s1+$0x90]  }
0x1d7: {  	v12 =	vmax.f32 v25, v61  }
0x1d8: {  	v14 =	vmax.f32 v63, v26;
	v12 =	vmax.f32 v12, v24  }
0x1d9: {  	v11 =	vmax.f32 v14, v60;
	v12 =	vmax.f32 v12, v27  }
0x1da: {  	v10 =	vmax.f32 v11, v59;
	v29 =	vmax.f32 v12, v62  }
0x1db: {  	v10 =	vmax.f32 v10, v20;
	v11 =	vmax.f32 v29, v28  }
0x1dc: {  	v10 =	vmax.f32 v11, v10  }
0x1dd: {  	[tilespmem:s3+$0x0] =	vst v10  }
0x1de: {  	v30 =	vld [tilespmem:s1+$0x120]  }
0x1df: {  	v31 =	vld [tilespmem:s1+$0x100]  }
0x1e0: {  	v32 =	vld [tilespmem:s1+$0xD0]  }
0x1e1: {  	v33 =	vld [tilespmem:s1+$0x110]  }
0x1e2: {  	v34 =	vld [tilespmem:s1+$0xF0]  }
0x1e3: {  	v35 =	vld [tilespmem:s1+$0xC0]  }
0x1e4: {  	v36 =	vld [tilespmem:s1+$0xB0]  }
0x1e5: {  	v37 =	vld [tilespmem:s1+$0xE0]  }
0x1e6: {  	v38 =	vld [tilespmem:s1+$0x130]  }
0x1e7: {  	v39 =	vld [tilespmem:s1+$0x140]  }
0x1e8: {  	v21 =	vld [tilespmem:s1+$0x150]  }
0x1e9: {  	v13 =	vmax.f32 v36, v32  }
0x1ea: {  	v16 =	vmax.f32 v35, v37;
	v13 =	vmax.f32 v13, v34  }
0x1eb: {  	v12 =	vmax.f32 v16, v31;
	v13 =	vmax.f32 v13, v33  }
0x1ec: {  	v11 =	vmax.f32 v12, v30;
	v40 =	vmax.f32 v13, v38  }
0x1ed: {  	v11 =	vmax.f32 v11, v39;
	v12 =	vmax.f32 v40, v21  }
0x1ee: {  	s8 =	spop @p2 (v2sf);
	v11 =	vmax.f32 v12, v11  }
0x1ef: {  	p3 =	slt.s32 @p2 s8, $0x1;
	[tilespmem:s3+$0x10] =	vst v11  }
0x1f0: {  	p4 =	por p3, !p2;
	v41 =	vld [tilespmem:s1+$0x1B0]  }
0x1f1: {  	(xrf1) =	vsort.ascd.msk.f32 @!p4 $0xffff, v5, v5;
	v5 =	vld [tilespmem:s1+$0x1C0]  }
0x1f2: {  	v42 =	vld [tilespmem:s1+$0x1E0]  }
0x1f3: {  	v43 =	vld [tilespmem:s1+$0x180]  }
0x1f4: {  	v44 =	vld [tilespmem:s1+$0x170]  }
0x1f5: {  	v45 =	vld [tilespmem:s1+$0x1A0]  }
0x1f6: {  	v46 =	vld [tilespmem:s1+$0x160]  }
0x1f7: {  	v47 =	vld [tilespmem:s1+$0x190]  }
0x1f8: {  	v48 =	vld [tilespmem:s1+$0x1D0]  }
0x1f9: {  	v49 =	vld [tilespmem:s1+$0x1F0]  }
0x1fa: {  	v50 =	vld [tilespmem:s1+$0x200]  }
0x1fb: {  	v14 =	vmax.f32 v46, v43  }
0x1fc: {  	v17 =	vlaneseq.u32 @!p4;
	v15 =	vmax.f32 v44, v47;
	v14 =	vmax.f32 v14, v45  }
0x1fd: {  	v16 =	vmul.u32 @!p4 $0xFFFFFFFF, v17;
	v12 =	vmax.f32 v15, v41;
	v5 =	vmax.f32 v14, v5  }
0x1fe: {  	v12 =	vmax.f32 v12, v48;
	v5 =	vmax.f32 v5, v42  }
0x1ff: {  	v13 =	vadd.s32 @!p4 $0xF, v16;
	v12 =	vmax.f32 v12, v49;
	v14, _, _ =	vpop @!p4 (xrf1);
	v5 =	vmax.f32 v5, v50  }
0x200: {  	v13 =	vperm.xlane @!p4 v14, v13;
	v5 =	vmax.f32 v5, v12  }
0x201: {  	[tilespmem:s3+$0x20] =	vst v5  }
0x202: {  	v12 =	vmax.f32 @!p4 v4, v13;
	v51 =	vld [tilespmem:s1+$0x2A0]  }
0x203: {  	v52 =	vld [tilespmem:s1+$0x240];
	(xrf1) =	vsort.ascd.msk.f32 @!p4 $0xffff, v12, v12  }
0x204: {  	v53 =	vld [tilespmem:s1+$0x230]  }
0x205: {  	v54 =	vld [tilespmem:s1+$0x270]  }
0x206: {  	v55 =	vld [tilespmem:s1+$0x290]  }
0x207: {  	v56 =	vld [tilespmem:s1+$0x220]  }
0x208: {  	v57 =	vld [tilespmem:s1+$0x210]  }
0x209: {  	v58 =	vld [tilespmem:s1+$0x250]  }
0x20a: {  	v59 =	vld [tilespmem:s1+$0x260]  }
0x20b: {  	v60 =	vld [tilespmem:s1+$0x280]  }
0x20c: {  	v22 =	vld [tilespmem:s1+$0x2B0]  }
0x20d: {  	v14 =	vmax.f32 v57, v53  }
0x20e: {  	v12 =	vmax.f32 v56, v52;
	v14 =	vmax.f32 v14, v58  }
0x20f: {  	v12 =	vmax.f32 v12, v59;
	v14 =	vmax.f32 v14, v54  }
0x210: {  	v12 =	vmax.f32 v12, v60;
	v14 =	vmax.f32 v14, v55  }
0x211: {  	p3 =	por !p3, !p2;
	v6 =	vmax.f32 v6, v7;
	v12 =	vmax.f32 v12, v51;
	v61 =	vmax.f32 v14, v22;
	v7, _, _ =	vpop @!p4 (xrf1)  }
0x212: {  	v63 =	vmax.f32 v10, v11;
	v62 =	vmax.f32 v61, v12;
	v4 =	vpsel p3, v7, v4  }
0x213: {  	v5 =	vmax.f32 v5, v62;
	v7 =	vmax.f32 v8, v9;
	v3 =	vpsel p2, v4, v3  }
0x214: {  	v5 =	vmax.f32 v63, v5;
	v4 =	vmax.f32 v6, v7;
	v6 =	vbroadcast v3, $0x0  }
0x215: {  	v4 =	vmax.f32 v4, v5  }
0x216: {  	vm0 =	vgt.f32 v4, v6  }
0x217: {  	v5 =	vmpcnt.ones.xlane vm0;
	_ =	sdelay $0x1  }
0x218: {  	(v2sf) =	vpush v5, $0x0;
	_ =	sdelay $0xe  }
0x219: {  	s18 =	spop (v2sf)  }
0x21a: {  	p3 =	slt.s32 s18, $0x1  }
0x21b: {  	(xrf1) =	vsort.ascd.msk.f32 @!p3 $0xffff, v4, v4;
	_ =	sdelay $0xa  }
0x21c: {  	v5 =	vlaneseq.u32 @!p3  }
0x21d: {  	v5 =	vmul.u32 @!p3 $0xFFFFFFFF, v5;
	_ =	sdelay $0x1  }
0x21e: {  	v5 =	vadd.s32 @!p3 $0xF, v5;
	v6, _, _ =	vpop @!p3 (xrf1)  }
0x21f: {  	v5 =	vperm.xlane @!p3 v6, v5;
	_ =	sdelay $0x1  }
0x220: {  	v5 =	vmax.f32 @!p3 v3, v5  }
0x221: {  	(xrf1) =	vsort.ascd.msk.f32 @!p3 $0xffff, v5, v5;
	_ =	sdelay $0x8  }
0x222: {  	s1 =	sadd.s32 @p2 $0x10, s11  }
0x223: {  	s0 =	smov.u32 @p2 s1;
	[tilespmem:s3+$0x30] =	vst v62  }
0x224: {  	s19 =	simm.s32 $0x6310;
	[tilespmem:s0+$0x0] =	vst v4  }
0x225: {  	v6 =	vld [tilespmem:s19+$0x0]  }
0x226: {  	p2 =	sne.s32 s31, $0x1;
	v5 =	vld [tilespmem:$0x6300]  }
.Ltmp7:
0x227: {  	v4, _, _ =	vpop @!p3 (xrf1);
	(pc) =	sbr.rel @!p2 .LBB2_9-.Ltmp7, $3  }
0x228: {  	v3 =	vpsel p3, v3, v4  }
0x229: {  	v4 =	vbroadcast v3, $0x5;
	_ =	sdelay $0x1  }
0x22a: {  	s1 =	simm.s32 $0x6320;
	s0 =	sadd.s32 $0xFFFFFFFF, s31;
	vm0 =	vgt.f32 v5, v4;
	vm1 =	vgt.f32 v6, v4  }
.LBB2_8:
0x22b: {  	v5 =	vld [tilespmem:s1+$0x0];
	p2 =	sne.s32 s0, $0x1;
	s0 =	sadd.s32 $0xFFFFFFFF, s0;
	vm0 =	vmor vm0, vm1  }
.Ltmp8:
0x22c: {  	(pc) =	sbr.rel @p2 .LBB2_8-.Ltmp8, $2  }
0x22d: {  	_ =	sdelay $0x2  }
0x22e: {  	s1 =	sadd.s32 $0x10, s1;
	vm1 =	vgt.f32 v5, v4  }
.LBB2_9:
0x22f: {  	vm0 =	vmor vm0, vm1  }
0x230: {  	v5 =	vmpcnt.ones.xlane vm0  }
0x231: {  	(v2sf) =	vpush v3, $0x5  }
0x232: {  	(v2sf) =	vpush v5, $0x0;
	_ =	sdelay $0xd  }
0x233: {  	s31 =	spop (v2sf)  }
0x234: {  	s0 =	spop (v2sf)  }
0x235: {  	p2 =	slt.s32 s0, $0x1  }
.Ltmp9:
0x236: {  	_ = 	snop;
	(pc) =	sbr.rel @!p2 .LBB2_10-.Ltmp9, $2  }
0x237: {  	_ =	sdelay $0x2  }
0x238: {  	s0 =	simm.s32 $0x0  }
.LBB2_32:
0x239: {  	v5 =	vld [tilespmem:s17+$0x6880];
	_ =	sdelay $0x2  }
0x23a: {  	s0 =	sor.u32 s7, s23  }
0x23b: {  	v6 =	vmov s0  }
0x23c: {  	vm0 =	veq.s32 v6, v0;
	v5 =	vxor.u32 $0x80000000, v5  }
0x23d: {  	v5 =	vnsel vm0, $0x7FFFFFFF, v5  }
0x23e: {  	(xrf0) =	vmax.scan.msk.u32 $0xffff, v5;
	_ =	sdelay $0x5  }
0x23f: {  	v5, _, _ =	vpop (xrf0)  }
0x240: {  	(v2sf) =	vpush v5, $0xF;
	_ =	sdelay $0xd  }
0x241: {  	s29 =	smul.u32 $0xFFFFCE80, s25  }
0x242: {  	s1 =	spop (v2sf)  }
0x243: {  	s0 =	sadd.s32 s1, s29  }
0x244: {  	s0 =	sadd.s32 $0x80000000, s0  }
0x245: {  	p2 =	sgt.s32 s0, $0x0;
	s1 =	smov.u32 s0  }
0x246: {  	s1 =	simm.s32 @!p2 $0x0  }
0x247: {  	s1 =	smin.u32 s1, $0x317F  }
0x248: {  	s3 =	sand.u32 $0xF, s1  }
0x249: {  	p6 =	slt.s32 s0, $0x1;
	p3 =	sne.s32 s3, $0x0  }
0x24a: {  	p2 =	por !p6, !p3  }
0x24b: {  	s8 =	simm.s32 $0xFFFFFFFF;
	p2 =	por !p2, !p2  }
0x24c: {  	s8 =	simm.s32 @!p2 $0x0  }
0x24d: {  	s8 =	sshll.u32 s8, $0x4  }
0x24e: {  	s1 =	sadd.s32 s1, s8  }
0x24f: {  	s8 =	sadd.s32 s24, s1  }
0x250: {  	s1 =	sand.u32 $0x70, s1;
	s8 =	sand.u32 $0xFFFFFF80, s8  }
0x251: {  	s1 =	sor.u32 s1, s8  }
0x252: {  	v5 =	vld [tilespmem:s1+$0x0];
	_ =	sdelay $0x2  }
0x253: {  	v6 =	vmov s3  }
0x254: {  	vm15 =	veq.s32 v6, v0  }
0x255: {  	v5 =	vnsel vm15, $0xFF800000, v5  }
0x256: {  	(xrf0) =	vmax.scan.msk.f32 $0xffff, v5;
	_ =	sdelay $0x5  }
0x257: {  	v5, _, _ =	vpop (xrf0)  }
0x258: {  	(v2sf) =	vpush v5, $0xF;
	_ =	sdelay $0x9  }
0x259: {  	p3 =	sne.s32 s26, $0x0  }
.Ltmp10:
0x25a: {  	_ = 	snop;
	(pc) =	sbr.rel @p3 .LBB2_34-.Ltmp10, $2  }
0x25b: {  	_ =	sdelay $0x2  }
0x25c: {  	p2 =	sgt.u32 s22, $0x1D;
	s1 =	spop (v2sf)  }
0x25d: {  	s3 =	sadd.s32 @!p2 $0x2, s22  }
0x25e: {  	s8 =	sshrl.u32 @!p2 s3, $0x3  }
0x25f: {  	s8 =	sadd.s32 @!p2 s5, s8  }
0x260: {  	s11 =	sshrl.u32 @!p2 s8, $0x3  }
0x261: {  	s8 =	sshll.u32 @!p2 s8, $0x7;
	s11 =	smul.u32 @!p2 $0xC3800, s11  }
0x262: {  	s8 =	sand.u32 @!p2 $0x380, s8  }
.Ltmp11:
0x263: {  	s3 =	sand.u32 @!p2 $0x6, s3;
	s8 =	sor.u32 @!p2 s8, s11;
	(pc) =	sbr.rel .LBB2_37-.Ltmp11, $4  }
0x264: {  	s3 =	smul.u32 @!p2 $0x3180, s3;
	s8 =	sshrl.u32 @!p2 s8, $0x3  }
0x265: {  	s18 =	simm.s32 @!p2 $0x0;
	s8 =	sadd.s32 @!p2 s4, s8  }
0x266: {  	s11 =	simm.s32 @!p2 $0x400;
	s3 =	sadd.s32 @!p2 s3, s8;
	s8 =	simm.s32 @!p2 $0x80  }
0x267: {  	[tilespmem:s18], [sflag:$0x1] =	stream.strided.gather @!p2 [hbm4b:s3+s8], $0x3180, s11, s8, $0x38;
	[tilespmem:$0x8A00] =	vst v63  }
.LBB2_31:
0x268: {  	s0 =	sadd.s32 $0x1, s0  }
0x269: {  	p2 =	sne.s32 s0, s28  }
.Ltmp12:
0x26a: {  	_ = 	snop;
	(pc) =	sbr.rel @!p2 .LBB2_32-.Ltmp12, $2  }
0x26b: {  	_ =	sdelay $0x2  }
0x26c: {  	s29 =	sadd.s32 $0x580, s29  }
.LBB2_10:
0x26d: {  	s1 =	sshll.u32 s0, $0x6  }
0x26e: {  	s1 =	sshra.s32 s1, $0x2  }
0x26f: {  	v5 =	vld [tilespmem:s1+$0x6300];
	_ =	sdelay $0x4  }
0x270: {  	vm0 =	vgt.f32 v5, v4  }
0x271: {  	v5 =	vmpcnt.ones.xlane vm0;
	_ =	sdelay $0x1  }
0x272: {  	(v2sf) =	vpush v5, $0x0;
	_ =	sdelay $0xe  }
0x273: {  	s19 =	spop (v2sf)  }
0x274: {  	p2 =	slt.s32 s19, $0x1  }
.Ltmp13:
0x275: {  	_ = 	snop;
	(pc) =	sbr.rel @p2 .LBB2_31-.Ltmp13, $1  }
0x276: {  	_ =	sdelay $0x3  }
0x277: {  	s1 =	sshll.u32 s0, $0x9  }
0x278: {  	s1 =	sshra.s32 s1, $0x2  }
0x279: {  	v5 =	vld [tilespmem:s1+$0x6420]  }
0x27a: {  	v6 =	vld [tilespmem:s1+$0x6430]  }
0x27b: {  	v7 =	vld [tilespmem:s1+$0x6410]  }
0x27c: {  	v8 =	vld [tilespmem:s1+$0x6400];
	_ =	sdelay $0x2  }
0x27d: {  	vm1 =	vgt.f32 v5, v4;
	vm0 =	vgt.f32 v6, v4  }
0x27e: {  	vm2 =	vgt.f32 v7, v4;
	vm4 =	vmor vm1, vm0  }
0x27f: {  	vm3 =	vgt.f32 v8, v4;
	vm4 =	vmor vm2, vm4  }
0x280: {  	vm4 =	vmor vm3, vm4  }
0x281: {  	v5 =	vmpcnt.ones.xlane vm4;
	_ =	sdelay $0x1  }
0x282: {  	(v2sf) =	vpush v5, $0x0;
	_ =	sdelay $0xe  }
0x283: {  	s3 =	spop (v2sf)  }
0x284: {  	p2 =	slt.s32 s3, $0x1  }
.Ltmp14:
0x285: {  	_ = 	snop;
	(pc) =	sbr.rel @p2 .LBB2_22-.Ltmp14, $4  }
0x286: {  	v6 =	vld [tilespmem:s1+$0x6450]  }
0x287: {  	v7 =	vld [tilespmem:s1+$0x6460]  }
0x288: {  	v8 =	vld [tilespmem:s1+$0x6470]  }
0x289: {  	v5 =	vld [tilespmem:s1+$0x6440]  }
0x28a: {  	v9 =	vmpcnt.ones.xlane vm3;
	_ =	sdelay $0x1  }
0x28b: {  	(v2sf) =	vpush v9, $0x0;
	_ =	sdelay $0xe  }
0x28c: {  	s1 =	spop (v2sf)  }
0x28d: {  	p2 =	slt.s32 s1, $0x1  }
.Ltmp15:
0x28e: {  	_ = 	snop;
	(pc) =	sbr.rel @p2 .LBB2_16-.Ltmp15, $2  }
0x28f: {  	_ =	sdelay $0x2  }
0x290: {  	s1 =	simm.s32 $0x0  }
0x291: {  	s3 =	sadd.s32 $0x0, s29  }
0x292: {  	s1 =	sand.u32 $0x70, s1;
	s3 =	sand.u32 $0x7FFFFF80, s3  }
0x293: {  	s1 =	sor.u32 s1, s3  }
0x294: {  	v9 =	vld [tilespmem:s1+$0x0];
	_ =	sdelay $0x4  }
0x295: {  	vm3 =	vgt.f32 v9, v4  }
0x296: {  	v10 =	vmpcnt.ones.xlane vm3;
	_ =	sdelay $0x1  }
0x297: {  	(v2sf) =	vpush v10, $0x0;
	_ =	sdelay $0x4  }
0x298: {  	s11 =	sadd.s32 $0x10, s29;
	s3 =	simm.s32 $0x20;
	s1 =	simm.s32 $0x10;
	[tilespmem:s30+$0x6900] =	vst.msk vm3, v9  }
.LBB2_14:
0x299: {  	p2 =	sne.s32 s3, $0xA0;
	s8 =	sand.u32 $0x7FFFFF80, s11;
	s1 =	sand.u32 $0x70, s1  }
0x29a: {  	s8 =	sor.u32 s1, s8;
	s1 =	smov.u32 s3  }
0x29b: {  	v9 =	vld [tilespmem:s8+$0x0];
	_ =	sdelay $0x4  }
0x29c: {  	vm3 =	vgt.f32 v9, v4  }
0x29d: {  	v10 =	vmpcnt.ones.xlane vm3  }
0x29e: {  	s8 =	spop (v2sf)  }
0x29f: {  	(v2sf) =	vpush v10, $0x0;
	s30 =	sadd.s32 s30, s8  }
.Ltmp16:
0x2a0: {  	[tilespmem:s30+$0x6900] =	vst.msk vm3, v9;
	(pc) =	sbr.rel @p2 .LBB2_14-.Ltmp16, $2  }
0x2a1: {  	_ =	sdelay $0x2  }
0x2a2: {  	s3 =	sadd.s32 $0x10, s3;
	s11 =	sadd.s32 s1, s29  }
0x2a3: {  	s3 =	sand.u32 $0x7FFFFF80, s11;
	s1 =	sand.u32 $0x70, s1  }
0x2a4: {  	s1 =	sor.u32 s1, s3  }
0x2a5: {  	v9 =	vld [tilespmem:s1+$0x0];
	_ =	sdelay $0x4  }
0x2a6: {  	vm3 =	vgt.f32 v9, v4  }
0x2a7: {  	v10 =	vmpcnt.ones.xlane vm3;
	_ =	sdelay $0x1  }
0x2a8: {  	(v2sf) =	vpush v10, $0x0;
	_ =	sdelay $0xd  }
0x2a9: {  	s18 =	spop (v2sf)  }
0x2aa: {  	s1 =	sadd.s32 s30, s18;
	s19 =	spop (v2sf)  }
0x2ab: {  	[tilespmem:s1+$0x6900] =	vst.msk vm3, v9;
	s30 =	sadd.s32 s1, s19  }
.LBB2_16:
0x2ac: {  	v9 =	vmpcnt.ones.xlane vm2;
	_ =	sdelay $0x1  }
0x2ad: {  	(v2sf) =	vpush v9, $0x0;
	_ =	sdelay $0xe  }
0x2ae: {  	s1 =	spop (v2sf)  }
0x2af: {  	p2 =	slt.s32 s1, $0x1  }
.Ltmp17:
0x2b0: {  	_ = 	snop;
	(pc) =	sbr.rel @p2 .LBB2_18-.Ltmp17, $1  }
0x2b1: {  	_ =	sdelay $0x3  }
0x2b2: {  	s1 =	smul.u32 $0x1600, s0;
	_ =	sdelay $0x1  }
0x2b3: {  	s1 =	sshra.s32 s1, $0x2  }
0x2b4: {  	s1 =	sadd.s32 s1, s24  }
0x2b5: {  	v9 =	vld [tilespmem:s1+$0xB0];
	_ =	sdelay $0x4  }
0x2b6: {  	vm2 =	vgt.f32 v9, v4  }
0x2b7: {  	v10 =	vmpcnt.ones.xlane vm2;
	_ =	sdelay $0x1  }
0x2b8: {  	(v2sf) =	vpush v10, $0x0;
	_ =	sdelay $0x9  }
0x2b9: {  	[tilespmem:s30+$0x6900] =	vst.msk vm2, v9  }
0x2ba: {  	v9 =	vld [tilespmem:s1+$0xC0];
	_ =	sdelay $0x3  }
0x2bb: {  	s3 =	spop (v2sf)  }
0x2bc: {  	vm2 =	vgt.f32 v9, v4;
	s3 =	sadd.s32 s30, s3  }
0x2bd: {  	[tilespmem:s3+$0x6900] =	vst.msk vm2, v9;
	v9 =	vmpcnt.ones.xlane vm2  }
0x2be: {  	v10 =	vld [tilespmem:s1+$0xD0]  }
0x2bf: {  	(v2sf) =	vpush v9, $0x0;
	_ =	sdelay $0x3  }
0x2c0: {  	vm2 =	vgt.f32 v10, v4  }
0x2c1: {  	v9 =	vmpcnt.ones.xlane vm2;
	_ =	sdelay $0x1  }
0x2c2: {  	(v2sf) =	vpush v9, $0x0;
	_ =	sdelay $0x7  }
0x2c3: {  	s8 =	spop (v2sf)  }
0x2c4: {  	s3 =	sadd.s32 s3, s8  }
0x2c5: {  	[tilespmem:s3+$0x6900] =	vst.msk vm2, v10  }
0x2c6: {  	v9 =	vld [tilespmem:s1+$0xE0];
	_ =	sdelay $0x3  }
0x2c7: {  	s11 =	spop (v2sf)  }
0x2c8: {  	s3 =	sadd.s32 s3, s11;
	vm2 =	vgt.f32 v9, v4  }
0x2c9: {  	[tilespmem:s3+$0x6900] =	vst.msk vm2, v9;
	v9 =	vmpcnt.ones.xlane vm2  }
0x2ca: {  	v10 =	vld [tilespmem:s1+$0xF0]  }
0x2cb: {  	(v2sf) =	vpush v9, $0x0;
	_ =	sdelay $0x3  }
0x2cc: {  	vm2 =	vgt.f32 v10, v4  }
0x2cd: {  	v9 =	vmpcnt.ones.xlane vm2;
	_ =	sdelay $0x1  }
0x2ce: {  	(v2sf) =	vpush v9, $0x0;
	_ =	sdelay $0x7  }
0x2cf: {  	s18 =	spop (v2sf)  }
0x2d0: {  	s3 =	sadd.s32 s3, s18  }
0x2d1: {  	[tilespmem:s3+$0x6900] =	vst.msk vm2, v10  }
0x2d2: {  	v9 =	vld [tilespmem:s1+$0x100];
	_ =	sdelay $0x3  }
0x2d3: {  	s19 =	spop (v2sf)  }
0x2d4: {  	s3 =	sadd.s32 s3, s19;
	vm2 =	vgt.f32 v9, v4  }
0x2d5: {  	[tilespmem:s3+$0x6900] =	vst.msk vm2, v9;
	v9 =	vmpcnt.ones.xlane vm2  }
0x2d6: {  	v10 =	vld [tilespmem:s1+$0x110]  }
0x2d7: {  	(v2sf) =	vpush v9, $0x0;
	_ =	sdelay $0x3  }
0x2d8: {  	vm2 =	vgt.f32 v10, v4  }
0x2d9: {  	v9 =	vmpcnt.ones.xlane vm2;
	_ =	sdelay $0x1  }
0x2da: {  	(v2sf) =	vpush v9, $0x0;
	_ =	sdelay $0x7  }
0x2db: {  	s11 =	spop (v2sf)  }
0x2dc: {  	s3 =	sadd.s32 s3, s11  }
0x2dd: {  	[tilespmem:s3+$0x6900] =	vst.msk vm2, v10  }
0x2de: {  	v9 =	vld [tilespmem:s1+$0x120];
	_ =	sdelay $0x3  }
0x2df: {  	s18 =	spop (v2sf)  }
0x2e0: {  	s3 =	sadd.s32 s3, s18;
	vm2 =	vgt.f32 v9, v4  }
0x2e1: {  	[tilespmem:s3+$0x6900] =	vst.msk vm2, v9;
	v9 =	vmpcnt.ones.xlane vm2  }
0x2e2: {  	v10 =	vld [tilespmem:s1+$0x130]  }
0x2e3: {  	(v2sf) =	vpush v9, $0x0;
	_ =	sdelay $0x3  }
0x2e4: {  	vm2 =	vgt.f32 v10, v4  }
0x2e5: {  	v9 =	vmpcnt.ones.xlane vm2;
	_ =	sdelay $0x1  }
0x2e6: {  	(v2sf) =	vpush v9, $0x0;
	_ =	sdelay $0x7  }
0x2e7: {  	s19 =	spop (v2sf)  }
0x2e8: {  	s3 =	sadd.s32 s3, s19  }
0x2e9: {  	[tilespmem:s3+$0x6900] =	vst.msk vm2, v10  }
0x2ea: {  	v9 =	vld [tilespmem:s1+$0x140];
	_ =	sdelay $0x3  }
0x2eb: {  	s11 =	spop (v2sf)  }
0x2ec: {  	s3 =	sadd.s32 s3, s11;
	vm2 =	vgt.f32 v9, v4  }
0x2ed: {  	[tilespmem:s3+$0x6900] =	vst.msk vm2, v9  }
0x2ee: {  	v9 =	vld [tilespmem:s1+$0x150];
	_ =	sdelay $0x4  }
0x2ef: {  	v10 =	vmpcnt.ones.xlane vm2;
	vm2 =	vgt.f32 v9, v4  }
0x2f0: {  	v11 =	vmpcnt.ones.xlane vm2  }
0x2f1: {  	(v2sf) =	vpush v10, $0x0  }
0x2f2: {  	(v2sf) =	vpush v11, $0x0;
	_ =	sdelay $0xd  }
0x2f3: {  	s18 =	spop (v2sf)  }
0x2f4: {  	s1 =	sadd.s32 s3, s18;
	s19 =	spop (v2sf)  }
0x2f5: {  	[tilespmem:s1+$0x6900] =	vst.msk vm2, v9;
	s30 =	sadd.s32 s1, s19  }
.LBB2_18:
0x2f6: {  	v9 =	vmpcnt.ones.xlane vm1;
	_ =	sdelay $0x1  }
0x2f7: {  	(v2sf) =	vpush v9, $0x0;
	_ =	sdelay $0xe  }
0x2f8: {  	s1 =	spop (v2sf)  }
0x2f9: {  	p2 =	slt.s32 s1, $0x1  }
.Ltmp18:
0x2fa: {  	_ = 	snop;
	(pc) =	sbr.rel @p2 .LBB2_20-.Ltmp18, $1  }
0x2fb: {  	_ =	sdelay $0x3  }
0x2fc: {  	s1 =	smul.u32 $0x1600, s0;
	_ =	sdelay $0x1  }
0x2fd: {  	s1 =	sshra.s32 s1, $0x2  }
0x2fe: {  	s1 =	sadd.s32 s1, s24  }
0x2ff: {  	v9 =	vld [tilespmem:s1+$0x160];
	_ =	sdelay $0x4  }
0x300: {  	vm1 =	vgt.f32 v9, v4  }
0x301: {  	v10 =	vmpcnt.ones.xlane vm1;
	_ =	sdelay $0x1  }
0x302: {  	(v2sf) =	vpush v10, $0x0;
	_ =	sdelay $0x9  }
0x303: {  	[tilespmem:s30+$0x6900] =	vst.msk vm1, v9  }
0x304: {  	v9 =	vld [tilespmem:s1+$0x170];
	_ =	sdelay $0x3  }
0x305: {  	s3 =	spop (v2sf)  }
0x306: {  	vm1 =	vgt.f32 v9, v4;
	s3 =	sadd.s32 s30, s3  }
0x307: {  	[tilespmem:s3+$0x6900] =	vst.msk vm1, v9;
	v9 =	vmpcnt.ones.xlane vm1  }
0x308: {  	v10 =	vld [tilespmem:s1+$0x180]  }
0x309: {  	(v2sf) =	vpush v9, $0x0;
	_ =	sdelay $0x3  }
0x30a: {  	vm1 =	vgt.f32 v10, v4  }
0x30b: {  	v9 =	vmpcnt.ones.xlane vm1;
	_ =	sdelay $0x1  }
0x30c: {  	(v2sf) =	vpush v9, $0x0;
	_ =	sdelay $0x7  }
0x30d: {  	s8 =	spop (v2sf)  }
0x30e: {  	s3 =	sadd.s32 s3, s8  }
0x30f: {  	[tilespmem:s3+$0x6900] =	vst.msk vm1, v10  }
0x310: {  	v9 =	vld [tilespmem:s1+$0x190];
	_ =	sdelay $0x3  }
0x311: {  	s11 =	spop (v2sf)  }
0x312: {  	s3 =	sadd.s32 s3, s11;
	vm1 =	vgt.f32 v9, v4  }
0x313: {  	[tilespmem:s3+$0x6900] =	vst.msk vm1, v9;
	v9 =	vmpcnt.ones.xlane vm1  }
0x314: {  	v10 =	vld [tilespmem:s1+$0x1A0]  }
0x315: {  	(v2sf) =	vpush v9, $0x0;
	_ =	sdelay $0x3  }
0x316: {  	vm1 =	vgt.f32 v10, v4  }
0x317: {  	v9 =	vmpcnt.ones.xlane vm1;
	_ =	sdelay $0x1  }
0x318: {  	(v2sf) =	vpush v9, $0x0;
	_ =	sdelay $0x7  }
0x319: {  	s18 =	spop (v2sf)  }
0x31a: {  	s3 =	sadd.s32 s3, s18  }
0x31b: {  	[tilespmem:s3+$0x6900] =	vst.msk vm1, v10  }
0x31c: {  	v9 =	vld [tilespmem:s1+$0x1B0];
	_ =	sdelay $0x3  }
0x31d: {  	s19 =	spop (v2sf)  }
0x31e: {  	s3 =	sadd.s32 s3, s19;
	vm1 =	vgt.f32 v9, v4  }
0x31f: {  	[tilespmem:s3+$0x6900] =	vst.msk vm1, v9;
	v9 =	vmpcnt.ones.xlane vm1  }
0x320: {  	v10 =	vld [tilespmem:s1+$0x1C0]  }
0x321: {  	(v2sf) =	vpush v9, $0x0;
	_ =	sdelay $0x3  }
0x322: {  	vm1 =	vgt.f32 v10, v4  }
0x323: {  	v9 =	vmpcnt.ones.xlane vm1;
	_ =	sdelay $0x1  }
0x324: {  	(v2sf) =	vpush v9, $0x0;
	_ =	sdelay $0x7  }
0x325: {  	s11 =	spop (v2sf)  }
0x326: {  	s3 =	sadd.s32 s3, s11  }
0x327: {  	[tilespmem:s3+$0x6900] =	vst.msk vm1, v10  }
0x328: {  	v9 =	vld [tilespmem:s1+$0x1D0];
	_ =	sdelay $0x3  }
0x329: {  	s18 =	spop (v2sf)  }
0x32a: {  	s3 =	sadd.s32 s3, s18;
	vm1 =	vgt.f32 v9, v4  }
0x32b: {  	[tilespmem:s3+$0x6900] =	vst.msk vm1, v9;
	v9 =	vmpcnt.ones.xlane vm1  }
0x32c: {  	v10 =	vld [tilespmem:s1+$0x1E0]  }
0x32d: {  	(v2sf) =	vpush v9, $0x0;
	_ =	sdelay $0x3  }
0x32e: {  	vm1 =	vgt.f32 v10, v4  }
0x32f: {  	v9 =	vmpcnt.ones.xlane vm1;
	_ =	sdelay $0x1  }
0x330: {  	(v2sf) =	vpush v9, $0x0;
	_ =	sdelay $0x7  }
0x331: {  	s19 =	spop (v2sf)  }
0x332: {  	s3 =	sadd.s32 s3, s19  }
0x333: {  	[tilespmem:s3+$0x6900] =	vst.msk vm1, v10  }
0x334: {  	v9 =	vld [tilespmem:s1+$0x1F0];
	_ =	sdelay $0x3  }
0x335: {  	s11 =	spop (v2sf)  }
0x336: {  	s3 =	sadd.s32 s3, s11;
	vm1 =	vgt.f32 v9, v4  }
0x337: {  	[tilespmem:s3+$0x6900] =	vst.msk vm1, v9  }
0x338: {  	v9 =	vld [tilespmem:s1+$0x200];
	_ =	sdelay $0x4  }
0x339: {  	v10 =	vmpcnt.ones.xlane vm1;
	vm1 =	vgt.f32 v9, v4  }
0x33a: {  	v11 =	vmpcnt.ones.xlane vm1  }
0x33b: {  	(v2sf) =	vpush v10, $0x0  }
0x33c: {  	(v2sf) =	vpush v11, $0x0;
	_ =	sdelay $0xd  }
0x33d: {  	s18 =	spop (v2sf)  }
0x33e: {  	s1 =	sadd.s32 s3, s18;
	s19 =	spop (v2sf)  }
0x33f: {  	[tilespmem:s1+$0x6900] =	vst.msk vm1, v9;
	s30 =	sadd.s32 s1, s19  }
.LBB2_20:
0x340: {  	v9 =	vmpcnt.ones.xlane vm0;
	_ =	sdelay $0x1  }
0x341: {  	(v2sf) =	vpush v9, $0x0;
	_ =	sdelay $0xe  }
0x342: {  	s1 =	spop (v2sf)  }
0x343: {  	p2 =	slt.s32 s1, $0x1  }
.Ltmp19:
0x344: {  	_ = 	snop;
	(pc) =	sbr.rel @p2 .LBB2_22-.Ltmp19, $1  }
0x345: {  	_ =	sdelay $0x3  }
0x346: {  	s1 =	smul.u32 $0x1600, s0;
	_ =	sdelay $0x1  }
0x347: {  	s1 =	sshra.s32 s1, $0x2  }
0x348: {  	s1 =	sadd.s32 s1, s24  }
0x349: {  	v9 =	vld [tilespmem:s1+$0x210];
	_ =	sdelay $0x4  }
0x34a: {  	vm0 =	vgt.f32 v9, v4  }
0x34b: {  	v10 =	vmpcnt.ones.xlane vm0;
	_ =	sdelay $0x1  }
0x34c: {  	(v2sf) =	vpush v10, $0x0;
	_ =	sdelay $0x9  }
0x34d: {  	[tilespmem:s30+$0x6900] =	vst.msk vm0, v9  }
0x34e: {  	v9 =	vld [tilespmem:s1+$0x220];
	_ =	sdelay $0x3  }
0x34f: {  	s3 =	spop (v2sf)  }
0x350: {  	vm6 =	vgt.f32 v9, v4;
	s3 =	sadd.s32 s30, s3  }
0x351: {  	[tilespmem:s3+$0x6900] =	vst.msk vm6, v9;
	v9 =	vmpcnt.ones.xlane vm6  }
0x352: {  	v10 =	vld [tilespmem:s1+$0x230]  }
0x353: {  	(v2sf) =	vpush v9, $0x0;
	_ =	sdelay $0x3  }
0x354: {  	vm7 =	vgt.f32 v10, v4  }
0x355: {  	v9 =	vmpcnt.ones.xlane vm7;
	_ =	sdelay $0x1  }
0x356: {  	(v2sf) =	vpush v9, $0x0;
	_ =	sdelay $0x7  }
0x357: {  	s8 =	spop (v2sf)  }
0x358: {  	s3 =	sadd.s32 s3, s8  }
0x359: {  	[tilespmem:s3+$0x6900] =	vst.msk vm7, v10  }
0x35a: {  	v9 =	vld [tilespmem:s1+$0x240];
	_ =	sdelay $0x3  }
0x35b: {  	s11 =	spop (v2sf)  }
0x35c: {  	s3 =	sadd.s32 s3, s11;
	vm8 =	vgt.f32 v9, v4  }
0x35d: {  	[tilespmem:s3+$0x6900] =	vst.msk vm8, v9;
	v9 =	vmpcnt.ones.xlane vm8  }
0x35e: {  	v10 =	vld [tilespmem:s1+$0x250]  }
0x35f: {  	(v2sf) =	vpush v9, $0x0;
	_ =	sdelay $0x3  }
0x360: {  	vm9 =	vgt.f32 v10, v4  }
0x361: {  	v9 =	vmpcnt.ones.xlane vm9;
	_ =	sdelay $0x1  }
0x362: {  	(v2sf) =	vpush v9, $0x0;
	_ =	sdelay $0x7  }
0x363: {  	s18 =	spop (v2sf)  }
0x364: {  	s3 =	sadd.s32 s3, s18  }
0x365: {  	[tilespmem:s3+$0x6900] =	vst.msk vm9, v10  }
0x366: {  	v9 =	vld [tilespmem:s1+$0x260];
	_ =	sdelay $0x3  }
0x367: {  	s19 =	spop (v2sf)  }
0x368: {  	s3 =	sadd.s32 s3, s19;
	vm10 =	vgt.f32 v9, v4  }
0x369: {  	[tilespmem:s3+$0x6900] =	vst.msk vm10, v9;
	v9 =	vmpcnt.ones.xlane vm10  }
0x36a: {  	v10 =	vld [tilespmem:s1+$0x270]  }
0x36b: {  	(v2sf) =	vpush v9, $0x0;
	_ =	sdelay $0x3  }
0x36c: {  	vm11 =	vgt.f32 v10, v4  }
0x36d: {  	v9 =	vmpcnt.ones.xlane vm11;
	_ =	sdelay $0x1  }
0x36e: {  	(v2sf) =	vpush v9, $0x0;
	_ =	sdelay $0x7  }
0x36f: {  	s11 =	spop (v2sf)  }
0x370: {  	s3 =	sadd.s32 s3, s11  }
0x371: {  	[tilespmem:s3+$0x6900] =	vst.msk vm11, v10  }
0x372: {  	v9 =	vld [tilespmem:s1+$0x280];
	_ =	sdelay $0x3  }
0x373: {  	s18 =	spop (v2sf)  }
0x374: {  	s3 =	sadd.s32 s3, s18;
	vm12 =	vgt.f32 v9, v4  }
0x375: {  	[tilespmem:s3+$0x6900] =	vst.msk vm12, v9;
	v9 =	vmpcnt.ones.xlane vm12  }
0x376: {  	v10 =	vld [tilespmem:s1+$0x290]  }
0x377: {  	(v2sf) =	vpush v9, $0x0;
	_ =	sdelay $0x3  }
0x378: {  	vm13 =	vgt.f32 v10, v4  }
0x379: {  	v9 =	vmpcnt.ones.xlane vm13;
	_ =	sdelay $0x1  }
0x37a: {  	(v2sf) =	vpush v9, $0x0;
	_ =	sdelay $0x7  }
0x37b: {  	s19 =	spop (v2sf)  }
0x37c: {  	s3 =	sadd.s32 s3, s19  }
0x37d: {  	[tilespmem:s3+$0x6900] =	vst.msk vm13, v10  }
0x37e: {  	v9 =	vld [tilespmem:s1+$0x2A0];
	_ =	sdelay $0x3  }
0x37f: {  	s11 =	spop (v2sf)  }
0x380: {  	s3 =	sadd.s32 s3, s11;
	vm14 =	vgt.f32 v9, v4  }
0x381: {  	[tilespmem:s3+$0x6900] =	vst.msk vm14, v9  }
0x382: {  	v9 =	vld [tilespmem:s1+$0x2B0];
	_ =	sdelay $0x4  }
0x383: {  	v10 =	vmpcnt.ones.xlane vm14;
	vm15 =	vgt.f32 v9, v4  }
0x384: {  	v11 =	vmpcnt.ones.xlane vm15  }
0x385: {  	(v2sf) =	vpush v10, $0x0  }
0x386: {  	(v2sf) =	vpush v11, $0x0;
	_ =	sdelay $0xd  }
0x387: {  	s18 =	spop (v2sf)  }
0x388: {  	s1 =	sadd.s32 s3, s18;
	s19 =	spop (v2sf)  }
0x389: {  	[tilespmem:s1+$0x6900] =	vst.msk vm15, v9;
	s30 =	sadd.s32 s1, s19  }
.LBB2_22:
0x38a: {  	_ =	sdelay $0x2  }
0x38b: {  	vm1 =	vgt.f32 v7, v4;
	vm0 =	vgt.f32 v8, v4  }
0x38c: {  	vm2 =	vgt.f32 v6, v4;
	vm4 =	vmor vm1, vm0  }
0x38d: {  	vm3 =	vgt.f32 v5, v4;
	vm4 =	vmor vm2, vm4  }
0x38e: {  	vm4 =	vmor vm3, vm4  }
0x38f: {  	v5 =	vmpcnt.ones.xlane vm4;
	_ =	sdelay $0x1  }
0x390: {  	(v2sf) =	vpush v5, $0x0;
	_ =	sdelay $0xe  }
0x391: {  	s1 =	spop (v2sf)  }
0x392: {  	p2 =	slt.s32 s1, $0x1  }
.Ltmp20:
0x393: {  	_ = 	snop;
	(pc) =	sbr.rel @p2 .LBB2_31-.Ltmp20, $1  }
0x394: {  	_ =	sdelay $0x3  }
0x395: {  	v5 =	vmpcnt.ones.xlane vm3;
	_ =	sdelay $0x1  }
0x396: {  	(v2sf) =	vpush v5, $0x0;
	_ =	sdelay $0xe  }
0x397: {  	s1 =	spop (v2sf)  }
0x398: {  	p2 =	slt.s32 s1, $0x1  }
.Ltmp21:
0x399: {  	_ = 	snop;
	(pc) =	sbr.rel @p2 .LBB2_25-.Ltmp21, $3  }
0x39a: {  	_ = 	snop  }
0x39b: {  	s3 =	smul.u32 $0x1600, s0;
	_ =	sdelay $0x1  }
0x39c: {  	s1 =	sshra.s32 s3, $0x2  }
0x39d: {  	s3 =	sadd.s32 s1, s24  }
0x39e: {  	v5 =	vld [tilespmem:s3+$0x2C0];
	_ =	sdelay $0x4  }
0x39f: {  	vm3 =	vgt.f32 v5, v4  }
0x3a0: {  	v6 =	vmpcnt.ones.xlane vm3;
	_ =	sdelay $0x1  }
0x3a1: {  	(v2sf) =	vpush v6, $0x0;
	_ =	sdelay $0x9  }
0x3a2: {  	[tilespmem:s30+$0x6900] =	vst.msk vm3, v5  }
0x3a3: {  	v5 =	vld [tilespmem:s3+$0x2D0];
	_ =	sdelay $0x3  }
0x3a4: {  	s8 =	spop (v2sf)  }
0x3a5: {  	vm3 =	vgt.f32 v5, v4;
	s8 =	sadd.s32 s30, s8  }
0x3a6: {  	[tilespmem:s8+$0x6900] =	vst.msk vm3, v5;
	v5 =	vmpcnt.ones.xlane vm3  }
0x3a7: {  	v6 =	vld [tilespmem:s3+$0x2E0]  }
0x3a8: {  	(v2sf) =	vpush v5, $0x0;
	_ =	sdelay $0x3  }
0x3a9: {  	vm3 =	vgt.f32 v6, v4  }
0x3aa: {  	v5 =	vmpcnt.ones.xlane vm3;
	_ =	sdelay $0x1  }
0x3ab: {  	(v2sf) =	vpush v5, $0x0;
	_ =	sdelay $0x7  }
0x3ac: {  	s11 =	spop (v2sf)  }
0x3ad: {  	s8 =	sadd.s32 s8, s11  }
0x3ae: {  	[tilespmem:s8+$0x6900] =	vst.msk vm3, v6  }
0x3af: {  	v5 =	vld [tilespmem:s3+$0x2F0];
	_ =	sdelay $0x3  }
0x3b0: {  	s19 =	spop (v2sf)  }
0x3b1: {  	s8 =	sadd.s32 s8, s19;
	vm3 =	vgt.f32 v5, v4  }
0x3b2: {  	[tilespmem:s8+$0x6900] =	vst.msk vm3, v5;
	v5 =	vmpcnt.ones.xlane vm3  }
0x3b3: {  	v6 =	vld [tilespmem:s3+$0x300]  }
0x3b4: {  	(v2sf) =	vpush v5, $0x0;
	_ =	sdelay $0x3  }
0x3b5: {  	vm3 =	vgt.f32 v6, v4  }
0x3b6: {  	v5 =	vmpcnt.ones.xlane vm3;
	_ =	sdelay $0x1  }
0x3b7: {  	(v2sf) =	vpush v5, $0x0;
	_ =	sdelay $0x7  }
0x3b8: {  	s18 =	spop (v2sf)  }
0x3b9: {  	s8 =	sadd.s32 s8, s18  }
0x3ba: {  	[tilespmem:s8+$0x6900] =	vst.msk vm3, v6  }
0x3bb: {  	v5 =	vld [tilespmem:s3+$0x310];
	_ =	sdelay $0x3  }
0x3bc: {  	s19 =	spop (v2sf)  }
0x3bd: {  	s8 =	sadd.s32 s8, s19;
	vm3 =	vgt.f32 v5, v4  }
0x3be: {  	[tilespmem:s8+$0x6900] =	vst.msk vm3, v5;
	v5 =	vmpcnt.ones.xlane vm3  }
0x3bf: {  	v6 =	vld [tilespmem:s3+$0x320]  }
0x3c0: {  	(v2sf) =	vpush v5, $0x0;
	_ =	sdelay $0x3  }
0x3c1: {  	vm3 =	vgt.f32 v6, v4  }
0x3c2: {  	v5 =	vmpcnt.ones.xlane vm3;
	_ =	sdelay $0x1  }
0x3c3: {  	(v2sf) =	vpush v5, $0x0;
	_ =	sdelay $0x7  }
0x3c4: {  	s18 =	spop (v2sf)  }
0x3c5: {  	s8 =	sadd.s32 s8, s18  }
0x3c6: {  	[tilespmem:s8+$0x6900] =	vst.msk vm3, v6  }
0x3c7: {  	v5 =	vld [tilespmem:s3+$0x330];
	_ =	sdelay $0x3  }
0x3c8: {  	s19 =	spop (v2sf)  }
0x3c9: {  	s8 =	sadd.s32 s8, s19;
	vm3 =	vgt.f32 v5, v4  }
0x3ca: {  	[tilespmem:s8+$0x6900] =	vst.msk vm3, v5;
	v5 =	vmpcnt.ones.xlane vm3  }
0x3cb: {  	v6 =	vld [tilespmem:s3+$0x340]  }
0x3cc: {  	(v2sf) =	vpush v5, $0x0;
	_ =	sdelay $0x3  }
0x3cd: {  	vm3 =	vgt.f32 v6, v4  }
0x3ce: {  	v5 =	vmpcnt.ones.xlane vm3;
	_ =	sdelay $0x1  }
0x3cf: {  	(v2sf) =	vpush v5, $0x0;
	_ =	sdelay $0x7  }
0x3d0: {  	s18 =	spop (v2sf)  }
0x3d1: {  	s8 =	sadd.s32 s8, s18  }
0x3d2: {  	[tilespmem:s8+$0x6900] =	vst.msk vm3, v6  }
0x3d3: {  	v5 =	vld [tilespmem:s3+$0x350];
	_ =	sdelay $0x3  }
0x3d4: {  	s19 =	spop (v2sf)  }
0x3d5: {  	s8 =	sadd.s32 s8, s19;
	vm3 =	vgt.f32 v5, v4  }
0x3d6: {  	[tilespmem:s8+$0x6900] =	vst.msk vm3, v5  }
0x3d7: {  	v5 =	vld [tilespmem:s3+$0x360];
	_ =	sdelay $0x4  }
0x3d8: {  	v6 =	vmpcnt.ones.xlane vm3;
	vm3 =	vgt.f32 v5, v4  }
0x3d9: {  	v7 =	vmpcnt.ones.xlane vm3  }
0x3da: {  	(v2sf) =	vpush v6, $0x0  }
0x3db: {  	(v2sf) =	vpush v7, $0x0;
	_ =	sdelay $0xd  }
0x3dc: {  	s18 =	spop (v2sf)  }
0x3dd: {  	s3 =	sadd.s32 s8, s18;
	s19 =	spop (v2sf)  }
0x3de: {  	[tilespmem:s3+$0x6900] =	vst.msk vm3, v5;
	s30 =	sadd.s32 s3, s19  }
.LBB2_25:
0x3df: {  	v5 =	vmpcnt.ones.xlane vm2;
	_ =	sdelay $0x1  }
0x3e0: {  	(v2sf) =	vpush v5, $0x0;
	_ =	sdelay $0xe  }
0x3e1: {  	s3 =	spop (v2sf)  }
0x3e2: {  	p2 =	slt.s32 s3, $0x1  }
.Ltmp22:
0x3e3: {  	_ = 	snop;
	(pc) =	sbr.rel @p2 .LBB2_27-.Ltmp22, $1  }
0x3e4: {  	_ =	sdelay $0x3  }
0x3e5: {  	s3 =	sadd.s32 s1, s24  }
0x3e6: {  	v5 =	vld [tilespmem:s3+$0x370];
	_ =	sdelay $0x4  }
0x3e7: {  	vm2 =	vgt.f32 v5, v4  }
0x3e8: {  	v6 =	vmpcnt.ones.xlane vm2;
	_ =	sdelay $0x1  }
0x3e9: {  	(v2sf) =	vpush v6, $0x0;
	_ =	sdelay $0x9  }
0x3ea: {  	[tilespmem:s30+$0x6900] =	vst.msk vm2, v5  }
0x3eb: {  	v5 =	vld [tilespmem:s3+$0x380];
	_ =	sdelay $0x3  }
0x3ec: {  	s8 =	spop (v2sf)  }
0x3ed: {  	vm2 =	vgt.f32 v5, v4;
	s8 =	sadd.s32 s30, s8  }
0x3ee: {  	[tilespmem:s8+$0x6900] =	vst.msk vm2, v5;
	v5 =	vmpcnt.ones.xlane vm2  }
0x3ef: {  	v6 =	vld [tilespmem:s3+$0x390]  }
0x3f0: {  	(v2sf) =	vpush v5, $0x0;
	_ =	sdelay $0x3  }
0x3f1: {  	vm2 =	vgt.f32 v6, v4  }
0x3f2: {  	v5 =	vmpcnt.ones.xlane vm2;
	_ =	sdelay $0x1  }
0x3f3: {  	(v2sf) =	vpush v5, $0x0;
	_ =	sdelay $0x7  }
0x3f4: {  	s11 =	spop (v2sf)  }
0x3f5: {  	s8 =	sadd.s32 s8, s11  }
0x3f6: {  	[tilespmem:s8+$0x6900] =	vst.msk vm2, v6  }
0x3f7: {  	v5 =	vld [tilespmem:s3+$0x3A0];
	_ =	sdelay $0x3  }
0x3f8: {  	s19 =	spop (v2sf)  }
0x3f9: {  	s8 =	sadd.s32 s8, s19;
	vm2 =	vgt.f32 v5, v4  }
0x3fa: {  	[tilespmem:s8+$0x6900] =	vst.msk vm2, v5;
	v5 =	vmpcnt.ones.xlane vm2  }
0x3fb: {  	v6 =	vld [tilespmem:s3+$0x3B0]  }
0x3fc: {  	(v2sf) =	vpush v5, $0x0;
	_ =	sdelay $0x3  }
0x3fd: {  	vm2 =	vgt.f32 v6, v4  }
0x3fe: {  	v5 =	vmpcnt.ones.xlane vm2;
	_ =	sdelay $0x1  }
0x3ff: {  	(v2sf) =	vpush v5, $0x0;
	_ =	sdelay $0x7  }
0x400: {  	s18 =	spop (v2sf)  }
0x401: {  	s8 =	sadd.s32 s8, s18  }
0x402: {  	[tilespmem:s8+$0x6900] =	vst.msk vm2, v6  }
0x403: {  	v5 =	vld [tilespmem:s3+$0x3C0];
	_ =	sdelay $0x3  }
0x404: {  	s19 =	spop (v2sf)  }
0x405: {  	s8 =	sadd.s32 s8, s19;
	vm2 =	vgt.f32 v5, v4  }
0x406: {  	[tilespmem:s8+$0x6900] =	vst.msk vm2, v5;
	v5 =	vmpcnt.ones.xlane vm2  }
0x407: {  	v6 =	vld [tilespmem:s3+$0x3D0]  }
0x408: {  	(v2sf) =	vpush v5, $0x0;
	_ =	sdelay $0x3  }
0x409: {  	vm2 =	vgt.f32 v6, v4  }
0x40a: {  	v5 =	vmpcnt.ones.xlane vm2;
	_ =	sdelay $0x1  }
0x40b: {  	(v2sf) =	vpush v5, $0x0;
	_ =	sdelay $0x7  }
0x40c: {  	s18 =	spop (v2sf)  }
0x40d: {  	s8 =	sadd.s32 s8, s18  }
0x40e: {  	[tilespmem:s8+$0x6900] =	vst.msk vm2, v6  }
0x40f: {  	v5 =	vld [tilespmem:s3+$0x3E0];
	_ =	sdelay $0x3  }
0x410: {  	s19 =	spop (v2sf)  }
0x411: {  	s8 =	sadd.s32 s8, s19;
	vm2 =	vgt.f32 v5, v4  }
0x412: {  	[tilespmem:s8+$0x6900] =	vst.msk vm2, v5;
	v5 =	vmpcnt.ones.xlane vm2  }
0x413: {  	v6 =	vld [tilespmem:s3+$0x3F0]  }
0x414: {  	(v2sf) =	vpush v5, $0x0;
	_ =	sdelay $0x3  }
0x415: {  	vm2 =	vgt.f32 v6, v4  }
0x416: {  	v5 =	vmpcnt.ones.xlane vm2;
	_ =	sdelay $0x1  }
0x417: {  	(v2sf) =	vpush v5, $0x0;
	_ =	sdelay $0x7  }
0x418: {  	s18 =	spop (v2sf)  }
0x419: {  	s8 =	sadd.s32 s8, s18  }
0x41a: {  	[tilespmem:s8+$0x6900] =	vst.msk vm2, v6  }
0x41b: {  	v5 =	vld [tilespmem:s3+$0x400];
	_ =	sdelay $0x3  }
0x41c: {  	s19 =	spop (v2sf)  }
0x41d: {  	s8 =	sadd.s32 s8, s19;
	vm2 =	vgt.f32 v5, v4  }
0x41e: {  	[tilespmem:s8+$0x6900] =	vst.msk vm2, v5  }
0x41f: {  	v5 =	vld [tilespmem:s3+$0x410];
	_ =	sdelay $0x4  }
0x420: {  	v6 =	vmpcnt.ones.xlane vm2;
	vm2 =	vgt.f32 v5, v4  }
0x421: {  	v7 =	vmpcnt.ones.xlane vm2  }
0x422: {  	(v2sf) =	vpush v6, $0x0  }
0x423: {  	(v2sf) =	vpush v7, $0x0;
	_ =	sdelay $0xd  }
0x424: {  	s18 =	spop (v2sf)  }
0x425: {  	s3 =	sadd.s32 s8, s18;
	s19 =	spop (v2sf)  }
0x426: {  	[tilespmem:s3+$0x6900] =	vst.msk vm2, v5;
	s30 =	sadd.s32 s3, s19  }
.LBB2_27:
0x427: {  	v5 =	vmpcnt.ones.xlane vm1;
	_ =	sdelay $0x1  }
0x428: {  	(v2sf) =	vpush v5, $0x0;
	_ =	sdelay $0xe  }
0x429: {  	s3 =	spop (v2sf)  }
0x42a: {  	p2 =	slt.s32 s3, $0x1  }
.Ltmp23:
0x42b: {  	_ = 	snop;
	(pc) =	sbr.rel @p2 .LBB2_29-.Ltmp23, $1  }
0x42c: {  	_ =	sdelay $0x3  }
0x42d: {  	s3 =	sadd.s32 s1, s24  }
0x42e: {  	v5 =	vld [tilespmem:s3+$0x420];
	_ =	sdelay $0x4  }
0x42f: {  	vm1 =	vgt.f32 v5, v4  }
0x430: {  	v6 =	vmpcnt.ones.xlane vm1;
	_ =	sdelay $0x1  }
0x431: {  	(v2sf) =	vpush v6, $0x0;
	_ =	sdelay $0x9  }
0x432: {  	[tilespmem:s30+$0x6900] =	vst.msk vm1, v5  }
0x433: {  	v5 =	vld [tilespmem:s3+$0x430];
	_ =	sdelay $0x3  }
0x434: {  	s8 =	spop (v2sf)  }
0x435: {  	vm1 =	vgt.f32 v5, v4;
	s8 =	sadd.s32 s30, s8  }
0x436: {  	[tilespmem:s8+$0x6900] =	vst.msk vm1, v5;
	v5 =	vmpcnt.ones.xlane vm1  }
0x437: {  	v6 =	vld [tilespmem:s3+$0x440]  }
0x438: {  	(v2sf) =	vpush v5, $0x0;
	_ =	sdelay $0x3  }
0x439: {  	vm1 =	vgt.f32 v6, v4  }
0x43a: {  	v5 =	vmpcnt.ones.xlane vm1;
	_ =	sdelay $0x1  }
0x43b: {  	(v2sf) =	vpush v5, $0x0;
	_ =	sdelay $0x7  }
0x43c: {  	s11 =	spop (v2sf)  }
0x43d: {  	s8 =	sadd.s32 s8, s11  }
0x43e: {  	[tilespmem:s8+$0x6900] =	vst.msk vm1, v6  }
0x43f: {  	v5 =	vld [tilespmem:s3+$0x450];
	_ =	sdelay $0x3  }
0x440: {  	s19 =	spop (v2sf)  }
0x441: {  	s8 =	sadd.s32 s8, s19;
	vm1 =	vgt.f32 v5, v4  }
0x442: {  	[tilespmem:s8+$0x6900] =	vst.msk vm1, v5;
	v5 =	vmpcnt.ones.xlane vm1  }
0x443: {  	v6 =	vld [tilespmem:s3+$0x460]  }
0x444: {  	(v2sf) =	vpush v5, $0x0;
	_ =	sdelay $0x3  }
0x445: {  	vm1 =	vgt.f32 v6, v4  }
0x446: {  	v5 =	vmpcnt.ones.xlane vm1;
	_ =	sdelay $0x1  }
0x447: {  	(v2sf) =	vpush v5, $0x0;
	_ =	sdelay $0x7  }
0x448: {  	s18 =	spop (v2sf)  }
0x449: {  	s8 =	sadd.s32 s8, s18  }
0x44a: {  	[tilespmem:s8+$0x6900] =	vst.msk vm1, v6  }
0x44b: {  	v5 =	vld [tilespmem:s3+$0x470];
	_ =	sdelay $0x3  }
0x44c: {  	s19 =	spop (v2sf)  }
0x44d: {  	s8 =	sadd.s32 s8, s19;
	vm1 =	vgt.f32 v5, v4  }
0x44e: {  	[tilespmem:s8+$0x6900] =	vst.msk vm1, v5;
	v5 =	vmpcnt.ones.xlane vm1  }
0x44f: {  	v6 =	vld [tilespmem:s3+$0x480]  }
0x450: {  	(v2sf) =	vpush v5, $0x0;
	_ =	sdelay $0x3  }
0x451: {  	vm1 =	vgt.f32 v6, v4  }
0x452: {  	v5 =	vmpcnt.ones.xlane vm1;
	_ =	sdelay $0x1  }
0x453: {  	(v2sf) =	vpush v5, $0x0;
	_ =	sdelay $0x7  }
0x454: {  	s18 =	spop (v2sf)  }
0x455: {  	s8 =	sadd.s32 s8, s18  }
0x456: {  	[tilespmem:s8+$0x6900] =	vst.msk vm1, v6  }
0x457: {  	v5 =	vld [tilespmem:s3+$0x490];
	_ =	sdelay $0x3  }
0x458: {  	s19 =	spop (v2sf)  }
0x459: {  	s8 =	sadd.s32 s8, s19;
	vm1 =	vgt.f32 v5, v4  }
0x45a: {  	[tilespmem:s8+$0x6900] =	vst.msk vm1, v5;
	v5 =	vmpcnt.ones.xlane vm1  }
0x45b: {  	v6 =	vld [tilespmem:s3+$0x4A0]  }
0x45c: {  	(v2sf) =	vpush v5, $0x0;
	_ =	sdelay $0x3  }
0x45d: {  	vm1 =	vgt.f32 v6, v4  }
0x45e: {  	v5 =	vmpcnt.ones.xlane vm1;
	_ =	sdelay $0x1  }
0x45f: {  	(v2sf) =	vpush v5, $0x0;
	_ =	sdelay $0x7  }
0x460: {  	s18 =	spop (v2sf)  }
0x461: {  	s8 =	sadd.s32 s8, s18  }
0x462: {  	[tilespmem:s8+$0x6900] =	vst.msk vm1, v6  }
0x463: {  	v5 =	vld [tilespmem:s3+$0x4B0];
	_ =	sdelay $0x3  }
0x464: {  	s19 =	spop (v2sf)  }
0x465: {  	s8 =	sadd.s32 s8, s19;
	vm1 =	vgt.f32 v5, v4  }
0x466: {  	[tilespmem:s8+$0x6900] =	vst.msk vm1, v5  }
0x467: {  	v5 =	vld [tilespmem:s3+$0x4C0];
	_ =	sdelay $0x4  }
0x468: {  	v6 =	vmpcnt.ones.xlane vm1;
	vm1 =	vgt.f32 v5, v4  }
0x469: {  	v7 =	vmpcnt.ones.xlane vm1  }
0x46a: {  	(v2sf) =	vpush v6, $0x0  }
0x46b: {  	(v2sf) =	vpush v7, $0x0;
	_ =	sdelay $0xd  }
0x46c: {  	s18 =	spop (v2sf)  }
0x46d: {  	s3 =	sadd.s32 s8, s18;
	s19 =	spop (v2sf)  }
0x46e: {  	[tilespmem:s3+$0x6900] =	vst.msk vm1, v5;
	s30 =	sadd.s32 s3, s19  }
.LBB2_29:
0x46f: {  	v5 =	vmpcnt.ones.xlane vm0;
	_ =	sdelay $0x1  }
0x470: {  	(v2sf) =	vpush v5, $0x0;
	_ =	sdelay $0xe  }
0x471: {  	s3 =	spop (v2sf)  }
0x472: {  	p2 =	slt.s32 s3, $0x1  }
.Ltmp24:
0x473: {  	_ = 	snop;
	(pc) =	sbr.rel @p2 .LBB2_31-.Ltmp24, $1  }
0x474: {  	_ =	sdelay $0x3  }
0x475: {  	s1 =	sadd.s32 s1, s24  }
0x476: {  	v5 =	vld [tilespmem:s1+$0x4D0];
	_ =	sdelay $0x4  }
0x477: {  	vm0 =	vgt.f32 v5, v4  }
0x478: {  	v6 =	vmpcnt.ones.xlane vm0;
	_ =	sdelay $0x1  }
0x479: {  	(v2sf) =	vpush v6, $0x0;
	_ =	sdelay $0x9  }
0x47a: {  	[tilespmem:s30+$0x6900] =	vst.msk vm0, v5  }
0x47b: {  	v5 =	vld [tilespmem:s1+$0x4E0];
	_ =	sdelay $0x3  }
0x47c: {  	s3 =	spop (v2sf)  }
0x47d: {  	vm6 =	vgt.f32 v5, v4;
	s3 =	sadd.s32 s30, s3  }
0x47e: {  	[tilespmem:s3+$0x6900] =	vst.msk vm6, v5;
	v5 =	vmpcnt.ones.xlane vm6  }
0x47f: {  	v6 =	vld [tilespmem:s1+$0x4F0]  }
0x480: {  	(v2sf) =	vpush v5, $0x0;
	_ =	sdelay $0x3  }
0x481: {  	vm7 =	vgt.f32 v6, v4  }
0x482: {  	v5 =	vmpcnt.ones.xlane vm7;
	_ =	sdelay $0x1  }
0x483: {  	(v2sf) =	vpush v5, $0x0;
	_ =	sdelay $0x7  }
0x484: {  	s8 =	spop (v2sf)  }
0x485: {  	s3 =	sadd.s32 s3, s8  }
0x486: {  	[tilespmem:s3+$0x6900] =	vst.msk vm7, v6  }
0x487: {  	v5 =	vld [tilespmem:s1+$0x500];
	_ =	sdelay $0x3  }
0x488: {  	s11 =	spop (v2sf)  }
0x489: {  	s3 =	sadd.s32 s3, s11;
	vm8 =	vgt.f32 v5, v4  }
0x48a: {  	[tilespmem:s3+$0x6900] =	vst.msk vm8, v5;
	v5 =	vmpcnt.ones.xlane vm8  }
0x48b: {  	v6 =	vld [tilespmem:s1+$0x510]  }
0x48c: {  	(v2sf) =	vpush v5, $0x0;
	_ =	sdelay $0x3  }
0x48d: {  	vm9 =	vgt.f32 v6, v4  }
0x48e: {  	v5 =	vmpcnt.ones.xlane vm9;
	_ =	sdelay $0x1  }
0x48f: {  	(v2sf) =	vpush v5, $0x0;
	_ =	sdelay $0x7  }
0x490: {  	s18 =	spop (v2sf)  }
0x491: {  	s3 =	sadd.s32 s3, s18  }
0x492: {  	[tilespmem:s3+$0x6900] =	vst.msk vm9, v6  }
0x493: {  	v5 =	vld [tilespmem:s1+$0x520];
	_ =	sdelay $0x3  }
0x494: {  	s19 =	spop (v2sf)  }
0x495: {  	s3 =	sadd.s32 s3, s19;
	vm10 =	vgt.f32 v5, v4  }
0x496: {  	[tilespmem:s3+$0x6900] =	vst.msk vm10, v5;
	v5 =	vmpcnt.ones.xlane vm10  }
0x497: {  	v6 =	vld [tilespmem:s1+$0x530]  }
0x498: {  	(v2sf) =	vpush v5, $0x0;
	_ =	sdelay $0x3  }
0x499: {  	vm11 =	vgt.f32 v6, v4  }
0x49a: {  	v5 =	vmpcnt.ones.xlane vm11;
	_ =	sdelay $0x1  }
0x49b: {  	(v2sf) =	vpush v5, $0x0;
	_ =	sdelay $0x7  }
0x49c: {  	s11 =	spop (v2sf)  }
0x49d: {  	s3 =	sadd.s32 s3, s11  }
0x49e: {  	[tilespmem:s3+$0x6900] =	vst.msk vm11, v6  }
0x49f: {  	v5 =	vld [tilespmem:s1+$0x540];
	_ =	sdelay $0x3  }
0x4a0: {  	s18 =	spop (v2sf)  }
0x4a1: {  	s3 =	sadd.s32 s3, s18;
	vm12 =	vgt.f32 v5, v4  }
0x4a2: {  	[tilespmem:s3+$0x6900] =	vst.msk vm12, v5;
	v5 =	vmpcnt.ones.xlane vm12  }
0x4a3: {  	v6 =	vld [tilespmem:s1+$0x550]  }
0x4a4: {  	(v2sf) =	vpush v5, $0x0;
	_ =	sdelay $0x3  }
0x4a5: {  	vm13 =	vgt.f32 v6, v4  }
0x4a6: {  	v5 =	vmpcnt.ones.xlane vm13;
	_ =	sdelay $0x1  }
0x4a7: {  	(v2sf) =	vpush v5, $0x0;
	_ =	sdelay $0x7  }
0x4a8: {  	s19 =	spop (v2sf)  }
0x4a9: {  	s3 =	sadd.s32 s3, s19  }
0x4aa: {  	[tilespmem:s3+$0x6900] =	vst.msk vm13, v6  }
0x4ab: {  	v5 =	vld [tilespmem:s1+$0x560];
	_ =	sdelay $0x3  }
0x4ac: {  	s11 =	spop (v2sf)  }
0x4ad: {  	s3 =	sadd.s32 s3, s11;
	vm14 =	vgt.f32 v5, v4  }
0x4ae: {  	[tilespmem:s3+$0x6900] =	vst.msk vm14, v5  }
0x4af: {  	v5 =	vld [tilespmem:s1+$0x570];
	_ =	sdelay $0x4  }
0x4b0: {  	v6 =	vmpcnt.ones.xlane vm14;
	vm15 =	vgt.f32 v5, v4  }
0x4b1: {  	v7 =	vmpcnt.ones.xlane vm15  }
0x4b2: {  	(v2sf) =	vpush v6, $0x0  }
0x4b3: {  	(v2sf) =	vpush v7, $0x0;
	_ =	sdelay $0xb  }
.Ltmp25:
0x4b4: {  	_ = 	snop;
	(pc) =	sbr.rel .LBB2_31-.Ltmp25, $4  }
0x4b5: {  	_ = 	snop  }
0x4b6: {  	s18 =	spop (v2sf)  }
0x4b7: {  	s1 =	sadd.s32 s3, s18;
	s19 =	spop (v2sf)  }
0x4b8: {  	[tilespmem:s1+$0x6900] =	vst.msk vm15, v5;
	s30 =	sadd.s32 s1, s19  }
.LBB2_34:
0x4b9: {  	s11 =	sadd.s32 $0x2, s22  }
0x4ba: {  	s3 =	sand.u32 $0x7, s11  }
0x4bb: {  	p3 =	seq.s32 @!p2 s3, $0x7  }
0x4bc: {  	p3 =	por p2, p3  }
.Ltmp26:
0x4bd: {  	_ = 	snop;
	(pc) =	sbr.rel @p3 .LBB2_36-.Ltmp26, $1  }
0x4be: {  	_ =	sdelay $0x3  }
0x4bf: {  	s8 =	sshrl.u32 s11, $0x3  }
0x4c0: {  	s8 =	sadd.s32 s5, s8  }
0x4c1: {  	s29 =	sshrl.u32 s8, $0x3  }
0x4c2: {  	s8 =	sshll.u32 s8, $0x7;
	s11 =	smul.u32 $0xC3800, s29  }
0x4c3: {  	s8 =	sand.u32 $0x380, s8  }
.Ltmp27:
0x4c4: {  	s8 =	sor.u32 s8, s11;
	(pc) =	sbr.rel .LBB2_37-.Ltmp27, $4  }
0x4c5: {  	s3 =	smul.u32 $0x3180, s3;
	s8 =	sshrl.u32 s8, $0x3  }
0x4c6: {  	s8 =	sadd.s32 s4, s8  }
0x4c7: {  	s3 =	sadd.s32 s3, s8  }
0x4c8: {  	[tilespmem:s16], [sflag:$0x2] =	stream.strided.gather [hbm4b:s3+s13], $0x3180, s14, s13, $0x38;
	[tilespmem:$0x8A00] =	vst v63  }
.LBB2_36:
0x4c9: {  	p3 =	sne.s32 @!p2 s3, $0x7  }
0x4ca: {  	p2 =	por p3, p2  }
0x4cb: {  	s3 =	sshrl.u32 @!p2 s11, $0x3  }
0x4cc: {  	s3 =	sadd.s32 @!p2 s5, s3  }
0x4cd: {  	s8 =	sshrl.u32 @!p2 s3, $0x3  }
0x4ce: {  	s3 =	sshll.u32 @!p2 s3, $0x7;
	s8 =	smul.u32 @!p2 $0xC3800, s8  }
0x4cf: {  	s3 =	sand.u32 @!p2 $0x380, s3  }
0x4d0: {  	s3 =	sor.u32 @!p2 s3, s8  }
0x4d1: {  	s3 =	sshrl.u32 @!p2 s3, $0x3  }
0x4d2: {  	s11 =	simm.s32 @!p2 $0x400;
	s3 =	sadd.s32 @!p2 s4, s3  }
0x4d3: {  	s18 =	simm.s32 @!p2 $0x3180;
	s8 =	simm.s32 @!p2 $0x80;
	s3 =	sadd.s32 @!p2 $0x15A80, s3  }
0x4d4: {  	[tilespmem:s18], [sflag:$0x2] =	stream.strided.gather @!p2 [hbm4b:s3+s8], $0x2C80, s11, s8, $0x38;
	[tilespmem:$0x8A00] =	vst v63  }
.LBB2_37:
0x4d5: {  	p3 =	sne.s32 s25, $0x7  }
.Ltmp28:
0x4d6: {  	_ = 	snop;
	(pc) =	sbr.rel @p3 .LBB2_47-.Ltmp28, $4  }
0x4d7: {  	s3 =	simm.s32 $0x2C20  }
0x4d8: {  	s3 =	simm.s32 @!p1 $0x3180  }
0x4d9: {  	p2 =	slt.u32 s0, s3  }
0x4da: {  	s21 =	smov.u32 @p2 s1  }
0x4db: {  	s0 =	sadd.s32 $0xF, s30  }
0x4dc: {  	s1 =	sand.u32 $0xF, s0  }
0x4dd: {  	s29 =	sshra.s32 s0, $0x1F;
	p3 =	slt.s32 s0, $0x1;
	p2 =	sne.s32 s1, $0x0  }
0x4de: {  	s1 =	sshrl.u32 s29, $0x1C;
	p2 =	por !p3, !p2  }
0x4df: {  	s0 =	sadd.s32 s1, s0;
	s1 =	simm.s32 $0x1;
	p2 =	por !p2, !p2  }
0x4e0: {  	s0 =	sshra.s32 s0, $0x4;
	s1 =	simm.s32 @!p2 $0x0  }
0x4e1: {  	s1 =	ssub.s32 s0, s1  }
0x4e2: {  	p2 =	slt.s32 s1, $0x1  }
.Ltmp29:
0x4e3: {  	_ = 	snop;
	(pc) =	sbr.rel @p2 .LBB2_46-.Ltmp29, $2  }
0x4e4: {  	_ =	sdelay $0x2  }
0x4e5: {  	v5 =	vimm.f32 $-Inf;
	s0 =	simm.s32 $0x6900  }
0x4e6: {  	p4 =	sne.s32 s1, $0x1  }
.Ltmp30:
0x4e7: {  	_ = 	snop;
	(pc) =	sbr.rel @!p4 .LBB2_40-.Ltmp30, $2  }
0x4e8: {  	_ =	sdelay $0x2  }
0x4e9: {  	v6 =	vld [tilespmem:s0+$0x0];
	s3 =	sadd.s32 $0xFFFFFFFF, s1;
	p2 =	por $0x0, $0x0;
	p3 =	por $0x0, $0x0  }
0x4ea: {  	_ =	sdelay $0x1  }
0x4eb: {  	v7 =	vmov s30  }
0x4ec: {  	vm0 =	vgt.s32 v7, v0  }
0x4ed: {  	v6 =	vnsel vm0, $0xFF800000, v6  }
0x4ee: {  	(xrf1) =	vsort.ascd.msk.f32 $0xffff, v6, v6;
	_ =	sdelay $0x3  }
0x4ef: {  	p4 =	sne.s32 s3, $0x1  }
.Ltmp31:
0x4f0: {  	_ = 	snop;
	(pc) =	sbr.rel @!p4 .LBB2_42-.Ltmp31, $3  }
0x4f1: {  	_ =	sdelay $0x1  }
0x4f2: {  	s1 =	sadd.s32 $0x10, s0  }
0x4f3: {  	s3 =	sadd.s32 $0xFFFFFFFF, s3;
	p2 =	por $0x1, $0x1;
	v6 =	vld [tilespmem:s1+$0x0]  }
0x4f4: {  	_ =	sdelay $0x1  }
0x4f5: {  	v7 =	vmul.u32 $0xFFFFFFFF, v0;
	s0 =	sadd.s32 $0xFFFFFFF0, s30  }
0x4f6: {  	v8 =	vmov s0  }
0x4f7: {  	v7 =	vadd.s32 $0xF, v7;
	vm0 =	vgt.s32 v8, v0;
	v9, _, _ =	vpop (xrf1)  }
0x4f8: {  	v6 =	vnsel vm0, $0xFF800000, v6;
	v8 =	vperm.xlane v9, v7  }
0x4f9: {  	(xrf1) =	vsort.ascd.msk.f32 $0xffff, v6, v6  }
0x4fa: {  	v6 =	vmax.f32 v5, v8  }
0x4fb: {  	(xrf1) =	vsort.ascd.msk.f32 $0xffff, v6, v6;
	_ =	sdelay $0x2  }
0x4fc: {  	p4 =	sne.s32 s3, $0x1  }
.Ltmp32:
0x4fd: {  	_ = 	snop;
	(pc) =	sbr.rel @!p4 .LBB2_45-.Ltmp32, $3  }
0x4fe: {  	_ =	sdelay $0x1  }
0x4ff: {  	s1 =	sadd.s32 $0x10, s1  }
0x500: {  	s3 =	sadd.s32 $0xFFFFFFFF, s3;
	p3 =	por $0x1, $0x1;
	v6 =	vld [tilespmem:s1+$0x0]  }
.LBB2_44:
0x501: {  	p4 =	sne.s32 s3, $0x1  }
0x502: {  	s0 =	sadd.s32 $0xFFFFFFF0, s0  }
0x503: {  	v9 =	vmov s0  }
0x504: {  	vm0 =	vgt.s32 v9, v0;
	v8, _, _ =	vpop (xrf1)  }
0x505: {  	v9 =	vnsel vm0, $0xFF800000, v6;
	v8 =	vperm.xlane v8, v7  }
0x506: {  	(xrf1) =	vsort.ascd.msk.f32 $0xffff, v9, v9;
	v6, _, _ =	vpop (xrf1)  }
0x507: {  	v6 =	vmax.f32 v6, v8  }
0x508: {  	(xrf1) =	vsort.ascd.msk.f32 $0xffff, v6, v6;
	_ =	sdelay $0x3  }
.Ltmp33:
0x509: {  	(pc) =	sbr.rel @p4 .LBB2_44-.Ltmp33, $3  }
0x50a: {  	_ =	sdelay $0x1  }
0x50b: {  	s1 =	sadd.s32 $0x10, s1  }
0x50c: {  	s3 =	sadd.s32 $0xFFFFFFFF, s3;
	v6 =	vld [tilespmem:s1+$0x0]  }
.Ltmp34:
0x50d: {  	_ = 	snop;
	(pc) =	sbr.rel .LBB2_45-.Ltmp34, $1  }
0x50e: {  	_ =	sdelay $0x3  }
.LBB2_3:
.Ltmp35:
0x50f: {  	(pc) =	sbr.rel .LBB2_7-.Ltmp35, $2  }
0x510: {  	_ =	sdelay $0x2  }
0x511: {  	s11 =	simm.s32 $0x6300;
	s18 =	simm.s32 $0x6440;
	v4 =	vmov v3;
	p2 =	por $0x0, $0x0  }
.LBB2_5:
.Ltmp36:
0x512: {  	(pc) =	sbr.rel .LBB2_7-.Ltmp36, $2  }
0x513: {  	_ =	sdelay $0x2  }
0x514: {  	s11 =	simm.s32 $0x6300;
	s18 =	simm.s32 $0x6440;
	v4 =	vmov v3  }
.LBB2_42:
.Ltmp37:
0x515: {  	(pc) =	sbr.rel .LBB2_45-.Ltmp37, $2  }
0x516: {  	_ =	sdelay $0x2  }
0x517: {  	s0 =	smov.u32 s30  }
.LBB2_49:
0x518: {  	_ =	sfence.sel $0x180000  }
0x519: {  	[bflag:$0x0] =	sbarrier.arrive $0xFFFF  }
0x51a: {  	_ =	strace $0x90000047  }
0x51b: {  	s0 =	stileid.u32;
	[bflag:$0x2] =	sbarrier.arrive $0xFFFF  }
0x51c: {  	p0 =	sne.s32 s0, $0x0;
	s0 =	rddreg [dreg:$0x2]  }
0x51d: {  	s0 =	sadd.s32 @!p0 $0x100000, s0  }
0x51e: {  	[sflag:s0] =	ssyncadd.tile.s32 @!p0 $0x1;
	_ =	shalt  }
.Lfunc_end2:
_tile_overlayer_lowered:
.L_overlay_start_2:
0x51f: {  	(tag) =	ssettag $0x2  }
0x520: {  	s0 =	rddreg [dreg:$0x0];
	s2 =	stileid.u32  }
0x521: {  	s1 =	rddreg [dreg:$0x1];
	p0 =	sne.s32 s2, $0x0  }
0x522: {  	s3 =	rddreg [dreg:$0x2];
	[bflag:$0x3] =	sbarrier.arrive $0xFFFF;
	s2 =	simm.s32 @!p0 $0x1C03  }
0x523: {  	[timem:s3], [sflag:s2] =	dma.local @!p0 [hbm:s0], s1  }
0x524: {  	s0 =	simm.s32 @!p0 $0x3  }
0x525: {  	_ =	swait.ge @!p0 [sflag:s0], s1  }
0x526: {  	s1 =	ssub.s32 @!p0 $0x0, s1;
	[sflag:s0] =	ssyncset.done @!p0 $0x0  }
0x527: {  	[sflag:s0] =	ssyncadd.s32 @!p0 s1  }
0x528: {  	[bflag:$0x3] =	sbarrier.arrive $0xFFFF  }
0x529: {  	_ =	shalt  }

// kernel: kernel.7.cloned.1.call-start
scs
__scs_entry_jumppad:
0x0: {  	(pc) =	sbr.rel $0x88, $3  }
0x1: {  	(tag) =	ssettag $0x0;
	lr =	simm.s32 $0x1  }
0x2: {  	[smem:$0x3F9F] =	sst lr;
	_ =	strace $0xD0000000  }
0x3: {  	_ = 	snop  }
0x4: {  	_ = 	snop  }
0x5: {  	_ = 	snop  }
0x6: {  	_ = 	snop  }
0x7: {  	_ = 	snop  }
__scs_overlays_trampoline_lowered:
0x8: {  	[smem:$0x3FAE] =	sst s0  }
0x9: {  	[smem:$0x3FAF] =	sst s1  }
0xa: {  	[smem:$0x3FB0] =	sst s2  }
0xb: {  	[smem:$0x3FB1] =	sst s3  }
0xc: {  	[smem:$0x3FB2] =	sst s4  }
0xd: {  	[smem:$0x3FB3] =	sst s5  }
0xe: {  	[smem:$0x3FB4] =	sst s6  }
0xf: {  	[smem:$0x3FB5] =	sst s7  }
0x10: {  	[smem:$0x3FB6] =	sst s8  }
0x11: {  	[smem:$0x3FB7] =	sst s9;
	s0 =	simm.s32 @!p0 $0x0  }
0x12: {  	s1 =	sld [smem:$0x3F9D];
	s0 =	simm.s32 @p0 $0x1  }
0x13: {  	[smem:$0x3FB8] =	sst s0;
	s0 =	simm.s32 @!p1 $0x0  }
0x14: {  	s2 =	sld [smem:$0x3F9C];
	s0 =	simm.s32 @p1 $0x1  }
0x15: {  	[smem:$0x3FB9] =	sst s0;
	s0 =	simm.s32 @!p2 $0x0  }
0x16: {  	s3 =	sld [smem:$0x3FDB];
	s0 =	simm.s32 @p2 $0x1  }
0x17: {  	s4 =	simm.s32 $0x1BF5;
	[smem:$0x3FBB] =	sst s0  }
0x18: {  	s0 =	sld [smem:$0x3F9E];
	_ =	swait.ge [sflag:s4], $0x0  }
0x19: {  	s7 =	sld [smem:$0x3F9F]  }
0x1a: {  	s8 =	sadd.s32 $0xFFFFE003, lr  }
0x1b: {  	s9 =	sadd.s32 $0xFFFFFEF7, lr;
	s5 =	simm.s32 $0xFFFFFFFF;
	p2 =	slt.u32 s8, $0xFFFFF086  }
0x1c: {  	p1 =	slt.u32 s9, $0xF7A;
	s5 =	simm.s32 @!p2 $0x0  }
0x1d: {  	s5 =	simm.s32 @p1 $0x1;
	p0 =	seq.s32 s7, s2  }
0x1e: {  	s7 =	smul.u32 @!p0 $0xF7A, s2;
	p2 =	seq.s32 @!p0 s5, $0x0  }
0x1f: {  	s9 =	smul.u32 $0xF7A, s1;
	s8 =	simm.s32 @!p0 $0x1BF5;
	p2 =	por !p2, p0  }
0x20: {  	[sflag:s8] =	ssyncset.s32 @!p0 $0xFFFFF086;
	s6 =	sadd.s32 @!p0 s3, s7;
	s7 =	simm.s32 @!p0 $0x108  }
0x21: {  	s3 =	sadd.s32 s3, s9;
	s6 =	sadd.s32 @!p0 $0x88, s6;
	s7 =	simm.s32 @p2 $0x1082  }
0x22: {  	[simem:s7], [sflag:s8] =	dma.local @!p0 [hbm:s6], $0xF7A  }
0x23: {  	s9 =	sor.u32 $0xD0000000, s2;
	s6 =	simm.s32 $0x108;
	_ =	swait.ge @!p0 [sflag:s8], $0x0  }
0x24: {  	s3 =	sadd.s32 $0x88, s3;
	s6 =	simm.s32 @!p1 $0x1082;
	[sflag:s4] =	ssyncset.s32 $0xFFFFF086  }
0x25: {  	[simem:s6], [sflag:s4] =	dma.local [hbm:s3], $0xF7A  }
0x26: {  	[smem:$0x3F9F] =	sst s1;
	(tag) =	ssettag s2;
	_ =	strace s9  }
0x27: {  	s1 =	sld [smem:$0x3FAF]  }
0x28: {  	s2 =	sld [smem:$0x3FB0]  }
0x29: {  	s4 =	sld [smem:$0x3FB2]  }
0x2a: {  	p0 =	seq.s32 s5, $0x0;
	s5 =	sld [smem:$0x3FB3]  }
0x2b: {  	s6 =	sld [smem:$0x3FB4]  }
0x2c: {  	s7 =	sld [smem:$0x3FB5]  }
0x2d: {  	s3 =	simm.s32 $0x108;
	s8 =	sld [smem:$0x3FB6]  }
0x2e: {  	s3 =	simm.s32 @!p0 $0x1082;
	s9 =	sld [smem:$0x3FB7]  }
0x2f: {  	lr =	sadd.s32 s0, s3;
	s0 =	sld [smem:$0x3FAE]  }
0x30: {  	s3 =	sld [smem:$0x3FB1]  }
0x31: {  	[smem:$0x3FBA] =	sst s10  }
0x32: {  	s10 =	sld [smem:$0x3FB8];
	_ =	sdelay $0x3  }
0x33: {  	p0 =	seq.s32 s10, $0x1;
	s10 =	sld [smem:$0x3FBA];
	_ =	sdelay $0x3  }
0x34: {  	[smem:$0x3FBA] =	sst s10  }
0x35: {  	s10 =	sld [smem:$0x3FB9];
	_ =	sdelay $0x3  }
0x36: {  	p1 =	seq.s32 s10, $0x1;
	s10 =	sld [smem:$0x3FBA];
	_ =	sdelay $0x3  }
0x37: {  	[smem:$0x3FBA] =	sst s10  }
0x38: {  	s10 =	sld [smem:$0x3FBB]  }
0x39: {  	_ = 	snop;
	(pc) =	sbr.ind lr, $3  }
0x3a: {  	_ = 	snop  }
0x3b: {  	_ = 	snop  }
0x3c: {  	p2 =	seq.s32 s10, $0x1;
	s10 =	sld [smem:$0x3FBA]  }
0x3d: {  	_ =	shalt  }
0x3e: {  	_ =	shalt  }
0x3f: {  	_ =	shalt  }
0x40: {  	_ =	shalt  }
0x41: {  	_ =	shalt  }
0x42: {  	_ =	shalt  }
0x43: {  	_ =	shalt  }
0x44: {  	_ =	shalt  }
0x45: {  	_ =	shalt  }
0x46: {  	_ =	shalt  }
0x47: {  	_ =	shalt  }
0x48: {  	_ =	shalt  }
0x49: {  	_ =	shalt  }
0x4a: {  	_ =	shalt  }
0x4b: {  	_ =	shalt  }
0x4c: {  	_ =	shalt  }
0x4d: {  	_ =	shalt  }
0x4e: {  	_ =	shalt  }
0x4f: {  	_ =	shalt  }
0x50: {  	_ =	shalt  }
0x51: {  	_ =	shalt  }
0x52: {  	_ =	shalt  }
0x53: {  	_ =	shalt  }
0x54: {  	_ =	shalt  }
0x55: {  	_ =	shalt  }
0x56: {  	_ =	shalt  }
0x57: {  	_ =	shalt  }
0x58: {  	_ =	shalt  }
0x59: {  	_ =	shalt  }
0x5a: {  	_ =	shalt  }
0x5b: {  	_ =	shalt  }
0x5c: {  	_ =	shalt  }
0x5d: {  	_ =	shalt  }
0x5e: {  	_ =	shalt  }
0x5f: {  	_ =	shalt  }
0x60: {  	_ =	shalt  }
0x61: {  	_ =	shalt  }
0x62: {  	_ =	shalt  }
0x63: {  	_ =	shalt  }
0x64: {  	_ =	shalt  }
0x65: {  	_ =	shalt  }
0x66: {  	_ =	shalt  }
0x67: {  	_ =	shalt  }
0x68: {  	_ =	shalt  }
0x69: {  	_ =	shalt  }
0x6a: {  	_ =	shalt  }
0x6b: {  	_ =	shalt  }
0x6c: {  	_ =	shalt  }
0x6d: {  	_ =	shalt  }
0x6e: {  	_ =	shalt  }
0x6f: {  	_ =	shalt  }
0x70: {  	_ =	shalt  }
0x71: {  	_ =	shalt  }
0x72: {  	_ =	shalt  }
0x73: {  	_ =	shalt  }
0x74: {  	_ =	shalt  }
0x75: {  	_ =	shalt  }
0x76: {  	_ =	shalt  }
0x77: {  	_ =	shalt  }
0x78: {  	_ =	shalt  }
0x79: {  	_ =	shalt  }
0x7a: {  	_ =	shalt  }
0x7b: {  	_ =	shalt  }
0x7c: {  	_ =	shalt  }
0x7d: {  	_ =	shalt  }
0x7e: {  	_ =	shalt  }
0x7f: {  	_ =	shalt  }
0x80: {  	_ =	shalt  }
0x81: {  	_ =	shalt  }
0x82: {  	_ =	shalt  }
0x83: {  	_ =	shalt  }
0x84: {  	_ =	shalt  }
0x85: {  	_ =	shalt  }
0x86: {  	_ =	shalt  }
0x87: {  	_ =	shalt  }
.Lfunc_end0:
.L_simem_size_0:
called_computation.1_lowered:
.L_overlay_start_0:
0x88: {  	s2 =	sld [smem:$0x3FD9]  }
0x89: {  	s3 =	sld [smem:$0x3FFE];
	_ =	sdelay $0x1  }
0x8a: {  	s1 =	srdreg.scid  }
0x8b: {  	s0 =	sand.u32 $0x1, s1  }
0x8c: {  	s17 =	sshll.u32 s0, $0xA;
	s2 =	sadd.s32 s3, s2  }
0x8d: {  	s2 =	sadd.s32 s2, s17  }
0x8e: {  	[smem:$0x3FC6] =	sst s2  }
0x8f: {  	_ = 	snop  }
0x90: {  	s2 =	sld [smem:$0x3FD0];
	(tm) =	ssettm $0x1  }
0x91: {  	s18 =	sld [smem:$0x3FFB];
	_ =	sdelay $0x3  }
0x92: {  	_ =	strace s18  }
0x93: {  	s3 =	sld [smem:$0x3FFC];
	_ =	sdelay $0x3  }
0x94: {  	_ =	strace s3  }
0x95: {  	s3 =	sld [smem:$0x3FFD];
	_ =	sdelay $0x3  }
0x96: {  	_ =	strace s3  }
0x97: {  	_ =	strace $0x8FFFFFFF  }
0x98: {  	s19 =	sld [smem:$0x3FDB];
	_ =	sdelay $0x1  }
0x99: {  	s4 =	simm.s32 $_scs_section_size  }
0x9a: {  	s5 =	simm.s32 $_size__tile_overlayer_lowered;
	s6 =	simm.s32 $_tile_overlayer_lowered  }
0x9b: {  	s22 =	simm.s32 $0x1BFF;
	s21 =	sshll.u32 s6, $0x1;
	s3 =	sadd.s32 s4, s19  }
0x9c: {  	s7 =	simm.s32 $0x0;
	s20 =	sshll.u32 s5, $0x1;
	s5 =	sadd.s32 s21, s3  }
0x9d: {  	[timem:s7], [sflag:s22] =	dma.local [hbm:s5], s20  }
0x9e: {  	_ =	swait.ge [sflag:s22], s20  }
0x9f: {  	s4 =	ssub.s32 $0x0, s20;
	[sflag:s22] =	ssyncset.done $0x0  }
0xa0: {  	[sflag:s22] =	ssyncadd.s32 s4;
	_ =	sdelay $0x1  }
0xa1: {  	s23 =	simm.s32 $0x1B8B  }
0xa2: {  	_ =	swait.ge [sflag:s23], $0x1  }
0xa3: {  	[sflag:s23] =	ssyncset.done $0x0  }
0xa4: {  	s25 =	simm.s32 $0x1B8E;
	s24 =	sld [smem:$0x3FFE];
	[sflag:s23] =	ssyncadd.s32 $0xFFFFFFFF  }
0xa5: {  	s26 =	simm.s32 $execute0_lowered;
	[smem:$0x3FD2] =	sst s25  }
0xa6: {  	s5 =	sshll.u32 s26, $0x1;
	_ =	strace $0x80000049;
	[dreg:$0x1] =	wrdreg $0xFFFFFFFF  }
0xa7: {  	s28 =	simm.s32 $_size_execute0_lowered;
	s3 =	sadd.s32 s3, s5;
	[dreg:$0x0] =	wrdreg $0x0  }
0xa8: {  	s5 =	sshll.u32 s28, $0x1;
	[dreg:$0x2] =	wrdreg s3  }
0xa9: {  	[dreg:$0x3] =	wrdreg s5  }
0xaa: {  	[dreg:$0x4] =	wrdreg $0xC0  }
0xab: {  	_ =	task [dreg:s7], $0x5FFFF  }
0xac: {  	[dreg:$0x1] =	wrdreg $0xFFFFFFFF  }
0xad: {  	[dreg:$0x0] =	wrdreg $0x60  }
0xae: {  	[dreg:$0x2] =	wrdreg s24  }
0xaf: {  	[dreg:$0x3] =	wrdreg s2  }
0xb0: {  	[dreg:$0x4] =	wrdreg $0x9  }
0xb1: {  	_ =	task.clear_ibuf [dreg:s7], $0x5FFFF;
	_ =	strace $0x90000049  }
0xb2: {  	s29 =	simm.s32 $0x9;
	_ =	strace $0x8000004B  }
0xb3: {  	_ =	swait.ge [sflag:s29], $0x1  }
0xb4: {  	[sflag:s29] =	ssyncadd.s32 $0xFFFFFFFF  }
0xb5: {  	_ =	strace $0x9000004B  }
0xb6: {  	_ =	sfence  }
0xb7: {  	s30 =	sld [smem:$0x0];
	_ =	sdelay $0x2  }
0xb8: {  	s31 =	sshll.u32 s1, $0xD;
	s1 =	sshrl.u32 s1, $0x2  }
0xb9: {  	s3 =	sand.u32 $0x4000, s31;
	s1 =	sadd.s32 s1, s30  }
0xba: {  	s0 =	sor.u32 s3, s0;
	s1 =	sshll.u32 s1, $0x11  }
0xbb: {  	s0 =	sor.u32 s1, s0  }
0xbc: {  	s0 =	sadd.s32 $0x8F2B, s0  }
0xbd: {  	[sflag:s0] =	ssyncadd.remote.s32 $0x1  }
0xbe: {  	_ =	sfence.sel $0xFFFF  }
0xbf: {  	[dreg:$0x0] =	wrdreg $0xFFFFFFFF;
	(pc) =	sbr.abs _section_cstart, $3  }
0xc0: {  	[dreg:$0x1] =	wrdreg $0xFFFFFFFF  }
0xc1: {  	_ =	task.clear_ibuf [dreg:s7], $0x2FFFF;
	_ =	strace $0x9FFFFFFF  }
0xc2: {  	(tm) =	ssettm $0x7FFFFFFF  }
0xc3: {  	_ =	shalt  }
tec
execute0_lowered:
.L_overlay_start_1:
0x0: {  	(tag) =	ssettag $0x1  }
0x1: {  	s0 =	srdreg.scid  }
0x2: {  	s3 =	sand.u32 $0x1, s0;
	s0 =	stileid.u32  }
0x3: {  	s5 =	sshll.u32 s0, $0x1;
	s6 =	ssub.s32 $0x0, s3  }
0x4: {  	p0 =	sne.s32 s5, s6  }
.Ltmp0:
0x5: {  	_ = 	snop;
	(pc) =	sbr.rel @p0 .LBB2_5-.Ltmp0, $4  }
0x6: {  	_ = 	snop  }
0x7: {  	s4 =	rddreg [dreg:$0x0]  }
0x8: {  	s2 =	rddreg [dreg:$0x1]  }
0x9: {  	s1 =	rddreg [dreg:$0x2];
	_ =	strace $0x8000004A  }
0xa: {  	s5 =	ssub.s32 $0x2, s3;
	s3 =	sadd.s32 $0x187C00, s4  }
0xb: {  	s4 =	sadd.s32 $0x187E00, s4;
	s7 =	simm.s32 $0x1;
	s6 =	sshrl.u32 s5, $0x1  }
0xc: {  	s8 =	simm.s32 $0x1000;
	s9 =	simm.s32 $0x2000;
	s5 =	ssub.s32 s5, s6  }
0xd: {  	v0 =	vlaneseq.u32;
	s10 =	simm.s32 $0x0;
	s6 =	simm.s32 $0x0;
	s5 =	smax.u32 s5, $0x1  }
.LBB2_2:
0xe: {  	[tilespmem:s6], [sflag:$0x1] =	stream.linear.gather [hbm4b:s3+s6], $0x1000, $0x38;
	[tilespmem:$0x2080] =	vst v63  }
0xf: {  	_ =	swait.ge [sflag:s7], $0x1000  }
0x10: {  	[sflag:s7] =	ssyncset.done $0x0  }
0x11: {  	[sflag:s7] =	ssyncadd.s32 $0xFFFFF000  }
0x12: {  	[tilespmem:s8], [sflag:$0x1] =	stream.linear.gather [hbm4b:s4+s6], $0x1000, $0x38;
	[tilespmem:$0x2080] =	vst v63  }
0x13: {  	_ =	swait.ge [sflag:s7], $0x1000  }
0x14: {  	s11 =	sand.u32 $0x3E00, s6;
	[sflag:s7] =	ssyncset.done $0x0  }
0x15: {  	s11 =	sshrl.u32 s11, $0x2;
	[sflag:s7] =	ssyncadd.s32 $0xFFFFF000  }
0x16: {  	v1 =	vld [tilespmem:s11+$0x1000];
	_ =	sdelay $0x1  }
0x17: {  	s31 =	sand.u32 $0x3, s6  }
0x18: {  	v2 =	vmov s31  }
0x19: {  	vm0 =	veq.s32 v2, v0  }
0x1a: {  	v1 =	vnsel vm0, $0xFF800000, v1  }
0x1b: {  	(xrf0) =	vmax.scan.msk.f32 $0xffff, v1;
	_ =	sdelay $0x1  }
0x1c: {  	v1 =	vld [tilespmem:$0x0];
	_ =	sdelay $0x1  }
0x1d: {  	v2 =	vld [tilespmem:$0x80]  }
0x1e: {  	v4 =	vld [tilespmem:$0x100]  }
0x1f: {  	v5, _, _ =	vpop (xrf0)  }
0x20: {  	v3 =	vadd.f32 $1.000000000e+00, v1;
	v6 =	vbroadcast v5, $0xF  }
0x21: {  	v5 =	vld [tilespmem:$0x180]  }
0x22: {  	v2 =	vadd.f32 $1.000000000e+00, v2;
	v7 =	vsub.f32 v3, v6  }
0x23: {  	v8 =	vld [tilespmem:$0x200];
	v1 =	vadd.f32 $1.000000000e+00, v4  }
0x24: {  	v4 =	vimm.f32 $0.0e+00;
	v9 =	vsub.f32 v2, v6;
	v7 =	vmax.f32 v7, $0.0e+00  }
0x25: {  	v10 =	vld [tilespmem:$0x280];
	v7 =	vadd.f32 v7, v4  }
0x26: {  	v4 =	vadd.f32 $1.000000000e+00, v5;
	v5 =	vmax.f32 v9, $0.0e+00;
	v9 =	vsub.f32 v1, v6  }
0x27: {  	v11 =	vld [tilespmem:$0x300];
	v7 =	vadd.f32 v7, v5  }
0x28: {  	v5 =	vadd.f32 $1.000000000e+00, v8;
	v8 =	vmax.f32 v9, $0.0e+00;
	v9 =	vsub.f32 v4, v6  }
0x29: {  	v12 =	vld [tilespmem:$0x380];
	v8 =	vadd.f32 v7, v8  }
0x2a: {  	v7 =	vadd.f32 $1.000000000e+00, v10;
	v9 =	vmax.f32 v9, $0.0e+00;
	v10 =	vsub.f32 v5, v6  }
0x2b: {  	v13 =	vld [tilespmem:$0x400];
	v9 =	vadd.f32 v8, v9  }
0x2c: {  	v8 =	vadd.f32 $1.000000000e+00, v11;
	v10 =	vmax.f32 v10, $0.0e+00;
	v11 =	vsub.f32 v7, v6  }
0x2d: {  	v14 =	vld [tilespmem:$0x480];
	v10 =	vadd.f32 v9, v10  }
0x2e: {  	v9 =	vadd.f32 $1.000000000e+00, v12;
	v11 =	vmax.f32 v11, $0.0e+00;
	v12 =	vsub.f32 v8, v6  }
0x2f: {  	v15 =	vld [tilespmem:$0x500];
	v11 =	vadd.f32 v10, v11  }
0x30: {  	v10 =	vadd.f32 $1.000000000e+00, v13;
	v12 =	vmax.f32 v12, $0.0e+00;
	v13 =	vsub.f32 v9, v6  }
0x31: {  	v16 =	vld [tilespmem:$0x580];
	v12 =	vadd.f32 v11, v12  }
0x32: {  	v11 =	vadd.f32 $1.000000000e+00, v14;
	v13 =	vmax.f32 v13, $0.0e+00;
	v14 =	vsub.f32 v10, v6  }
0x33: {  	v17 =	vld [tilespmem:$0x600];
	v13 =	vadd.f32 v12, v13  }
0x34: {  	v12 =	vadd.f32 $1.000000000e+00, v15;
	v14 =	vmax.f32 v14, $0.0e+00;
	v15 =	vsub.f32 v11, v6  }
0x35: {  	v18 =	vld [tilespmem:$0x680];
	v14 =	vadd.f32 v13, v14  }
0x36: {  	v13 =	vadd.f32 $1.000000000e+00, v16;
	v15 =	vmax.f32 v15, $0.0e+00;
	v16 =	vsub.f32 v12, v6  }
0x37: {  	v19 =	vld [tilespmem:$0x700];
	v15 =	vadd.f32 v14, v15  }
0x38: {  	v14 =	vadd.f32 $1.000000000e+00, v17;
	v16 =	vmax.f32 v16, $0.0e+00;
	v17 =	vsub.f32 v13, v6  }
0x39: {  	v20 =	vld [tilespmem:$0x780];
	v16 =	vadd.f32 v15, v16  }
0x3a: {  	v15 =	vadd.f32 $1.000000000e+00, v18;
	v17 =	vmax.f32 v17, $0.0e+00;
	v18 =	vsub.f32 v14, v6  }
0x3b: {  	v21 =	vld [tilespmem:$0x800];
	v17 =	vadd.f32 v16, v17  }
0x3c: {  	v16 =	vadd.f32 $1.000000000e+00, v19;
	v18 =	vmax.f32 v18, $0.0e+00;
	v19 =	vsub.f32 v15, v6  }
0x3d: {  	v22 =	vld [tilespmem:$0x880];
	v18 =	vadd.f32 v17, v18  }
0x3e: {  	v17 =	vadd.f32 $1.000000000e+00, v20;
	v19 =	vmax.f32 v19, $0.0e+00;
	v23 =	vsub.f32 v16, v6  }
0x3f: {  	v20 =	vld [tilespmem:$0x900];
	v19 =	vadd.f32 v18, v19  }
0x40: {  	v24 =	vld [tilespmem:$0x980];
	v18 =	vadd.f32 $1.000000000e+00, v21;
	v23 =	vmax.f32 v23, $0.0e+00;
	v25 =	vsub.f32 v17, v6  }
0x41: {  	v26 =	vld [tilespmem:$0xA80];
	v23 =	vadd.f32 v19, v23  }
0x42: {  	v21 =	vld [tilespmem:$0xA00];
	v19 =	vadd.f32 $1.000000000e+00, v22;
	v22 =	vmax.f32 v25, $0.0e+00;
	v25 =	vsub.f32 v18, v6  }
0x43: {  	v27 =	vld [tilespmem:$0xB00];
	v23 =	vadd.f32 v23, v22  }
0x44: {  	v28 =	vld [tilespmem:$0xB80];
	v20 =	vadd.f32 $1.000000000e+00, v20;
	v25 =	vmax.f32 v25, $0.0e+00;
	v30 =	vsub.f32 v19, v6  }
0x45: {  	v29 =	vld [tilespmem:$0xC00];
	v22 =	vadd.f32 $1.000000000e+00, v24;
	v25 =	vadd.f32 v23, v25  }
0x46: {  	v31 =	vld [tilespmem:$0xC80];
	v24 =	vadd.f32 $1.000000000e+00, v26;
	v32 =	vsub.f32 v20, v6;
	v30 =	vmax.f32 v30, $0.0e+00  }
0x47: {  	v23 =	vadd.f32 $1.000000000e+00, v21;
	v21 =	vld [tilespmem:$0xD00];
	v30 =	vadd.f32 v25, v30  }
0x48: {  	v26 =	vld [tilespmem:$0xD80];
	v33 =	vsub.f32 v22, v6;
	v32 =	vmax.f32 v32, $0.0e+00;
	v25 =	vadd.f32 $1.000000000e+00, v27  }
0x49: {  	v34 =	vld [tilespmem:$0xE00];
	v27 =	vadd.f32 $1.000000000e+00, v28;
	v30 =	vadd.f32 v30, v32  }
0x4a: {  	v35 =	vld [tilespmem:$0xE80];
	v28 =	vadd.f32 $1.000000000e+00, v29;
	v29 =	vmax.f32 v33, $0.0e+00;
	v60 =	vsub.f32 v23, v6  }
0x4b: {  	v36 =	vld [tilespmem:$0xF00];
	v31 =	vadd.f32 $1.000000000e+00, v31;
	v29 =	vadd.f32 v30, v29  }
0x4c: {  	v37 =	vld [tilespmem:$0xF80];
	v32 =	vadd.f32 $1.000000000e+00, v21;
	v21 =	vmax.f32 v60, $0.0e+00;
	v30 =	vsub.f32 v24, v6  }
0x4d: {  	v33 =	vadd.f32 $1.000000000e+00, v26;
	v21 =	vadd.f32 v29, v21  }
0x4e: {  	v61 =	vsub.f32 v25, v6;
	v29 =	vadd.f32 $1.000000000e+00, v34;
	v26 =	vmax.f32 v30, $0.0e+00  }
0x4f: {  	v30 =	vadd.f32 $1.000000000e+00, v35;
	v62 =	vadd.f32 v21, v26  }
0x50: {  	s12 =	simm.s32 $0x80;
	v63 =	vmax.f32 v61, $0.0e+00;
	v34 =	vsub.f32 v27, v6;
	v26 =	vadd.f32 $1.000000000e+00, v36  }
0x51: {  	s13 =	simm.s32 $0x2;
	s14 =	sand.u32 $0x3E00, s12;
	s11 =	simm.s32 $0x1;
	v21 =	vadd.f32 $1.000000000e+00, v37;
	v35 =	vadd.f32 v62, v63  }
.LBB2_3:
0x52: {  	p0 =	sne.s32 s13, $0x7F;
	s14 =	sshrl.u32 s14, $0x2;
	v34 =	vmax.f32 v34, $0.0e+00;
	v36 =	vsub.f32 v28, v6  }
0x53: {  	v37 =	vld [tilespmem:s14+$0x1000];
	v34 =	vadd.f32 v35, v34  }
0x54: {  	v35 =	vmax.f32 v36, $0.0e+00;
	v36 =	vsub.f32 v31, v6  }
0x55: {  	s14 =	sand.u32 $0x3, s11;
	s11 =	smov.u32 s13;
	v34 =	vadd.f32 v34, v35  }
0x56: {  	v38 =	vsub.f32 v32, v6;
	v35 =	vmov s14;
	v36 =	vmax.f32 v36, $0.0e+00  }
0x57: {  	vm0 =	veq.s32 v35, v0;
	v34 =	vadd.f32 v34, v36  }
0x58: {  	v36 =	vmax.f32 v38, $0.0e+00;
	v35 =	vnsel vm0, $0xFF800000, v37;
	v37 =	vsub.f32 v33, v6  }
0x59: {  	(xrf0) =	vmax.scan.msk.f32 $0xffff, v35;
	v34 =	vadd.f32 v34, v36  }
0x5a: {  	v36 =	vsub.f32 v29, v6;
	v35 =	vmax.f32 v37, $0.0e+00  }
0x5b: {  	v34 =	vadd.f32 v34, v35  }
0x5c: {  	v35 =	vmax.f32 v36, $0.0e+00;
	v36 =	vsub.f32 v30, v6  }
0x5d: {  	v34 =	vadd.f32 v34, v35  }
0x5e: {  	v35 =	vmax.f32 v36, $0.0e+00;
	v36 =	vsub.f32 v26, v6  }
0x5f: {  	v37, _, _ =	vpop (xrf0);
	v34 =	vadd.f32 v34, v35  }
0x60: {  	v35 =	vmax.f32 v36, $0.0e+00;
	v36 =	vsub.f32 v21, v6;
	v6 =	vbroadcast v37, $0xF  }
0x61: {  	v34 =	vadd.f32 v34, v35  }
0x62: {  	v36 =	vmax.f32 v36, $0.0e+00;
	v35 =	vsub.f32 v3, v6  }
0x63: {  	v34 =	vadd.f32 v34, v36  }
0x64: {  	v36 =	vsub.f32 v2, v6;
	v35 =	vmax.f32 v35, $0.0e+00  }
0x65: {  	v34 =	vadd.f32 v35, v34  }
0x66: {  	v35 =	vmax.f32 v36, $0.0e+00;
	v36 =	vsub.f32 v1, v6  }
0x67: {  	v34 =	vadd.f32 v34, v35  }
0x68: {  	v35 =	vmax.f32 v36, $0.0e+00;
	v36 =	vsub.f32 v4, v6  }
0x69: {  	v34 =	vadd.f32 v34, v35  }
0x6a: {  	v35 =	vmax.f32 v36, $0.0e+00;
	v36 =	vsub.f32 v5, v6  }
0x6b: {  	v34 =	vadd.f32 v34, v35  }
0x6c: {  	v35 =	vmax.f32 v36, $0.0e+00;
	v36 =	vsub.f32 v7, v6  }
0x6d: {  	v34 =	vadd.f32 v34, v35  }
0x6e: {  	v35 =	vmax.f32 v36, $0.0e+00;
	v36 =	vsub.f32 v8, v6  }
0x6f: {  	v34 =	vadd.f32 v34, v35  }
0x70: {  	v35 =	vmax.f32 v36, $0.0e+00;
	v36 =	vsub.f32 v9, v6  }
0x71: {  	v34 =	vadd.f32 v34, v35  }
0x72: {  	v35 =	vmax.f32 v36, $0.0e+00;
	v36 =	vsub.f32 v10, v6  }
0x73: {  	v34 =	vadd.f32 v34, v35  }
0x74: {  	v35 =	vmax.f32 v36, $0.0e+00;
	v36 =	vsub.f32 v11, v6  }
0x75: {  	v34 =	vadd.f32 v34, v35  }
0x76: {  	v35 =	vmax.f32 v36, $0.0e+00;
	v36 =	vsub.f32 v12, v6  }
0x77: {  	v34 =	vadd.f32 v34, v35  }
0x78: {  	v35 =	vmax.f32 v36, $0.0e+00;
	v36 =	vsub.f32 v13, v6  }
0x79: {  	v34 =	vadd.f32 v34, v35  }
0x7a: {  	v35 =	vmax.f32 v36, $0.0e+00;
	v36 =	vsub.f32 v14, v6  }
0x7b: {  	v34 =	vadd.f32 v34, v35  }
0x7c: {  	v35 =	vmax.f32 v36, $0.0e+00;
	v36 =	vsub.f32 v15, v6  }
0x7d: {  	v34 =	vadd.f32 v34, v35  }
0x7e: {  	v35 =	vmax.f32 v36, $0.0e+00;
	v36 =	vsub.f32 v16, v6  }
0x7f: {  	v34 =	vadd.f32 v34, v35  }
0x80: {  	v35 =	vmax.f32 v36, $0.0e+00;
	v36 =	vsub.f32 v17, v6  }
0x81: {  	v34 =	vadd.f32 v34, v35  }
0x82: {  	v35 =	vmax.f32 v36, $0.0e+00;
	v36 =	vsub.f32 v18, v6  }
0x83: {  	v34 =	vadd.f32 v34, v35  }
0x84: {  	v35 =	vmax.f32 v36, $0.0e+00;
	v36 =	vsub.f32 v19, v6  }
0x85: {  	v34 =	vadd.f32 v34, v35  }
0x86: {  	v35 =	vmax.f32 v36, $0.0e+00;
	v36 =	vsub.f32 v20, v6  }
0x87: {  	v34 =	vadd.f32 v34, v35  }
0x88: {  	v35 =	vmax.f32 v36, $0.0e+00;
	v36 =	vsub.f32 v22, v6  }
0x89: {  	v34 =	vadd.f32 v34, v35  }
0x8a: {  	v35 =	vmax.f32 v36, $0.0e+00;
	v36 =	vsub.f32 v23, v6  }
0x8b: {  	v34 =	vadd.f32 v34, v35  }
0x8c: {  	v35 =	vmax.f32 v36, $0.0e+00;
	v36 =	vsub.f32 v24, v6  }
.Ltmp1:
0x8d: {  	v34 =	vadd.f32 v34, v35;
	(pc) =	sbr.rel @p0 .LBB2_3-.Ltmp1, $4  }
0x8e: {  	v35 =	vmax.f32 v36, $0.0e+00;
	v36 =	vsub.f32 v25, v6  }
0x8f: {  	v35 =	vadd.f32 v34, v35  }
0x90: {  	s12 =	sadd.s32 $0x80, s12;
	v36 =	vmax.f32 v36, $0.0e+00;
	v34 =	vsub.f32 v27, v6  }
0x91: {  	s13 =	sadd.s32 $0x1, s13;
	s14 =	sand.u32 $0x3E00, s12;
	v35 =	vadd.f32 v35, v36  }
0x92: {  	s12 =	sshrl.u32 s14, $0x2;
	v34 =	vmax.f32 v34, $0.0e+00;
	v36 =	vsub.f32 v28, v6  }
0x93: {  	v37 =	vld [tilespmem:s12+$0x1000];
	v34 =	vadd.f32 v35, v34  }
0x94: {  	v51 =	vsub.f32 v31, v6;
	v50 =	vmax.f32 v36, $0.0e+00  }
0x95: {  	s11 =	sand.u32 $0x3, s11;
	v34 =	vadd.f32 v34, v50  }
0x96: {  	v38 =	vsub.f32 v32, v6;
	v52 =	vmov s11;
	v36 =	vmax.f32 v51, $0.0e+00  }
0x97: {  	vm0 =	veq.s32 v52, v0;
	v34 =	vadd.f32 v34, v36  }
0x98: {  	v54 =	vsub.f32 v33, v6;
	v53 =	vmax.f32 v38, $0.0e+00;
	v35 =	vnsel vm0, $0xFF800000, v37  }
0x99: {  	(xrf0) =	vmax.scan.msk.f32 $0xffff, v35;
	v34 =	vadd.f32 v34, v53  }
0x9a: {  	v56 =	vsub.f32 v29, v6;
	v55 =	vmax.f32 v54, $0.0e+00  }
0x9b: {  	v34 =	vadd.f32 v34, v55  }
0x9c: {  	v58 =	vsub.f32 v30, v6;
	v57 =	vmax.f32 v56, $0.0e+00  }
0x9d: {  	v34 =	vadd.f32 v34, v57  }
0x9e: {  	v60 =	vsub.f32 v26, v6;
	v59 =	vmax.f32 v58, $0.0e+00  }
0x9f: {  	v61, _, _ =	vpop (xrf0);
	v34 =	vadd.f32 v34, v59  }
0xa0: {  	v63 =	vsub.f32 v21, v6;
	v36 =	vmax.f32 v60, $0.0e+00;
	v62 =	vbroadcast v61, $0xF  }
0xa1: {  	v34 =	vadd.f32 v34, v36  }
0xa2: {  	v6 =	vmax.f32 v63, $0.0e+00;
	v3 =	vsub.f32 v3, v62  }
0xa3: {  	v6 =	vadd.f32 v34, v6  }
0xa4: {  	v2 =	vsub.f32 v2, v62;
	v3 =	vmax.f32 v3, $0.0e+00  }
0xa5: {  	v3 =	vadd.f32 v3, v6  }
0xa6: {  	v1 =	vsub.f32 v1, v62;
	v2 =	vmax.f32 v2, $0.0e+00  }
0xa7: {  	v2 =	vadd.f32 v3, v2  }
0xa8: {  	v1 =	vmax.f32 v1, $0.0e+00;
	v3 =	vsub.f32 v4, v62  }
0xa9: {  	v1 =	vadd.f32 v2, v1  }
0xaa: {  	v2 =	vmax.f32 v3, $0.0e+00;
	v3 =	vsub.f32 v5, v62  }
0xab: {  	v1 =	vadd.f32 v1, v2  }
0xac: {  	v2 =	vmax.f32 v3, $0.0e+00;
	v3 =	vsub.f32 v7, v62  }
0xad: {  	v1 =	vadd.f32 v1, v2  }
0xae: {  	v2 =	vmax.f32 v3, $0.0e+00;
	v3 =	vsub.f32 v8, v62  }
0xaf: {  	v1 =	vadd.f32 v1, v2  }
0xb0: {  	v2 =	vmax.f32 v3, $0.0e+00;
	v3 =	vsub.f32 v9, v62  }
0xb1: {  	v1 =	vadd.f32 v1, v2  }
0xb2: {  	v2 =	vmax.f32 v3, $0.0e+00;
	v3 =	vsub.f32 v10, v62  }
0xb3: {  	v1 =	vadd.f32 v1, v2  }
0xb4: {  	v2 =	vmax.f32 v3, $0.0e+00;
	v3 =	vsub.f32 v11, v62  }
0xb5: {  	v1 =	vadd.f32 v1, v2  }
0xb6: {  	v2 =	vmax.f32 v3, $0.0e+00;
	v3 =	vsub.f32 v12, v62  }
0xb7: {  	v1 =	vadd.f32 v1, v2  }
0xb8: {  	v2 =	vmax.f32 v3, $0.0e+00;
	v3 =	vsub.f32 v13, v62  }
0xb9: {  	v1 =	vadd.f32 v1, v2  }
0xba: {  	v2 =	vmax.f32 v3, $0.0e+00;
	v3 =	vsub.f32 v14, v62  }
0xbb: {  	v1 =	vadd.f32 v1, v2  }
0xbc: {  	v2 =	vmax.f32 v3, $0.0e+00;
	v3 =	vsub.f32 v15, v62  }
0xbd: {  	v1 =	vadd.f32 v1, v2  }
0xbe: {  	v2 =	vmax.f32 v3, $0.0e+00;
	v3 =	vsub.f32 v16, v62  }
0xbf: {  	v1 =	vadd.f32 v1, v2  }
0xc0: {  	v2 =	vmax.f32 v3, $0.0e+00;
	v3 =	vsub.f32 v17, v62  }
0xc1: {  	v1 =	vadd.f32 v1, v2  }
0xc2: {  	v2 =	vmax.f32 v3, $0.0e+00;
	v3 =	vsub.f32 v18, v62  }
0xc3: {  	v1 =	vadd.f32 v1, v2  }
0xc4: {  	v2 =	vmax.f32 v3, $0.0e+00;
	v3 =	vsub.f32 v19, v62  }
0xc5: {  	v1 =	vadd.f32 v1, v2  }
0xc6: {  	v2 =	vmax.f32 v3, $0.0e+00;
	v3 =	vsub.f32 v20, v62  }
0xc7: {  	v1 =	vadd.f32 v1, v2  }
0xc8: {  	v2 =	vmax.f32 v3, $0.0e+00;
	v3 =	vsub.f32 v22, v62  }
0xc9: {  	v1 =	vadd.f32 v1, v2  }
0xca: {  	v2 =	vmax.f32 v3, $0.0e+00;
	v3 =	vsub.f32 v23, v62  }
0xcb: {  	v1 =	vadd.f32 v1, v2  }
0xcc: {  	v2 =	vmax.f32 v3, $0.0e+00;
	v3 =	vsub.f32 v24, v62  }
0xcd: {  	v1 =	vadd.f32 v1, v2  }
0xce: {  	v2 =	vmax.f32 v3, $0.0e+00;
	v3 =	vsub.f32 v25, v62  }
0xcf: {  	v1 =	vadd.f32 v1, v2  }
0xd0: {  	v2 =	vmax.f32 v3, $0.0e+00;
	v3 =	vsub.f32 v27, v62  }
0xd1: {  	v1 =	vadd.f32 v1, v2  }
0xd2: {  	v2 =	vmax.f32 v3, $0.0e+00;
	v3 =	vsub.f32 v28, v62  }
0xd3: {  	v1 =	vadd.f32 v1, v2  }
0xd4: {  	v2 =	vmax.f32 v3, $0.0e+00;
	v3 =	vsub.f32 v31, v62  }
0xd5: {  	v1 =	vadd.f32 v1, v2  }
0xd6: {  	v2 =	vmax.f32 v3, $0.0e+00;
	v3 =	vsub.f32 v32, v62  }
0xd7: {  	v1 =	vadd.f32 v1, v2  }
0xd8: {  	v2 =	vmax.f32 v3, $0.0e+00;
	v3 =	vsub.f32 v33, v62  }
0xd9: {  	v1 =	vadd.f32 v1, v2  }
0xda: {  	v2 =	vmax.f32 v3, $0.0e+00;
	v3 =	vsub.f32 v29, v62  }
0xdb: {  	v1 =	vadd.f32 v1, v2  }
0xdc: {  	v2 =	vmax.f32 v3, $0.0e+00;
	v3 =	vsub.f32 v30, v62  }
0xdd: {  	v1 =	vadd.f32 v1, v2  }
0xde: {  	v2 =	vmax.f32 v3, $0.0e+00;
	v3 =	vsub.f32 v26, v62  }
0xdf: {  	v1 =	vadd.f32 v1, v2  }
0xe0: {  	v2 =	vmax.f32 v3, $0.0e+00;
	v3 =	vsub.f32 v21, v62  }
0xe1: {  	v1 =	vadd.f32 v1, v2  }
0xe2: {  	v2 =	vmax.f32 v3, $0.0e+00  }
0xe3: {  	v1 =	vadd.f32 v1, v2;
	_ =	sdelay $0x1  }
0xe4: {  	(xrf2) =	vadd.scan.msk.f32 $0xffff, v1;
	_ =	sdelay $0x9  }
0xe5: {  	v1, _, _ =	vpop (xrf2)  }
0xe6: {  	(v2sf) =	vpush v1, $0xF;
	_ =	sdelay $0xe  }
0xe7: {  	s31 =	spop (v2sf)  }
0xe8: {  	s11 =	smul.f32 $6.103515630e-05, s31  }
0xe9: {  	s10 =	sadd.s32 $0x1, s10  }
0xea: {  	p0 =	sne.s32 s10, s5;
	v1 =	vmov s11  }
.Ltmp2:
0xeb: {  	[tilespmem:$0x2000] =	vst v1;
	(pc) =	sbr.rel @p0 .LBB2_2-.Ltmp2, $4  }
0xec: {  	[hbm4b:s2+s6] =	stream.linear.scatter [tilespmem:s9], [sflag:$0x1], $0x80, $0x38;
	[tilespmem:$0x2080] =	vst v63  }
0xed: {  	_ =	swait.ge [sflag:s7], $0x80  }
0xee: {  	[sflag:s7] =	ssyncset.done $0x0  }
0xef: {  	[sflag:s7] =	ssyncadd.s32 $0xFFFFFF80  }
.LBB2_5:
0xf0: {  	_ =	sfence.sel $0x180000  }
0xf1: {  	[bflag:$0x0] =	sbarrier.arrive $0xFFFF  }
0xf2: {  	p0 =	sne.s32 s0, $0x0;
	_ =	strace $0x9000004A  }
0xf3: {  	s0 =	sadd.s32 @!p0 $0x100000, s1;
	[bflag:$0x2] =	sbarrier.arrive $0xFFFF  }
0xf4: {  	[sflag:s0] =	ssyncadd.tile.s32 @!p0 $0x1;
	_ =	shalt  }
.Lfunc_end2:
_tile_overlayer_lowered:
.L_overlay_start_2:
0xf5: {  	(tag) =	ssettag $0x2  }
0xf6: {  	s0 =	rddreg [dreg:$0x0];
	s2 =	stileid.u32  }
0xf7: {  	s1 =	rddreg [dreg:$0x1];
	p0 =	sne.s32 s2, $0x0  }
0xf8: {  	s3 =	rddreg [dreg:$0x2];
	[bflag:$0x3] =	sbarrier.arrive $0xFFFF;
	s2 =	simm.s32 @!p0 $0x1C01  }
0xf9: {  	[timem:s3], [sflag:s2] =	dma.local @!p0 [hbm:s0], s1  }
0xfa: {  	s0 =	simm.s32 @!p0 $0x1  }
0xfb: {  	_ =	swait.ge @!p0 [sflag:s0], s1  }
0xfc: {  	s1 =	ssub.s32 @!p0 $0x0, s1;
	[sflag:s0] =	ssyncset.done @!p0 $0x0  }
0xfd: {  	[sflag:s0] =	ssyncadd.s32 @!p0 s1  }
0xfe: {  	[bflag:$0x3] =	sbarrier.arrive $0xFFFF  }
0xff: {  	_ =	shalt  }

</sc_bundles>
